<compile_context>
chip_gen: v7x
topology: tpu7x:2x2x1
jax: 0.10.2.dev20260603
libtpu: 0.0.44.dev20260713+nightly
codegen_flags: <defaults>
</compile_context>

<pallas_src>
import functools

import jax
import jax.numpy as jnp
from jax import lax
from jax.experimental import pallas as pl
from jax.experimental.pallas import tpu as pltpu
from jax.experimental.pallas import tpu_sc as plsc

NC = 2
NS = 16
NW = NC * NS
CH = 80
L = 16
NB = 12
GA = 5


def _sc_mesh():
    return plsc.VectorSubcoreMesh(core_axis_name="c", subcore_axis_name="s")


_SC_PARAMS = pltpu.CompilerParams(use_tc_tiling_on_sc=False)


def _deg_kernel(n_acc, cm):
    zrows = n_acc // NS
    per = cm * CH
    G = cm // NB

    @functools.partial(
        pl.kernel,
        out_type=jax.ShapeDtypeStruct((NC, n_acc), jnp.float32),
        mesh=_sc_mesh(),
        compiler_params=_SC_PARAMS,
        scratch_types=[
            pltpu.VMEM((per,), jnp.int32),
            pltpu.VMEM((CH,), jnp.float32),
            pltpu.VMEM((zrows,), jnp.float32),
            pltpu.VMEM_SHARED((n_acc,), jnp.float32),
        ] + [pltpu.SemaphoreType.DMA] * NB,
    )
    def deg_kernel(edge_hbm, out_hbm, didx, ones_v, zbuf, acc, *ssem):
        c = lax.axis_index("c")
        s = lax.axis_index("s")
        wid = c * NS + s

        def _fill(i, _):
            zbuf[pl.ds(i * L, L)] = jnp.zeros((L,), jnp.float32)
            ones_v[pl.ds(lax.rem(i, CH // L) * L, L)] = (
                jnp.ones((L,), jnp.float32))
            return 0

        lax.fori_loop(0, zrows // L, _fill, 0)
        pltpu.sync_copy(zbuf, acc.at[pl.ds(s * zrows, zrows)])
        pltpu.sync_copy(edge_hbm.at[1, pl.ds(wid * per, per)], didx)
        plsc.subcore_barrier()

        def _start(i, b):
            pltpu.async_copy(ones_v, acc.at[didx.at[pl.ds(i * CH, CH)]],
                             ssem[b], add=True)

        def _wait(b):
            pltpu.make_async_copy(ones_v, acc.at[didx.at[pl.ds(0, CH)]],
                                  ssem[b]).wait()

        def _group(g, _):
            for b in range(NB):
                @pl.when(g > 0)
                def _():
                    _wait(b)
                _start(g * NB + b, b)
            return 0

        lax.fori_loop(0, G, _group, 0)
        for i in range(G * NB, cm):
            if i >= NB:
                _wait(i % NB)
            _start(i, i % NB)
        for j in range(max(0, cm - NB), cm):
            _wait(j % NB)
        plsc.subcore_barrier()
        pltpu.sync_copy(acc.at[pl.ds(s * zrows, zrows)],
                        out_hbm.at[c, pl.ds(s * zrows, zrows)])

    return deg_kernel


def _agg_kernel(n_acc, cm, d):
    zrows = n_acc // NS
    per = cm * CH
    G, rem = cm // NB, cm % NB
    assert rem >= GA and cm >= NB

    @functools.partial(
        pl.kernel,
        out_type=jax.ShapeDtypeStruct((NC, n_acc, d), jnp.float32),
        mesh=_sc_mesh(),
        compiler_params=_SC_PARAMS,
        scratch_types=[
            pltpu.VMEM((per,), jnp.int32),
            pltpu.VMEM((per,), jnp.int32),
        ] + [pltpu.VMEM((CH, d), jnp.float32)] * NB + [
            pltpu.VMEM((zrows, d), jnp.float32),
            pltpu.VMEM_SHARED((n_acc, d), jnp.float32),
        ] + [pltpu.SemaphoreType.DMA] * (2 * NB),
    )
    def agg_kernel(edge_hbm, table_hbm, out_hbm, sidx, didx, *rest):
        rows = rest[:NB]
        zbuf = rest[NB]
        acc = rest[NB + 1]
        gsem = rest[NB + 2:2 * NB + 2]
        ssem = rest[2 * NB + 2:]
        c = lax.axis_index("c")
        s = lax.axis_index("s")
        wid = c * NS + s

        def _fill(i, _):
            zbuf[i, :] = jnp.zeros((L,), jnp.float32)
            return 0

        lax.fori_loop(0, zrows, _fill, 0)
        pltpu.sync_copy(zbuf, acc.at[pl.ds(s * zrows, zrows)])
        pltpu.sync_copy(edge_hbm.at[0, pl.ds(wid * per, per)], sidx)
        pltpu.sync_copy(edge_hbm.at[1, pl.ds(wid * per, per)], didx)
        plsc.subcore_barrier()

        def _gather(i, b):
            pltpu.async_copy(table_hbm.at[sidx.at[pl.ds(i * CH, CH)]],
                             rows[b], gsem[b])

        def _gwait(b):
            pltpu.make_async_copy(table_hbm.at[sidx.at[pl.ds(0, CH)]],
                                  rows[b], gsem[b]).wait()

        def _scat(i, b):
            pltpu.async_copy(rows[b], acc.at[didx.at[pl.ds(i * CH, CH)]],
                             ssem[b], add=True)

        def _swait(b):
            pltpu.make_async_copy(rows[b], acc.at[didx.at[pl.ds(0, CH)]],
                                  ssem[b]).wait()

        for j in range(GA):
            _gather(j, j)

        def _group(g, _):
            for b in range(NB):
                i = g * NB + b
                tb = (b + GA) % NB
                if b + GA >= NB:
                    _swait(tb)
                    _gather(i + GA, tb)
                else:
                    @pl.when(g > 0)
                    def _():
                        _swait(tb)
                    _gather(i + GA, tb)
                _gwait(b)
                _scat(i, b)
            return 0

        lax.fori_loop(0, G, _group, 0)
        for i in range(G * NB, cm):
            b = i % NB
            tb = (b + GA) % NB
            if i + GA < cm:
                _swait(tb)
                _gather(i + GA, tb)
            _gwait(b)
            _scat(i, b)
        for j in range(max(0, cm - NB), cm):
            _swait(j % NB)
        plsc.subcore_barrier()
        pltpu.sync_copy(acc.at[pl.ds(s * zrows, zrows)],
                        out_hbm.at[c, pl.ds(s * zrows, zrows)])

    return agg_kernel


def _tc_mm(x_flat, w1_bd):
    rows, k = x_flat.shape
    d_out = w1_bd.shape[1]

    def body(x_ref, w_ref, h_ref):
        h_ref[...] = jnp.dot(x_ref[...], w_ref[...],
                             preferred_element_type=jnp.float32,
                       precision=lax.Precision.HIGHEST)

    return pl.pallas_call(
        body,
        out_shape=jax.ShapeDtypeStruct((rows, d_out), jnp.float32),
    )(x_flat, w1_bd)


def _tc_dinv(deg_view):
    rows = deg_view.shape[1]

    def body(deg_ref, dinv_ref):
        dinv_ref[...] = lax.rsqrt(1.0 + deg_ref[0] + deg_ref[1])

    return pl.pallas_call(
        body,
        out_shape=jax.ShapeDtypeStruct((rows, 128), jnp.float32),
    )(deg_view)


def _tc_scale(h1_ff, dinv_ff):
    shape = h1_ff.shape

    def body(h_ref, d_ref, hpre_ref, self1_ref):
        hp = h_ref[...] * d_ref[...]
        hpre_ref[...] = hp
        self1_ref[...] = hp * d_ref[...]

    return pl.pallas_call(
        body,
        out_shape=(jax.ShapeDtypeStruct(shape, jnp.float32),
                   jax.ShapeDtypeStruct(shape, jnp.float32)),
    )(h1_ff, dinv_ff)


def _tc_mid(agg1v, dinv_ff, self1_ff, b1t):
    shape = self1_ff.shape

    def body(agg_ref, d_ref, self1_ref, b1_ref, h2pre_ref, self2_ref):
        d = d_ref[...]
        h = d * (agg_ref[0] + agg_ref[1]) + self1_ref[...] + b1_ref[...]
        h = jnp.maximum(h, 0.0)
        h2p = h * d
        h2pre_ref[...] = h2p
        self2_ref[...] = h2p * d

    return pl.pallas_call(
        body,
        out_shape=(jax.ShapeDtypeStruct(shape, jnp.float32),
                   jax.ShapeDtypeStruct(shape, jnp.float32)),
    )(agg1v, dinv_ff, self1_ff, b1t)


def _tc_fin(agg2v, dinv_ff, self2_ff, w2_bd, b2t, blk, n_out, d_fin):
    rows = self2_ff.shape[0]

    def body(agg_ref, d_ref, self2_ref, w_ref, b_ref, out_ref):
        aggf = d_ref[...] * (agg_ref[0] + agg_ref[1]) + self2_ref[...]
        o = jnp.dot(aggf, w_ref[...], preferred_element_type=jnp.float32,
                       precision=lax.Precision.HIGHEST)
        o = o + b_ref[...]
        m = jnp.max(o, axis=1, keepdims=True)
        e = jnp.exp(o - m)
        s8 = jnp.kron(jnp.eye(blk, dtype=jnp.float32),
                      jnp.ones((blk, 1), jnp.float32))
        b8 = jnp.kron(jnp.eye(blk, dtype=jnp.float32),
                      jnp.ones((1, blk), jnp.float32))
        s = jnp.dot(e, s8, preferred_element_type=jnp.float32,
                       precision=lax.Precision.HIGHEST)
        ls = jnp.log(s)
        out_ff = (o - m) - jnp.dot(ls, b8,
                                   preferred_element_type=jnp.float32,
                                   precision=lax.Precision.HIGHEST)
        out_ref[...] = out_ff

    return pl.pallas_call(
        body,
        out_shape=jax.ShapeDtypeStruct((rows, blk * blk), jnp.float32),
    )(agg2v, dinv_ff, self2_ff, w2_bd, b2t)


def kernel(x, edge_index, W1, b1, W2, b2):
    n, d_in = x.shape
    e = edge_index.shape[1]
    d_hid = W1.shape[1]
    d_out = W2.shape[1]
    blk = 128 // d_hid

    n_acc = ((n + 1 + NS * L - 1) // (NS * L)) * (NS * L)
    frows = n_acc // blk
    e_pad = ((e + NW * CH - 1) // (NW * CH)) * (NW * CH)
    cm = e_pad // (NW * CH)

    edges = edge_index
    if e_pad != e:
        pad = jnp.concatenate(
            [jnp.zeros((1, e_pad - e), jnp.int32),
             jnp.full((1, e_pad - e), n, jnp.int32)])
        edges = jnp.concatenate([edge_index, pad], axis=1)

    x_pad = jnp.concatenate(
        [x, jnp.zeros((n_acc - n, d_in), jnp.float32)])
    x_flat = x_pad.reshape(frows, blk * d_in)
    eye = jnp.eye(blk, dtype=jnp.float32)
    w1_bd = jnp.kron(eye, W1)
    w2_pad = jnp.concatenate(
        [W2, jnp.full((d_hid, blk - d_out), 0.0)], axis=1)
    w2_bd = jnp.kron(eye, w2_pad)
    b1t = jnp.tile(b1, blk).reshape(1, 128)
    b2t = jnp.tile(jnp.concatenate(
        [b2, jnp.full((blk - d_out,), -1e9, jnp.float32)]), blk).reshape(1, -1)

    h1_ff = _tc_mm(x_flat, w1_bd)
    deg_part = _deg_kernel(n_acc, cm)(edges)
    dinv_n = _tc_dinv(deg_part.reshape(2, n_acc // 128, 128))
    dinv_ff = jnp.repeat(dinv_n.reshape(n_acc), d_hid).reshape(frows, 128)

    hpre_ff, self1_ff = _tc_scale(h1_ff, dinv_ff)
    agg1 = _agg_kernel(n_acc, cm, d_hid)(edges, hpre_ff.reshape(n_acc, d_hid))
    h2pre_ff, self2_ff = _tc_mid(agg1.reshape(2, frows, 128), dinv_ff,
                                 self1_ff, b1t)
    agg2 = _agg_kernel(n_acc, cm, d_hid)(edges, h2pre_ff.reshape(n_acc, d_hid))
    out_ff = _tc_fin(agg2.reshape(2, frows, 128), dinv_ff, self2_ff,
                     w2_bd, b2t, blk, n, d_out)
    return out_ff.reshape(n_acc, blk)[:n, :d_out]

# --- scband reference (transcript-rebuilt; emitter-appended) ---
"""Pipeline reference for scband-net-86328842650410 (READ-ONLY COPY).

The authoritative reference and input builder live on the scoring server;
editing this copy changes nothing except your own understanding.
"""

import jax, jax.numpy as jnp
import numpy as np

N = 10000
E = 320000
D_IN = 128
D_HID = 16
D_OUT = 7


def setup_inputs(seed: int = 0) -> dict:
    key = jax.random.key(seed)
    k1, k2, k3, k4, k5, k6 = jax.random.split(key, 6)
    x = jax.random.normal(k1, (N, D_IN), dtype=jnp.float32)
    edge_index = jax.random.randint(k2, (2, E), 0, N, dtype=jnp.int32)
    # GCNConv parameters (glorot-style scale)
    W1 = jax.random.normal(k3, (D_IN, D_HID), dtype=jnp.float32) * (1.0 / np.sqrt(D_IN))
    b1 = jnp.zeros((D_HID,), dtype=jnp.float32)
    W2 = jax.random.normal(k4, (D_HID, D_OUT), dtype=jnp.float32) * (1.0 / np.sqrt(D_HID))
    b2 = jnp.zeros((D_OUT,), dtype=jnp.float32)
    return {"x": x, "edge_index": edge_index, "W1": W1, "b1": b1, "W2": W2, "b2": b2}


def reference(x, edge_index, W1, b1, W2, b2):
    # GCN: A_hat @ (X W) + b with A_hat = D^-1/2 (A + I) D^-1/2
    n = x.shape[0]
    src = edge_index[0]
    dst = edge_index[1]
    loop = jnp.arange(n, dtype=src.dtype)
    src2 = jnp.concatenate([src, loop])
    dst2 = jnp.concatenate([dst, loop])
    deg = jax.ops.segment_sum(jnp.ones(src2.shape[0], dtype=x.dtype), dst2, num_segments=n)
    dinv = jnp.where(deg > 0, jax.lax.rsqrt(deg), 0.0)
    norm = dinv[src2] * dinv[dst2]

    def gcn_layer(h, W, b):
        h = h @ W
        msg = jnp.take(h, src2, axis=0) * norm[:, None]
        agg = jax.ops.segment_sum(msg, dst2, num_segments=n)
        return agg + b

    h = jax.nn.relu(gcn_layer(x, W1, b1))
    # dropout is identity in eval mode
    out = gcn_layer(h, W2, b2)
    return jax.nn.log_softmax(out, axis=1)

if __name__ == "__main__":
    import jax
    _d = setup_inputs()
    print(jax.jit(kernel)(*tuple(_d.values())))

</pallas_src>

<mosaic_0001>
#map = affine_map<(d0, d1) -> (0, 0)>
#map1 = affine_map<(d0, d1) -> (0, 0, 0)>
module attributes {stable_mosaic.version = 14 : i64} {
  func.func @agg_kernel(%arg0: i32, %arg1: i32, %arg2: memref<2x320000xi32, #tpu.memory_space<hbm>>, %arg3: memref<10240x16xf32, #tpu.memory_space<hbm>>, %arg4: memref<2x10240x16xf32, #tpu.memory_space<hbm>>, %arg5: memref<10000xi32, #tpu.memory_space<vmem>>, %arg6: memref<10000xi32, #tpu.memory_space<vmem>>, %arg7: memref<80x16xf32, #tpu.memory_space<vmem>>, %arg8: memref<80x16xf32, #tpu.memory_space<vmem>>, %arg9: memref<80x16xf32, #tpu.memory_space<vmem>>, %arg10: memref<80x16xf32, #tpu.memory_space<vmem>>, %arg11: memref<80x16xf32, #tpu.memory_space<vmem>>, %arg12: memref<80x16xf32, #tpu.memory_space<vmem>>, %arg13: memref<80x16xf32, #tpu.memory_space<vmem>>, %arg14: memref<80x16xf32, #tpu.memory_space<vmem>>, %arg15: memref<80x16xf32, #tpu.memory_space<vmem>>, %arg16: memref<80x16xf32, #tpu.memory_space<vmem>>, %arg17: memref<80x16xf32, #tpu.memory_space<vmem>>, %arg18: memref<80x16xf32, #tpu.memory_space<vmem>>, %arg19: memref<640x16xf32, #tpu.memory_space<vmem>>, %arg20: memref<10240x16xf32, #tpu.memory_space<vmem_shared>>, %arg21: memref<!tpu.dma_semaphore, #tpu.memory_space<semaphore_mem>>, %arg22: memref<!tpu.dma_semaphore, #tpu.memory_space<semaphore_mem>>, %arg23: memref<!tpu.dma_semaphore, #tpu.memory_space<semaphore_mem>>, %arg24: memref<!tpu.dma_semaphore, #tpu.memory_space<semaphore_mem>>, %arg25: memref<!tpu.dma_semaphore, #tpu.memory_space<semaphore_mem>>, %arg26: memref<!tpu.dma_semaphore, #tpu.memory_space<semaphore_mem>>, %arg27: memref<!tpu.dma_semaphore, #tpu.memory_space<semaphore_mem>>, %arg28: memref<!tpu.dma_semaphore, #tpu.memory_space<semaphore_mem>>, %arg29: memref<!tpu.dma_semaphore, #tpu.memory_space<semaphore_mem>>, %arg30: memref<!tpu.dma_semaphore, #tpu.memory_space<semaphore_mem>>, %arg31: memref<!tpu.dma_semaphore, #tpu.memory_space<semaphore_mem>>, %arg32: memref<!tpu.dma_semaphore, #tpu.memory_space<semaphore_mem>>, %arg33: memref<!tpu.dma_semaphore, #tpu.memory_space<semaphore_mem>>, %arg34: memref<!tpu.dma_semaphore, #tpu.memory_space<semaphore_mem>>, %arg35: memref<!tpu.dma_semaphore, #tpu.memory_space<semaphore_mem>>, %arg36: memref<!tpu.dma_semaphore, #tpu.memory_space<semaphore_mem>>, %arg37: memref<!tpu.dma_semaphore, #tpu.memory_space<semaphore_mem>>, %arg38: memref<!tpu.dma_semaphore, #tpu.memory_space<semaphore_mem>>, %arg39: memref<!tpu.dma_semaphore, #tpu.memory_space<semaphore_mem>>, %arg40: memref<!tpu.dma_semaphore, #tpu.memory_space<semaphore_mem>>, %arg41: memref<!tpu.dma_semaphore, #tpu.memory_space<semaphore_mem>>, %arg42: memref<!tpu.dma_semaphore, #tpu.memory_space<semaphore_mem>>, %arg43: memref<!tpu.dma_semaphore, #tpu.memory_space<semaphore_mem>>, %arg44: memref<!tpu.dma_semaphore, #tpu.memory_space<semaphore_mem>>) attributes {dimension_semantics = [#tpu.dimension_semantics<core_parallel>, #tpu.dimension_semantics<subcore_parallel>], iteration_bounds = array<i64: 2, 16>, scalar_prefetch = 0 : i64, scratch_operands = 40 : i64, tpu.core_type = #tpu.core_type<sc_vector_subcore>, window_params = [{transform_indices = #map}, {transform_indices = #map}, {transform_indices = #map1}]} {
    %mul3A = arith.constant 16 : i32
    %mul3A_0 = arith.muli %arg0, %mul3A : i32
    %add3A = arith.addi %mul3A_0, %arg1 : i32
    %scan3A = arith.constant 0 : i32
    %scan3A_1 = arith.constant 0 : i32
    %scan3A_2 = arith.constant 640 : i32
    %scan3A_3 = arith.addi %scan3A_1, %scan3A_2 : i32
    %scan3A_4 = arith.constant 1 : i32
    %scan3A_5 = scf.for %scan3A_159 = %scan3A_1 to %scan3A_3 step %scan3A_4 iter_args(%scan3A_160 = %scan3A) -> (i32)  : i32 {
      %broadcast_in_dim3A = arith.constant 0.000000e+00 : f32
      %broadcast_in_dim3A_161 = vector.broadcast %broadcast_in_dim3A : f32 to vector<16xf32>
      %swap3A = arith.index_cast %scan3A_159 : i32 to index
      %swap3A_162 = arith.constant 0 : index
      %swap3A_163 = tpu.vector_load %arg19[%swap3A, %swap3A_162] {strides = array<i32>} : memref<640x16xf32, #tpu.memory_space<vmem>>, vector<1x16xf32>,
      %swap3A_164 = vector.shape_cast %swap3A_163 : vector<1x16xf32> to vector<16xf32>
      %swap3A_165 = vector.shape_cast %broadcast_in_dim3A_161 : vector<16xf32> to vector<1x16xf32>
      tpu.vector_store %arg19[%swap3A, %swap3A_162], %swap3A_165 {strides = array<i32>} : memref<640x16xf32, #tpu.memory_space<vmem>>, vector<1x16xf32>,
      %scan3A_166 = arith.constant 0 : i32
      scf.yield %scan3A_166 : i32
    }
    %scan3A_6 = arith.constant 640 : i32
    %mul3A_7 = arith.constant 640 : i32
    %mul3A_8 = arith.muli %arg1, %mul3A_7 : i32
    "tpu.region"() ({
      %run_scoped3A_159 = tpu.sem_alloc : memref<!tpu.dma_semaphore, #tpu.memory_space<semaphore_mem>>
      %dma_start3A_160 = arith.constant 0 : i32
      %dma_start3A_161 = tpu.memref_slice %arg20[%mul3A_8, %dma_start3A_160] : memref<10240x16xf32, #tpu.memory_space<vmem_shared>> -> memref<640x16xf32, #tpu.memory_space<vmem_shared>>
      %dma_start3A_162 = arith.constant 0 : i32
      %dma_start3A_163 = tpu.memref_slice %arg20[%mul3A_8, %dma_start3A_162] : memref<10240x16xf32, #tpu.memory_space<vmem_shared>> -> memref<640x16xf32, #tpu.memory_space<vmem_shared>>
      tpu.enqueue_dma source(%arg19 : memref<640x16xf32, #tpu.memory_space<vmem>>) target(%dma_start3A_163 : memref<640x16xf32, #tpu.memory_space<vmem_shared>>) target_semaphore(%run_scoped3A_159 : memref<!tpu.dma_semaphore, #tpu.memory_space<semaphore_mem>>)
      %dma_wait3A_164 = arith.constant 0 : i32
      %dma_wait3A_165 = tpu.memref_slice %arg20[%mul3A_8, %dma_wait3A_164] : memref<10240x16xf32, #tpu.memory_space<vmem_shared>> -> memref<640x16xf32, #tpu.memory_space<vmem_shared>>
      %dma_wait3A_166 = arith.constant 0 : i32
      %dma_wait3A_167 = tpu.memref_slice %arg20[%mul3A_8, %dma_wait3A_166] : memref<10240x16xf32, #tpu.memory_space<vmem_shared>> -> memref<640x16xf32, #tpu.memory_space<vmem_shared>>
      tpu.wait_dma2 semaphore(%run_scoped3A_159 : memref<!tpu.dma_semaphore, #tpu.memory_space<semaphore_mem>>) src(%arg19 : memref<640x16xf32, #tpu.memory_space<vmem>>) dst(%dma_wait3A_167 : memref<640x16xf32, #tpu.memory_space<vmem_shared>>)
      tpu.yield
    }) : () -> ()
    %mul3A_9 = arith.constant 10000 : i32
    %mul3A_10 = arith.muli %add3A, %mul3A_9 : i32
    %run_scoped3A = arith.constant 0 : i32
    "tpu.region"() ({
      %run_scoped3A_159 = tpu.sem_alloc : memref<!tpu.dma_semaphore, #tpu.memory_space<semaphore_mem>>
      %dma_start3A_160 = tpu.memref_slice %arg2[%run_scoped3A, %mul3A_10] : memref<2x320000xi32, #tpu.memory_space<hbm>> -> memref<1x10000xi32, #tpu.memory_space<hbm>>
      %dma_start3A_161 = tpu.memref_squeeze %dma_start3A_160 : memref<1x10000xi32, #tpu.memory_space<hbm>> -> memref<10000xi32, #tpu.memory_space<hbm>>
      %dma_start3A_162 = tpu.memref_slice %arg2[%run_scoped3A, %mul3A_10] : memref<2x320000xi32, #tpu.memory_space<hbm>> -> memref<1x10000xi32, #tpu.memory_space<hbm>>
      %dma_start3A_163 = tpu.memref_squeeze %dma_start3A_162 : memref<1x10000xi32, #tpu.memory_space<hbm>> -> memref<10000xi32, #tpu.memory_space<hbm>>
      tpu.enqueue_dma source(%dma_start3A_163 : memref<10000xi32, #tpu.memory_space<hbm>>) target(%arg5 : memref<10000xi32, #tpu.memory_space<vmem>>) target_semaphore(%run_scoped3A_159 : memref<!tpu.dma_semaphore, #tpu.memory_space<semaphore_mem>>)
      %dma_wait3A_164 = tpu.memref_slice %arg2[%run_scoped3A, %mul3A_10] : memref<2x320000xi32, #tpu.memory_space<hbm>> -> memref<1x10000xi32, #tpu.memory_space<hbm>>
      %dma_wait3A_165 = tpu.memref_squeeze %dma_wait3A_164 : memref<1x10000xi32, #tpu.memory_space<hbm>> -> memref<10000xi32, #tpu.memory_space<hbm>>
      %dma_wait3A_166 = tpu.memref_slice %arg2[%run_scoped3A, %mul3A_10] : memref<2x320000xi32, #tpu.memory_space<hbm>> -> memref<1x10000xi32, #tpu.memory_space<hbm>>
      %dma_wait3A_167 = tpu.memref_squeeze %dma_wait3A_166 : memref<1x10000xi32, #tpu.memory_space<hbm>> -> memref<10000xi32, #tpu.memory_space<hbm>>
      tpu.wait_dma2 semaphore(%run_scoped3A_159 : memref<!tpu.dma_semaphore, #tpu.memory_space<semaphore_mem>>) src(%dma_wait3A_167 : memref<10000xi32, #tpu.memory_space<hbm>>) dst(%arg5 : memref<10000xi32, #tpu.memory_space<vmem>>)
      tpu.yield
    }) : () -> ()
    %mul3A_11 = arith.constant 10000 : i32
    %mul3A_12 = arith.muli %add3A, %mul3A_11 : i32
    %run_scoped3A_13 = arith.constant 1 : i32
    "tpu.region"() ({
      %run_scoped3A_159 = tpu.sem_alloc : memref<!tpu.dma_semaphore, #tpu.memory_space<semaphore_mem>>
      %dma_start3A_160 = tpu.memref_slice %arg2[%run_scoped3A_13, %mul3A_12] : memref<2x320000xi32, #tpu.memory_space<hbm>> -> memref<1x10000xi32, #tpu.memory_space<hbm>>
      %dma_start3A_161 = tpu.memref_squeeze %dma_start3A_160 : memref<1x10000xi32, #tpu.memory_space<hbm>> -> memref<10000xi32, #tpu.memory_space<hbm>>
      %dma_start3A_162 = tpu.memref_slice %arg2[%run_scoped3A_13, %mul3A_12] : memref<2x320000xi32, #tpu.memory_space<hbm>> -> memref<1x10000xi32, #tpu.memory_space<hbm>>
      %dma_start3A_163 = tpu.memref_squeeze %dma_start3A_162 : memref<1x10000xi32, #tpu.memory_space<hbm>> -> memref<10000xi32, #tpu.memory_space<hbm>>
      tpu.enqueue_dma source(%dma_start3A_163 : memref<10000xi32, #tpu.memory_space<hbm>>) target(%arg6 : memref<10000xi32, #tpu.memory_space<vmem>>) target_semaphore(%run_scoped3A_159 : memref<!tpu.dma_semaphore, #tpu.memory_space<semaphore_mem>>)
      %dma_wait3A_164 = tpu.memref_slice %arg2[%run_scoped3A_13, %mul3A_12] : memref<2x320000xi32, #tpu.memory_space<hbm>> -> memref<1x10000xi32, #tpu.memory_space<hbm>>
      %dma_wait3A_165 = tpu.memref_squeeze %dma_wait3A_164 : memref<1x10000xi32, #tpu.memory_space<hbm>> -> memref<10000xi32, #tpu.memory_space<hbm>>
      %dma_wait3A_166 = tpu.memref_slice %arg2[%run_scoped3A_13, %mul3A_12] : memref<2x320000xi32, #tpu.memory_space<hbm>> -> memref<1x10000xi32, #tpu.memory_space<hbm>>
      %dma_wait3A_167 = tpu.memref_squeeze %dma_wait3A_166 : memref<1x10000xi32, #tpu.memory_space<hbm>> -> memref<10000xi32, #tpu.memory_space<hbm>>
      tpu.wait_dma2 semaphore(%run_scoped3A_159 : memref<!tpu.dma_semaphore, #tpu.memory_space<semaphore_mem>>) src(%dma_wait3A_167 : memref<10000xi32, #tpu.memory_space<hbm>>) dst(%arg6 : memref<10000xi32, #tpu.memory_space<vmem>>)
      tpu.yield
    }) : () -> ()
    %barrier3A = arith.constant 0 : index
    tpu.barrier barrier_id(%barrier3A)
    %dma_start3A = arith.constant 0 : i32
    %dma_start3A_14 = tpu.memref_slice %arg5[%dma_start3A] : memref<10000xi32, #tpu.memory_space<vmem>> -> memref<80xi32, #tpu.memory_space<vmem>>
    %dma_start3A_15 = arith.constant 0 : i32
    %dma_start3A_16 = arith.constant 0 : i32
    %dma_start3A_17 = tpu.memref_slice %arg3[%dma_start3A_15, %dma_start3A_16] : memref<10240x16xf32, #tpu.memory_space<hbm>> -> memref<10240x16xf32, #tpu.memory_space<hbm>>
    tpu.enqueue_indirect_dma source(%dma_start3A_17 : memref<10240x16xf32, #tpu.memory_space<hbm>>) target(%arg7 : memref<80x16xf32, #tpu.memory_space<vmem>>) offsets(%dma_start3A_14 : memref<80xi32, #tpu.memory_space<vmem>>) semaphore(%arg21 : memref<!tpu.dma_semaphore, #tpu.memory_space<semaphore_mem>>)
    %dma_start3A_18 = arith.constant 80 : i32
    %dma_start3A_19 = tpu.memref_slice %arg5[%dma_start3A_18] : memref<10000xi32, #tpu.memory_space<vmem>> -> memref<80xi32, #tpu.memory_space<vmem>>
    %dma_start3A_20 = arith.constant 0 : i32
    %dma_start3A_21 = arith.constant 0 : i32
    %dma_start3A_22 = tpu.memref_slice %arg3[%dma_start3A_20, %dma_start3A_21] : memref<10240x16xf32, #tpu.memory_space<hbm>> -> memref<10240x16xf32, #tpu.memory_space<hbm>>
    tpu.enqueue_indirect_dma source(%dma_start3A_22 : memref<10240x16xf32, #tpu.memory_space<hbm>>) target(%arg8 : memref<80x16xf32, #tpu.memory_space<vmem>>) offsets(%dma_start3A_19 : memref<80xi32, #tpu.memory_space<vmem>>) semaphore(%arg22 : memref<!tpu.dma_semaphore, #tpu.memory_space<semaphore_mem>>)
    %dma_start3A_23 = arith.constant 160 : i32
    %dma_start3A_24 = tpu.memref_slice %arg5[%dma_start3A_23] : memref<10000xi32, #tpu.memory_space<vmem>> -> memref<80xi32, #tpu.memory_space<vmem>>
    %dma_start3A_25 = arith.constant 0 : i32
    %dma_start3A_26 = arith.constant 0 : i32
    %dma_start3A_27 = tpu.memref_slice %arg3[%dma_start3A_25, %dma_start3A_26] : memref<10240x16xf32, #tpu.memory_space<hbm>> -> memref<10240x16xf32, #tpu.memory_space<hbm>>
    tpu.enqueue_indirect_dma source(%dma_start3A_27 : memref<10240x16xf32, #tpu.memory_space<hbm>>) target(%arg9 : memref<80x16xf32, #tpu.memory_space<vmem>>) offsets(%dma_start3A_24 : memref<80xi32, #tpu.memory_space<vmem>>) semaphore(%arg23 : memref<!tpu.dma_semaphore, #tpu.memory_space<semaphore_mem>>)
    %dma_start3A_28 = arith.constant 240 : i32
    %dma_start3A_29 = tpu.memref_slice %arg5[%dma_start3A_28] : memref<10000xi32, #tpu.memory_space<vmem>> -> memref<80xi32, #tpu.memory_space<vmem>>
    %dma_start3A_30 = arith.constant 0 : i32
    %dma_start3A_31 = arith.constant 0 : i32
    %dma_start3A_32 = tpu.memref_slice %arg3[%dma_start3A_30, %dma_start3A_31] : memref<10240x16xf32, #tpu.memory_space<hbm>> -> memref<10240x16xf32, #tpu.memory_space<hbm>>
    tpu.enqueue_indirect_dma source(%dma_start3A_32 : memref<10240x16xf32, #tpu.memory_space<hbm>>) target(%arg10 : memref<80x16xf32, #tpu.memory_space<vmem>>) offsets(%dma_start3A_29 : memref<80xi32, #tpu.memory_space<vmem>>) semaphore(%arg24 : memref<!tpu.dma_semaphore, #tpu.memory_space<semaphore_mem>>)
    %dma_start3A_33 = arith.constant 320 : i32
    %dma_start3A_34 = tpu.memref_slice %arg5[%dma_start3A_33] : memref<10000xi32, #tpu.memory_space<vmem>> -> memref<80xi32, #tpu.memory_space<vmem>>
    %dma_start3A_35 = arith.constant 0 : i32
    %dma_start3A_36 = arith.constant 0 : i32
    %dma_start3A_37 = tpu.memref_slice %arg3[%dma_start3A_35, %dma_start3A_36] : memref<10240x16xf32, #tpu.memory_space<hbm>> -> memref<10240x16xf32, #tpu.memory_space<hbm>>
    tpu.enqueue_indirect_dma source(%dma_start3A_37 : memref<10240x16xf32, #tpu.memory_space<hbm>>) target(%arg11 : memref<80x16xf32, #tpu.memory_space<vmem>>) offsets(%dma_start3A_34 : memref<80xi32, #tpu.memory_space<vmem>>) semaphore(%arg25 : memref<!tpu.dma_semaphore, #tpu.memory_space<semaphore_mem>>)
    %scan3A_38 = arith.constant 0 : i32
    %scan3A_39 = arith.constant 0 : i32
    %scan3A_40 = arith.constant 10 : i32
    %scan3A_41 = arith.addi %scan3A_39, %scan3A_40 : i32
    %scan3A_42 = arith.constant 1 : i32
    %scan3A_43 = scf.for %scan3A_159 = %scan3A_39 to %scan3A_41 step %scan3A_42 iter_args(%scan3A_160 = %scan3A_38) -> (i32)  : i32 {
      %mul3A_161 = arith.constant 12 : i32
      %mul3A_162 = arith.muli %scan3A_159, %mul3A_161 : i32
      %add3A_163 = arith.constant 0 : i32
      %add3A_164 = arith.addi %mul3A_162, %add3A_163 : i32
      %gt3A = arith.constant 0 : i32
      %gt3A_165 = arith.cmpi sgt, %scan3A_159, %gt3A : i32
      %convert_element_type3A = arith.extui %gt3A_165 : i1 to i32
      %cond3A = arith.constant 0 : i32
      %cond3A_166 = arith.cmpi ne, %convert_element_type3A, %cond3A : i32
      scf.if %cond3A_166 {
        %dma_wait3A_495 = arith.constant 0 : i32
        %dma_wait3A_496 = tpu.memref_slice %arg6[%dma_wait3A_495] : memref<10000xi32, #tpu.memory_space<vmem>> -> memref<80xi32, #tpu.memory_space<vmem>>
        %dma_wait3A_497 = arith.constant 0 : i32
        %dma_wait3A_498 = arith.constant 0 : i32
        %dma_wait3A_499 = tpu.memref_slice %arg20[%dma_wait3A_497, %dma_wait3A_498] : memref<10240x16xf32, #tpu.memory_space<vmem_shared>> -> memref<10240x16xf32, #tpu.memory_space<vmem_shared>>
        tpu.wait_indirect_dma semaphore(%arg38 : memref<!tpu.dma_semaphore, #tpu.memory_space<semaphore_mem>>) src(%arg12 : memref<80x16xf32, #tpu.memory_space<vmem>>) dst(%dma_wait3A_499 : memref<10240x16xf32, #tpu.memory_space<vmem_shared>>)
      } else {
      }
      %add3A_167 = arith.constant 5 : i32
      %add3A_168 = arith.addi %add3A_164, %add3A_167 : i32
      %mul3A_169 = arith.constant 80 : i32
      %mul3A_170 = arith.muli %add3A_168, %mul3A_169 : i32
      %dma_start3A_171 = tpu.memref_slice %arg5[%mul3A_170] : memref<10000xi32, #tpu.memory_space<vmem>> -> memref<80xi32, #tpu.memory_space<vmem>>
      %dma_start3A_172 = arith.constant 0 : i32
      %dma_start3A_173 = arith.constant 0 : i32
      %dma_start3A_174 = tpu.memref_slice %arg3[%dma_start3A_172, %dma_start3A_173] : memref<10240x16xf32, #tpu.memory_space<hbm>> -> memref<10240x16xf32, #tpu.memory_space<hbm>>
      tpu.enqueue_indirect_dma source(%dma_start3A_174 : memref<10240x16xf32, #tpu.memory_space<hbm>>) target(%arg12 : memref<80x16xf32, #tpu.memory_space<vmem>>) offsets(%dma_start3A_171 : memref<80xi32, #tpu.memory_space<vmem>>) semaphore(%arg26 : memref<!tpu.dma_semaphore, #tpu.memory_space<semaphore_mem>>)
      %dma_wait3A_175 = arith.constant 0 : i32
      %dma_wait3A_176 = tpu.memref_slice %arg5[%dma_wait3A_175] : memref<10000xi32, #tpu.memory_space<vmem>> -> memref<80xi32, #tpu.memory_space<vmem>>
      %dma_wait3A_177 = arith.constant 0 : i32
      %dma_wait3A_178 = arith.constant 0 : i32
      %dma_wait3A_179 = tpu.memref_slice %arg3[%dma_wait3A_177, %dma_wait3A_178] : memref<10240x16xf32, #tpu.memory_space<hbm>> -> memref<10240x16xf32, #tpu.memory_space<hbm>>
      tpu.wait_indirect_dma semaphore(%arg21 : memref<!tpu.dma_semaphore, #tpu.memory_space<semaphore_mem>>) src(%dma_wait3A_179 : memref<10240x16xf32, #tpu.memory_space<hbm>>) dst(%arg7 : memref<80x16xf32, #tpu.memory_space<vmem>>)
      %mul3A_180 = arith.constant 80 : i32
      %mul3A_181 = arith.muli %add3A_164, %mul3A_180 : i32
      %dma_start3A_182 = tpu.memref_slice %arg6[%mul3A_181] : memref<10000xi32, #tpu.memory_space<vmem>> -> memref<80xi32, #tpu.memory_space<vmem>>
      %dma_start3A_183 = arith.constant 0 : i32
      %dma_start3A_184 = arith.constant 0 : i32
      %dma_start3A_185 = tpu.memref_slice %arg20[%dma_start3A_183, %dma_start3A_184] : memref<10240x16xf32, #tpu.memory_space<vmem_shared>> -> memref<10240x16xf32, #tpu.memory_space<vmem_shared>>
      tpu.enqueue_indirect_dma source(%arg7 : memref<80x16xf32, #tpu.memory_space<vmem>>) target(%dma_start3A_185 : memref<10240x16xf32, #tpu.memory_space<vmem_shared>>) offsets(%dma_start3A_182 : memref<80xi32, #tpu.memory_space<vmem>>) semaphore(%arg33 : memref<!tpu.dma_semaphore, #tpu.memory_space<semaphore_mem>>) {add = true}
      %mul3A_186 = arith.constant 12 : i32
      %mul3A_187 = arith.muli %scan3A_159, %mul3A_186 : i32
      %add3A_188 = arith.constant 1 : i32
      %add3A_189 = arith.addi %mul3A_187, %add3A_188 : i32
      %gt3A_190 = arith.constant 0 : i32
      %gt3A_191 = arith.cmpi sgt, %scan3A_159, %gt3A_190 : i32
      %convert_element_type3A_192 = arith.extui %gt3A_191 : i1 to i32
      %cond3A_193 = arith.constant 0 : i32
      %cond3A_194 = arith.cmpi ne, %convert_element_type3A_192, %cond3A_193 : i32
      scf.if %cond3A_194 {
        %dma_wait3A_495 = arith.constant 0 : i32
        %dma_wait3A_496 = tpu.memref_slice %arg6[%dma_wait3A_495] : memref<10000xi32, #tpu.memory_space<vmem>> -> memref<80xi32, #tpu.memory_space<vmem>>
        %dma_wait3A_497 = arith.constant 0 : i32
        %dma_wait3A_498 = arith.constant 0 : i32
        %dma_wait3A_499 = tpu.memref_slice %arg20[%dma_wait3A_497, %dma_wait3A_498] : memref<10240x16xf32, #tpu.memory_space<vmem_shared>> -> memref<10240x16xf32, #tpu.memory_space<vmem_shared>>
        tpu.wait_indirect_dma semaphore(%arg39 : memref<!tpu.dma_semaphore, #tpu.memory_space<semaphore_mem>>) src(%arg13 : memref<80x16xf32, #tpu.memory_space<vmem>>) dst(%dma_wait3A_499 : memref<10240x16xf32, #tpu.memory_space<vmem_shared>>)
      } else {
      }
      %add3A_195 = arith.constant 5 : i32
      %add3A_196 = arith.addi %add3A_189, %add3A_195 : i32
      %mul3A_197 = arith.constant 80 : i32
      %mul3A_198 = arith.muli %add3A_196, %mul3A_197 : i32
      %dma_start3A_199 = tpu.memref_slice %arg5[%mul3A_198] : memref<10000xi32, #tpu.memory_space<vmem>> -> memref<80xi32, #tpu.memory_space<vmem>>
      %dma_start3A_200 = arith.constant 0 : i32
      %dma_start3A_201 = arith.constant 0 : i32
      %dma_start3A_202 = tpu.memref_slice %arg3[%dma_start3A_200, %dma_start3A_201] : memref<10240x16xf32, #tpu.memory_space<hbm>> -> memref<10240x16xf32, #tpu.memory_space<hbm>>
      tpu.enqueue_indirect_dma source(%dma_start3A_202 : memref<10240x16xf32, #tpu.memory_space<hbm>>) target(%arg13 : memref<80x16xf32, #tpu.memory_space<vmem>>) offsets(%dma_start3A_199 : memref<80xi32, #tpu.memory_space<vmem>>) semaphore(%arg27 : memref<!tpu.dma_semaphore, #tpu.memory_space<semaphore_mem>>)
      %dma_wait3A_203 = arith.constant 0 : i32
      %dma_wait3A_204 = tpu.memref_slice %arg5[%dma_wait3A_203] : memref<10000xi32, #tpu.memory_space<vmem>> -> memref<80xi32, #tpu.memory_space<vmem>>
      %dma_wait3A_205 = arith.constant 0 : i32
      %dma_wait3A_206 = arith.constant 0 : i32
      %dma_wait3A_207 = tpu.memref_slice %arg3[%dma_wait3A_205, %dma_wait3A_206] : memref<10240x16xf32, #tpu.memory_space<hbm>> -> memref<10240x16xf32, #tpu.memory_space<hbm>>
      tpu.wait_indirect_dma semaphore(%arg22 : memref<!tpu.dma_semaphore, #tpu.memory_space<semaphore_mem>>) src(%dma_wait3A_207 : memref<10240x16xf32, #tpu.memory_space<hbm>>) dst(%arg8 : memref<80x16xf32, #tpu.memory_space<vmem>>)
      %mul3A_208 = arith.constant 80 : i32
      %mul3A_209 = arith.muli %add3A_189, %mul3A_208 : i32
      %dma_start3A_210 = tpu.memref_slice %arg6[%mul3A_209] : memref<10000xi32, #tpu.memory_space<vmem>> -> memref<80xi32, #tpu.memory_space<vmem>>
      %dma_start3A_211 = arith.constant 0 : i32
      %dma_start3A_212 = arith.constant 0 : i32
      %dma_start3A_213 = tpu.memref_slice %arg20[%dma_start3A_211, %dma_start3A_212] : memref<10240x16xf32, #tpu.memory_space<vmem_shared>> -> memref<10240x16xf32, #tpu.memory_space<vmem_shared>>
      tpu.enqueue_indirect_dma source(%arg8 : memref<80x16xf32, #tpu.memory_space<vmem>>) target(%dma_start3A_213 : memref<10240x16xf32, #tpu.memory_space<vmem_shared>>) offsets(%dma_start3A_210 : memref<80xi32, #tpu.memory_space<vmem>>) semaphore(%arg34 : memref<!tpu.dma_semaphore, #tpu.memory_space<semaphore_mem>>) {add = true}
      %mul3A_214 = arith.constant 12 : i32
      %mul3A_215 = arith.muli %scan3A_159, %mul3A_214 : i32
      %add3A_216 = arith.constant 2 : i32
      %add3A_217 = arith.addi %mul3A_215, %add3A_216 : i32
      %gt3A_218 = arith.constant 0 : i32
      %gt3A_219 = arith.cmpi sgt, %scan3A_159, %gt3A_218 : i32
      %convert_element_type3A_220 = arith.extui %gt3A_219 : i1 to i32
      %cond3A_221 = arith.constant 0 : i32
      %cond3A_222 = arith.cmpi ne, %convert_element_type3A_220, %cond3A_221 : i32
      scf.if %cond3A_222 {
        %dma_wait3A_495 = arith.constant 0 : i32
        %dma_wait3A_496 = tpu.memref_slice %arg6[%dma_wait3A_495] : memref<10000xi32, #tpu.memory_space<vmem>> -> memref<80xi32, #tpu.memory_space<vmem>>
        %dma_wait3A_497 = arith.constant 0 : i32
        %dma_wait3A_498 = arith.constant 0 : i32
        %dma_wait3A_499 = tpu.memref_slice %arg20[%dma_wait3A_497, %dma_wait3A_498] : memref<10240x16xf32, #tpu.memory_space<vmem_shared>> -> memref<10240x16xf32, #tpu.memory_space<vmem_shared>>
        tpu.wait_indirect_dma semaphore(%arg40 : memref<!tpu.dma_semaphore, #tpu.memory_space<semaphore_mem>>) src(%arg14 : memref<80x16xf32, #tpu.memory_space<vmem>>) dst(%dma_wait3A_499 : memref<10240x16xf32, #tpu.memory_space<vmem_shared>>)
      } else {
      }
      %add3A_223 = arith.constant 5 : i32
      %add3A_224 = arith.addi %add3A_217, %add3A_223 : i32
      %mul3A_225 = arith.constant 80 : i32
      %mul3A_226 = arith.muli %add3A_224, %mul3A_225 : i32
      %dma_start3A_227 = tpu.memref_slice %arg5[%mul3A_226] : memref<10000xi32, #tpu.memory_space<vmem>> -> memref<80xi32, #tpu.memory_space<vmem>>
      %dma_start3A_228 = arith.constant 0 : i32
      %dma_start3A_229 = arith.constant 0 : i32
      %dma_start3A_230 = tpu.memref_slice %arg3[%dma_start3A_228, %dma_start3A_229] : memref<10240x16xf32, #tpu.memory_space<hbm>> -> memref<10240x16xf32, #tpu.memory_space<hbm>>
      tpu.enqueue_indirect_dma source(%dma_start3A_230 : memref<10240x16xf32, #tpu.memory_space<hbm>>) target(%arg14 : memref<80x16xf32, #tpu.memory_space<vmem>>) offsets(%dma_start3A_227 : memref<80xi32, #tpu.memory_space<vmem>>) semaphore(%arg28 : memref<!tpu.dma_semaphore, #tpu.memory_space<semaphore_mem>>)
      %dma_wait3A_231 = arith.constant 0 : i32
      %dma_wait3A_232 = tpu.memref_slice %arg5[%dma_wait3A_231] : memref<10000xi32, #tpu.memory_space<vmem>> -> memref<80xi32, #tpu.memory_space<vmem>>
      %dma_wait3A_233 = arith.constant 0 : i32
      %dma_wait3A_234 = arith.constant 0 : i32
      %dma_wait3A_235 = tpu.memref_slice %arg3[%dma_wait3A_233, %dma_wait3A_234] : memref<10240x16xf32, #tpu.memory_space<hbm>> -> memref<10240x16xf32, #tpu.memory_space<hbm>>
      tpu.wait_indirect_dma semaphore(%arg23 : memref<!tpu.dma_semaphore, #tpu.memory_space<semaphore_mem>>) src(%dma_wait3A_235 : memref<10240x16xf32, #tpu.memory_space<hbm>>) dst(%arg9 : memref<80x16xf32, #tpu.memory_space<vmem>>)
      %mul3A_236 = arith.constant 80 : i32
      %mul3A_237 = arith.muli %add3A_217, %mul3A_236 : i32
      %dma_start3A_238 = tpu.memref_slice %arg6[%mul3A_237] : memref<10000xi32, #tpu.memory_space<vmem>> -> memref<80xi32, #tpu.memory_space<vmem>>
      %dma_start3A_239 = arith.constant 0 : i32
      %dma_start3A_240 = arith.constant 0 : i32
      %dma_start3A_241 = tpu.memref_slice %arg20[%dma_start3A_239, %dma_start3A_240] : memref<10240x16xf32, #tpu.memory_space<vmem_shared>> -> memref<10240x16xf32, #tpu.memory_space<vmem_shared>>
      tpu.enqueue_indirect_dma source(%arg9 : memref<80x16xf32, #tpu.memory_space<vmem>>) target(%dma_start3A_241 : memref<10240x16xf32, #tpu.memory_space<vmem_shared>>) offsets(%dma_start3A_238 : memref<80xi32, #tpu.memory_space<vmem>>) semaphore(%arg35 : memref<!tpu.dma_semaphore, #tpu.memory_space<semaphore_mem>>) {add = true}
      %mul3A_242 = arith.constant 12 : i32
      %mul3A_243 = arith.muli %scan3A_159, %mul3A_242 : i32
      %add3A_244 = arith.constant 3 : i32
      %add3A_245 = arith.addi %mul3A_243, %add3A_244 : i32
      %gt3A_246 = arith.constant 0 : i32
      %gt3A_247 = arith.cmpi sgt, %scan3A_159, %gt3A_246 : i32
      %convert_element_type3A_248 = arith.extui %gt3A_247 : i1 to i32
      %cond3A_249 = arith.constant 0 : i32
      %cond3A_250 = arith.cmpi ne, %convert_element_type3A_248, %cond3A_249 : i32
      scf.if %cond3A_250 {
        %dma_wait3A_495 = arith.constant 0 : i32
        %dma_wait3A_496 = tpu.memref_slice %arg6[%dma_wait3A_495] : memref<10000xi32, #tpu.memory_space<vmem>> -> memref<80xi32, #tpu.memory_space<vmem>>
        %dma_wait3A_497 = arith.constant 0 : i32
        %dma_wait3A_498 = arith.constant 0 : i32
        %dma_wait3A_499 = tpu.memref_slice %arg20[%dma_wait3A_497, %dma_wait3A_498] : memref<10240x16xf32, #tpu.memory_space<vmem_shared>> -> memref<10240x16xf32, #tpu.memory_space<vmem_shared>>
        tpu.wait_indirect_dma semaphore(%arg41 : memref<!tpu.dma_semaphore, #tpu.memory_space<semaphore_mem>>) src(%arg15 : memref<80x16xf32, #tpu.memory_space<vmem>>) dst(%dma_wait3A_499 : memref<10240x16xf32, #tpu.memory_space<vmem_shared>>)
      } else {
      }
      %add3A_251 = arith.constant 5 : i32
      %add3A_252 = arith.addi %add3A_245, %add3A_251 : i32
      %mul3A_253 = arith.constant 80 : i32
      %mul3A_254 = arith.muli %add3A_252, %mul3A_253 : i32
      %dma_start3A_255 = tpu.memref_slice %arg5[%mul3A_254] : memref<10000xi32, #tpu.memory_space<vmem>> -> memref<80xi32, #tpu.memory_space<vmem>>
      %dma_start3A_256 = arith.constant 0 : i32
      %dma_start3A_257 = arith.constant 0 : i32
      %dma_start3A_258 = tpu.memref_slice %arg3[%dma_start3A_256, %dma_start3A_257] : memref<10240x16xf32, #tpu.memory_space<hbm>> -> memref<10240x16xf32, #tpu.memory_space<hbm>>
      tpu.enqueue_indirect_dma source(%dma_start3A_258 : memref<10240x16xf32, #tpu.memory_space<hbm>>) target(%arg15 : memref<80x16xf32, #tpu.memory_space<vmem>>) offsets(%dma_start3A_255 : memref<80xi32, #tpu.memory_space<vmem>>) semaphore(%arg29 : memref<!tpu.dma_semaphore, #tpu.memory_space<semaphore_mem>>)
      %dma_wait3A_259 = arith.constant 0 : i32
      %dma_wait3A_260 = tpu.memref_slice %arg5[%dma_wait3A_259] : memref<10000xi32, #tpu.memory_space<vmem>> -> memref<80xi32, #tpu.memory_space<vmem>>
      %dma_wait3A_261 = arith.constant 0 : i32
      %dma_wait3A_262 = arith.constant 0 : i32
      %dma_wait3A_263 = tpu.memref_slice %arg3[%dma_wait3A_261, %dma_wait3A_262] : memref<10240x16xf32, #tpu.memory_space<hbm>> -> memref<10240x16xf32, #tpu.memory_space<hbm>>
      tpu.wait_indirect_dma semaphore(%arg24 : memref<!tpu.dma_semaphore, #tpu.memory_space<semaphore_mem>>) src(%dma_wait3A_263 : memref<10240x16xf32, #tpu.memory_space<hbm>>) dst(%arg10 : memref<80x16xf32, #tpu.memory_space<vmem>>)
      %mul3A_264 = arith.constant 80 : i32
      %mul3A_265 = arith.muli %add3A_245, %mul3A_264 : i32
      %dma_start3A_266 = tpu.memref_slice %arg6[%mul3A_265] : memref<10000xi32, #tpu.memory_space<vmem>> -> memref<80xi32, #tpu.memory_space<vmem>>
      %dma_start3A_267 = arith.constant 0 : i32
      %dma_start3A_268 = arith.constant 0 : i32
      %dma_start3A_269 = tpu.memref_slice %arg20[%dma_start3A_267, %dma_start3A_268] : memref<10240x16xf32, #tpu.memory_space<vmem_shared>> -> memref<10240x16xf32, #tpu.memory_space<vmem_shared>>
      tpu.enqueue_indirect_dma source(%arg10 : memref<80x16xf32, #tpu.memory_space<vmem>>) target(%dma_start3A_269 : memref<10240x16xf32, #tpu.memory_space<vmem_shared>>) offsets(%dma_start3A_266 : memref<80xi32, #tpu.memory_space<vmem>>) semaphore(%arg36 : memref<!tpu.dma_semaphore, #tpu.memory_space<semaphore_mem>>) {add = true}
      %mul3A_270 = arith.constant 12 : i32
      %mul3A_271 = arith.muli %scan3A_159, %mul3A_270 : i32
      %add3A_272 = arith.constant 4 : i32
      %add3A_273 = arith.addi %mul3A_271, %add3A_272 : i32
      %gt3A_274 = arith.constant 0 : i32
      %gt3A_275 = arith.cmpi sgt, %scan3A_159, %gt3A_274 : i32
      %convert_element_type3A_276 = arith.extui %gt3A_275 : i1 to i32
      %cond3A_277 = arith.constant 0 : i32
      %cond3A_278 = arith.cmpi ne, %convert_element_type3A_276, %cond3A_277 : i32
      scf.if %cond3A_278 {
        %dma_wait3A_495 = arith.constant 0 : i32
        %dma_wait3A_496 = tpu.memref_slice %arg6[%dma_wait3A_495] : memref<10000xi32, #tpu.memory_space<vmem>> -> memref<80xi32, #tpu.memory_space<vmem>>
        %dma_wait3A_497 = arith.constant 0 : i32
        %dma_wait3A_498 = arith.constant 0 : i32
        %dma_wait3A_499 = tpu.memref_slice %arg20[%dma_wait3A_497, %dma_wait3A_498] : memref<10240x16xf32, #tpu.memory_space<vmem_shared>> -> memref<10240x16xf32, #tpu.memory_space<vmem_shared>>
        tpu.wait_indirect_dma semaphore(%arg42 : memref<!tpu.dma_semaphore, #tpu.memory_space<semaphore_mem>>) src(%arg16 : memref<80x16xf32, #tpu.memory_space<vmem>>) dst(%dma_wait3A_499 : memref<10240x16xf32, #tpu.memory_space<vmem_shared>>)
      } else {
      }
      %add3A_279 = arith.constant 5 : i32
      %add3A_280 = arith.addi %add3A_273, %add3A_279 : i32
      %mul3A_281 = arith.constant 80 : i32
      %mul3A_282 = arith.muli %add3A_280, %mul3A_281 : i32
      %dma_start3A_283 = tpu.memref_slice %arg5[%mul3A_282] : memref<10000xi32, #tpu.memory_space<vmem>> -> memref<80xi32, #tpu.memory_space<vmem>>
      %dma_start3A_284 = arith.constant 0 : i32
      %dma_start3A_285 = arith.constant 0 : i32
      %dma_start3A_286 = tpu.memref_slice %arg3[%dma_start3A_284, %dma_start3A_285] : memref<10240x16xf32, #tpu.memory_space<hbm>> -> memref<10240x16xf32, #tpu.memory_space<hbm>>
      tpu.enqueue_indirect_dma source(%dma_start3A_286 : memref<10240x16xf32, #tpu.memory_space<hbm>>) target(%arg16 : memref<80x16xf32, #tpu.memory_space<vmem>>) offsets(%dma_start3A_283 : memref<80xi32, #tpu.memory_space<vmem>>) semaphore(%arg30 : memref<!tpu.dma_semaphore, #tpu.memory_space<semaphore_mem>>)
      %dma_wait3A_287 = arith.constant 0 : i32
      %dma_wait3A_288 = tpu.memref_slice %arg5[%dma_wait3A_287] : memref<10000xi32, #tpu.memory_space<vmem>> -> memref<80xi32, #tpu.memory_space<vmem>>
      %dma_wait3A_289 = arith.constant 0 : i32
      %dma_wait3A_290 = arith.constant 0 : i32
      %dma_wait3A_291 = tpu.memref_slice %arg3[%dma_wait3A_289, %dma_wait3A_290] : memref<10240x16xf32, #tpu.memory_space<hbm>> -> memref<10240x16xf32, #tpu.memory_space<hbm>>
      tpu.wait_indirect_dma semaphore(%arg25 : memref<!tpu.dma_semaphore, #tpu.memory_space<semaphore_mem>>) src(%dma_wait3A_291 : memref<10240x16xf32, #tpu.memory_space<hbm>>) dst(%arg11 : memref<80x16xf32, #tpu.memory_space<vmem>>)
      %mul3A_292 = arith.constant 80 : i32
      %mul3A_293 = arith.muli %add3A_273, %mul3A_292 : i32
      %dma_start3A_294 = tpu.memref_slice %arg6[%mul3A_293] : memref<10000xi32, #tpu.memory_space<vmem>> -> memref<80xi32, #tpu.memory_space<vmem>>
      %dma_start3A_295 = arith.constant 0 : i32
      %dma_start3A_296 = arith.constant 0 : i32
      %dma_start3A_297 = tpu.memref_slice %arg20[%dma_start3A_295, %dma_start3A_296] : memref<10240x16xf32, #tpu.memory_space<vmem_shared>> -> memref<10240x16xf32, #tpu.memory_space<vmem_shared>>
      tpu.enqueue_indirect_dma source(%arg11 : memref<80x16xf32, #tpu.memory_space<vmem>>) target(%dma_start3A_297 : memref<10240x16xf32, #tpu.memory_space<vmem_shared>>) offsets(%dma_start3A_294 : memref<80xi32, #tpu.memory_space<vmem>>) semaphore(%arg37 : memref<!tpu.dma_semaphore, #tpu.memory_space<semaphore_mem>>) {add = true}
      %mul3A_298 = arith.constant 12 : i32
      %mul3A_299 = arith.muli %scan3A_159, %mul3A_298 : i32
      %add3A_300 = arith.constant 5 : i32
      %add3A_301 = arith.addi %mul3A_299, %add3A_300 : i32
      %gt3A_302 = arith.constant 0 : i32
      %gt3A_303 = arith.cmpi sgt, %scan3A_159, %gt3A_302 : i32
      %convert_element_type3A_304 = arith.extui %gt3A_303 : i1 to i32
      %cond3A_305 = arith.constant 0 : i32
      %cond3A_306 = arith.cmpi ne, %convert_element_type3A_304, %cond3A_305 : i32
      scf.if %cond3A_306 {
        %dma_wait3A_495 = arith.constant 0 : i32
        %dma_wait3A_496 = tpu.memref_slice %arg6[%dma_wait3A_495] : memref<10000xi32, #tpu.memory_space<vmem>> -> memref<80xi32, #tpu.memory_space<vmem>>
        %dma_wait3A_497 = arith.constant 0 : i32
        %dma_wait3A_498 = arith.constant 0 : i32
        %dma_wait3A_499 = tpu.memref_slice %arg20[%dma_wait3A_497, %dma_wait3A_498] : memref<10240x16xf32, #tpu.memory_space<vmem_shared>> -> memref<10240x16xf32, #tpu.memory_space<vmem_shared>>
        tpu.wait_indirect_dma semaphore(%arg43 : memref<!tpu.dma_semaphore, #tpu.memory_space<semaphore_mem>>) src(%arg17 : memref<80x16xf32, #tpu.memory_space<vmem>>) dst(%dma_wait3A_499 : memref<10240x16xf32, #tpu.memory_space<vmem_shared>>)
      } else {
      }
      %add3A_307 = arith.constant 5 : i32
      %add3A_308 = arith.addi %add3A_301, %add3A_307 : i32
      %mul3A_309 = arith.constant 80 : i32
      %mul3A_310 = arith.muli %add3A_308, %mul3A_309 : i32
      %dma_start3A_311 = tpu.memref_slice %arg5[%mul3A_310] : memref<10000xi32, #tpu.memory_space<vmem>> -> memref<80xi32, #tpu.memory_space<vmem>>
      %dma_start3A_312 = arith.constant 0 : i32
      %dma_start3A_313 = arith.constant 0 : i32
      %dma_start3A_314 = tpu.memref_slice %arg3[%dma_start3A_312, %dma_start3A_313] : memref<10240x16xf32, #tpu.memory_space<hbm>> -> memref<10240x16xf32, #tpu.memory_space<hbm>>
      tpu.enqueue_indirect_dma source(%dma_start3A_314 : memref<10240x16xf32, #tpu.memory_space<hbm>>) target(%arg17 : memref<80x16xf32, #tpu.memory_space<vmem>>) offsets(%dma_start3A_311 : memref<80xi32, #tpu.memory_space<vmem>>) semaphore(%arg31 : memref<!tpu.dma_semaphore, #tpu.memory_space<semaphore_mem>>)
      %dma_wait3A_315 = arith.constant 0 : i32
      %dma_wait3A_316 = tpu.memref_slice %arg5[%dma_wait3A_315] : memref<10000xi32, #tpu.memory_space<vmem>> -> memref<80xi32, #tpu.memory_space<vmem>>
      %dma_wait3A_317 = arith.constant 0 : i32
      %dma_wait3A_318 = arith.constant 0 : i32
      %dma_wait3A_319 = tpu.memref_slice %arg3[%dma_wait3A_317, %dma_wait3A_318] : memref<10240x16xf32, #tpu.memory_space<hbm>> -> memref<10240x16xf32, #tpu.memory_space<hbm>>
      tpu.wait_indirect_dma semaphore(%arg26 : memref<!tpu.dma_semaphore, #tpu.memory_space<semaphore_mem>>) src(%dma_wait3A_319 : memref<10240x16xf32, #tpu.memory_space<hbm>>) dst(%arg12 : memref<80x16xf32, #tpu.memory_space<vmem>>)
      %mul3A_320 = arith.constant 80 : i32
      %mul3A_321 = arith.muli %add3A_301, %mul3A_320 : i32
      %dma_start3A_322 = tpu.memref_slice %arg6[%mul3A_321] : memref<10000xi32, #tpu.memory_space<vmem>> -> memref<80xi32, #tpu.memory_space<vmem>>
      %dma_start3A_323 = arith.constant 0 : i32
      %dma_start3A_324 = arith.constant 0 : i32
      %dma_start3A_325 = tpu.memref_slice %arg20[%dma_start3A_323, %dma_start3A_324] : memref<10240x16xf32, #tpu.memory_space<vmem_shared>> -> memref<10240x16xf32, #tpu.memory_space<vmem_shared>>
      tpu.enqueue_indirect_dma source(%arg12 : memref<80x16xf32, #tpu.memory_space<vmem>>) target(%dma_start3A_325 : memref<10240x16xf32, #tpu.memory_space<vmem_shared>>) offsets(%dma_start3A_322 : memref<80xi32, #tpu.memory_space<vmem>>) semaphore(%arg38 : memref<!tpu.dma_semaphore, #tpu.memory_space<semaphore_mem>>) {add = true}
      %mul3A_326 = arith.constant 12 : i32
      %mul3A_327 = arith.muli %scan3A_159, %mul3A_326 : i32
      %add3A_328 = arith.constant 6 : i32
      %add3A_329 = arith.addi %mul3A_327, %add3A_328 : i32
      %gt3A_330 = arith.constant 0 : i32
      %gt3A_331 = arith.cmpi sgt, %scan3A_159, %gt3A_330 : i32
      %convert_element_type3A_332 = arith.extui %gt3A_331 : i1 to i32
      %cond3A_333 = arith.constant 0 : i32
      %cond3A_334 = arith.cmpi ne, %convert_element_type3A_332, %cond3A_333 : i32
      scf.if %cond3A_334 {
        %dma_wait3A_495 = arith.constant 0 : i32
        %dma_wait3A_496 = tpu.memref_slice %arg6[%dma_wait3A_495] : memref<10000xi32, #tpu.memory_space<vmem>> -> memref<80xi32, #tpu.memory_space<vmem>>
        %dma_wait3A_497 = arith.constant 0 : i32
        %dma_wait3A_498 = arith.constant 0 : i32
        %dma_wait3A_499 = tpu.memref_slice %arg20[%dma_wait3A_497, %dma_wait3A_498] : memref<10240x16xf32, #tpu.memory_space<vmem_shared>> -> memref<10240x16xf32, #tpu.memory_space<vmem_shared>>
        tpu.wait_indirect_dma semaphore(%arg44 : memref<!tpu.dma_semaphore, #tpu.memory_space<semaphore_mem>>) src(%arg18 : memref<80x16xf32, #tpu.memory_space<vmem>>) dst(%dma_wait3A_499 : memref<10240x16xf32, #tpu.memory_space<vmem_shared>>)
      } else {
      }
      %add3A_335 = arith.constant 5 : i32
      %add3A_336 = arith.addi %add3A_329, %add3A_335 : i32
      %mul3A_337 = arith.constant 80 : i32
      %mul3A_338 = arith.muli %add3A_336, %mul3A_337 : i32
      %dma_start3A_339 = tpu.memref_slice %arg5[%mul3A_338] : memref<10000xi32, #tpu.memory_space<vmem>> -> memref<80xi32, #tpu.memory_space<vmem>>
      %dma_start3A_340 = arith.constant 0 : i32
      %dma_start3A_341 = arith.constant 0 : i32
      %dma_start3A_342 = tpu.memref_slice %arg3[%dma_start3A_340, %dma_start3A_341] : memref<10240x16xf32, #tpu.memory_space<hbm>> -> memref<10240x16xf32, #tpu.memory_space<hbm>>
      tpu.enqueue_indirect_dma source(%dma_start3A_342 : memref<10240x16xf32, #tpu.memory_space<hbm>>) target(%arg18 : memref<80x16xf32, #tpu.memory_space<vmem>>) offsets(%dma_start3A_339 : memref<80xi32, #tpu.memory_space<vmem>>) semaphore(%arg32 : memref<!tpu.dma_semaphore, #tpu.memory_space<semaphore_mem>>)
      %dma_wait3A_343 = arith.constant 0 : i32
      %dma_wait3A_344 = tpu.memref_slice %arg5[%dma_wait3A_343] : memref<10000xi32, #tpu.memory_space<vmem>> -> memref<80xi32, #tpu.memory_space<vmem>>
      %dma_wait3A_345 = arith.constant 0 : i32
      %dma_wait3A_346 = arith.constant 0 : i32
      %dma_wait3A_347 = tpu.memref_slice %arg3[%dma_wait3A_345, %dma_wait3A_346] : memref<10240x16xf32, #tpu.memory_space<hbm>> -> memref<10240x16xf32, #tpu.memory_space<hbm>>
      tpu.wait_indirect_dma semaphore(%arg27 : memref<!tpu.dma_semaphore, #tpu.memory_space<semaphore_mem>>) src(%dma_wait3A_347 : memref<10240x16xf32, #tpu.memory_space<hbm>>) dst(%arg13 : memref<80x16xf32, #tpu.memory_space<vmem>>)
      %mul3A_348 = arith.constant 80 : i32
      %mul3A_349 = arith.muli %add3A_329, %mul3A_348 : i32
      %dma_start3A_350 = tpu.memref_slice %arg6[%mul3A_349] : memref<10000xi32, #tpu.memory_space<vmem>> -> memref<80xi32, #tpu.memory_space<vmem>>
      %dma_start3A_351 = arith.constant 0 : i32
      %dma_start3A_352 = arith.constant 0 : i32
      %dma_start3A_353 = tpu.memref_slice %arg20[%dma_start3A_351, %dma_start3A_352] : memref<10240x16xf32, #tpu.memory_space<vmem_shared>> -> memref<10240x16xf32, #tpu.memory_space<vmem_shared>>
      tpu.enqueue_indirect_dma source(%arg13 : memref<80x16xf32, #tpu.memory_space<vmem>>) target(%dma_start3A_353 : memref<10240x16xf32, #tpu.memory_space<vmem_shared>>) offsets(%dma_start3A_350 : memref<80xi32, #tpu.memory_space<vmem>>) semaphore(%arg39 : memref<!tpu.dma_semaphore, #tpu.memory_space<semaphore_mem>>) {add = true}
      %mul3A_354 = arith.constant 12 : i32
      %mul3A_355 = arith.muli %scan3A_159, %mul3A_354 : i32
      %add3A_356 = arith.constant 7 : i32
      %add3A_357 = arith.addi %mul3A_355, %add3A_356 : i32
      %dma_wait3A_358 = arith.constant 0 : i32
      %dma_wait3A_359 = tpu.memref_slice %arg6[%dma_wait3A_358] : memref<10000xi32, #tpu.memory_space<vmem>> -> memref<80xi32, #tpu.memory_space<vmem>>
      %dma_wait3A_360 = arith.constant 0 : i32
      %dma_wait3A_361 = arith.constant 0 : i32
      %dma_wait3A_362 = tpu.memref_slice %arg20[%dma_wait3A_360, %dma_wait3A_361] : memref<10240x16xf32, #tpu.memory_space<vmem_shared>> -> memref<10240x16xf32, #tpu.memory_space<vmem_shared>>
      tpu.wait_indirect_dma semaphore(%arg33 : memref<!tpu.dma_semaphore, #tpu.memory_space<semaphore_mem>>) src(%arg7 : memref<80x16xf32, #tpu.memory_space<vmem>>) dst(%dma_wait3A_362 : memref<10240x16xf32, #tpu.memory_space<vmem_shared>>)
      %add3A_363 = arith.constant 5 : i32
      %add3A_364 = arith.addi %add3A_357, %add3A_363 : i32
      %mul3A_365 = arith.constant 80 : i32
      %mul3A_366 = arith.muli %add3A_364, %mul3A_365 : i32
      %dma_start3A_367 = tpu.memref_slice %arg5[%mul3A_366] : memref<10000xi32, #tpu.memory_space<vmem>> -> memref<80xi32, #tpu.memory_space<vmem>>
      %dma_start3A_368 = arith.constant 0 : i32
      %dma_start3A_369 = arith.constant 0 : i32
      %dma_start3A_370 = tpu.memref_slice %arg3[%dma_start3A_368, %dma_start3A_369] : memref<10240x16xf32, #tpu.memory_space<hbm>> -> memref<10240x16xf32, #tpu.memory_space<hbm>>
      tpu.enqueue_indirect_dma source(%dma_start3A_370 : memref<10240x16xf32, #tpu.memory_space<hbm>>) target(%arg7 : memref<80x16xf32, #tpu.memory_space<vmem>>) offsets(%dma_start3A_367 : memref<80xi32, #tpu.memory_space<vmem>>) semaphore(%arg21 : memref<!tpu.dma_semaphore, #tpu.memory_space<semaphore_mem>>)
      %dma_wait3A_371 = arith.constant 0 : i32
      %dma_wait3A_372 = tpu.memref_slice %arg5[%dma_wait3A_371] : memref<10000xi32, #tpu.memory_space<vmem>> -> memref<80xi32, #tpu.memory_space<vmem>>
      %dma_wait3A_373 = arith.constant 0 : i32
      %dma_wait3A_374 = arith.constant 0 : i32
      %dma_wait3A_375 = tpu.memref_slice %arg3[%dma_wait3A_373, %dma_wait3A_374] : memref<10240x16xf32, #tpu.memory_space<hbm>> -> memref<10240x16xf32, #tpu.memory_space<hbm>>
      tpu.wait_indirect_dma semaphore(%arg28 : memref<!tpu.dma_semaphore, #tpu.memory_space<semaphore_mem>>) src(%dma_wait3A_375 : memref<10240x16xf32, #tpu.memory_space<hbm>>) dst(%arg14 : memref<80x16xf32, #tpu.memory_space<vmem>>)
      %mul3A_376 = arith.constant 80 : i32
      %mul3A_377 = arith.muli %add3A_357, %mul3A_376 : i32
      %dma_start3A_378 = tpu.memref_slice %arg6[%mul3A_377] : memref<10000xi32, #tpu.memory_space<vmem>> -> memref<80xi32, #tpu.memory_space<vmem>>
      %dma_start3A_379 = arith.constant 0 : i32
      %dma_start3A_380 = arith.constant 0 : i32
      %dma_start3A_381 = tpu.memref_slice %arg20[%dma_start3A_379, %dma_start3A_380] : memref<10240x16xf32, #tpu.memory_space<vmem_shared>> -> memref<10240x16xf32, #tpu.memory_space<vmem_shared>>
      tpu.enqueue_indirect_dma source(%arg14 : memref<80x16xf32, #tpu.memory_space<vmem>>) target(%dma_start3A_381 : memref<10240x16xf32, #tpu.memory_space<vmem_shared>>) offsets(%dma_start3A_378 : memref<80xi32, #tpu.memory_space<vmem>>) semaphore(%arg40 : memref<!tpu.dma_semaphore, #tpu.memory_space<semaphore_mem>>) {add = true}
      %mul3A_382 = arith.constant 12 : i32
      %mul3A_383 = arith.muli %scan3A_159, %mul3A_382 : i32
      %add3A_384 = arith.constant 8 : i32
      %add3A_385 = arith.addi %mul3A_383, %add3A_384 : i32
      %dma_wait3A_386 = arith.constant 0 : i32
      %dma_wait3A_387 = tpu.memref_slice %arg6[%dma_wait3A_386] : memref<10000xi32, #tpu.memory_space<vmem>> -> memref<80xi32, #tpu.memory_space<vmem>>
      %dma_wait3A_388 = arith.constant 0 : i32
      %dma_wait3A_389 = arith.constant 0 : i32
      %dma_wait3A_390 = tpu.memref_slice %arg20[%dma_wait3A_388, %dma_wait3A_389] : memref<10240x16xf32, #tpu.memory_space<vmem_shared>> -> memref<10240x16xf32, #tpu.memory_space<vmem_shared>>
      tpu.wait_indirect_dma semaphore(%arg34 : memref<!tpu.dma_semaphore, #tpu.memory_space<semaphore_mem>>) src(%arg8 : memref<80x16xf32, #tpu.memory_space<vmem>>) dst(%dma_wait3A_390 : memref<10240x16xf32, #tpu.memory_space<vmem_shared>>)
      %add3A_391 = arith.constant 5 : i32
      %add3A_392 = arith.addi %add3A_385, %add3A_391 : i32
      %mul3A_393 = arith.constant 80 : i32
      %mul3A_394 = arith.muli %add3A_392, %mul3A_393 : i32
      %dma_start3A_395 = tpu.memref_slice %arg5[%mul3A_394] : memref<10000xi32, #tpu.memory_space<vmem>> -> memref<80xi32, #tpu.memory_space<vmem>>
      %dma_start3A_396 = arith.constant 0 : i32
      %dma_start3A_397 = arith.constant 0 : i32
      %dma_start3A_398 = tpu.memref_slice %arg3[%dma_start3A_396, %dma_start3A_397] : memref<10240x16xf32, #tpu.memory_space<hbm>> -> memref<10240x16xf32, #tpu.memory_space<hbm>>
      tpu.enqueue_indirect_dma source(%dma_start3A_398 : memref<10240x16xf32, #tpu.memory_space<hbm>>) target(%arg8 : memref<80x16xf32, #tpu.memory_space<vmem>>) offsets(%dma_start3A_395 : memref<80xi32, #tpu.memory_space<vmem>>) semaphore(%arg22 : memref<!tpu.dma_semaphore, #tpu.memory_space<semaphore_mem>>)
      %dma_wait3A_399 = arith.constant 0 : i32
      %dma_wait3A_400 = tpu.memref_slice %arg5[%dma_wait3A_399] : memref<10000xi32, #tpu.memory_space<vmem>> -> memref<80xi32, #tpu.memory_space<vmem>>
      %dma_wait3A_401 = arith.constant 0 : i32
      %dma_wait3A_402 = arith.constant 0 : i32
      %dma_wait3A_403 = tpu.memref_slice %arg3[%dma_wait3A_401, %dma_wait3A_402] : memref<10240x16xf32, #tpu.memory_space<hbm>> -> memref<10240x16xf32, #tpu.memory_space<hbm>>
      tpu.wait_indirect_dma semaphore(%arg29 : memref<!tpu.dma_semaphore, #tpu.memory_space<semaphore_mem>>) src(%dma_wait3A_403 : memref<10240x16xf32, #tpu.memory_space<hbm>>) dst(%arg15 : memref<80x16xf32, #tpu.memory_space<vmem>>)
      %mul3A_404 = arith.constant 80 : i32
      %mul3A_405 = arith.muli %add3A_385, %mul3A_404 : i32
      %dma_start3A_406 = tpu.memref_slice %arg6[%mul3A_405] : memref<10000xi32, #tpu.memory_space<vmem>> -> memref<80xi32, #tpu.memory_space<vmem>>
      %dma_start3A_407 = arith.constant 0 : i32
      %dma_start3A_408 = arith.constant 0 : i32
      %dma_start3A_409 = tpu.memref_slice %arg20[%dma_start3A_407, %dma_start3A_408] : memref<10240x16xf32, #tpu.memory_space<vmem_shared>> -> memref<10240x16xf32, #tpu.memory_space<vmem_shared>>
      tpu.enqueue_indirect_dma source(%arg15 : memref<80x16xf32, #tpu.memory_space<vmem>>) target(%dma_start3A_409 : memref<10240x16xf32, #tpu.memory_space<vmem_shared>>) offsets(%dma_start3A_406 : memref<80xi32, #tpu.memory_space<vmem>>) semaphore(%arg41 : memref<!tpu.dma_semaphore, #tpu.memory_space<semaphore_mem>>) {add = true}
      %mul3A_410 = arith.constant 12 : i32
      %mul3A_411 = arith.muli %scan3A_159, %mul3A_410 : i32
      %add3A_412 = arith.constant 9 : i32
      %add3A_413 = arith.addi %mul3A_411, %add3A_412 : i32
      %dma_wait3A_414 = arith.constant 0 : i32
      %dma_wait3A_415 = tpu.memref_slice %arg6[%dma_wait3A_414] : memref<10000xi32, #tpu.memory_space<vmem>> -> memref<80xi32, #tpu.memory_space<vmem>>
      %dma_wait3A_416 = arith.constant 0 : i32
      %dma_wait3A_417 = arith.constant 0 : i32
      %dma_wait3A_418 = tpu.memref_slice %arg20[%dma_wait3A_416, %dma_wait3A_417] : memref<10240x16xf32, #tpu.memory_space<vmem_shared>> -> memref<10240x16xf32, #tpu.memory_space<vmem_shared>>
      tpu.wait_indirect_dma semaphore(%arg35 : memref<!tpu.dma_semaphore, #tpu.memory_space<semaphore_mem>>) src(%arg9 : memref<80x16xf32, #tpu.memory_space<vmem>>) dst(%dma_wait3A_418 : memref<10240x16xf32, #tpu.memory_space<vmem_shared>>)
      %add3A_419 = arith.constant 5 : i32
      %add3A_420 = arith.addi %add3A_413, %add3A_419 : i32
      %mul3A_421 = arith.constant 80 : i32
      %mul3A_422 = arith.muli %add3A_420, %mul3A_421 : i32
      %dma_start3A_423 = tpu.memref_slice %arg5[%mul3A_422] : memref<10000xi32, #tpu.memory_space<vmem>> -> memref<80xi32, #tpu.memory_space<vmem>>
      %dma_start3A_424 = arith.constant 0 : i32
      %dma_start3A_425 = arith.constant 0 : i32
      %dma_start3A_426 = tpu.memref_slice %arg3[%dma_start3A_424, %dma_start3A_425] : memref<10240x16xf32, #tpu.memory_space<hbm>> -> memref<10240x16xf32, #tpu.memory_space<hbm>>
      tpu.enqueue_indirect_dma source(%dma_start3A_426 : memref<10240x16xf32, #tpu.memory_space<hbm>>) target(%arg9 : memref<80x16xf32, #tpu.memory_space<vmem>>) offsets(%dma_start3A_423 : memref<80xi32, #tpu.memory_space<vmem>>) semaphore(%arg23 : memref<!tpu.dma_semaphore, #tpu.memory_space<semaphore_mem>>)
      %dma_wait3A_427 = arith.constant 0 : i32
      %dma_wait3A_428 = tpu.memref_slice %arg5[%dma_wait3A_427] : memref<10000xi32, #tpu.memory_space<vmem>> -> memref<80xi32, #tpu.memory_space<vmem>>
      %dma_wait3A_429 = arith.constant 0 : i32
      %dma_wait3A_430 = arith.constant 0 : i32
      %dma_wait3A_431 = tpu.memref_slice %arg3[%dma_wait3A_429, %dma_wait3A_430] : memref<10240x16xf32, #tpu.memory_space<hbm>> -> memref<10240x16xf32, #tpu.memory_space<hbm>>
      tpu.wait_indirect_dma semaphore(%arg30 : memref<!tpu.dma_semaphore, #tpu.memory_space<semaphore_mem>>) src(%dma_wait3A_431 : memref<10240x16xf32, #tpu.memory_space<hbm>>) dst(%arg16 : memref<80x16xf32, #tpu.memory_space<vmem>>)
      %mul3A_432 = arith.constant 80 : i32
      %mul3A_433 = arith.muli %add3A_413, %mul3A_432 : i32
      %dma_start3A_434 = tpu.memref_slice %arg6[%mul3A_433] : memref<10000xi32, #tpu.memory_space<vmem>> -> memref<80xi32, #tpu.memory_space<vmem>>
      %dma_start3A_435 = arith.constant 0 : i32
      %dma_start3A_436 = arith.constant 0 : i32
      %dma_start3A_437 = tpu.memref_slice %arg20[%dma_start3A_435, %dma_start3A_436] : memref<10240x16xf32, #tpu.memory_space<vmem_shared>> -> memref<10240x16xf32, #tpu.memory_space<vmem_shared>>
      tpu.enqueue_indirect_dma source(%arg16 : memref<80x16xf32, #tpu.memory_space<vmem>>) target(%dma_start3A_437 : memref<10240x16xf32, #tpu.memory_space<vmem_shared>>) offsets(%dma_start3A_434 : memref<80xi32, #tpu.memory_space<vmem>>) semaphore(%arg42 : memref<!tpu.dma_semaphore, #tpu.memory_space<semaphore_mem>>) {add = true}
      %mul3A_438 = arith.constant 12 : i32
      %mul3A_439 = arith.muli %scan3A_159, %mul3A_438 : i32
      %add3A_440 = arith.constant 10 : i32
      %add3A_441 = arith.addi %mul3A_439, %add3A_440 : i32
      %dma_wait3A_442 = arith.constant 0 : i32
      %dma_wait3A_443 = tpu.memref_slice %arg6[%dma_wait3A_442] : memref<10000xi32, #tpu.memory_space<vmem>> -> memref<80xi32, #tpu.memory_space<vmem>>
      %dma_wait3A_444 = arith.constant 0 : i32
      %dma_wait3A_445 = arith.constant 0 : i32
      %dma_wait3A_446 = tpu.memref_slice %arg20[%dma_wait3A_444, %dma_wait3A_445] : memref<10240x16xf32, #tpu.memory_space<vmem_shared>> -> memref<10240x16xf32, #tpu.memory_space<vmem_shared>>
      tpu.wait_indirect_dma semaphore(%arg36 : memref<!tpu.dma_semaphore, #tpu.memory_space<semaphore_mem>>) src(%arg10 : memref<80x16xf32, #tpu.memory_space<vmem>>) dst(%dma_wait3A_446 : memref<10240x16xf32, #tpu.memory_space<vmem_shared>>)
      %add3A_447 = arith.constant 5 : i32
      %add3A_448 = arith.addi %add3A_441, %add3A_447 : i32
      %mul3A_449 = arith.constant 80 : i32
      %mul3A_450 = arith.muli %add3A_448, %mul3A_449 : i32
      %dma_start3A_451 = tpu.memref_slice %arg5[%mul3A_450] : memref<10000xi32, #tpu.memory_space<vmem>> -> memref<80xi32, #tpu.memory_space<vmem>>
      %dma_start3A_452 = arith.constant 0 : i32
      %dma_start3A_453 = arith.constant 0 : i32
      %dma_start3A_454 = tpu.memref_slice %arg3[%dma_start3A_452, %dma_start3A_453] : memref<10240x16xf32, #tpu.memory_space<hbm>> -> memref<10240x16xf32, #tpu.memory_space<hbm>>
      tpu.enqueue_indirect_dma source(%dma_start3A_454 : memref<10240x16xf32, #tpu.memory_space<hbm>>) target(%arg10 : memref<80x16xf32, #tpu.memory_space<vmem>>) offsets(%dma_start3A_451 : memref<80xi32, #tpu.memory_space<vmem>>) semaphore(%arg24 : memref<!tpu.dma_semaphore, #tpu.memory_space<semaphore_mem>>)
      %dma_wait3A_455 = arith.constant 0 : i32
      %dma_wait3A_456 = tpu.memref_slice %arg5[%dma_wait3A_455] : memref<10000xi32, #tpu.memory_space<vmem>> -> memref<80xi32, #tpu.memory_space<vmem>>
      %dma_wait3A_457 = arith.constant 0 : i32
      %dma_wait3A_458 = arith.constant 0 : i32
      %dma_wait3A_459 = tpu.memref_slice %arg3[%dma_wait3A_457, %dma_wait3A_458] : memref<10240x16xf32, #tpu.memory_space<hbm>> -> memref<10240x16xf32, #tpu.memory_space<hbm>>
      tpu.wait_indirect_dma semaphore(%arg31 : memref<!tpu.dma_semaphore, #tpu.memory_space<semaphore_mem>>) src(%dma_wait3A_459 : memref<10240x16xf32, #tpu.memory_space<hbm>>) dst(%arg17 : memref<80x16xf32, #tpu.memory_space<vmem>>)
      %mul3A_460 = arith.constant 80 : i32
      %mul3A_461 = arith.muli %add3A_441, %mul3A_460 : i32
      %dma_start3A_462 = tpu.memref_slice %arg6[%mul3A_461] : memref<10000xi32, #tpu.memory_space<vmem>> -> memref<80xi32, #tpu.memory_space<vmem>>
      %dma_start3A_463 = arith.constant 0 : i32
      %dma_start3A_464 = arith.constant 0 : i32
      %dma_start3A_465 = tpu.memref_slice %arg20[%dma_start3A_463, %dma_start3A_464] : memref<10240x16xf32, #tpu.memory_space<vmem_shared>> -> memref<10240x16xf32, #tpu.memory_space<vmem_shared>>
      tpu.enqueue_indirect_dma source(%arg17 : memref<80x16xf32, #tpu.memory_space<vmem>>) target(%dma_start3A_465 : memref<10240x16xf32, #tpu.memory_space<vmem_shared>>) offsets(%dma_start3A_462 : memref<80xi32, #tpu.memory_space<vmem>>) semaphore(%arg43 : memref<!tpu.dma_semaphore, #tpu.memory_space<semaphore_mem>>) {add = true}
      %mul3A_466 = arith.constant 12 : i32
      %mul3A_467 = arith.muli %scan3A_159, %mul3A_466 : i32
      %add3A_468 = arith.constant 11 : i32
      %add3A_469 = arith.addi %mul3A_467, %add3A_468 : i32
      %dma_wait3A_470 = arith.constant 0 : i32
      %dma_wait3A_471 = tpu.memref_slice %arg6[%dma_wait3A_470] : memref<10000xi32, #tpu.memory_space<vmem>> -> memref<80xi32, #tpu.memory_space<vmem>>
      %dma_wait3A_472 = arith.constant 0 : i32
      %dma_wait3A_473 = arith.constant 0 : i32
      %dma_wait3A_474 = tpu.memref_slice %arg20[%dma_wait3A_472, %dma_wait3A_473] : memref<10240x16xf32, #tpu.memory_space<vmem_shared>> -> memref<10240x16xf32, #tpu.memory_space<vmem_shared>>
      tpu.wait_indirect_dma semaphore(%arg37 : memref<!tpu.dma_semaphore, #tpu.memory_space<semaphore_mem>>) src(%arg11 : memref<80x16xf32, #tpu.memory_space<vmem>>) dst(%dma_wait3A_474 : memref<10240x16xf32, #tpu.memory_space<vmem_shared>>)
      %add3A_475 = arith.constant 5 : i32
      %add3A_476 = arith.addi %add3A_469, %add3A_475 : i32
      %mul3A_477 = arith.constant 80 : i32
      %mul3A_478 = arith.muli %add3A_476, %mul3A_477 : i32
      %dma_start3A_479 = tpu.memref_slice %arg5[%mul3A_478] : memref<10000xi32, #tpu.memory_space<vmem>> -> memref<80xi32, #tpu.memory_space<vmem>>
      %dma_start3A_480 = arith.constant 0 : i32
      %dma_start3A_481 = arith.constant 0 : i32
      %dma_start3A_482 = tpu.memref_slice %arg3[%dma_start3A_480, %dma_start3A_481] : memref<10240x16xf32, #tpu.memory_space<hbm>> -> memref<10240x16xf32, #tpu.memory_space<hbm>>
      tpu.enqueue_indirect_dma source(%dma_start3A_482 : memref<10240x16xf32, #tpu.memory_space<hbm>>) target(%arg11 : memref<80x16xf32, #tpu.memory_space<vmem>>) offsets(%dma_start3A_479 : memref<80xi32, #tpu.memory_space<vmem>>) semaphore(%arg25 : memref<!tpu.dma_semaphore, #tpu.memory_space<semaphore_mem>>)
      %dma_wait3A_483 = arith.constant 0 : i32
      %dma_wait3A_484 = tpu.memref_slice %arg5[%dma_wait3A_483] : memref<10000xi32, #tpu.memory_space<vmem>> -> memref<80xi32, #tpu.memory_space<vmem>>
      %dma_wait3A_485 = arith.constant 0 : i32
      %dma_wait3A_486 = arith.constant 0 : i32
      %dma_wait3A_487 = tpu.memref_slice %arg3[%dma_wait3A_485, %dma_wait3A_486] : memref<10240x16xf32, #tpu.memory_space<hbm>> -> memref<10240x16xf32, #tpu.memory_space<hbm>>
      tpu.wait_indirect_dma semaphore(%arg32 : memref<!tpu.dma_semaphore, #tpu.memory_space<semaphore_mem>>) src(%dma_wait3A_487 : memref<10240x16xf32, #tpu.memory_space<hbm>>) dst(%arg18 : memref<80x16xf32, #tpu.memory_space<vmem>>)
      %mul3A_488 = arith.constant 80 : i32
      %mul3A_489 = arith.muli %add3A_469, %mul3A_488 : i32
      %dma_start3A_490 = tpu.memref_slice %arg6[%mul3A_489] : memref<10000xi32, #tpu.memory_space<vmem>> -> memref<80xi32, #tpu.memory_space<vmem>>
      %dma_start3A_491 = arith.constant 0 : i32
      %dma_start3A_492 = arith.constant 0 : i32
      %dma_start3A_493 = tpu.memref_slice %arg20[%dma_start3A_491, %dma_start3A_492] : memref<10240x16xf32, #tpu.memory_space<vmem_shared>> -> memref<10240x16xf32, #tpu.memory_space<vmem_shared>>
      tpu.enqueue_indirect_dma source(%arg18 : memref<80x16xf32, #tpu.memory_space<vmem>>) target(%dma_start3A_493 : memref<10240x16xf32, #tpu.memory_space<vmem_shared>>) offsets(%dma_start3A_490 : memref<80xi32, #tpu.memory_space<vmem>>) semaphore(%arg44 : memref<!tpu.dma_semaphore, #tpu.memory_space<semaphore_mem>>) {add = true}
      %scan3A_494 = arith.constant 0 : i32
      scf.yield %scan3A_494 : i32
    }
    %scan3A_44 = arith.constant 10 : i32
    %dma_wait3A = arith.constant 0 : i32
    %dma_wait3A_45 = tpu.memref_slice %arg5[%dma_wait3A] : memref<10000xi32, #tpu.memory_space<vmem>> -> memref<80xi32, #tpu.memory_space<vmem>>
    %dma_wait3A_46 = arith.constant 0 : i32
    %dma_wait3A_47 = arith.constant 0 : i32
    %dma_wait3A_48 = tpu.memref_slice %arg3[%dma_wait3A_46, %dma_wait3A_47] : memref<10240x16xf32, #tpu.memory_space<hbm>> -> memref<10240x16xf32, #tpu.memory_space<hbm>>
    tpu.wait_indirect_dma semaphore(%arg21 : memref<!tpu.dma_semaphore, #tpu.memory_space<semaphore_mem>>) src(%dma_wait3A_48 : memref<10240x16xf32, #tpu.memory_space<hbm>>) dst(%arg7 : memref<80x16xf32, #tpu.memory_space<vmem>>)
    %dma_start3A_49 = arith.constant 9600 : i32
    %dma_start3A_50 = tpu.memref_slice %arg6[%dma_start3A_49] : memref<10000xi32, #tpu.memory_space<vmem>> -> memref<80xi32, #tpu.memory_space<vmem>>
    %dma_start3A_51 = arith.constant 0 : i32
    %dma_start3A_52 = arith.constant 0 : i32
    %dma_start3A_53 = tpu.memref_slice %arg20[%dma_start3A_51, %dma_start3A_52] : memref<10240x16xf32, #tpu.memory_space<vmem_shared>> -> memref<10240x16xf32, #tpu.memory_space<vmem_shared>>
    tpu.enqueue_indirect_dma source(%arg7 : memref<80x16xf32, #tpu.memory_space<vmem>>) target(%dma_start3A_53 : memref<10240x16xf32, #tpu.memory_space<vmem_shared>>) offsets(%dma_start3A_50 : memref<80xi32, #tpu.memory_space<vmem>>) semaphore(%arg33 : memref<!tpu.dma_semaphore, #tpu.memory_space<semaphore_mem>>) {add = true}
    %dma_wait3A_54 = arith.constant 0 : i32
    %dma_wait3A_55 = tpu.memref_slice %arg5[%dma_wait3A_54] : memref<10000xi32, #tpu.memory_space<vmem>> -> memref<80xi32, #tpu.memory_space<vmem>>
    %dma_wait3A_56 = arith.constant 0 : i32
    %dma_wait3A_57 = arith.constant 0 : i32
    %dma_wait3A_58 = tpu.memref_slice %arg3[%dma_wait3A_56, %dma_wait3A_57] : memref<10240x16xf32, #tpu.memory_space<hbm>> -> memref<10240x16xf32, #tpu.memory_space<hbm>>
    tpu.wait_indirect_dma semaphore(%arg22 : memref<!tpu.dma_semaphore, #tpu.memory_space<semaphore_mem>>) src(%dma_wait3A_58 : memref<10240x16xf32, #tpu.memory_space<hbm>>) dst(%arg8 : memref<80x16xf32, #tpu.memory_space<vmem>>)
    %dma_start3A_59 = arith.constant 9680 : i32
    %dma_start3A_60 = tpu.memref_slice %arg6[%dma_start3A_59] : memref<10000xi32, #tpu.memory_space<vmem>> -> memref<80xi32, #tpu.memory_space<vmem>>
    %dma_start3A_61 = arith.constant 0 : i32
    %dma_start3A_62 = arith.constant 0 : i32
    %dma_start3A_63 = tpu.memref_slice %arg20[%dma_start3A_61, %dma_start3A_62] : memref<10240x16xf32, #tpu.memory_space<vmem_shared>> -> memref<10240x16xf32, #tpu.memory_space<vmem_shared>>
    tpu.enqueue_indirect_dma source(%arg8 : memref<80x16xf32, #tpu.memory_space<vmem>>) target(%dma_start3A_63 : memref<10240x16xf32, #tpu.memory_space<vmem_shared>>) offsets(%dma_start3A_60 : memref<80xi32, #tpu.memory_space<vmem>>) semaphore(%arg34 : memref<!tpu.dma_semaphore, #tpu.memory_space<semaphore_mem>>) {add = true}
    %dma_wait3A_64 = arith.constant 0 : i32
    %dma_wait3A_65 = tpu.memref_slice %arg5[%dma_wait3A_64] : memref<10000xi32, #tpu.memory_space<vmem>> -> memref<80xi32, #tpu.memory_space<vmem>>
    %dma_wait3A_66 = arith.constant 0 : i32
    %dma_wait3A_67 = arith.constant 0 : i32
    %dma_wait3A_68 = tpu.memref_slice %arg3[%dma_wait3A_66, %dma_wait3A_67] : memref<10240x16xf32, #tpu.memory_space<hbm>> -> memref<10240x16xf32, #tpu.memory_space<hbm>>
    tpu.wait_indirect_dma semaphore(%arg23 : memref<!tpu.dma_semaphore, #tpu.memory_space<semaphore_mem>>) src(%dma_wait3A_68 : memref<10240x16xf32, #tpu.memory_space<hbm>>) dst(%arg9 : memref<80x16xf32, #tpu.memory_space<vmem>>)
    %dma_start3A_69 = arith.constant 9760 : i32
    %dma_start3A_70 = tpu.memref_slice %arg6[%dma_start3A_69] : memref<10000xi32, #tpu.memory_space<vmem>> -> memref<80xi32, #tpu.memory_space<vmem>>
    %dma_start3A_71 = arith.constant 0 : i32
    %dma_start3A_72 = arith.constant 0 : i32
    %dma_start3A_73 = tpu.memref_slice %arg20[%dma_start3A_71, %dma_start3A_72] : memref<10240x16xf32, #tpu.memory_space<vmem_shared>> -> memref<10240x16xf32, #tpu.memory_space<vmem_shared>>
    tpu.enqueue_indirect_dma source(%arg9 : memref<80x16xf32, #tpu.memory_space<vmem>>) target(%dma_start3A_73 : memref<10240x16xf32, #tpu.memory_space<vmem_shared>>) offsets(%dma_start3A_70 : memref<80xi32, #tpu.memory_space<vmem>>) semaphore(%arg35 : memref<!tpu.dma_semaphore, #tpu.memory_space<semaphore_mem>>) {add = true}
    %dma_wait3A_74 = arith.constant 0 : i32
    %dma_wait3A_75 = tpu.memref_slice %arg5[%dma_wait3A_74] : memref<10000xi32, #tpu.memory_space<vmem>> -> memref<80xi32, #tpu.memory_space<vmem>>
    %dma_wait3A_76 = arith.constant 0 : i32
    %dma_wait3A_77 = arith.constant 0 : i32
    %dma_wait3A_78 = tpu.memref_slice %arg3[%dma_wait3A_76, %dma_wait3A_77] : memref<10240x16xf32, #tpu.memory_space<hbm>> -> memref<10240x16xf32, #tpu.memory_space<hbm>>
    tpu.wait_indirect_dma semaphore(%arg24 : memref<!tpu.dma_semaphore, #tpu.memory_space<semaphore_mem>>) src(%dma_wait3A_78 : memref<10240x16xf32, #tpu.memory_space<hbm>>) dst(%arg10 : memref<80x16xf32, #tpu.memory_space<vmem>>)
    %dma_start3A_79 = arith.constant 9840 : i32
    %dma_start3A_80 = tpu.memref_slice %arg6[%dma_start3A_79] : memref<10000xi32, #tpu.memory_space<vmem>> -> memref<80xi32, #tpu.memory_space<vmem>>
    %dma_start3A_81 = arith.constant 0 : i32
    %dma_start3A_82 = arith.constant 0 : i32
    %dma_start3A_83 = tpu.memref_slice %arg20[%dma_start3A_81, %dma_start3A_82] : memref<10240x16xf32, #tpu.memory_space<vmem_shared>> -> memref<10240x16xf32, #tpu.memory_space<vmem_shared>>
    tpu.enqueue_indirect_dma source(%arg10 : memref<80x16xf32, #tpu.memory_space<vmem>>) target(%dma_start3A_83 : memref<10240x16xf32, #tpu.memory_space<vmem_shared>>) offsets(%dma_start3A_80 : memref<80xi32, #tpu.memory_space<vmem>>) semaphore(%arg36 : memref<!tpu.dma_semaphore, #tpu.memory_space<semaphore_mem>>) {add = true}
    %dma_wait3A_84 = arith.constant 0 : i32
    %dma_wait3A_85 = tpu.memref_slice %arg5[%dma_wait3A_84] : memref<10000xi32, #tpu.memory_space<vmem>> -> memref<80xi32, #tpu.memory_space<vmem>>
    %dma_wait3A_86 = arith.constant 0 : i32
    %dma_wait3A_87 = arith.constant 0 : i32
    %dma_wait3A_88 = tpu.memref_slice %arg3[%dma_wait3A_86, %dma_wait3A_87] : memref<10240x16xf32, #tpu.memory_space<hbm>> -> memref<10240x16xf32, #tpu.memory_space<hbm>>
    tpu.wait_indirect_dma semaphore(%arg25 : memref<!tpu.dma_semaphore, #tpu.memory_space<semaphore_mem>>) src(%dma_wait3A_88 : memref<10240x16xf32, #tpu.memory_space<hbm>>) dst(%arg11 : memref<80x16xf32, #tpu.memory_space<vmem>>)
    %dma_start3A_89 = arith.constant 9920 : i32
    %dma_start3A_90 = tpu.memref_slice %arg6[%dma_start3A_89] : memref<10000xi32, #tpu.memory_space<vmem>> -> memref<80xi32, #tpu.memory_space<vmem>>
    %dma_start3A_91 = arith.constant 0 : i32
    %dma_start3A_92 = arith.constant 0 : i32
    %dma_start3A_93 = tpu.memref_slice %arg20[%dma_start3A_91, %dma_start3A_92] : memref<10240x16xf32, #tpu.memory_space<vmem_shared>> -> memref<10240x16xf32, #tpu.memory_space<vmem_shared>>
    tpu.enqueue_indirect_dma source(%arg11 : memref<80x16xf32, #tpu.memory_space<vmem>>) target(%dma_start3A_93 : memref<10240x16xf32, #tpu.memory_space<vmem_shared>>) offsets(%dma_start3A_90 : memref<80xi32, #tpu.memory_space<vmem>>) semaphore(%arg37 : memref<!tpu.dma_semaphore, #tpu.memory_space<semaphore_mem>>) {add = true}
    %dma_wait3A_94 = arith.constant 0 : i32
    %dma_wait3A_95 = tpu.memref_slice %arg6[%dma_wait3A_94] : memref<10000xi32, #tpu.memory_space<vmem>> -> memref<80xi32, #tpu.memory_space<vmem>>
    %dma_wait3A_96 = arith.constant 0 : i32
    %dma_wait3A_97 = arith.constant 0 : i32
    %dma_wait3A_98 = tpu.memref_slice %arg20[%dma_wait3A_96, %dma_wait3A_97] : memref<10240x16xf32, #tpu.memory_space<vmem_shared>> -> memref<10240x16xf32, #tpu.memory_space<vmem_shared>>
    tpu.wait_indirect_dma semaphore(%arg38 : memref<!tpu.dma_semaphore, #tpu.memory_space<semaphore_mem>>) src(%arg12 : memref<80x16xf32, #tpu.memory_space<vmem>>) dst(%dma_wait3A_98 : memref<10240x16xf32, #tpu.memory_space<vmem_shared>>)
    %dma_wait3A_99 = arith.constant 0 : i32
    %dma_wait3A_100 = tpu.memref_slice %arg6[%dma_wait3A_99] : memref<10000xi32, #tpu.memory_space<vmem>> -> memref<80xi32, #tpu.memory_space<vmem>>
    %dma_wait3A_101 = arith.constant 0 : i32
    %dma_wait3A_102 = arith.constant 0 : i32
    %dma_wait3A_103 = tpu.memref_slice %arg20[%dma_wait3A_101, %dma_wait3A_102] : memref<10240x16xf32, #tpu.memory_space<vmem_shared>> -> memref<10240x16xf32, #tpu.memory_space<vmem_shared>>
    tpu.wait_indirect_dma semaphore(%arg39 : memref<!tpu.dma_semaphore, #tpu.memory_space<semaphore_mem>>) src(%arg13 : memref<80x16xf32, #tpu.memory_space<vmem>>) dst(%dma_wait3A_103 : memref<10240x16xf32, #tpu.memory_space<vmem_shared>>)
    %dma_wait3A_104 = arith.constant 0 : i32
    %dma_wait3A_105 = tpu.memref_slice %arg6[%dma_wait3A_104] : memref<10000xi32, #tpu.memory_space<vmem>> -> memref<80xi32, #tpu.memory_space<vmem>>
    %dma_wait3A_106 = arith.constant 0 : i32
    %dma_wait3A_107 = arith.constant 0 : i32
    %dma_wait3A_108 = tpu.memref_slice %arg20[%dma_wait3A_106, %dma_wait3A_107] : memref<10240x16xf32, #tpu.memory_space<vmem_shared>> -> memref<10240x16xf32, #tpu.memory_space<vmem_shared>>
    tpu.wait_indirect_dma semaphore(%arg40 : memref<!tpu.dma_semaphore, #tpu.memory_space<semaphore_mem>>) src(%arg14 : memref<80x16xf32, #tpu.memory_space<vmem>>) dst(%dma_wait3A_108 : memref<10240x16xf32, #tpu.memory_space<vmem_shared>>)
    %dma_wait3A_109 = arith.constant 0 : i32
    %dma_wait3A_110 = tpu.memref_slice %arg6[%dma_wait3A_109] : memref<10000xi32, #tpu.memory_space<vmem>> -> memref<80xi32, #tpu.memory_space<vmem>>
    %dma_wait3A_111 = arith.constant 0 : i32
    %dma_wait3A_112 = arith.constant 0 : i32
    %dma_wait3A_113 = tpu.memref_slice %arg20[%dma_wait3A_111, %dma_wait3A_112] : memref<10240x16xf32, #tpu.memory_space<vmem_shared>> -> memref<10240x16xf32, #tpu.memory_space<vmem_shared>>
    tpu.wait_indirect_dma semaphore(%arg41 : memref<!tpu.dma_semaphore, #tpu.memory_space<semaphore_mem>>) src(%arg15 : memref<80x16xf32, #tpu.memory_space<vmem>>) dst(%dma_wait3A_113 : memref<10240x16xf32, #tpu.memory_space<vmem_shared>>)
    %dma_wait3A_114 = arith.constant 0 : i32
    %dma_wait3A_115 = tpu.memref_slice %arg6[%dma_wait3A_114] : memref<10000xi32, #tpu.memory_space<vmem>> -> memref<80xi32, #tpu.memory_space<vmem>>
    %dma_wait3A_116 = arith.constant 0 : i32
    %dma_wait3A_117 = arith.constant 0 : i32
    %dma_wait3A_118 = tpu.memref_slice %arg20[%dma_wait3A_116, %dma_wait3A_117] : memref<10240x16xf32, #tpu.memory_space<vmem_shared>> -> memref<10240x16xf32, #tpu.memory_space<vmem_shared>>
    tpu.wait_indirect_dma semaphore(%arg42 : memref<!tpu.dma_semaphore, #tpu.memory_space<semaphore_mem>>) src(%arg16 : memref<80x16xf32, #tpu.memory_space<vmem>>) dst(%dma_wait3A_118 : memref<10240x16xf32, #tpu.memory_space<vmem_shared>>)
    %dma_wait3A_119 = arith.constant 0 : i32
    %dma_wait3A_120 = tpu.memref_slice %arg6[%dma_wait3A_119] : memref<10000xi32, #tpu.memory_space<vmem>> -> memref<80xi32, #tpu.memory_space<vmem>>
    %dma_wait3A_121 = arith.constant 0 : i32
    %dma_wait3A_122 = arith.constant 0 : i32
    %dma_wait3A_123 = tpu.memref_slice %arg20[%dma_wait3A_121, %dma_wait3A_122] : memref<10240x16xf32, #tpu.memory_space<vmem_shared>> -> memref<10240x16xf32, #tpu.memory_space<vmem_shared>>
    tpu.wait_indirect_dma semaphore(%arg43 : memref<!tpu.dma_semaphore, #tpu.memory_space<semaphore_mem>>) src(%arg17 : memref<80x16xf32, #tpu.memory_space<vmem>>) dst(%dma_wait3A_123 : memref<10240x16xf32, #tpu.memory_space<vmem_shared>>)
    %dma_wait3A_124 = arith.constant 0 : i32
    %dma_wait3A_125 = tpu.memref_slice %arg6[%dma_wait3A_124] : memref<10000xi32, #tpu.memory_space<vmem>> -> memref<80xi32, #tpu.memory_space<vmem>>
    %dma_wait3A_126 = arith.constant 0 : i32
    %dma_wait3A_127 = arith.constant 0 : i32
    %dma_wait3A_128 = tpu.memref_slice %arg20[%dma_wait3A_126, %dma_wait3A_127] : memref<10240x16xf32, #tpu.memory_space<vmem_shared>> -> memref<10240x16xf32, #tpu.memory_space<vmem_shared>>
    tpu.wait_indirect_dma semaphore(%arg44 : memref<!tpu.dma_semaphore, #tpu.memory_space<semaphore_mem>>) src(%arg18 : memref<80x16xf32, #tpu.memory_space<vmem>>) dst(%dma_wait3A_128 : memref<10240x16xf32, #tpu.memory_space<vmem_shared>>)
    %dma_wait3A_129 = arith.constant 0 : i32
    %dma_wait3A_130 = tpu.memref_slice %arg6[%dma_wait3A_129] : memref<10000xi32, #tpu.memory_space<vmem>> -> memref<80xi32, #tpu.memory_space<vmem>>
    %dma_wait3A_131 = arith.constant 0 : i32
    %dma_wait3A_132 = arith.constant 0 : i32
    %dma_wait3A_133 = tpu.memref_slice %arg20[%dma_wait3A_131, %dma_wait3A_132] : memref<10240x16xf32, #tpu.memory_space<vmem_shared>> -> memref<10240x16xf32, #tpu.memory_space<vmem_shared>>
    tpu.wait_indirect_dma semaphore(%arg33 : memref<!tpu.dma_semaphore, #tpu.memory_space<semaphore_mem>>) src(%arg7 : memref<80x16xf32, #tpu.memory_space<vmem>>) dst(%dma_wait3A_133 : memref<10240x16xf32, #tpu.memory_space<vmem_shared>>)
    %dma_wait3A_134 = arith.constant 0 : i32
    %dma_wait3A_135 = tpu.memref_slice %arg6[%dma_wait3A_134] : memref<10000xi32, #tpu.memory_space<vmem>> -> memref<80xi32, #tpu.memory_space<vmem>>
    %dma_wait3A_136 = arith.constant 0 : i32
    %dma_wait3A_137 = arith.constant 0 : i32
    %dma_wait3A_138 = tpu.memref_slice %arg20[%dma_wait3A_136, %dma_wait3A_137] : memref<10240x16xf32, #tpu.memory_space<vmem_shared>> -> memref<10240x16xf32, #tpu.memory_space<vmem_shared>>
    tpu.wait_indirect_dma semaphore(%arg34 : memref<!tpu.dma_semaphore, #tpu.memory_space<semaphore_mem>>) src(%arg8 : memref<80x16xf32, #tpu.memory_space<vmem>>) dst(%dma_wait3A_138 : memref<10240x16xf32, #tpu.memory_space<vmem_shared>>)
    %dma_wait3A_139 = arith.constant 0 : i32
    %dma_wait3A_140 = tpu.memref_slice %arg6[%dma_wait3A_139] : memref<10000xi32, #tpu.memory_space<vmem>> -> memref<80xi32, #tpu.memory_space<vmem>>
    %dma_wait3A_141 = arith.constant 0 : i32
    %dma_wait3A_142 = arith.constant 0 : i32
    %dma_wait3A_143 = tpu.memref_slice %arg20[%dma_wait3A_141, %dma_wait3A_142] : memref<10240x16xf32, #tpu.memory_space<vmem_shared>> -> memref<10240x16xf32, #tpu.memory_space<vmem_shared>>
    tpu.wait_indirect_dma semaphore(%arg35 : memref<!tpu.dma_semaphore, #tpu.memory_space<semaphore_mem>>) src(%arg9 : memref<80x16xf32, #tpu.memory_space<vmem>>) dst(%dma_wait3A_143 : memref<10240x16xf32, #tpu.memory_space<vmem_shared>>)
    %dma_wait3A_144 = arith.constant 0 : i32
    %dma_wait3A_145 = tpu.memref_slice %arg6[%dma_wait3A_144] : memref<10000xi32, #tpu.memory_space<vmem>> -> memref<80xi32, #tpu.memory_space<vmem>>
    %dma_wait3A_146 = arith.constant 0 : i32
    %dma_wait3A_147 = arith.constant 0 : i32
    %dma_wait3A_148 = tpu.memref_slice %arg20[%dma_wait3A_146, %dma_wait3A_147] : memref<10240x16xf32, #tpu.memory_space<vmem_shared>> -> memref<10240x16xf32, #tpu.memory_space<vmem_shared>>
    tpu.wait_indirect_dma semaphore(%arg36 : memref<!tpu.dma_semaphore, #tpu.memory_space<semaphore_mem>>) src(%arg10 : memref<80x16xf32, #tpu.memory_space<vmem>>) dst(%dma_wait3A_148 : memref<10240x16xf32, #tpu.memory_space<vmem_shared>>)
    %dma_wait3A_149 = arith.constant 0 : i32
    %dma_wait3A_150 = tpu.memref_slice %arg6[%dma_wait3A_149] : memref<10000xi32, #tpu.memory_space<vmem>> -> memref<80xi32, #tpu.memory_space<vmem>>
    %dma_wait3A_151 = arith.constant 0 : i32
    %dma_wait3A_152 = arith.constant 0 : i32
    %dma_wait3A_153 = tpu.memref_slice %arg20[%dma_wait3A_151, %dma_wait3A_152] : memref<10240x16xf32, #tpu.memory_space<vmem_shared>> -> memref<10240x16xf32, #tpu.memory_space<vmem_shared>>
    tpu.wait_indirect_dma semaphore(%arg37 : memref<!tpu.dma_semaphore, #tpu.memory_space<semaphore_mem>>) src(%arg11 : memref<80x16xf32, #tpu.memory_space<vmem>>) dst(%dma_wait3A_153 : memref<10240x16xf32, #tpu.memory_space<vmem_shared>>)
    %barrier3A_154 = arith.constant 0 : index
    tpu.barrier barrier_id(%barrier3A_154)
    %mul3A_155 = arith.constant 640 : i32
    %mul3A_156 = arith.muli %arg1, %mul3A_155 : i32
    %mul3A_157 = arith.constant 640 : i32
    %mul3A_158 = arith.muli %arg1, %mul3A_157 : i32
    "tpu.region"() ({
      %run_scoped3A_159 = tpu.sem_alloc : memref<!tpu.dma_semaphore, #tpu.memory_space<semaphore_mem>>
      %dma_start3A_160 = arith.constant 0 : i32
      %dma_start3A_161 = tpu.memref_slice %arg4[%arg0, %mul3A_158, %dma_start3A_160] : memref<2x10240x16xf32, #tpu.memory_space<hbm>> -> memref<1x640x16xf32, #tpu.memory_space<hbm>>
      %dma_start3A_162 = tpu.memref_squeeze %dma_start3A_161 : memref<1x640x16xf32, #tpu.memory_space<hbm>> -> memref<640x16xf32, #tpu.memory_space<hbm>>
      %dma_start3A_163 = arith.constant 0 : i32
      %dma_start3A_164 = tpu.memref_slice %arg20[%mul3A_156, %dma_start3A_163] : memref<10240x16xf32, #tpu.memory_space<vmem_shared>> -> memref<640x16xf32, #tpu.memory_space<vmem_shared>>
      tpu.enqueue_dma source(%dma_start3A_164 : memref<640x16xf32, #tpu.memory_space<vmem_shared>>) target(%dma_start3A_162 : memref<640x16xf32, #tpu.memory_space<hbm>>) target_semaphore(%run_scoped3A_159 : memref<!tpu.dma_semaphore, #tpu.memory_space<semaphore_mem>>)
      %dma_wait3A_165 = arith.constant 0 : i32
      %dma_wait3A_166 = tpu.memref_slice %arg4[%arg0, %mul3A_158, %dma_wait3A_165] : memref<2x10240x16xf32, #tpu.memory_space<hbm>> -> memref<1x640x16xf32, #tpu.memory_space<hbm>>
      %dma_wait3A_167 = tpu.memref_squeeze %dma_wait3A_166 : memref<1x640x16xf32, #tpu.memory_space<hbm>> -> memref<640x16xf32, #tpu.memory_space<hbm>>
      %dma_wait3A_168 = arith.constant 0 : i32
      %dma_wait3A_169 = tpu.memref_slice %arg20[%mul3A_156, %dma_wait3A_168] : memref<10240x16xf32, #tpu.memory_space<vmem_shared>> -> memref<640x16xf32, #tpu.memory_space<vmem_shared>>
      tpu.wait_dma2 semaphore(%run_scoped3A_159 : memref<!tpu.dma_semaphore, #tpu.memory_space<semaphore_mem>>) src(%dma_wait3A_169 : memref<640x16xf32, #tpu.memory_space<vmem_shared>>) dst(%dma_wait3A_167 : memref<640x16xf32, #tpu.memory_space<hbm>>)
      tpu.yield
    }) : () -> ()
    return
  }
}

#map = affine_map<(d0, d1) -> (0, 0)>
module attributes {stable_mosaic.version = 14 : i64} {
  func.func @deg_kernel(%arg0: i32, %arg1: i32, %arg2: memref<2x320000xi32, #tpu.memory_space<hbm>>, %arg3: memref<2x10240xf32, #tpu.memory_space<hbm>>, %arg4: memref<10000xi32, #tpu.memory_space<vmem>>, %arg5: memref<80xf32, #tpu.memory_space<vmem>>, %arg6: memref<640xf32, #tpu.memory_space<vmem>>, %arg7: memref<10240xf32, #tpu.memory_space<vmem_shared>>, %arg8: memref<!tpu.dma_semaphore, #tpu.memory_space<semaphore_mem>>, %arg9: memref<!tpu.dma_semaphore, #tpu.memory_space<semaphore_mem>>, %arg10: memref<!tpu.dma_semaphore, #tpu.memory_space<semaphore_mem>>, %arg11: memref<!tpu.dma_semaphore, #tpu.memory_space<semaphore_mem>>, %arg12: memref<!tpu.dma_semaphore, #tpu.memory_space<semaphore_mem>>, %arg13: memref<!tpu.dma_semaphore, #tpu.memory_space<semaphore_mem>>, %arg14: memref<!tpu.dma_semaphore, #tpu.memory_space<semaphore_mem>>, %arg15: memref<!tpu.dma_semaphore, #tpu.memory_space<semaphore_mem>>, %arg16: memref<!tpu.dma_semaphore, #tpu.memory_space<semaphore_mem>>, %arg17: memref<!tpu.dma_semaphore, #tpu.memory_space<semaphore_mem>>, %arg18: memref<!tpu.dma_semaphore, #tpu.memory_space<semaphore_mem>>, %arg19: memref<!tpu.dma_semaphore, #tpu.memory_space<semaphore_mem>>) attributes {dimension_semantics = [#tpu.dimension_semantics<core_parallel>, #tpu.dimension_semantics<subcore_parallel>], iteration_bounds = array<i64: 2, 16>, scalar_prefetch = 0 : i64, scratch_operands = 16 : i64, tpu.core_type = #tpu.core_type<sc_vector_subcore>, window_params = [{transform_indices = #map}, {transform_indices = #map}]} {
    %mul3A = arith.constant 16 : i32
    %mul3A_0 = arith.muli %arg0, %mul3A : i32
    %add3A = arith.addi %mul3A_0, %arg1 : i32
    %scan3A = arith.constant 0 : i32
    %scan3A_1 = arith.constant 0 : i32
    %scan3A_2 = arith.constant 40 : i32
    %scan3A_3 = arith.addi %scan3A_1, %scan3A_2 : i32
    %scan3A_4 = arith.constant 1 : i32
    %scan3A_5 = scf.for %scan3A_109 = %scan3A_1 to %scan3A_3 step %scan3A_4 iter_args(%scan3A_110 = %scan3A) -> (i32)  : i32 {
      %broadcast_in_dim3A = arith.constant 0.000000e+00 : f32
      %broadcast_in_dim3A_111 = vector.broadcast %broadcast_in_dim3A : f32 to vector<16xf32>
      %mul3A_112 = arith.constant 16 : i32
      %mul3A_113 = arith.muli %scan3A_109, %mul3A_112 : i32
      %swap3A = arith.index_cast %mul3A_113 : i32 to index
      %swap3A_114 = tpu.vector_load %arg6[%swap3A] {strides = array<i32>} : memref<640xf32, #tpu.memory_space<vmem>>, vector<16xf32>,
      %swap3A_115 = vector.shape_cast %swap3A_114 : vector<16xf32> to vector<16xf32>
      %swap3A_116 = vector.shape_cast %broadcast_in_dim3A_111 : vector<16xf32> to vector<16xf32>
      tpu.vector_store %arg6[%swap3A], %swap3A_116 {strides = array<i32>} : memref<640xf32, #tpu.memory_space<vmem>>, vector<16xf32>,
      %broadcast_in_dim3A_117 = arith.constant 1.000000e+00 : f32
      %broadcast_in_dim3A_118 = vector.broadcast %broadcast_in_dim3A_117 : f32 to vector<16xf32>
      %rem3A = arith.constant 5 : i32
      %rem3A_119 = arith.remsi %scan3A_109, %rem3A : i32
      %mul3A_120 = arith.constant 16 : i32
      %mul3A_121 = arith.muli %rem3A_119, %mul3A_120 : i32
      %swap3A_122 = arith.index_cast %mul3A_121 : i32 to index
      %swap3A_123 = tpu.vector_load %arg5[%swap3A_122] {strides = array<i32>} : memref<80xf32, #tpu.memory_space<vmem>>, vector<16xf32>,
      %swap3A_124 = vector.shape_cast %swap3A_123 : vector<16xf32> to vector<16xf32>
      %swap3A_125 = vector.shape_cast %broadcast_in_dim3A_118 : vector<16xf32> to vector<16xf32>
      tpu.vector_store %arg5[%swap3A_122], %swap3A_125 {strides = array<i32>} : memref<80xf32, #tpu.memory_space<vmem>>, vector<16xf32>,
      %scan3A_126 = arith.constant 0 : i32
      scf.yield %scan3A_126 : i32
    }
    %scan3A_6 = arith.constant 40 : i32
    %mul3A_7 = arith.constant 640 : i32
    %mul3A_8 = arith.muli %arg1, %mul3A_7 : i32
    "tpu.region"() ({
      %run_scoped3A_109 = tpu.sem_alloc : memref<!tpu.dma_semaphore, #tpu.memory_space<semaphore_mem>>
      %dma_start3A_110 = tpu.memref_slice %arg7[%mul3A_8] : memref<10240xf32, #tpu.memory_space<vmem_shared>> -> memref<640xf32, #tpu.memory_space<vmem_shared>>
      %dma_start3A_111 = tpu.memref_slice %arg7[%mul3A_8] : memref<10240xf32, #tpu.memory_space<vmem_shared>> -> memref<640xf32, #tpu.memory_space<vmem_shared>>
      tpu.enqueue_dma source(%arg6 : memref<640xf32, #tpu.memory_space<vmem>>) target(%dma_start3A_111 : memref<640xf32, #tpu.memory_space<vmem_shared>>) target_semaphore(%run_scoped3A_109 : memref<!tpu.dma_semaphore, #tpu.memory_space<semaphore_mem>>)
      %dma_wait3A_112 = tpu.memref_slice %arg7[%mul3A_8] : memref<10240xf32, #tpu.memory_space<vmem_shared>> -> memref<640xf32, #tpu.memory_space<vmem_shared>>
      %dma_wait3A_113 = tpu.memref_slice %arg7[%mul3A_8] : memref<10240xf32, #tpu.memory_space<vmem_shared>> -> memref<640xf32, #tpu.memory_space<vmem_shared>>
      tpu.wait_dma2 semaphore(%run_scoped3A_109 : memref<!tpu.dma_semaphore, #tpu.memory_space<semaphore_mem>>) src(%arg6 : memref<640xf32, #tpu.memory_space<vmem>>) dst(%dma_wait3A_113 : memref<640xf32, #tpu.memory_space<vmem_shared>>)
      tpu.yield
    }) : () -> ()
    %mul3A_9 = arith.constant 10000 : i32
    %mul3A_10 = arith.muli %add3A, %mul3A_9 : i32
    %run_scoped3A = arith.constant 1 : i32
    "tpu.region"() ({
      %run_scoped3A_109 = tpu.sem_alloc : memref<!tpu.dma_semaphore, #tpu.memory_space<semaphore_mem>>
      %dma_start3A_110 = tpu.memref_slice %arg2[%run_scoped3A, %mul3A_10] : memref<2x320000xi32, #tpu.memory_space<hbm>> -> memref<1x10000xi32, #tpu.memory_space<hbm>>
      %dma_start3A_111 = tpu.memref_squeeze %dma_start3A_110 : memref<1x10000xi32, #tpu.memory_space<hbm>> -> memref<10000xi32, #tpu.memory_space<hbm>>
      %dma_start3A_112 = tpu.memref_slice %arg2[%run_scoped3A, %mul3A_10] : memref<2x320000xi32, #tpu.memory_space<hbm>> -> memref<1x10000xi32, #tpu.memory_space<hbm>>
      %dma_start3A_113 = tpu.memref_squeeze %dma_start3A_112 : memref<1x10000xi32, #tpu.memory_space<hbm>> -> memref<10000xi32, #tpu.memory_space<hbm>>
      tpu.enqueue_dma source(%dma_start3A_113 : memref<10000xi32, #tpu.memory_space<hbm>>) target(%arg4 : memref<10000xi32, #tpu.memory_space<vmem>>) target_semaphore(%run_scoped3A_109 : memref<!tpu.dma_semaphore, #tpu.memory_space<semaphore_mem>>)
      %dma_wait3A_114 = tpu.memref_slice %arg2[%run_scoped3A, %mul3A_10] : memref<2x320000xi32, #tpu.memory_space<hbm>> -> memref<1x10000xi32, #tpu.memory_space<hbm>>
      %dma_wait3A_115 = tpu.memref_squeeze %dma_wait3A_114 : memref<1x10000xi32, #tpu.memory_space<hbm>> -> memref<10000xi32, #tpu.memory_space<hbm>>
      %dma_wait3A_116 = tpu.memref_slice %arg2[%run_scoped3A, %mul3A_10] : memref<2x320000xi32, #tpu.memory_space<hbm>> -> memref<1x10000xi32, #tpu.memory_space<hbm>>
      %dma_wait3A_117 = tpu.memref_squeeze %dma_wait3A_116 : memref<1x10000xi32, #tpu.memory_space<hbm>> -> memref<10000xi32, #tpu.memory_space<hbm>>
      tpu.wait_dma2 semaphore(%run_scoped3A_109 : memref<!tpu.dma_semaphore, #tpu.memory_space<semaphore_mem>>) src(%dma_wait3A_117 : memref<10000xi32, #tpu.memory_space<hbm>>) dst(%arg4 : memref<10000xi32, #tpu.memory_space<vmem>>)
      tpu.yield
    }) : () -> ()
    %barrier3A = arith.constant 0 : index
    tpu.barrier barrier_id(%barrier3A)
    %scan3A_11 = arith.constant 0 : i32
    %scan3A_12 = arith.constant 0 : i32
    %scan3A_13 = arith.constant 10 : i32
    %scan3A_14 = arith.addi %scan3A_12, %scan3A_13 : i32
    %scan3A_15 = arith.constant 1 : i32
    %scan3A_16 = scf.for %scan3A_109 = %scan3A_12 to %scan3A_14 step %scan3A_15 iter_args(%scan3A_110 = %scan3A_11) -> (i32)  : i32 {
      %gt3A = arith.constant 0 : i32
      %gt3A_111 = arith.cmpi sgt, %scan3A_109, %gt3A : i32
      %convert_element_type3A = arith.extui %gt3A_111 : i1 to i32
      %cond3A = arith.constant 0 : i32
      %cond3A_112 = arith.cmpi ne, %convert_element_type3A, %cond3A : i32
      scf.if %cond3A_112 {
        %dma_wait3A_277 = arith.constant 0 : i32
        %dma_wait3A_278 = tpu.memref_slice %arg4[%dma_wait3A_277] : memref<10000xi32, #tpu.memory_space<vmem>> -> memref<80xi32, #tpu.memory_space<vmem>>
        %dma_wait3A_279 = arith.constant 0 : i32
        %dma_wait3A_280 = tpu.memref_slice %arg7[%dma_wait3A_279] : memref<10240xf32, #tpu.memory_space<vmem_shared>> -> memref<10240xf32, #tpu.memory_space<vmem_shared>>
        tpu.wait_indirect_dma semaphore(%arg8 : memref<!tpu.dma_semaphore, #tpu.memory_space<semaphore_mem>>) src(%arg5 : memref<80xf32, #tpu.memory_space<vmem>>) dst(%dma_wait3A_280 : memref<10240xf32, #tpu.memory_space<vmem_shared>>)
      } else {
      }
      %mul3A_113 = arith.constant 12 : i32
      %mul3A_114 = arith.muli %scan3A_109, %mul3A_113 : i32
      %add3A_115 = arith.constant 0 : i32
      %add3A_116 = arith.addi %mul3A_114, %add3A_115 : i32
      %mul3A_117 = arith.constant 80 : i32
      %mul3A_118 = arith.muli %add3A_116, %mul3A_117 : i32
      %dma_start3A_119 = tpu.memref_slice %arg4[%mul3A_118] : memref<10000xi32, #tpu.memory_space<vmem>> -> memref<80xi32, #tpu.memory_space<vmem>>
      %dma_start3A_120 = arith.constant 0 : i32
      %dma_start3A_121 = tpu.memref_slice %arg7[%dma_start3A_120] : memref<10240xf32, #tpu.memory_space<vmem_shared>> -> memref<10240xf32, #tpu.memory_space<vmem_shared>>
      tpu.enqueue_indirect_dma source(%arg5 : memref<80xf32, #tpu.memory_space<vmem>>) target(%dma_start3A_121 : memref<10240xf32, #tpu.memory_space<vmem_shared>>) offsets(%dma_start3A_119 : memref<80xi32, #tpu.memory_space<vmem>>) semaphore(%arg8 : memref<!tpu.dma_semaphore, #tpu.memory_space<semaphore_mem>>) {add = true}
      %gt3A_122 = arith.constant 0 : i32
      %gt3A_123 = arith.cmpi sgt, %scan3A_109, %gt3A_122 : i32
      %convert_element_type3A_124 = arith.extui %gt3A_123 : i1 to i32
      %cond3A_125 = arith.constant 0 : i32
      %cond3A_126 = arith.cmpi ne, %convert_element_type3A_124, %cond3A_125 : i32
      scf.if %cond3A_126 {
        %dma_wait3A_277 = arith.constant 0 : i32
        %dma_wait3A_278 = tpu.memref_slice %arg4[%dma_wait3A_277] : memref<10000xi32, #tpu.memory_space<vmem>> -> memref<80xi32, #tpu.memory_space<vmem>>
        %dma_wait3A_279 = arith.constant 0 : i32
        %dma_wait3A_280 = tpu.memref_slice %arg7[%dma_wait3A_279] : memref<10240xf32, #tpu.memory_space<vmem_shared>> -> memref<10240xf32, #tpu.memory_space<vmem_shared>>
        tpu.wait_indirect_dma semaphore(%arg9 : memref<!tpu.dma_semaphore, #tpu.memory_space<semaphore_mem>>) src(%arg5 : memref<80xf32, #tpu.memory_space<vmem>>) dst(%dma_wait3A_280 : memref<10240xf32, #tpu.memory_space<vmem_shared>>)
      } else {
      }
      %mul3A_127 = arith.constant 12 : i32
      %mul3A_128 = arith.muli %scan3A_109, %mul3A_127 : i32
      %add3A_129 = arith.constant 1 : i32
      %add3A_130 = arith.addi %mul3A_128, %add3A_129 : i32
      %mul3A_131 = arith.constant 80 : i32
      %mul3A_132 = arith.muli %add3A_130, %mul3A_131 : i32
      %dma_start3A_133 = tpu.memref_slice %arg4[%mul3A_132] : memref<10000xi32, #tpu.memory_space<vmem>> -> memref<80xi32, #tpu.memory_space<vmem>>
      %dma_start3A_134 = arith.constant 0 : i32
      %dma_start3A_135 = tpu.memref_slice %arg7[%dma_start3A_134] : memref<10240xf32, #tpu.memory_space<vmem_shared>> -> memref<10240xf32, #tpu.memory_space<vmem_shared>>
      tpu.enqueue_indirect_dma source(%arg5 : memref<80xf32, #tpu.memory_space<vmem>>) target(%dma_start3A_135 : memref<10240xf32, #tpu.memory_space<vmem_shared>>) offsets(%dma_start3A_133 : memref<80xi32, #tpu.memory_space<vmem>>) semaphore(%arg9 : memref<!tpu.dma_semaphore, #tpu.memory_space<semaphore_mem>>) {add = true}
      %gt3A_136 = arith.constant 0 : i32
      %gt3A_137 = arith.cmpi sgt, %scan3A_109, %gt3A_136 : i32
      %convert_element_type3A_138 = arith.extui %gt3A_137 : i1 to i32
      %cond3A_139 = arith.constant 0 : i32
      %cond3A_140 = arith.cmpi ne, %convert_element_type3A_138, %cond3A_139 : i32
      scf.if %cond3A_140 {
        %dma_wait3A_277 = arith.constant 0 : i32
        %dma_wait3A_278 = tpu.memref_slice %arg4[%dma_wait3A_277] : memref<10000xi32, #tpu.memory_space<vmem>> -> memref<80xi32, #tpu.memory_space<vmem>>
        %dma_wait3A_279 = arith.constant 0 : i32
        %dma_wait3A_280 = tpu.memref_slice %arg7[%dma_wait3A_279] : memref<10240xf32, #tpu.memory_space<vmem_shared>> -> memref<10240xf32, #tpu.memory_space<vmem_shared>>
        tpu.wait_indirect_dma semaphore(%arg10 : memref<!tpu.dma_semaphore, #tpu.memory_space<semaphore_mem>>) src(%arg5 : memref<80xf32, #tpu.memory_space<vmem>>) dst(%dma_wait3A_280 : memref<10240xf32, #tpu.memory_space<vmem_shared>>)
      } else {
      }
      %mul3A_141 = arith.constant 12 : i32
      %mul3A_142 = arith.muli %scan3A_109, %mul3A_141 : i32
      %add3A_143 = arith.constant 2 : i32
      %add3A_144 = arith.addi %mul3A_142, %add3A_143 : i32
      %mul3A_145 = arith.constant 80 : i32
      %mul3A_146 = arith.muli %add3A_144, %mul3A_145 : i32
      %dma_start3A_147 = tpu.memref_slice %arg4[%mul3A_146] : memref<10000xi32, #tpu.memory_space<vmem>> -> memref<80xi32, #tpu.memory_space<vmem>>
      %dma_start3A_148 = arith.constant 0 : i32
      %dma_start3A_149 = tpu.memref_slice %arg7[%dma_start3A_148] : memref<10240xf32, #tpu.memory_space<vmem_shared>> -> memref<10240xf32, #tpu.memory_space<vmem_shared>>
      tpu.enqueue_indirect_dma source(%arg5 : memref<80xf32, #tpu.memory_space<vmem>>) target(%dma_start3A_149 : memref<10240xf32, #tpu.memory_space<vmem_shared>>) offsets(%dma_start3A_147 : memref<80xi32, #tpu.memory_space<vmem>>) semaphore(%arg10 : memref<!tpu.dma_semaphore, #tpu.memory_space<semaphore_mem>>) {add = true}
      %gt3A_150 = arith.constant 0 : i32
      %gt3A_151 = arith.cmpi sgt, %scan3A_109, %gt3A_150 : i32
      %convert_element_type3A_152 = arith.extui %gt3A_151 : i1 to i32
      %cond3A_153 = arith.constant 0 : i32
      %cond3A_154 = arith.cmpi ne, %convert_element_type3A_152, %cond3A_153 : i32
      scf.if %cond3A_154 {
        %dma_wait3A_277 = arith.constant 0 : i32
        %dma_wait3A_278 = tpu.memref_slice %arg4[%dma_wait3A_277] : memref<10000xi32, #tpu.memory_space<vmem>> -> memref<80xi32, #tpu.memory_space<vmem>>
        %dma_wait3A_279 = arith.constant 0 : i32
        %dma_wait3A_280 = tpu.memref_slice %arg7[%dma_wait3A_279] : memref<10240xf32, #tpu.memory_space<vmem_shared>> -> memref<10240xf32, #tpu.memory_space<vmem_shared>>
        tpu.wait_indirect_dma semaphore(%arg11 : memref<!tpu.dma_semaphore, #tpu.memory_space<semaphore_mem>>) src(%arg5 : memref<80xf32, #tpu.memory_space<vmem>>) dst(%dma_wait3A_280 : memref<10240xf32, #tpu.memory_space<vmem_shared>>)
      } else {
      }
      %mul3A_155 = arith.constant 12 : i32
      %mul3A_156 = arith.muli %scan3A_109, %mul3A_155 : i32
      %add3A_157 = arith.constant 3 : i32
      %add3A_158 = arith.addi %mul3A_156, %add3A_157 : i32
      %mul3A_159 = arith.constant 80 : i32
      %mul3A_160 = arith.muli %add3A_158, %mul3A_159 : i32
      %dma_start3A_161 = tpu.memref_slice %arg4[%mul3A_160] : memref<10000xi32, #tpu.memory_space<vmem>> -> memref<80xi32, #tpu.memory_space<vmem>>
      %dma_start3A_162 = arith.constant 0 : i32
      %dma_start3A_163 = tpu.memref_slice %arg7[%dma_start3A_162] : memref<10240xf32, #tpu.memory_space<vmem_shared>> -> memref<10240xf32, #tpu.memory_space<vmem_shared>>
      tpu.enqueue_indirect_dma source(%arg5 : memref<80xf32, #tpu.memory_space<vmem>>) target(%dma_start3A_163 : memref<10240xf32, #tpu.memory_space<vmem_shared>>) offsets(%dma_start3A_161 : memref<80xi32, #tpu.memory_space<vmem>>) semaphore(%arg11 : memref<!tpu.dma_semaphore, #tpu.memory_space<semaphore_mem>>) {add = true}
      %gt3A_164 = arith.constant 0 : i32
      %gt3A_165 = arith.cmpi sgt, %scan3A_109, %gt3A_164 : i32
      %convert_element_type3A_166 = arith.extui %gt3A_165 : i1 to i32
      %cond3A_167 = arith.constant 0 : i32
      %cond3A_168 = arith.cmpi ne, %convert_element_type3A_166, %cond3A_167 : i32
      scf.if %cond3A_168 {
        %dma_wait3A_277 = arith.constant 0 : i32
        %dma_wait3A_278 = tpu.memref_slice %arg4[%dma_wait3A_277] : memref<10000xi32, #tpu.memory_space<vmem>> -> memref<80xi32, #tpu.memory_space<vmem>>
        %dma_wait3A_279 = arith.constant 0 : i32
        %dma_wait3A_280 = tpu.memref_slice %arg7[%dma_wait3A_279] : memref<10240xf32, #tpu.memory_space<vmem_shared>> -> memref<10240xf32, #tpu.memory_space<vmem_shared>>
        tpu.wait_indirect_dma semaphore(%arg12 : memref<!tpu.dma_semaphore, #tpu.memory_space<semaphore_mem>>) src(%arg5 : memref<80xf32, #tpu.memory_space<vmem>>) dst(%dma_wait3A_280 : memref<10240xf32, #tpu.memory_space<vmem_shared>>)
      } else {
      }
      %mul3A_169 = arith.constant 12 : i32
      %mul3A_170 = arith.muli %scan3A_109, %mul3A_169 : i32
      %add3A_171 = arith.constant 4 : i32
      %add3A_172 = arith.addi %mul3A_170, %add3A_171 : i32
      %mul3A_173 = arith.constant 80 : i32
      %mul3A_174 = arith.muli %add3A_172, %mul3A_173 : i32
      %dma_start3A_175 = tpu.memref_slice %arg4[%mul3A_174] : memref<10000xi32, #tpu.memory_space<vmem>> -> memref<80xi32, #tpu.memory_space<vmem>>
      %dma_start3A_176 = arith.constant 0 : i32
      %dma_start3A_177 = tpu.memref_slice %arg7[%dma_start3A_176] : memref<10240xf32, #tpu.memory_space<vmem_shared>> -> memref<10240xf32, #tpu.memory_space<vmem_shared>>
      tpu.enqueue_indirect_dma source(%arg5 : memref<80xf32, #tpu.memory_space<vmem>>) target(%dma_start3A_177 : memref<10240xf32, #tpu.memory_space<vmem_shared>>) offsets(%dma_start3A_175 : memref<80xi32, #tpu.memory_space<vmem>>) semaphore(%arg12 : memref<!tpu.dma_semaphore, #tpu.memory_space<semaphore_mem>>) {add = true}
      %gt3A_178 = arith.constant 0 : i32
      %gt3A_179 = arith.cmpi sgt, %scan3A_109, %gt3A_178 : i32
      %convert_element_type3A_180 = arith.extui %gt3A_179 : i1 to i32
      %cond3A_181 = arith.constant 0 : i32
      %cond3A_182 = arith.cmpi ne, %convert_element_type3A_180, %cond3A_181 : i32
      scf.if %cond3A_182 {
        %dma_wait3A_277 = arith.constant 0 : i32
        %dma_wait3A_278 = tpu.memref_slice %arg4[%dma_wait3A_277] : memref<10000xi32, #tpu.memory_space<vmem>> -> memref<80xi32, #tpu.memory_space<vmem>>
        %dma_wait3A_279 = arith.constant 0 : i32
        %dma_wait3A_280 = tpu.memref_slice %arg7[%dma_wait3A_279] : memref<10240xf32, #tpu.memory_space<vmem_shared>> -> memref<10240xf32, #tpu.memory_space<vmem_shared>>
        tpu.wait_indirect_dma semaphore(%arg13 : memref<!tpu.dma_semaphore, #tpu.memory_space<semaphore_mem>>) src(%arg5 : memref<80xf32, #tpu.memory_space<vmem>>) dst(%dma_wait3A_280 : memref<10240xf32, #tpu.memory_space<vmem_shared>>)
      } else {
      }
      %mul3A_183 = arith.constant 12 : i32
      %mul3A_184 = arith.muli %scan3A_109, %mul3A_183 : i32
      %add3A_185 = arith.constant 5 : i32
      %add3A_186 = arith.addi %mul3A_184, %add3A_185 : i32
      %mul3A_187 = arith.constant 80 : i32
      %mul3A_188 = arith.muli %add3A_186, %mul3A_187 : i32
      %dma_start3A_189 = tpu.memref_slice %arg4[%mul3A_188] : memref<10000xi32, #tpu.memory_space<vmem>> -> memref<80xi32, #tpu.memory_space<vmem>>
      %dma_start3A_190 = arith.constant 0 : i32
      %dma_start3A_191 = tpu.memref_slice %arg7[%dma_start3A_190] : memref<10240xf32, #tpu.memory_space<vmem_shared>> -> memref<10240xf32, #tpu.memory_space<vmem_shared>>
      tpu.enqueue_indirect_dma source(%arg5 : memref<80xf32, #tpu.memory_space<vmem>>) target(%dma_start3A_191 : memref<10240xf32, #tpu.memory_space<vmem_shared>>) offsets(%dma_start3A_189 : memref<80xi32, #tpu.memory_space<vmem>>) semaphore(%arg13 : memref<!tpu.dma_semaphore, #tpu.memory_space<semaphore_mem>>) {add = true}
      %gt3A_192 = arith.constant 0 : i32
      %gt3A_193 = arith.cmpi sgt, %scan3A_109, %gt3A_192 : i32
      %convert_element_type3A_194 = arith.extui %gt3A_193 : i1 to i32
      %cond3A_195 = arith.constant 0 : i32
      %cond3A_196 = arith.cmpi ne, %convert_element_type3A_194, %cond3A_195 : i32
      scf.if %cond3A_196 {
        %dma_wait3A_277 = arith.constant 0 : i32
        %dma_wait3A_278 = tpu.memref_slice %arg4[%dma_wait3A_277] : memref<10000xi32, #tpu.memory_space<vmem>> -> memref<80xi32, #tpu.memory_space<vmem>>
        %dma_wait3A_279 = arith.constant 0 : i32
        %dma_wait3A_280 = tpu.memref_slice %arg7[%dma_wait3A_279] : memref<10240xf32, #tpu.memory_space<vmem_shared>> -> memref<10240xf32, #tpu.memory_space<vmem_shared>>
        tpu.wait_indirect_dma semaphore(%arg14 : memref<!tpu.dma_semaphore, #tpu.memory_space<semaphore_mem>>) src(%arg5 : memref<80xf32, #tpu.memory_space<vmem>>) dst(%dma_wait3A_280 : memref<10240xf32, #tpu.memory_space<vmem_shared>>)
      } else {
      }
      %mul3A_197 = arith.constant 12 : i32
      %mul3A_198 = arith.muli %scan3A_109, %mul3A_197 : i32
      %add3A_199 = arith.constant 6 : i32
      %add3A_200 = arith.addi %mul3A_198, %add3A_199 : i32
      %mul3A_201 = arith.constant 80 : i32
      %mul3A_202 = arith.muli %add3A_200, %mul3A_201 : i32
      %dma_start3A_203 = tpu.memref_slice %arg4[%mul3A_202] : memref<10000xi32, #tpu.memory_space<vmem>> -> memref<80xi32, #tpu.memory_space<vmem>>
      %dma_start3A_204 = arith.constant 0 : i32
      %dma_start3A_205 = tpu.memref_slice %arg7[%dma_start3A_204] : memref<10240xf32, #tpu.memory_space<vmem_shared>> -> memref<10240xf32, #tpu.memory_space<vmem_shared>>
      tpu.enqueue_indirect_dma source(%arg5 : memref<80xf32, #tpu.memory_space<vmem>>) target(%dma_start3A_205 : memref<10240xf32, #tpu.memory_space<vmem_shared>>) offsets(%dma_start3A_203 : memref<80xi32, #tpu.memory_space<vmem>>) semaphore(%arg14 : memref<!tpu.dma_semaphore, #tpu.memory_space<semaphore_mem>>) {add = true}
      %gt3A_206 = arith.constant 0 : i32
      %gt3A_207 = arith.cmpi sgt, %scan3A_109, %gt3A_206 : i32
      %convert_element_type3A_208 = arith.extui %gt3A_207 : i1 to i32
      %cond3A_209 = arith.constant 0 : i32
      %cond3A_210 = arith.cmpi ne, %convert_element_type3A_208, %cond3A_209 : i32
      scf.if %cond3A_210 {
        %dma_wait3A_277 = arith.constant 0 : i32
        %dma_wait3A_278 = tpu.memref_slice %arg4[%dma_wait3A_277] : memref<10000xi32, #tpu.memory_space<vmem>> -> memref<80xi32, #tpu.memory_space<vmem>>
        %dma_wait3A_279 = arith.constant 0 : i32
        %dma_wait3A_280 = tpu.memref_slice %arg7[%dma_wait3A_279] : memref<10240xf32, #tpu.memory_space<vmem_shared>> -> memref<10240xf32, #tpu.memory_space<vmem_shared>>
        tpu.wait_indirect_dma semaphore(%arg15 : memref<!tpu.dma_semaphore, #tpu.memory_space<semaphore_mem>>) src(%arg5 : memref<80xf32, #tpu.memory_space<vmem>>) dst(%dma_wait3A_280 : memref<10240xf32, #tpu.memory_space<vmem_shared>>)
      } else {
      }
      %mul3A_211 = arith.constant 12 : i32
      %mul3A_212 = arith.muli %scan3A_109, %mul3A_211 : i32
      %add3A_213 = arith.constant 7 : i32
      %add3A_214 = arith.addi %mul3A_212, %add3A_213 : i32
      %mul3A_215 = arith.constant 80 : i32
      %mul3A_216 = arith.muli %add3A_214, %mul3A_215 : i32
      %dma_start3A_217 = tpu.memref_slice %arg4[%mul3A_216] : memref<10000xi32, #tpu.memory_space<vmem>> -> memref<80xi32, #tpu.memory_space<vmem>>
      %dma_start3A_218 = arith.constant 0 : i32
      %dma_start3A_219 = tpu.memref_slice %arg7[%dma_start3A_218] : memref<10240xf32, #tpu.memory_space<vmem_shared>> -> memref<10240xf32, #tpu.memory_space<vmem_shared>>
      tpu.enqueue_indirect_dma source(%arg5 : memref<80xf32, #tpu.memory_space<vmem>>) target(%dma_start3A_219 : memref<10240xf32, #tpu.memory_space<vmem_shared>>) offsets(%dma_start3A_217 : memref<80xi32, #tpu.memory_space<vmem>>) semaphore(%arg15 : memref<!tpu.dma_semaphore, #tpu.memory_space<semaphore_mem>>) {add = true}
      %gt3A_220 = arith.constant 0 : i32
      %gt3A_221 = arith.cmpi sgt, %scan3A_109, %gt3A_220 : i32
      %convert_element_type3A_222 = arith.extui %gt3A_221 : i1 to i32
      %cond3A_223 = arith.constant 0 : i32
      %cond3A_224 = arith.cmpi ne, %convert_element_type3A_222, %cond3A_223 : i32
      scf.if %cond3A_224 {
        %dma_wait3A_277 = arith.constant 0 : i32
        %dma_wait3A_278 = tpu.memref_slice %arg4[%dma_wait3A_277] : memref<10000xi32, #tpu.memory_space<vmem>> -> memref<80xi32, #tpu.memory_space<vmem>>
        %dma_wait3A_279 = arith.constant 0 : i32
        %dma_wait3A_280 = tpu.memref_slice %arg7[%dma_wait3A_279] : memref<10240xf32, #tpu.memory_space<vmem_shared>> -> memref<10240xf32, #tpu.memory_space<vmem_shared>>
        tpu.wait_indirect_dma semaphore(%arg16 : memref<!tpu.dma_semaphore, #tpu.memory_space<semaphore_mem>>) src(%arg5 : memref<80xf32, #tpu.memory_space<vmem>>) dst(%dma_wait3A_280 : memref<10240xf32, #tpu.memory_space<vmem_shared>>)
      } else {
      }
      %mul3A_225 = arith.constant 12 : i32
      %mul3A_226 = arith.muli %scan3A_109, %mul3A_225 : i32
      %add3A_227 = arith.constant 8 : i32
      %add3A_228 = arith.addi %mul3A_226, %add3A_227 : i32
      %mul3A_229 = arith.constant 80 : i32
      %mul3A_230 = arith.muli %add3A_228, %mul3A_229 : i32
      %dma_start3A_231 = tpu.memref_slice %arg4[%mul3A_230] : memref<10000xi32, #tpu.memory_space<vmem>> -> memref<80xi32, #tpu.memory_space<vmem>>
      %dma_start3A_232 = arith.constant 0 : i32
      %dma_start3A_233 = tpu.memref_slice %arg7[%dma_start3A_232] : memref<10240xf32, #tpu.memory_space<vmem_shared>> -> memref<10240xf32, #tpu.memory_space<vmem_shared>>
      tpu.enqueue_indirect_dma source(%arg5 : memref<80xf32, #tpu.memory_space<vmem>>) target(%dma_start3A_233 : memref<10240xf32, #tpu.memory_space<vmem_shared>>) offsets(%dma_start3A_231 : memref<80xi32, #tpu.memory_space<vmem>>) semaphore(%arg16 : memref<!tpu.dma_semaphore, #tpu.memory_space<semaphore_mem>>) {add = true}
      %gt3A_234 = arith.constant 0 : i32
      %gt3A_235 = arith.cmpi sgt, %scan3A_109, %gt3A_234 : i32
      %convert_element_type3A_236 = arith.extui %gt3A_235 : i1 to i32
      %cond3A_237 = arith.constant 0 : i32
      %cond3A_238 = arith.cmpi ne, %convert_element_type3A_236, %cond3A_237 : i32
      scf.if %cond3A_238 {
        %dma_wait3A_277 = arith.constant 0 : i32
        %dma_wait3A_278 = tpu.memref_slice %arg4[%dma_wait3A_277] : memref<10000xi32, #tpu.memory_space<vmem>> -> memref<80xi32, #tpu.memory_space<vmem>>
        %dma_wait3A_279 = arith.constant 0 : i32
        %dma_wait3A_280 = tpu.memref_slice %arg7[%dma_wait3A_279] : memref<10240xf32, #tpu.memory_space<vmem_shared>> -> memref<10240xf32, #tpu.memory_space<vmem_shared>>
        tpu.wait_indirect_dma semaphore(%arg17 : memref<!tpu.dma_semaphore, #tpu.memory_space<semaphore_mem>>) src(%arg5 : memref<80xf32, #tpu.memory_space<vmem>>) dst(%dma_wait3A_280 : memref<10240xf32, #tpu.memory_space<vmem_shared>>)
      } else {
      }
      %mul3A_239 = arith.constant 12 : i32
      %mul3A_240 = arith.muli %scan3A_109, %mul3A_239 : i32
      %add3A_241 = arith.constant 9 : i32
      %add3A_242 = arith.addi %mul3A_240, %add3A_241 : i32
      %mul3A_243 = arith.constant 80 : i32
      %mul3A_244 = arith.muli %add3A_242, %mul3A_243 : i32
      %dma_start3A_245 = tpu.memref_slice %arg4[%mul3A_244] : memref<10000xi32, #tpu.memory_space<vmem>> -> memref<80xi32, #tpu.memory_space<vmem>>
      %dma_start3A_246 = arith.constant 0 : i32
      %dma_start3A_247 = tpu.memref_slice %arg7[%dma_start3A_246] : memref<10240xf32, #tpu.memory_space<vmem_shared>> -> memref<10240xf32, #tpu.memory_space<vmem_shared>>
      tpu.enqueue_indirect_dma source(%arg5 : memref<80xf32, #tpu.memory_space<vmem>>) target(%dma_start3A_247 : memref<10240xf32, #tpu.memory_space<vmem_shared>>) offsets(%dma_start3A_245 : memref<80xi32, #tpu.memory_space<vmem>>) semaphore(%arg17 : memref<!tpu.dma_semaphore, #tpu.memory_space<semaphore_mem>>) {add = true}
      %gt3A_248 = arith.constant 0 : i32
      %gt3A_249 = arith.cmpi sgt, %scan3A_109, %gt3A_248 : i32
      %convert_element_type3A_250 = arith.extui %gt3A_249 : i1 to i32
      %cond3A_251 = arith.constant 0 : i32
      %cond3A_252 = arith.cmpi ne, %convert_element_type3A_250, %cond3A_251 : i32
      scf.if %cond3A_252 {
        %dma_wait3A_277 = arith.constant 0 : i32
        %dma_wait3A_278 = tpu.memref_slice %arg4[%dma_wait3A_277] : memref<10000xi32, #tpu.memory_space<vmem>> -> memref<80xi32, #tpu.memory_space<vmem>>
        %dma_wait3A_279 = arith.constant 0 : i32
        %dma_wait3A_280 = tpu.memref_slice %arg7[%dma_wait3A_279] : memref<10240xf32, #tpu.memory_space<vmem_shared>> -> memref<10240xf32, #tpu.memory_space<vmem_shared>>
        tpu.wait_indirect_dma semaphore(%arg18 : memref<!tpu.dma_semaphore, #tpu.memory_space<semaphore_mem>>) src(%arg5 : memref<80xf32, #tpu.memory_space<vmem>>) dst(%dma_wait3A_280 : memref<10240xf32, #tpu.memory_space<vmem_shared>>)
      } else {
      }
      %mul3A_253 = arith.constant 12 : i32
      %mul3A_254 = arith.muli %scan3A_109, %mul3A_253 : i32
      %add3A_255 = arith.constant 10 : i32
      %add3A_256 = arith.addi %mul3A_254, %add3A_255 : i32
      %mul3A_257 = arith.constant 80 : i32
      %mul3A_258 = arith.muli %add3A_256, %mul3A_257 : i32
      %dma_start3A_259 = tpu.memref_slice %arg4[%mul3A_258] : memref<10000xi32, #tpu.memory_space<vmem>> -> memref<80xi32, #tpu.memory_space<vmem>>
      %dma_start3A_260 = arith.constant 0 : i32
      %dma_start3A_261 = tpu.memref_slice %arg7[%dma_start3A_260] : memref<10240xf32, #tpu.memory_space<vmem_shared>> -> memref<10240xf32, #tpu.memory_space<vmem_shared>>
      tpu.enqueue_indirect_dma source(%arg5 : memref<80xf32, #tpu.memory_space<vmem>>) target(%dma_start3A_261 : memref<10240xf32, #tpu.memory_space<vmem_shared>>) offsets(%dma_start3A_259 : memref<80xi32, #tpu.memory_space<vmem>>) semaphore(%arg18 : memref<!tpu.dma_semaphore, #tpu.memory_space<semaphore_mem>>) {add = true}
      %gt3A_262 = arith.constant 0 : i32
      %gt3A_263 = arith.cmpi sgt, %scan3A_109, %gt3A_262 : i32
      %convert_element_type3A_264 = arith.extui %gt3A_263 : i1 to i32
      %cond3A_265 = arith.constant 0 : i32
      %cond3A_266 = arith.cmpi ne, %convert_element_type3A_264, %cond3A_265 : i32
      scf.if %cond3A_266 {
        %dma_wait3A_277 = arith.constant 0 : i32
        %dma_wait3A_278 = tpu.memref_slice %arg4[%dma_wait3A_277] : memref<10000xi32, #tpu.memory_space<vmem>> -> memref<80xi32, #tpu.memory_space<vmem>>
        %dma_wait3A_279 = arith.constant 0 : i32
        %dma_wait3A_280 = tpu.memref_slice %arg7[%dma_wait3A_279] : memref<10240xf32, #tpu.memory_space<vmem_shared>> -> memref<10240xf32, #tpu.memory_space<vmem_shared>>
        tpu.wait_indirect_dma semaphore(%arg19 : memref<!tpu.dma_semaphore, #tpu.memory_space<semaphore_mem>>) src(%arg5 : memref<80xf32, #tpu.memory_space<vmem>>) dst(%dma_wait3A_280 : memref<10240xf32, #tpu.memory_space<vmem_shared>>)
      } else {
      }
      %mul3A_267 = arith.constant 12 : i32
      %mul3A_268 = arith.muli %scan3A_109, %mul3A_267 : i32
      %add3A_269 = arith.constant 11 : i32
      %add3A_270 = arith.addi %mul3A_268, %add3A_269 : i32
      %mul3A_271 = arith.constant 80 : i32
      %mul3A_272 = arith.muli %add3A_270, %mul3A_271 : i32
      %dma_start3A_273 = tpu.memref_slice %arg4[%mul3A_272] : memref<10000xi32, #tpu.memory_space<vmem>> -> memref<80xi32, #tpu.memory_space<vmem>>
      %dma_start3A_274 = arith.constant 0 : i32
      %dma_start3A_275 = tpu.memref_slice %arg7[%dma_start3A_274] : memref<10240xf32, #tpu.memory_space<vmem_shared>> -> memref<10240xf32, #tpu.memory_space<vmem_shared>>
      tpu.enqueue_indirect_dma source(%arg5 : memref<80xf32, #tpu.memory_space<vmem>>) target(%dma_start3A_275 : memref<10240xf32, #tpu.memory_space<vmem_shared>>) offsets(%dma_start3A_273 : memref<80xi32, #tpu.memory_space<vmem>>) semaphore(%arg19 : memref<!tpu.dma_semaphore, #tpu.memory_space<semaphore_mem>>) {add = true}
      %scan3A_276 = arith.constant 0 : i32
      scf.yield %scan3A_276 : i32
    }
    %scan3A_17 = arith.constant 10 : i32
    %dma_wait3A = arith.constant 0 : i32
    %dma_wait3A_18 = tpu.memref_slice %arg4[%dma_wait3A] : memref<10000xi32, #tpu.memory_space<vmem>> -> memref<80xi32, #tpu.memory_space<vmem>>
    %dma_wait3A_19 = arith.constant 0 : i32
    %dma_wait3A_20 = tpu.memref_slice %arg7[%dma_wait3A_19] : memref<10240xf32, #tpu.memory_space<vmem_shared>> -> memref<10240xf32, #tpu.memory_space<vmem_shared>>
    tpu.wait_indirect_dma semaphore(%arg8 : memref<!tpu.dma_semaphore, #tpu.memory_space<semaphore_mem>>) src(%arg5 : memref<80xf32, #tpu.memory_space<vmem>>) dst(%dma_wait3A_20 : memref<10240xf32, #tpu.memory_space<vmem_shared>>)
    %dma_start3A = arith.constant 9600 : i32
    %dma_start3A_21 = tpu.memref_slice %arg4[%dma_start3A] : memref<10000xi32, #tpu.memory_space<vmem>> -> memref<80xi32, #tpu.memory_space<vmem>>
    %dma_start3A_22 = arith.constant 0 : i32
    %dma_start3A_23 = tpu.memref_slice %arg7[%dma_start3A_22] : memref<10240xf32, #tpu.memory_space<vmem_shared>> -> memref<10240xf32, #tpu.memory_space<vmem_shared>>
    tpu.enqueue_indirect_dma source(%arg5 : memref<80xf32, #tpu.memory_space<vmem>>) target(%dma_start3A_23 : memref<10240xf32, #tpu.memory_space<vmem_shared>>) offsets(%dma_start3A_21 : memref<80xi32, #tpu.memory_space<vmem>>) semaphore(%arg8 : memref<!tpu.dma_semaphore, #tpu.memory_space<semaphore_mem>>) {add = true}
    %dma_wait3A_24 = arith.constant 0 : i32
    %dma_wait3A_25 = tpu.memref_slice %arg4[%dma_wait3A_24] : memref<10000xi32, #tpu.memory_space<vmem>> -> memref<80xi32, #tpu.memory_space<vmem>>
    %dma_wait3A_26 = arith.constant 0 : i32
    %dma_wait3A_27 = tpu.memref_slice %arg7[%dma_wait3A_26] : memref<10240xf32, #tpu.memory_space<vmem_shared>> -> memref<10240xf32, #tpu.memory_space<vmem_shared>>
    tpu.wait_indirect_dma semaphore(%arg9 : memref<!tpu.dma_semaphore, #tpu.memory_space<semaphore_mem>>) src(%arg5 : memref<80xf32, #tpu.memory_space<vmem>>) dst(%dma_wait3A_27 : memref<10240xf32, #tpu.memory_space<vmem_shared>>)
    %dma_start3A_28 = arith.constant 9680 : i32
    %dma_start3A_29 = tpu.memref_slice %arg4[%dma_start3A_28] : memref<10000xi32, #tpu.memory_space<vmem>> -> memref<80xi32, #tpu.memory_space<vmem>>
    %dma_start3A_30 = arith.constant 0 : i32
    %dma_start3A_31 = tpu.memref_slice %arg7[%dma_start3A_30] : memref<10240xf32, #tpu.memory_space<vmem_shared>> -> memref<10240xf32, #tpu.memory_space<vmem_shared>>
    tpu.enqueue_indirect_dma source(%arg5 : memref<80xf32, #tpu.memory_space<vmem>>) target(%dma_start3A_31 : memref<10240xf32, #tpu.memory_space<vmem_shared>>) offsets(%dma_start3A_29 : memref<80xi32, #tpu.memory_space<vmem>>) semaphore(%arg9 : memref<!tpu.dma_semaphore, #tpu.memory_space<semaphore_mem>>) {add = true}
    %dma_wait3A_32 = arith.constant 0 : i32
    %dma_wait3A_33 = tpu.memref_slice %arg4[%dma_wait3A_32] : memref<10000xi32, #tpu.memory_space<vmem>> -> memref<80xi32, #tpu.memory_space<vmem>>
    %dma_wait3A_34 = arith.constant 0 : i32
    %dma_wait3A_35 = tpu.memref_slice %arg7[%dma_wait3A_34] : memref<10240xf32, #tpu.memory_space<vmem_shared>> -> memref<10240xf32, #tpu.memory_space<vmem_shared>>
    tpu.wait_indirect_dma semaphore(%arg10 : memref<!tpu.dma_semaphore, #tpu.memory_space<semaphore_mem>>) src(%arg5 : memref<80xf32, #tpu.memory_space<vmem>>) dst(%dma_wait3A_35 : memref<10240xf32, #tpu.memory_space<vmem_shared>>)
    %dma_start3A_36 = arith.constant 9760 : i32
    %dma_start3A_37 = tpu.memref_slice %arg4[%dma_start3A_36] : memref<10000xi32, #tpu.memory_space<vmem>> -> memref<80xi32, #tpu.memory_space<vmem>>
    %dma_start3A_38 = arith.constant 0 : i32
    %dma_start3A_39 = tpu.memref_slice %arg7[%dma_start3A_38] : memref<10240xf32, #tpu.memory_space<vmem_shared>> -> memref<10240xf32, #tpu.memory_space<vmem_shared>>
    tpu.enqueue_indirect_dma source(%arg5 : memref<80xf32, #tpu.memory_space<vmem>>) target(%dma_start3A_39 : memref<10240xf32, #tpu.memory_space<vmem_shared>>) offsets(%dma_start3A_37 : memref<80xi32, #tpu.memory_space<vmem>>) semaphore(%arg10 : memref<!tpu.dma_semaphore, #tpu.memory_space<semaphore_mem>>) {add = true}
    %dma_wait3A_40 = arith.constant 0 : i32
    %dma_wait3A_41 = tpu.memref_slice %arg4[%dma_wait3A_40] : memref<10000xi32, #tpu.memory_space<vmem>> -> memref<80xi32, #tpu.memory_space<vmem>>
    %dma_wait3A_42 = arith.constant 0 : i32
    %dma_wait3A_43 = tpu.memref_slice %arg7[%dma_wait3A_42] : memref<10240xf32, #tpu.memory_space<vmem_shared>> -> memref<10240xf32, #tpu.memory_space<vmem_shared>>
    tpu.wait_indirect_dma semaphore(%arg11 : memref<!tpu.dma_semaphore, #tpu.memory_space<semaphore_mem>>) src(%arg5 : memref<80xf32, #tpu.memory_space<vmem>>) dst(%dma_wait3A_43 : memref<10240xf32, #tpu.memory_space<vmem_shared>>)
    %dma_start3A_44 = arith.constant 9840 : i32
    %dma_start3A_45 = tpu.memref_slice %arg4[%dma_start3A_44] : memref<10000xi32, #tpu.memory_space<vmem>> -> memref<80xi32, #tpu.memory_space<vmem>>
    %dma_start3A_46 = arith.constant 0 : i32
    %dma_start3A_47 = tpu.memref_slice %arg7[%dma_start3A_46] : memref<10240xf32, #tpu.memory_space<vmem_shared>> -> memref<10240xf32, #tpu.memory_space<vmem_shared>>
    tpu.enqueue_indirect_dma source(%arg5 : memref<80xf32, #tpu.memory_space<vmem>>) target(%dma_start3A_47 : memref<10240xf32, #tpu.memory_space<vmem_shared>>) offsets(%dma_start3A_45 : memref<80xi32, #tpu.memory_space<vmem>>) semaphore(%arg11 : memref<!tpu.dma_semaphore, #tpu.memory_space<semaphore_mem>>) {add = true}
    %dma_wait3A_48 = arith.constant 0 : i32
    %dma_wait3A_49 = tpu.memref_slice %arg4[%dma_wait3A_48] : memref<10000xi32, #tpu.memory_space<vmem>> -> memref<80xi32, #tpu.memory_space<vmem>>
    %dma_wait3A_50 = arith.constant 0 : i32
    %dma_wait3A_51 = tpu.memref_slice %arg7[%dma_wait3A_50] : memref<10240xf32, #tpu.memory_space<vmem_shared>> -> memref<10240xf32, #tpu.memory_space<vmem_shared>>
    tpu.wait_indirect_dma semaphore(%arg12 : memref<!tpu.dma_semaphore, #tpu.memory_space<semaphore_mem>>) src(%arg5 : memref<80xf32, #tpu.memory_space<vmem>>) dst(%dma_wait3A_51 : memref<10240xf32, #tpu.memory_space<vmem_shared>>)
    %dma_start3A_52 = arith.constant 9920 : i32
    %dma_start3A_53 = tpu.memref_slice %arg4[%dma_start3A_52] : memref<10000xi32, #tpu.memory_space<vmem>> -> memref<80xi32, #tpu.memory_space<vmem>>
    %dma_start3A_54 = arith.constant 0 : i32
    %dma_start3A_55 = tpu.memref_slice %arg7[%dma_start3A_54] : memref<10240xf32, #tpu.memory_space<vmem_shared>> -> memref<10240xf32, #tpu.memory_space<vmem_shared>>
    tpu.enqueue_indirect_dma source(%arg5 : memref<80xf32, #tpu.memory_space<vmem>>) target(%dma_start3A_55 : memref<10240xf32, #tpu.memory_space<vmem_shared>>) offsets(%dma_start3A_53 : memref<80xi32, #tpu.memory_space<vmem>>) semaphore(%arg12 : memref<!tpu.dma_semaphore, #tpu.memory_space<semaphore_mem>>) {add = true}
    %dma_wait3A_56 = arith.constant 0 : i32
    %dma_wait3A_57 = tpu.memref_slice %arg4[%dma_wait3A_56] : memref<10000xi32, #tpu.memory_space<vmem>> -> memref<80xi32, #tpu.memory_space<vmem>>
    %dma_wait3A_58 = arith.constant 0 : i32
    %dma_wait3A_59 = tpu.memref_slice %arg7[%dma_wait3A_58] : memref<10240xf32, #tpu.memory_space<vmem_shared>> -> memref<10240xf32, #tpu.memory_space<vmem_shared>>
    tpu.wait_indirect_dma semaphore(%arg13 : memref<!tpu.dma_semaphore, #tpu.memory_space<semaphore_mem>>) src(%arg5 : memref<80xf32, #tpu.memory_space<vmem>>) dst(%dma_wait3A_59 : memref<10240xf32, #tpu.memory_space<vmem_shared>>)
    %dma_wait3A_60 = arith.constant 0 : i32
    %dma_wait3A_61 = tpu.memref_slice %arg4[%dma_wait3A_60] : memref<10000xi32, #tpu.memory_space<vmem>> -> memref<80xi32, #tpu.memory_space<vmem>>
    %dma_wait3A_62 = arith.constant 0 : i32
    %dma_wait3A_63 = tpu.memref_slice %arg7[%dma_wait3A_62] : memref<10240xf32, #tpu.memory_space<vmem_shared>> -> memref<10240xf32, #tpu.memory_space<vmem_shared>>
    tpu.wait_indirect_dma semaphore(%arg14 : memref<!tpu.dma_semaphore, #tpu.memory_space<semaphore_mem>>) src(%arg5 : memref<80xf32, #tpu.memory_space<vmem>>) dst(%dma_wait3A_63 : memref<10240xf32, #tpu.memory_space<vmem_shared>>)
    %dma_wait3A_64 = arith.constant 0 : i32
    %dma_wait3A_65 = tpu.memref_slice %arg4[%dma_wait3A_64] : memref<10000xi32, #tpu.memory_space<vmem>> -> memref<80xi32, #tpu.memory_space<vmem>>
    %dma_wait3A_66 = arith.constant 0 : i32
    %dma_wait3A_67 = tpu.memref_slice %arg7[%dma_wait3A_66] : memref<10240xf32, #tpu.memory_space<vmem_shared>> -> memref<10240xf32, #tpu.memory_space<vmem_shared>>
    tpu.wait_indirect_dma semaphore(%arg15 : memref<!tpu.dma_semaphore, #tpu.memory_space<semaphore_mem>>) src(%arg5 : memref<80xf32, #tpu.memory_space<vmem>>) dst(%dma_wait3A_67 : memref<10240xf32, #tpu.memory_space<vmem_shared>>)
    %dma_wait3A_68 = arith.constant 0 : i32
    %dma_wait3A_69 = tpu.memref_slice %arg4[%dma_wait3A_68] : memref<10000xi32, #tpu.memory_space<vmem>> -> memref<80xi32, #tpu.memory_space<vmem>>
    %dma_wait3A_70 = arith.constant 0 : i32
    %dma_wait3A_71 = tpu.memref_slice %arg7[%dma_wait3A_70] : memref<10240xf32, #tpu.memory_space<vmem_shared>> -> memref<10240xf32, #tpu.memory_space<vmem_shared>>
    tpu.wait_indirect_dma semaphore(%arg16 : memref<!tpu.dma_semaphore, #tpu.memory_space<semaphore_mem>>) src(%arg5 : memref<80xf32, #tpu.memory_space<vmem>>) dst(%dma_wait3A_71 : memref<10240xf32, #tpu.memory_space<vmem_shared>>)
    %dma_wait3A_72 = arith.constant 0 : i32
    %dma_wait3A_73 = tpu.memref_slice %arg4[%dma_wait3A_72] : memref<10000xi32, #tpu.memory_space<vmem>> -> memref<80xi32, #tpu.memory_space<vmem>>
    %dma_wait3A_74 = arith.constant 0 : i32
    %dma_wait3A_75 = tpu.memref_slice %arg7[%dma_wait3A_74] : memref<10240xf32, #tpu.memory_space<vmem_shared>> -> memref<10240xf32, #tpu.memory_space<vmem_shared>>
    tpu.wait_indirect_dma semaphore(%arg17 : memref<!tpu.dma_semaphore, #tpu.memory_space<semaphore_mem>>) src(%arg5 : memref<80xf32, #tpu.memory_space<vmem>>) dst(%dma_wait3A_75 : memref<10240xf32, #tpu.memory_space<vmem_shared>>)
    %dma_wait3A_76 = arith.constant 0 : i32
    %dma_wait3A_77 = tpu.memref_slice %arg4[%dma_wait3A_76] : memref<10000xi32, #tpu.memory_space<vmem>> -> memref<80xi32, #tpu.memory_space<vmem>>
    %dma_wait3A_78 = arith.constant 0 : i32
    %dma_wait3A_79 = tpu.memref_slice %arg7[%dma_wait3A_78] : memref<10240xf32, #tpu.memory_space<vmem_shared>> -> memref<10240xf32, #tpu.memory_space<vmem_shared>>
    tpu.wait_indirect_dma semaphore(%arg18 : memref<!tpu.dma_semaphore, #tpu.memory_space<semaphore_mem>>) src(%arg5 : memref<80xf32, #tpu.memory_space<vmem>>) dst(%dma_wait3A_79 : memref<10240xf32, #tpu.memory_space<vmem_shared>>)
    %dma_wait3A_80 = arith.constant 0 : i32
    %dma_wait3A_81 = tpu.memref_slice %arg4[%dma_wait3A_80] : memref<10000xi32, #tpu.memory_space<vmem>> -> memref<80xi32, #tpu.memory_space<vmem>>
    %dma_wait3A_82 = arith.constant 0 : i32
    %dma_wait3A_83 = tpu.memref_slice %arg7[%dma_wait3A_82] : memref<10240xf32, #tpu.memory_space<vmem_shared>> -> memref<10240xf32, #tpu.memory_space<vmem_shared>>
    tpu.wait_indirect_dma semaphore(%arg19 : memref<!tpu.dma_semaphore, #tpu.memory_space<semaphore_mem>>) src(%arg5 : memref<80xf32, #tpu.memory_space<vmem>>) dst(%dma_wait3A_83 : memref<10240xf32, #tpu.memory_space<vmem_shared>>)
    %dma_wait3A_84 = arith.constant 0 : i32
    %dma_wait3A_85 = tpu.memref_slice %arg4[%dma_wait3A_84] : memref<10000xi32, #tpu.memory_space<vmem>> -> memref<80xi32, #tpu.memory_space<vmem>>
    %dma_wait3A_86 = arith.constant 0 : i32
    %dma_wait3A_87 = tpu.memref_slice %arg7[%dma_wait3A_86] : memref<10240xf32, #tpu.memory_space<vmem_shared>> -> memref<10240xf32, #tpu.memory_space<vmem_shared>>
    tpu.wait_indirect_dma semaphore(%arg8 : memref<!tpu.dma_semaphore, #tpu.memory_space<semaphore_mem>>) src(%arg5 : memref<80xf32, #tpu.memory_space<vmem>>) dst(%dma_wait3A_87 : memref<10240xf32, #tpu.memory_space<vmem_shared>>)
    %dma_wait3A_88 = arith.constant 0 : i32
    %dma_wait3A_89 = tpu.memref_slice %arg4[%dma_wait3A_88] : memref<10000xi32, #tpu.memory_space<vmem>> -> memref<80xi32, #tpu.memory_space<vmem>>
    %dma_wait3A_90 = arith.constant 0 : i32
    %dma_wait3A_91 = tpu.memref_slice %arg7[%dma_wait3A_90] : memref<10240xf32, #tpu.memory_space<vmem_shared>> -> memref<10240xf32, #tpu.memory_space<vmem_shared>>
    tpu.wait_indirect_dma semaphore(%arg9 : memref<!tpu.dma_semaphore, #tpu.memory_space<semaphore_mem>>) src(%arg5 : memref<80xf32, #tpu.memory_space<vmem>>) dst(%dma_wait3A_91 : memref<10240xf32, #tpu.memory_space<vmem_shared>>)
    %dma_wait3A_92 = arith.constant 0 : i32
    %dma_wait3A_93 = tpu.memref_slice %arg4[%dma_wait3A_92] : memref<10000xi32, #tpu.memory_space<vmem>> -> memref<80xi32, #tpu.memory_space<vmem>>
    %dma_wait3A_94 = arith.constant 0 : i32
    %dma_wait3A_95 = tpu.memref_slice %arg7[%dma_wait3A_94] : memref<10240xf32, #tpu.memory_space<vmem_shared>> -> memref<10240xf32, #tpu.memory_space<vmem_shared>>
    tpu.wait_indirect_dma semaphore(%arg10 : memref<!tpu.dma_semaphore, #tpu.memory_space<semaphore_mem>>) src(%arg5 : memref<80xf32, #tpu.memory_space<vmem>>) dst(%dma_wait3A_95 : memref<10240xf32, #tpu.memory_space<vmem_shared>>)
    %dma_wait3A_96 = arith.constant 0 : i32
    %dma_wait3A_97 = tpu.memref_slice %arg4[%dma_wait3A_96] : memref<10000xi32, #tpu.memory_space<vmem>> -> memref<80xi32, #tpu.memory_space<vmem>>
    %dma_wait3A_98 = arith.constant 0 : i32
    %dma_wait3A_99 = tpu.memref_slice %arg7[%dma_wait3A_98] : memref<10240xf32, #tpu.memory_space<vmem_shared>> -> memref<10240xf32, #tpu.memory_space<vmem_shared>>
    tpu.wait_indirect_dma semaphore(%arg11 : memref<!tpu.dma_semaphore, #tpu.memory_space<semaphore_mem>>) src(%arg5 : memref<80xf32, #tpu.memory_space<vmem>>) dst(%dma_wait3A_99 : memref<10240xf32, #tpu.memory_space<vmem_shared>>)
    %dma_wait3A_100 = arith.constant 0 : i32
    %dma_wait3A_101 = tpu.memref_slice %arg4[%dma_wait3A_100] : memref<10000xi32, #tpu.memory_space<vmem>> -> memref<80xi32, #tpu.memory_space<vmem>>
    %dma_wait3A_102 = arith.constant 0 : i32
    %dma_wait3A_103 = tpu.memref_slice %arg7[%dma_wait3A_102] : memref<10240xf32, #tpu.memory_space<vmem_shared>> -> memref<10240xf32, #tpu.memory_space<vmem_shared>>
    tpu.wait_indirect_dma semaphore(%arg12 : memref<!tpu.dma_semaphore, #tpu.memory_space<semaphore_mem>>) src(%arg5 : memref<80xf32, #tpu.memory_space<vmem>>) dst(%dma_wait3A_103 : memref<10240xf32, #tpu.memory_space<vmem_shared>>)
    %barrier3A_104 = arith.constant 0 : index
    tpu.barrier barrier_id(%barrier3A_104)
    %mul3A_105 = arith.constant 640 : i32
    %mul3A_106 = arith.muli %arg1, %mul3A_105 : i32
    %mul3A_107 = arith.constant 640 : i32
    %mul3A_108 = arith.muli %arg1, %mul3A_107 : i32
    "tpu.region"() ({
      %run_scoped3A_109 = tpu.sem_alloc : memref<!tpu.dma_semaphore, #tpu.memory_space<semaphore_mem>>
      %dma_start3A_110 = tpu.memref_slice %arg3[%arg0, %mul3A_108] : memref<2x10240xf32, #tpu.memory_space<hbm>> -> memref<1x640xf32, #tpu.memory_space<hbm>>
      %dma_start3A_111 = tpu.memref_squeeze %dma_start3A_110 : memref<1x640xf32, #tpu.memory_space<hbm>> -> memref<640xf32, #tpu.memory_space<hbm>>
      %dma_start3A_112 = tpu.memref_slice %arg7[%mul3A_106] : memref<10240xf32, #tpu.memory_space<vmem_shared>> -> memref<640xf32, #tpu.memory_space<vmem_shared>>
      tpu.enqueue_dma source(%dma_start3A_112 : memref<640xf32, #tpu.memory_space<vmem_shared>>) target(%dma_start3A_111 : memref<640xf32, #tpu.memory_space<hbm>>) target_semaphore(%run_scoped3A_109 : memref<!tpu.dma_semaphore, #tpu.memory_space<semaphore_mem>>)
      %dma_wait3A_113 = tpu.memref_slice %arg3[%arg0, %mul3A_108] : memref<2x10240xf32, #tpu.memory_space<hbm>> -> memref<1x640xf32, #tpu.memory_space<hbm>>
      %dma_wait3A_114 = tpu.memref_squeeze %dma_wait3A_113 : memref<1x640xf32, #tpu.memory_space<hbm>> -> memref<640xf32, #tpu.memory_space<hbm>>
      %dma_wait3A_115 = tpu.memref_slice %arg7[%mul3A_106] : memref<10240xf32, #tpu.memory_space<vmem_shared>> -> memref<640xf32, #tpu.memory_space<vmem_shared>>
      tpu.wait_dma2 semaphore(%run_scoped3A_109 : memref<!tpu.dma_semaphore, #tpu.memory_space<semaphore_mem>>) src(%dma_wait3A_115 : memref<640xf32, #tpu.memory_space<vmem_shared>>) dst(%dma_wait3A_114 : memref<640xf32, #tpu.memory_space<hbm>>)
      tpu.yield
    }) : () -> ()
    return
  }
}

#map = affine_map<(d0, d1) -> (0, 0)>
#map1 = affine_map<(d0, d1) -> (0, 0, 0)>
module attributes {stable_mosaic.version = 14 : i64} {
  func.func @agg_kernel(%arg0: i32, %arg1: i32, %arg2: memref<2x320000xi32, #tpu.memory_space<hbm>>, %arg3: memref<10240x16xf32, #tpu.memory_space<hbm>>, %arg4: memref<2x10240x16xf32, #tpu.memory_space<hbm>>, %arg5: memref<10000xi32, #tpu.memory_space<vmem>>, %arg6: memref<10000xi32, #tpu.memory_space<vmem>>, %arg7: memref<80x16xf32, #tpu.memory_space<vmem>>, %arg8: memref<80x16xf32, #tpu.memory_space<vmem>>, %arg9: memref<80x16xf32, #tpu.memory_space<vmem>>, %arg10: memref<80x16xf32, #tpu.memory_space<vmem>>, %arg11: memref<80x16xf32, #tpu.memory_space<vmem>>, %arg12: memref<80x16xf32, #tpu.memory_space<vmem>>, %arg13: memref<80x16xf32, #tpu.memory_space<vmem>>, %arg14: memref<80x16xf32, #tpu.memory_space<vmem>>, %arg15: memref<80x16xf32, #tpu.memory_space<vmem>>, %arg16: memref<80x16xf32, #tpu.memory_space<vmem>>, %arg17: memref<80x16xf32, #tpu.memory_space<vmem>>, %arg18: memref<80x16xf32, #tpu.memory_space<vmem>>, %arg19: memref<640x16xf32, #tpu.memory_space<vmem>>, %arg20: memref<10240x16xf32, #tpu.memory_space<vmem_shared>>, %arg21: memref<!tpu.dma_semaphore, #tpu.memory_space<semaphore_mem>>, %arg22: memref<!tpu.dma_semaphore, #tpu.memory_space<semaphore_mem>>, %arg23: memref<!tpu.dma_semaphore, #tpu.memory_space<semaphore_mem>>, %arg24: memref<!tpu.dma_semaphore, #tpu.memory_space<semaphore_mem>>, %arg25: memref<!tpu.dma_semaphore, #tpu.memory_space<semaphore_mem>>, %arg26: memref<!tpu.dma_semaphore, #tpu.memory_space<semaphore_mem>>, %arg27: memref<!tpu.dma_semaphore, #tpu.memory_space<semaphore_mem>>, %arg28: memref<!tpu.dma_semaphore, #tpu.memory_space<semaphore_mem>>, %arg29: memref<!tpu.dma_semaphore, #tpu.memory_space<semaphore_mem>>, %arg30: memref<!tpu.dma_semaphore, #tpu.memory_space<semaphore_mem>>, %arg31: memref<!tpu.dma_semaphore, #tpu.memory_space<semaphore_mem>>, %arg32: memref<!tpu.dma_semaphore, #tpu.memory_space<semaphore_mem>>, %arg33: memref<!tpu.dma_semaphore, #tpu.memory_space<semaphore_mem>>, %arg34: memref<!tpu.dma_semaphore, #tpu.memory_space<semaphore_mem>>, %arg35: memref<!tpu.dma_semaphore, #tpu.memory_space<semaphore_mem>>, %arg36: memref<!tpu.dma_semaphore, #tpu.memory_space<semaphore_mem>>, %arg37: memref<!tpu.dma_semaphore, #tpu.memory_space<semaphore_mem>>, %arg38: memref<!tpu.dma_semaphore, #tpu.memory_space<semaphore_mem>>, %arg39: memref<!tpu.dma_semaphore, #tpu.memory_space<semaphore_mem>>, %arg40: memref<!tpu.dma_semaphore, #tpu.memory_space<semaphore_mem>>, %arg41: memref<!tpu.dma_semaphore, #tpu.memory_space<semaphore_mem>>, %arg42: memref<!tpu.dma_semaphore, #tpu.memory_space<semaphore_mem>>, %arg43: memref<!tpu.dma_semaphore, #tpu.memory_space<semaphore_mem>>, %arg44: memref<!tpu.dma_semaphore, #tpu.memory_space<semaphore_mem>>) attributes {dimension_semantics = [#tpu.dimension_semantics<core_parallel>, #tpu.dimension_semantics<subcore_parallel>], iteration_bounds = array<i64: 2, 16>, scalar_prefetch = 0 : i64, scratch_operands = 40 : i64, tpu.core_type = #tpu.core_type<sc_vector_subcore>, window_params = [{transform_indices = #map}, {transform_indices = #map}, {transform_indices = #map1}]} {
    %mul3A = arith.constant 16 : i32
    %mul3A_0 = arith.muli %arg0, %mul3A : i32
    %add3A = arith.addi %mul3A_0, %arg1 : i32
    %scan3A = arith.constant 0 : i32
    %scan3A_1 = arith.constant 0 : i32
    %scan3A_2 = arith.constant 640 : i32
    %scan3A_3 = arith.addi %scan3A_1, %scan3A_2 : i32
    %scan3A_4 = arith.constant 1 : i32
    %scan3A_5 = scf.for %scan3A_159 = %scan3A_1 to %scan3A_3 step %scan3A_4 iter_args(%scan3A_160 = %scan3A) -> (i32)  : i32 {
      %broadcast_in_dim3A = arith.constant 0.000000e+00 : f32
      %broadcast_in_dim3A_161 = vector.broadcast %broadcast_in_dim3A : f32 to vector<16xf32>
      %swap3A = arith.index_cast %scan3A_159 : i32 to index
      %swap3A_162 = arith.constant 0 : index
      %swap3A_163 = tpu.vector_load %arg19[%swap3A, %swap3A_162] {strides = array<i32>} : memref<640x16xf32, #tpu.memory_space<vmem>>, vector<1x16xf32>,
      %swap3A_164 = vector.shape_cast %swap3A_163 : vector<1x16xf32> to vector<16xf32>
      %swap3A_165 = vector.shape_cast %broadcast_in_dim3A_161 : vector<16xf32> to vector<1x16xf32>
      tpu.vector_store %arg19[%swap3A, %swap3A_162], %swap3A_165 {strides = array<i32>} : memref<640x16xf32, #tpu.memory_space<vmem>>, vector<1x16xf32>,
      %scan3A_166 = arith.constant 0 : i32
      scf.yield %scan3A_166 : i32
    }
    %scan3A_6 = arith.constant 640 : i32
    %mul3A_7 = arith.constant 640 : i32
    %mul3A_8 = arith.muli %arg1, %mul3A_7 : i32
    "tpu.region"() ({
      %run_scoped3A_159 = tpu.sem_alloc : memref<!tpu.dma_semaphore, #tpu.memory_space<semaphore_mem>>
      %dma_start3A_160 = arith.constant 0 : i32
      %dma_start3A_161 = tpu.memref_slice %arg20[%mul3A_8, %dma_start3A_160] : memref<10240x16xf32, #tpu.memory_space<vmem_shared>> -> memref<640x16xf32, #tpu.memory_space<vmem_shared>>
      %dma_start3A_162 = arith.constant 0 : i32
      %dma_start3A_163 = tpu.memref_slice %arg20[%mul3A_8, %dma_start3A_162] : memref<10240x16xf32, #tpu.memory_space<vmem_shared>> -> memref<640x16xf32, #tpu.memory_space<vmem_shared>>
      tpu.enqueue_dma source(%arg19 : memref<640x16xf32, #tpu.memory_space<vmem>>) target(%dma_start3A_163 : memref<640x16xf32, #tpu.memory_space<vmem_shared>>) target_semaphore(%run_scoped3A_159 : memref<!tpu.dma_semaphore, #tpu.memory_space<semaphore_mem>>)
      %dma_wait3A_164 = arith.constant 0 : i32
      %dma_wait3A_165 = tpu.memref_slice %arg20[%mul3A_8, %dma_wait3A_164] : memref<10240x16xf32, #tpu.memory_space<vmem_shared>> -> memref<640x16xf32, #tpu.memory_space<vmem_shared>>
      %dma_wait3A_166 = arith.constant 0 : i32
      %dma_wait3A_167 = tpu.memref_slice %arg20[%mul3A_8, %dma_wait3A_166] : memref<10240x16xf32, #tpu.memory_space<vmem_shared>> -> memref<640x16xf32, #tpu.memory_space<vmem_shared>>
      tpu.wait_dma2 semaphore(%run_scoped3A_159 : memref<!tpu.dma_semaphore, #tpu.memory_space<semaphore_mem>>) src(%arg19 : memref<640x16xf32, #tpu.memory_space<vmem>>) dst(%dma_wait3A_167 : memref<640x16xf32, #tpu.memory_space<vmem_shared>>)
      tpu.yield
    }) : () -> ()
    %mul3A_9 = arith.constant 10000 : i32
    %mul3A_10 = arith.muli %add3A, %mul3A_9 : i32
    %run_scoped3A = arith.constant 0 : i32
    "tpu.region"() ({
      %run_scoped3A_159 = tpu.sem_alloc : memref<!tpu.dma_semaphore, #tpu.memory_space<semaphore_mem>>
      %dma_start3A_160 = tpu.memref_slice %arg2[%run_scoped3A, %mul3A_10] : memref<2x320000xi32, #tpu.memory_space<hbm>> -> memref<1x10000xi32, #tpu.memory_space<hbm>>
      %dma_start3A_161 = tpu.memref_squeeze %dma_start3A_160 : memref<1x10000xi32, #tpu.memory_space<hbm>> -> memref<10000xi32, #tpu.memory_space<hbm>>
      %dma_start3A_162 = tpu.memref_slice %arg2[%run_scoped3A, %mul3A_10] : memref<2x320000xi32, #tpu.memory_space<hbm>> -> memref<1x10000xi32, #tpu.memory_space<hbm>>
      %dma_start3A_163 = tpu.memref_squeeze %dma_start3A_162 : memref<1x10000xi32, #tpu.memory_space<hbm>> -> memref<10000xi32, #tpu.memory_space<hbm>>
      tpu.enqueue_dma source(%dma_start3A_163 : memref<10000xi32, #tpu.memory_space<hbm>>) target(%arg5 : memref<10000xi32, #tpu.memory_space<vmem>>) target_semaphore(%run_scoped3A_159 : memref<!tpu.dma_semaphore, #tpu.memory_space<semaphore_mem>>)
      %dma_wait3A_164 = tpu.memref_slice %arg2[%run_scoped3A, %mul3A_10] : memref<2x320000xi32, #tpu.memory_space<hbm>> -> memref<1x10000xi32, #tpu.memory_space<hbm>>
      %dma_wait3A_165 = tpu.memref_squeeze %dma_wait3A_164 : memref<1x10000xi32, #tpu.memory_space<hbm>> -> memref<10000xi32, #tpu.memory_space<hbm>>
      %dma_wait3A_166 = tpu.memref_slice %arg2[%run_scoped3A, %mul3A_10] : memref<2x320000xi32, #tpu.memory_space<hbm>> -> memref<1x10000xi32, #tpu.memory_space<hbm>>
      %dma_wait3A_167 = tpu.memref_squeeze %dma_wait3A_166 : memref<1x10000xi32, #tpu.memory_space<hbm>> -> memref<10000xi32, #tpu.memory_space<hbm>>
      tpu.wait_dma2 semaphore(%run_scoped3A_159 : memref<!tpu.dma_semaphore, #tpu.memory_space<semaphore_mem>>) src(%dma_wait3A_167 : memref<10000xi32, #tpu.memory_space<hbm>>) dst(%arg5 : memref<10000xi32, #tpu.memory_space<vmem>>)
      tpu.yield
    }) : () -> ()
    %mul3A_11 = arith.constant 10000 : i32
    %mul3A_12 = arith.muli %add3A, %mul3A_11 : i32
    %run_scoped3A_13 = arith.constant 1 : i32
    "tpu.region"() ({
      %run_scoped3A_159 = tpu.sem_alloc : memref<!tpu.dma_semaphore, #tpu.memory_space<semaphore_mem>>
      %dma_start3A_160 = tpu.memref_slice %arg2[%run_scoped3A_13, %mul3A_12] : memref<2x320000xi32, #tpu.memory_space<hbm>> -> memref<1x10000xi32, #tpu.memory_space<hbm>>
      %dma_start3A_161 = tpu.memref_squeeze %dma_start3A_160 : memref<1x10000xi32, #tpu.memory_space<hbm>> -> memref<10000xi32, #tpu.memory_space<hbm>>
      %dma_start3A_162 = tpu.memref_slice %arg2[%run_scoped3A_13, %mul3A_12] : memref<2x320000xi32, #tpu.memory_space<hbm>> -> memref<1x10000xi32, #tpu.memory_space<hbm>>
      %dma_start3A_163 = tpu.memref_squeeze %dma_start3A_162 : memref<1x10000xi32, #tpu.memory_space<hbm>> -> memref<10000xi32, #tpu.memory_space<hbm>>
      tpu.enqueue_dma source(%dma_start3A_163 : memref<10000xi32, #tpu.memory_space<hbm>>) target(%arg6 : memref<10000xi32, #tpu.memory_space<vmem>>) target_semaphore(%run_scoped3A_159 : memref<!tpu.dma_semaphore, #tpu.memory_space<semaphore_mem>>)
      %dma_wait3A_164 = tpu.memref_slice %arg2[%run_scoped3A_13, %mul3A_12] : memref<2x320000xi32, #tpu.memory_space<hbm>> -> memref<1x10000xi32, #tpu.memory_space<hbm>>
      %dma_wait3A_165 = tpu.memref_squeeze %dma_wait3A_164 : memref<1x10000xi32, #tpu.memory_space<hbm>> -> memref<10000xi32, #tpu.memory_space<hbm>>
      %dma_wait3A_166 = tpu.memref_slice %arg2[%run_scoped3A_13, %mul3A_12] : memref<2x320000xi32, #tpu.memory_space<hbm>> -> memref<1x10000xi32, #tpu.memory_space<hbm>>
      %dma_wait3A_167 = tpu.memref_squeeze %dma_wait3A_166 : memref<1x10000xi32, #tpu.memory_space<hbm>> -> memref<10000xi32, #tpu.memory_space<hbm>>
      tpu.wait_dma2 semaphore(%run_scoped3A_159 : memref<!tpu.dma_semaphore, #tpu.memory_space<semaphore_mem>>) src(%dma_wait3A_167 : memref<10000xi32, #tpu.memory_space<hbm>>) dst(%arg6 : memref<10000xi32, #tpu.memory_space<vmem>>)
      tpu.yield
    }) : () -> ()
    %barrier3A = arith.constant 0 : index
    tpu.barrier barrier_id(%barrier3A)
    %dma_start3A = arith.constant 0 : i32
    %dma_start3A_14 = tpu.memref_slice %arg5[%dma_start3A] : memref<10000xi32, #tpu.memory_space<vmem>> -> memref<80xi32, #tpu.memory_space<vmem>>
    %dma_start3A_15 = arith.constant 0 : i32
    %dma_start3A_16 = arith.constant 0 : i32
    %dma_start3A_17 = tpu.memref_slice %arg3[%dma_start3A_15, %dma_start3A_16] : memref<10240x16xf32, #tpu.memory_space<hbm>> -> memref<10240x16xf32, #tpu.memory_space<hbm>>
    tpu.enqueue_indirect_dma source(%dma_start3A_17 : memref<10240x16xf32, #tpu.memory_space<hbm>>) target(%arg7 : memref<80x16xf32, #tpu.memory_space<vmem>>) offsets(%dma_start3A_14 : memref<80xi32, #tpu.memory_space<vmem>>) semaphore(%arg21 : memref<!tpu.dma_semaphore, #tpu.memory_space<semaphore_mem>>)
    %dma_start3A_18 = arith.constant 80 : i32
    %dma_start3A_19 = tpu.memref_slice %arg5[%dma_start3A_18] : memref<10000xi32, #tpu.memory_space<vmem>> -> memref<80xi32, #tpu.memory_space<vmem>>
    %dma_start3A_20 = arith.constant 0 : i32
    %dma_start3A_21 = arith.constant 0 : i32
    %dma_start3A_22 = tpu.memref_slice %arg3[%dma_start3A_20, %dma_start3A_21] : memref<10240x16xf32, #tpu.memory_space<hbm>> -> memref<10240x16xf32, #tpu.memory_space<hbm>>
    tpu.enqueue_indirect_dma source(%dma_start3A_22 : memref<10240x16xf32, #tpu.memory_space<hbm>>) target(%arg8 : memref<80x16xf32, #tpu.memory_space<vmem>>) offsets(%dma_start3A_19 : memref<80xi32, #tpu.memory_space<vmem>>) semaphore(%arg22 : memref<!tpu.dma_semaphore, #tpu.memory_space<semaphore_mem>>)
    %dma_start3A_23 = arith.constant 160 : i32
    %dma_start3A_24 = tpu.memref_slice %arg5[%dma_start3A_23] : memref<10000xi32, #tpu.memory_space<vmem>> -> memref<80xi32, #tpu.memory_space<vmem>>
    %dma_start3A_25 = arith.constant 0 : i32
    %dma_start3A_26 = arith.constant 0 : i32
    %dma_start3A_27 = tpu.memref_slice %arg3[%dma_start3A_25, %dma_start3A_26] : memref<10240x16xf32, #tpu.memory_space<hbm>> -> memref<10240x16xf32, #tpu.memory_space<hbm>>
    tpu.enqueue_indirect_dma source(%dma_start3A_27 : memref<10240x16xf32, #tpu.memory_space<hbm>>) target(%arg9 : memref<80x16xf32, #tpu.memory_space<vmem>>) offsets(%dma_start3A_24 : memref<80xi32, #tpu.memory_space<vmem>>) semaphore(%arg23 : memref<!tpu.dma_semaphore, #tpu.memory_space<semaphore_mem>>)
    %dma_start3A_28 = arith.constant 240 : i32
    %dma_start3A_29 = tpu.memref_slice %arg5[%dma_start3A_28] : memref<10000xi32, #tpu.memory_space<vmem>> -> memref<80xi32, #tpu.memory_space<vmem>>
    %dma_start3A_30 = arith.constant 0 : i32
    %dma_start3A_31 = arith.constant 0 : i32
    %dma_start3A_32 = tpu.memref_slice %arg3[%dma_start3A_30, %dma_start3A_31] : memref<10240x16xf32, #tpu.memory_space<hbm>> -> memref<10240x16xf32, #tpu.memory_space<hbm>>
    tpu.enqueue_indirect_dma source(%dma_start3A_32 : memref<10240x16xf32, #tpu.memory_space<hbm>>) target(%arg10 : memref<80x16xf32, #tpu.memory_space<vmem>>) offsets(%dma_start3A_29 : memref<80xi32, #tpu.memory_space<vmem>>) semaphore(%arg24 : memref<!tpu.dma_semaphore, #tpu.memory_space<semaphore_mem>>)
    %dma_start3A_33 = arith.constant 320 : i32
    %dma_start3A_34 = tpu.memref_slice %arg5[%dma_start3A_33] : memref<10000xi32, #tpu.memory_space<vmem>> -> memref<80xi32, #tpu.memory_space<vmem>>
    %dma_start3A_35 = arith.constant 0 : i32
    %dma_start3A_36 = arith.constant 0 : i32
    %dma_start3A_37 = tpu.memref_slice %arg3[%dma_start3A_35, %dma_start3A_36] : memref<10240x16xf32, #tpu.memory_space<hbm>> -> memref<10240x16xf32, #tpu.memory_space<hbm>>
    tpu.enqueue_indirect_dma source(%dma_start3A_37 : memref<10240x16xf32, #tpu.memory_space<hbm>>) target(%arg11 : memref<80x16xf32, #tpu.memory_space<vmem>>) offsets(%dma_start3A_34 : memref<80xi32, #tpu.memory_space<vmem>>) semaphore(%arg25 : memref<!tpu.dma_semaphore, #tpu.memory_space<semaphore_mem>>)
    %scan3A_38 = arith.constant 0 : i32
    %scan3A_39 = arith.constant 0 : i32
    %scan3A_40 = arith.constant 10 : i32
    %scan3A_41 = arith.addi %scan3A_39, %scan3A_40 : i32
    %scan3A_42 = arith.constant 1 : i32
    %scan3A_43 = scf.for %scan3A_159 = %scan3A_39 to %scan3A_41 step %scan3A_42 iter_args(%scan3A_160 = %scan3A_38) -> (i32)  : i32 {
      %mul3A_161 = arith.constant 12 : i32
      %mul3A_162 = arith.muli %scan3A_159, %mul3A_161 : i32
      %add3A_163 = arith.constant 0 : i32
      %add3A_164 = arith.addi %mul3A_162, %add3A_163 : i32
      %gt3A = arith.constant 0 : i32
      %gt3A_165 = arith.cmpi sgt, %scan3A_159, %gt3A : i32
      %convert_element_type3A = arith.extui %gt3A_165 : i1 to i32
      %cond3A = arith.constant 0 : i32
      %cond3A_166 = arith.cmpi ne, %convert_element_type3A, %cond3A : i32
      scf.if %cond3A_166 {
        %dma_wait3A_495 = arith.constant 0 : i32
        %dma_wait3A_496 = tpu.memref_slice %arg6[%dma_wait3A_495] : memref<10000xi32, #tpu.memory_space<vmem>> -> memref<80xi32, #tpu.memory_space<vmem>>
        %dma_wait3A_497 = arith.constant 0 : i32
        %dma_wait3A_498 = arith.constant 0 : i32
        %dma_wait3A_499 = tpu.memref_slice %arg20[%dma_wait3A_497, %dma_wait3A_498] : memref<10240x16xf32, #tpu.memory_space<vmem_shared>> -> memref<10240x16xf32, #tpu.memory_space<vmem_shared>>
        tpu.wait_indirect_dma semaphore(%arg38 : memref<!tpu.dma_semaphore, #tpu.memory_space<semaphore_mem>>) src(%arg12 : memref<80x16xf32, #tpu.memory_space<vmem>>) dst(%dma_wait3A_499 : memref<10240x16xf32, #tpu.memory_space<vmem_shared>>)
      } else {
      }
      %add3A_167 = arith.constant 5 : i32
      %add3A_168 = arith.addi %add3A_164, %add3A_167 : i32
      %mul3A_169 = arith.constant 80 : i32
      %mul3A_170 = arith.muli %add3A_168, %mul3A_169 : i32
      %dma_start3A_171 = tpu.memref_slice %arg5[%mul3A_170] : memref<10000xi32, #tpu.memory_space<vmem>> -> memref<80xi32, #tpu.memory_space<vmem>>
      %dma_start3A_172 = arith.constant 0 : i32
      %dma_start3A_173 = arith.constant 0 : i32
      %dma_start3A_174 = tpu.memref_slice %arg3[%dma_start3A_172, %dma_start3A_173] : memref<10240x16xf32, #tpu.memory_space<hbm>> -> memref<10240x16xf32, #tpu.memory_space<hbm>>
      tpu.enqueue_indirect_dma source(%dma_start3A_174 : memref<10240x16xf32, #tpu.memory_space<hbm>>) target(%arg12 : memref<80x16xf32, #tpu.memory_space<vmem>>) offsets(%dma_start3A_171 : memref<80xi32, #tpu.memory_space<vmem>>) semaphore(%arg26 : memref<!tpu.dma_semaphore, #tpu.memory_space<semaphore_mem>>)
      %dma_wait3A_175 = arith.constant 0 : i32
      %dma_wait3A_176 = tpu.memref_slice %arg5[%dma_wait3A_175] : memref<10000xi32, #tpu.memory_space<vmem>> -> memref<80xi32, #tpu.memory_space<vmem>>
      %dma_wait3A_177 = arith.constant 0 : i32
      %dma_wait3A_178 = arith.constant 0 : i32
      %dma_wait3A_179 = tpu.memref_slice %arg3[%dma_wait3A_177, %dma_wait3A_178] : memref<10240x16xf32, #tpu.memory_space<hbm>> -> memref<10240x16xf32, #tpu.memory_space<hbm>>
      tpu.wait_indirect_dma semaphore(%arg21 : memref<!tpu.dma_semaphore, #tpu.memory_space<semaphore_mem>>) src(%dma_wait3A_179 : memref<10240x16xf32, #tpu.memory_space<hbm>>) dst(%arg7 : memref<80x16xf32, #tpu.memory_space<vmem>>)
      %mul3A_180 = arith.constant 80 : i32
      %mul3A_181 = arith.muli %add3A_164, %mul3A_180 : i32
      %dma_start3A_182 = tpu.memref_slice %arg6[%mul3A_181] : memref<10000xi32, #tpu.memory_space<vmem>> -> memref<80xi32, #tpu.memory_space<vmem>>
      %dma_start3A_183 = arith.constant 0 : i32
      %dma_start3A_184 = arith.constant 0 : i32
      %dma_start3A_185 = tpu.memref_slice %arg20[%dma_start3A_183, %dma_start3A_184] : memref<10240x16xf32, #tpu.memory_space<vmem_shared>> -> memref<10240x16xf32, #tpu.memory_space<vmem_shared>>
      tpu.enqueue_indirect_dma source(%arg7 : memref<80x16xf32, #tpu.memory_space<vmem>>) target(%dma_start3A_185 : memref<10240x16xf32, #tpu.memory_space<vmem_shared>>) offsets(%dma_start3A_182 : memref<80xi32, #tpu.memory_space<vmem>>) semaphore(%arg33 : memref<!tpu.dma_semaphore, #tpu.memory_space<semaphore_mem>>) {add = true}
      %mul3A_186 = arith.constant 12 : i32
      %mul3A_187 = arith.muli %scan3A_159, %mul3A_186 : i32
      %add3A_188 = arith.constant 1 : i32
      %add3A_189 = arith.addi %mul3A_187, %add3A_188 : i32
      %gt3A_190 = arith.constant 0 : i32
      %gt3A_191 = arith.cmpi sgt, %scan3A_159, %gt3A_190 : i32
      %convert_element_type3A_192 = arith.extui %gt3A_191 : i1 to i32
      %cond3A_193 = arith.constant 0 : i32
      %cond3A_194 = arith.cmpi ne, %convert_element_type3A_192, %cond3A_193 : i32
      scf.if %cond3A_194 {
        %dma_wait3A_495 = arith.constant 0 : i32
        %dma_wait3A_496 = tpu.memref_slice %arg6[%dma_wait3A_495] : memref<10000xi32, #tpu.memory_space<vmem>> -> memref<80xi32, #tpu.memory_space<vmem>>
        %dma_wait3A_497 = arith.constant 0 : i32
        %dma_wait3A_498 = arith.constant 0 : i32
        %dma_wait3A_499 = tpu.memref_slice %arg20[%dma_wait3A_497, %dma_wait3A_498] : memref<10240x16xf32, #tpu.memory_space<vmem_shared>> -> memref<10240x16xf32, #tpu.memory_space<vmem_shared>>
        tpu.wait_indirect_dma semaphore(%arg39 : memref<!tpu.dma_semaphore, #tpu.memory_space<semaphore_mem>>) src(%arg13 : memref<80x16xf32, #tpu.memory_space<vmem>>) dst(%dma_wait3A_499 : memref<10240x16xf32, #tpu.memory_space<vmem_shared>>)
      } else {
      }
      %add3A_195 = arith.constant 5 : i32
      %add3A_196 = arith.addi %add3A_189, %add3A_195 : i32
      %mul3A_197 = arith.constant 80 : i32
      %mul3A_198 = arith.muli %add3A_196, %mul3A_197 : i32
      %dma_start3A_199 = tpu.memref_slice %arg5[%mul3A_198] : memref<10000xi32, #tpu.memory_space<vmem>> -> memref<80xi32, #tpu.memory_space<vmem>>
      %dma_start3A_200 = arith.constant 0 : i32
      %dma_start3A_201 = arith.constant 0 : i32
      %dma_start3A_202 = tpu.memref_slice %arg3[%dma_start3A_200, %dma_start3A_201] : memref<10240x16xf32, #tpu.memory_space<hbm>> -> memref<10240x16xf32, #tpu.memory_space<hbm>>
      tpu.enqueue_indirect_dma source(%dma_start3A_202 : memref<10240x16xf32, #tpu.memory_space<hbm>>) target(%arg13 : memref<80x16xf32, #tpu.memory_space<vmem>>) offsets(%dma_start3A_199 : memref<80xi32, #tpu.memory_space<vmem>>) semaphore(%arg27 : memref<!tpu.dma_semaphore, #tpu.memory_space<semaphore_mem>>)
      %dma_wait3A_203 = arith.constant 0 : i32
      %dma_wait3A_204 = tpu.memref_slice %arg5[%dma_wait3A_203] : memref<10000xi32, #tpu.memory_space<vmem>> -> memref<80xi32, #tpu.memory_space<vmem>>
      %dma_wait3A_205 = arith.constant 0 : i32
      %dma_wait3A_206 = arith.constant 0 : i32
      %dma_wait3A_207 = tpu.memref_slice %arg3[%dma_wait3A_205, %dma_wait3A_206] : memref<10240x16xf32, #tpu.memory_space<hbm>> -> memref<10240x16xf32, #tpu.memory_space<hbm>>
      tpu.wait_indirect_dma semaphore(%arg22 : memref<!tpu.dma_semaphore, #tpu.memory_space<semaphore_mem>>) src(%dma_wait3A_207 : memref<10240x16xf32, #tpu.memory_space<hbm>>) dst(%arg8 : memref<80x16xf32, #tpu.memory_space<vmem>>)
      %mul3A_208 = arith.constant 80 : i32
      %mul3A_209 = arith.muli %add3A_189, %mul3A_208 : i32
      %dma_start3A_210 = tpu.memref_slice %arg6[%mul3A_209] : memref<10000xi32, #tpu.memory_space<vmem>> -> memref<80xi32, #tpu.memory_space<vmem>>
      %dma_start3A_211 = arith.constant 0 : i32
      %dma_start3A_212 = arith.constant 0 : i32
      %dma_start3A_213 = tpu.memref_slice %arg20[%dma_start3A_211, %dma_start3A_212] : memref<10240x16xf32, #tpu.memory_space<vmem_shared>> -> memref<10240x16xf32, #tpu.memory_space<vmem_shared>>
      tpu.enqueue_indirect_dma source(%arg8 : memref<80x16xf32, #tpu.memory_space<vmem>>) target(%dma_start3A_213 : memref<10240x16xf32, #tpu.memory_space<vmem_shared>>) offsets(%dma_start3A_210 : memref<80xi32, #tpu.memory_space<vmem>>) semaphore(%arg34 : memref<!tpu.dma_semaphore, #tpu.memory_space<semaphore_mem>>) {add = true}
      %mul3A_214 = arith.constant 12 : i32
      %mul3A_215 = arith.muli %scan3A_159, %mul3A_214 : i32
      %add3A_216 = arith.constant 2 : i32
      %add3A_217 = arith.addi %mul3A_215, %add3A_216 : i32
      %gt3A_218 = arith.constant 0 : i32
      %gt3A_219 = arith.cmpi sgt, %scan3A_159, %gt3A_218 : i32
      %convert_element_type3A_220 = arith.extui %gt3A_219 : i1 to i32
      %cond3A_221 = arith.constant 0 : i32
      %cond3A_222 = arith.cmpi ne, %convert_element_type3A_220, %cond3A_221 : i32
      scf.if %cond3A_222 {
        %dma_wait3A_495 = arith.constant 0 : i32
        %dma_wait3A_496 = tpu.memref_slice %arg6[%dma_wait3A_495] : memref<10000xi32, #tpu.memory_space<vmem>> -> memref<80xi32, #tpu.memory_space<vmem>>
        %dma_wait3A_497 = arith.constant 0 : i32
        %dma_wait3A_498 = arith.constant 0 : i32
        %dma_wait3A_499 = tpu.memref_slice %arg20[%dma_wait3A_497, %dma_wait3A_498] : memref<10240x16xf32, #tpu.memory_space<vmem_shared>> -> memref<10240x16xf32, #tpu.memory_space<vmem_shared>>
        tpu.wait_indirect_dma semaphore(%arg40 : memref<!tpu.dma_semaphore, #tpu.memory_space<semaphore_mem>>) src(%arg14 : memref<80x16xf32, #tpu.memory_space<vmem>>) dst(%dma_wait3A_499 : memref<10240x16xf32, #tpu.memory_space<vmem_shared>>)
      } else {
      }
      %add3A_223 = arith.constant 5 : i32
      %add3A_224 = arith.addi %add3A_217, %add3A_223 : i32
      %mul3A_225 = arith.constant 80 : i32
      %mul3A_226 = arith.muli %add3A_224, %mul3A_225 : i32
      %dma_start3A_227 = tpu.memref_slice %arg5[%mul3A_226] : memref<10000xi32, #tpu.memory_space<vmem>> -> memref<80xi32, #tpu.memory_space<vmem>>
      %dma_start3A_228 = arith.constant 0 : i32
      %dma_start3A_229 = arith.constant 0 : i32
      %dma_start3A_230 = tpu.memref_slice %arg3[%dma_start3A_228, %dma_start3A_229] : memref<10240x16xf32, #tpu.memory_space<hbm>> -> memref<10240x16xf32, #tpu.memory_space<hbm>>
      tpu.enqueue_indirect_dma source(%dma_start3A_230 : memref<10240x16xf32, #tpu.memory_space<hbm>>) target(%arg14 : memref<80x16xf32, #tpu.memory_space<vmem>>) offsets(%dma_start3A_227 : memref<80xi32, #tpu.memory_space<vmem>>) semaphore(%arg28 : memref<!tpu.dma_semaphore, #tpu.memory_space<semaphore_mem>>)
      %dma_wait3A_231 = arith.constant 0 : i32
      %dma_wait3A_232 = tpu.memref_slice %arg5[%dma_wait3A_231] : memref<10000xi32, #tpu.memory_space<vmem>> -> memref<80xi32, #tpu.memory_space<vmem>>
      %dma_wait3A_233 = arith.constant 0 : i32
      %dma_wait3A_234 = arith.constant 0 : i32
      %dma_wait3A_235 = tpu.memref_slice %arg3[%dma_wait3A_233, %dma_wait3A_234] : memref<10240x16xf32, #tpu.memory_space<hbm>> -> memref<10240x16xf32, #tpu.memory_space<hbm>>
      tpu.wait_indirect_dma semaphore(%arg23 : memref<!tpu.dma_semaphore, #tpu.memory_space<semaphore_mem>>) src(%dma_wait3A_235 : memref<10240x16xf32, #tpu.memory_space<hbm>>) dst(%arg9 : memref<80x16xf32, #tpu.memory_space<vmem>>)
      %mul3A_236 = arith.constant 80 : i32
      %mul3A_237 = arith.muli %add3A_217, %mul3A_236 : i32
      %dma_start3A_238 = tpu.memref_slice %arg6[%mul3A_237] : memref<10000xi32, #tpu.memory_space<vmem>> -> memref<80xi32, #tpu.memory_space<vmem>>
      %dma_start3A_239 = arith.constant 0 : i32
      %dma_start3A_240 = arith.constant 0 : i32
      %dma_start3A_241 = tpu.memref_slice %arg20[%dma_start3A_239, %dma_start3A_240] : memref<10240x16xf32, #tpu.memory_space<vmem_shared>> -> memref<10240x16xf32, #tpu.memory_space<vmem_shared>>
      tpu.enqueue_indirect_dma source(%arg9 : memref<80x16xf32, #tpu.memory_space<vmem>>) target(%dma_start3A_241 : memref<10240x16xf32, #tpu.memory_space<vmem_shared>>) offsets(%dma_start3A_238 : memref<80xi32, #tpu.memory_space<vmem>>) semaphore(%arg35 : memref<!tpu.dma_semaphore, #tpu.memory_space<semaphore_mem>>) {add = true}
      %mul3A_242 = arith.constant 12 : i32
      %mul3A_243 = arith.muli %scan3A_159, %mul3A_242 : i32
      %add3A_244 = arith.constant 3 : i32
      %add3A_245 = arith.addi %mul3A_243, %add3A_244 : i32
      %gt3A_246 = arith.constant 0 : i32
      %gt3A_247 = arith.cmpi sgt, %scan3A_159, %gt3A_246 : i32
      %convert_element_type3A_248 = arith.extui %gt3A_247 : i1 to i32
      %cond3A_249 = arith.constant 0 : i32
      %cond3A_250 = arith.cmpi ne, %convert_element_type3A_248, %cond3A_249 : i32
      scf.if %cond3A_250 {
        %dma_wait3A_495 = arith.constant 0 : i32
        %dma_wait3A_496 = tpu.memref_slice %arg6[%dma_wait3A_495] : memref<10000xi32, #tpu.memory_space<vmem>> -> memref<80xi32, #tpu.memory_space<vmem>>
        %dma_wait3A_497 = arith.constant 0 : i32
        %dma_wait3A_498 = arith.constant 0 : i32
        %dma_wait3A_499 = tpu.memref_slice %arg20[%dma_wait3A_497, %dma_wait3A_498] : memref<10240x16xf32, #tpu.memory_space<vmem_shared>> -> memref<10240x16xf32, #tpu.memory_space<vmem_shared>>
        tpu.wait_indirect_dma semaphore(%arg41 : memref<!tpu.dma_semaphore, #tpu.memory_space<semaphore_mem>>) src(%arg15 : memref<80x16xf32, #tpu.memory_space<vmem>>) dst(%dma_wait3A_499 : memref<10240x16xf32, #tpu.memory_space<vmem_shared>>)
      } else {
      }
      %add3A_251 = arith.constant 5 : i32
      %add3A_252 = arith.addi %add3A_245, %add3A_251 : i32
      %mul3A_253 = arith.constant 80 : i32
      %mul3A_254 = arith.muli %add3A_252, %mul3A_253 : i32
      %dma_start3A_255 = tpu.memref_slice %arg5[%mul3A_254] : memref<10000xi32, #tpu.memory_space<vmem>> -> memref<80xi32, #tpu.memory_space<vmem>>
      %dma_start3A_256 = arith.constant 0 : i32
      %dma_start3A_257 = arith.constant 0 : i32
      %dma_start3A_258 = tpu.memref_slice %arg3[%dma_start3A_256, %dma_start3A_257] : memref<10240x16xf32, #tpu.memory_space<hbm>> -> memref<10240x16xf32, #tpu.memory_space<hbm>>
      tpu.enqueue_indirect_dma source(%dma_start3A_258 : memref<10240x16xf32, #tpu.memory_space<hbm>>) target(%arg15 : memref<80x16xf32, #tpu.memory_space<vmem>>) offsets(%dma_start3A_255 : memref<80xi32, #tpu.memory_space<vmem>>) semaphore(%arg29 : memref<!tpu.dma_semaphore, #tpu.memory_space<semaphore_mem>>)
      %dma_wait3A_259 = arith.constant 0 : i32
      %dma_wait3A_260 = tpu.memref_slice %arg5[%dma_wait3A_259] : memref<10000xi32, #tpu.memory_space<vmem>> -> memref<80xi32, #tpu.memory_space<vmem>>
      %dma_wait3A_261 = arith.constant 0 : i32
      %dma_wait3A_262 = arith.constant 0 : i32
      %dma_wait3A_263 = tpu.memref_slice %arg3[%dma_wait3A_261, %dma_wait3A_262] : memref<10240x16xf32, #tpu.memory_space<hbm>> -> memref<10240x16xf32, #tpu.memory_space<hbm>>
      tpu.wait_indirect_dma semaphore(%arg24 : memref<!tpu.dma_semaphore, #tpu.memory_space<semaphore_mem>>) src(%dma_wait3A_263 : memref<10240x16xf32, #tpu.memory_space<hbm>>) dst(%arg10 : memref<80x16xf32, #tpu.memory_space<vmem>>)
      %mul3A_264 = arith.constant 80 : i32
      %mul3A_265 = arith.muli %add3A_245, %mul3A_264 : i32
      %dma_start3A_266 = tpu.memref_slice %arg6[%mul3A_265] : memref<10000xi32, #tpu.memory_space<vmem>> -> memref<80xi32, #tpu.memory_space<vmem>>
      %dma_start3A_267 = arith.constant 0 : i32
      %dma_start3A_268 = arith.constant 0 : i32
      %dma_start3A_269 = tpu.memref_slice %arg20[%dma_start3A_267, %dma_start3A_268] : memref<10240x16xf32, #tpu.memory_space<vmem_shared>> -> memref<10240x16xf32, #tpu.memory_space<vmem_shared>>
      tpu.enqueue_indirect_dma source(%arg10 : memref<80x16xf32, #tpu.memory_space<vmem>>) target(%dma_start3A_269 : memref<10240x16xf32, #tpu.memory_space<vmem_shared>>) offsets(%dma_start3A_266 : memref<80xi32, #tpu.memory_space<vmem>>) semaphore(%arg36 : memref<!tpu.dma_semaphore, #tpu.memory_space<semaphore_mem>>) {add = true}
      %mul3A_270 = arith.constant 12 : i32
      %mul3A_271 = arith.muli %scan3A_159, %mul3A_270 : i32
      %add3A_272 = arith.constant 4 : i32
      %add3A_273 = arith.addi %mul3A_271, %add3A_272 : i32
      %gt3A_274 = arith.constant 0 : i32
      %gt3A_275 = arith.cmpi sgt, %scan3A_159, %gt3A_274 : i32
      %convert_element_type3A_276 = arith.extui %gt3A_275 : i1 to i32
      %cond3A_277 = arith.constant 0 : i32
      %cond3A_278 = arith.cmpi ne, %convert_element_type3A_276, %cond3A_277 : i32
      scf.if %cond3A_278 {
        %dma_wait3A_495 = arith.constant 0 : i32
        %dma_wait3A_496 = tpu.memref_slice %arg6[%dma_wait3A_495] : memref<10000xi32, #tpu.memory_space<vmem>> -> memref<80xi32, #tpu.memory_space<vmem>>
        %dma_wait3A_497 = arith.constant 0 : i32
        %dma_wait3A_498 = arith.constant 0 : i32
        %dma_wait3A_499 = tpu.memref_slice %arg20[%dma_wait3A_497, %dma_wait3A_498] : memref<10240x16xf32, #tpu.memory_space<vmem_shared>> -> memref<10240x16xf32, #tpu.memory_space<vmem_shared>>
        tpu.wait_indirect_dma semaphore(%arg42 : memref<!tpu.dma_semaphore, #tpu.memory_space<semaphore_mem>>) src(%arg16 : memref<80x16xf32, #tpu.memory_space<vmem>>) dst(%dma_wait3A_499 : memref<10240x16xf32, #tpu.memory_space<vmem_shared>>)
      } else {
      }
      %add3A_279 = arith.constant 5 : i32
      %add3A_280 = arith.addi %add3A_273, %add3A_279 : i32
      %mul3A_281 = arith.constant 80 : i32
      %mul3A_282 = arith.muli %add3A_280, %mul3A_281 : i32
      %dma_start3A_283 = tpu.memref_slice %arg5[%mul3A_282] : memref<10000xi32, #tpu.memory_space<vmem>> -> memref<80xi32, #tpu.memory_space<vmem>>
      %dma_start3A_284 = arith.constant 0 : i32
      %dma_start3A_285 = arith.constant 0 : i32
      %dma_start3A_286 = tpu.memref_slice %arg3[%dma_start3A_284, %dma_start3A_285] : memref<10240x16xf32, #tpu.memory_space<hbm>> -> memref<10240x16xf32, #tpu.memory_space<hbm>>
      tpu.enqueue_indirect_dma source(%dma_start3A_286 : memref<10240x16xf32, #tpu.memory_space<hbm>>) target(%arg16 : memref<80x16xf32, #tpu.memory_space<vmem>>) offsets(%dma_start3A_283 : memref<80xi32, #tpu.memory_space<vmem>>) semaphore(%arg30 : memref<!tpu.dma_semaphore, #tpu.memory_space<semaphore_mem>>)
      %dma_wait3A_287 = arith.constant 0 : i32
      %dma_wait3A_288 = tpu.memref_slice %arg5[%dma_wait3A_287] : memref<10000xi32, #tpu.memory_space<vmem>> -> memref<80xi32, #tpu.memory_space<vmem>>
      %dma_wait3A_289 = arith.constant 0 : i32
      %dma_wait3A_290 = arith.constant 0 : i32
      %dma_wait3A_291 = tpu.memref_slice %arg3[%dma_wait3A_289, %dma_wait3A_290] : memref<10240x16xf32, #tpu.memory_space<hbm>> -> memref<10240x16xf32, #tpu.memory_space<hbm>>
      tpu.wait_indirect_dma semaphore(%arg25 : memref<!tpu.dma_semaphore, #tpu.memory_space<semaphore_mem>>) src(%dma_wait3A_291 : memref<10240x16xf32, #tpu.memory_space<hbm>>) dst(%arg11 : memref<80x16xf32, #tpu.memory_space<vmem>>)
      %mul3A_292 = arith.constant 80 : i32
      %mul3A_293 = arith.muli %add3A_273, %mul3A_292 : i32
      %dma_start3A_294 = tpu.memref_slice %arg6[%mul3A_293] : memref<10000xi32, #tpu.memory_space<vmem>> -> memref<80xi32, #tpu.memory_space<vmem>>
      %dma_start3A_295 = arith.constant 0 : i32
      %dma_start3A_296 = arith.constant 0 : i32
      %dma_start3A_297 = tpu.memref_slice %arg20[%dma_start3A_295, %dma_start3A_296] : memref<10240x16xf32, #tpu.memory_space<vmem_shared>> -> memref<10240x16xf32, #tpu.memory_space<vmem_shared>>
      tpu.enqueue_indirect_dma source(%arg11 : memref<80x16xf32, #tpu.memory_space<vmem>>) target(%dma_start3A_297 : memref<10240x16xf32, #tpu.memory_space<vmem_shared>>) offsets(%dma_start3A_294 : memref<80xi32, #tpu.memory_space<vmem>>) semaphore(%arg37 : memref<!tpu.dma_semaphore, #tpu.memory_space<semaphore_mem>>) {add = true}
      %mul3A_298 = arith.constant 12 : i32
      %mul3A_299 = arith.muli %scan3A_159, %mul3A_298 : i32
      %add3A_300 = arith.constant 5 : i32
      %add3A_301 = arith.addi %mul3A_299, %add3A_300 : i32
      %gt3A_302 = arith.constant 0 : i32
      %gt3A_303 = arith.cmpi sgt, %scan3A_159, %gt3A_302 : i32
      %convert_element_type3A_304 = arith.extui %gt3A_303 : i1 to i32
      %cond3A_305 = arith.constant 0 : i32
      %cond3A_306 = arith.cmpi ne, %convert_element_type3A_304, %cond3A_305 : i32
      scf.if %cond3A_306 {
        %dma_wait3A_495 = arith.constant 0 : i32
        %dma_wait3A_496 = tpu.memref_slice %arg6[%dma_wait3A_495] : memref<10000xi32, #tpu.memory_space<vmem>> -> memref<80xi32, #tpu.memory_space<vmem>>
        %dma_wait3A_497 = arith.constant 0 : i32
        %dma_wait3A_498 = arith.constant 0 : i32
        %dma_wait3A_499 = tpu.memref_slice %arg20[%dma_wait3A_497, %dma_wait3A_498] : memref<10240x16xf32, #tpu.memory_space<vmem_shared>> -> memref<10240x16xf32, #tpu.memory_space<vmem_shared>>
        tpu.wait_indirect_dma semaphore(%arg43 : memref<!tpu.dma_semaphore, #tpu.memory_space<semaphore_mem>>) src(%arg17 : memref<80x16xf32, #tpu.memory_space<vmem>>) dst(%dma_wait3A_499 : memref<10240x16xf32, #tpu.memory_space<vmem_shared>>)
      } else {
      }
      %add3A_307 = arith.constant 5 : i32
      %add3A_308 = arith.addi %add3A_301, %add3A_307 : i32
      %mul3A_309 = arith.constant 80 : i32
      %mul3A_310 = arith.muli %add3A_308, %mul3A_309 : i32
      %dma_start3A_311 = tpu.memref_slice %arg5[%mul3A_310] : memref<10000xi32, #tpu.memory_space<vmem>> -> memref<80xi32, #tpu.memory_space<vmem>>
      %dma_start3A_312 = arith.constant 0 : i32
      %dma_start3A_313 = arith.constant 0 : i32
      %dma_start3A_314 = tpu.memref_slice %arg3[%dma_start3A_312, %dma_start3A_313] : memref<10240x16xf32, #tpu.memory_space<hbm>> -> memref<10240x16xf32, #tpu.memory_space<hbm>>
      tpu.enqueue_indirect_dma source(%dma_start3A_314 : memref<10240x16xf32, #tpu.memory_space<hbm>>) target(%arg17 : memref<80x16xf32, #tpu.memory_space<vmem>>) offsets(%dma_start3A_311 : memref<80xi32, #tpu.memory_space<vmem>>) semaphore(%arg31 : memref<!tpu.dma_semaphore, #tpu.memory_space<semaphore_mem>>)
      %dma_wait3A_315 = arith.constant 0 : i32
      %dma_wait3A_316 = tpu.memref_slice %arg5[%dma_wait3A_315] : memref<10000xi32, #tpu.memory_space<vmem>> -> memref<80xi32, #tpu.memory_space<vmem>>
      %dma_wait3A_317 = arith.constant 0 : i32
      %dma_wait3A_318 = arith.constant 0 : i32
      %dma_wait3A_319 = tpu.memref_slice %arg3[%dma_wait3A_317, %dma_wait3A_318] : memref<10240x16xf32, #tpu.memory_space<hbm>> -> memref<10240x16xf32, #tpu.memory_space<hbm>>
      tpu.wait_indirect_dma semaphore(%arg26 : memref<!tpu.dma_semaphore, #tpu.memory_space<semaphore_mem>>) src(%dma_wait3A_319 : memref<10240x16xf32, #tpu.memory_space<hbm>>) dst(%arg12 : memref<80x16xf32, #tpu.memory_space<vmem>>)
      %mul3A_320 = arith.constant 80 : i32
      %mul3A_321 = arith.muli %add3A_301, %mul3A_320 : i32
      %dma_start3A_322 = tpu.memref_slice %arg6[%mul3A_321] : memref<10000xi32, #tpu.memory_space<vmem>> -> memref<80xi32, #tpu.memory_space<vmem>>
      %dma_start3A_323 = arith.constant 0 : i32
      %dma_start3A_324 = arith.constant 0 : i32
      %dma_start3A_325 = tpu.memref_slice %arg20[%dma_start3A_323, %dma_start3A_324] : memref<10240x16xf32, #tpu.memory_space<vmem_shared>> -> memref<10240x16xf32, #tpu.memory_space<vmem_shared>>
      tpu.enqueue_indirect_dma source(%arg12 : memref<80x16xf32, #tpu.memory_space<vmem>>) target(%dma_start3A_325 : memref<10240x16xf32, #tpu.memory_space<vmem_shared>>) offsets(%dma_start3A_322 : memref<80xi32, #tpu.memory_space<vmem>>) semaphore(%arg38 : memref<!tpu.dma_semaphore, #tpu.memory_space<semaphore_mem>>) {add = true}
      %mul3A_326 = arith.constant 12 : i32
      %mul3A_327 = arith.muli %scan3A_159, %mul3A_326 : i32
      %add3A_328 = arith.constant 6 : i32
      %add3A_329 = arith.addi %mul3A_327, %add3A_328 : i32
      %gt3A_330 = arith.constant 0 : i32
      %gt3A_331 = arith.cmpi sgt, %scan3A_159, %gt3A_330 : i32
      %convert_element_type3A_332 = arith.extui %gt3A_331 : i1 to i32
      %cond3A_333 = arith.constant 0 : i32
      %cond3A_334 = arith.cmpi ne, %convert_element_type3A_332, %cond3A_333 : i32
      scf.if %cond3A_334 {
        %dma_wait3A_495 = arith.constant 0 : i32
        %dma_wait3A_496 = tpu.memref_slice %arg6[%dma_wait3A_495] : memref<10000xi32, #tpu.memory_space<vmem>> -> memref<80xi32, #tpu.memory_space<vmem>>
        %dma_wait3A_497 = arith.constant 0 : i32
        %dma_wait3A_498 = arith.constant 0 : i32
        %dma_wait3A_499 = tpu.memref_slice %arg20[%dma_wait3A_497, %dma_wait3A_498] : memref<10240x16xf32, #tpu.memory_space<vmem_shared>> -> memref<10240x16xf32, #tpu.memory_space<vmem_shared>>
        tpu.wait_indirect_dma semaphore(%arg44 : memref<!tpu.dma_semaphore, #tpu.memory_space<semaphore_mem>>) src(%arg18 : memref<80x16xf32, #tpu.memory_space<vmem>>) dst(%dma_wait3A_499 : memref<10240x16xf32, #tpu.memory_space<vmem_shared>>)
      } else {
      }
      %add3A_335 = arith.constant 5 : i32
      %add3A_336 = arith.addi %add3A_329, %add3A_335 : i32
      %mul3A_337 = arith.constant 80 : i32
      %mul3A_338 = arith.muli %add3A_336, %mul3A_337 : i32
      %dma_start3A_339 = tpu.memref_slice %arg5[%mul3A_338] : memref<10000xi32, #tpu.memory_space<vmem>> -> memref<80xi32, #tpu.memory_space<vmem>>
      %dma_start3A_340 = arith.constant 0 : i32
      %dma_start3A_341 = arith.constant 0 : i32
      %dma_start3A_342 = tpu.memref_slice %arg3[%dma_start3A_340, %dma_start3A_341] : memref<10240x16xf32, #tpu.memory_space<hbm>> -> memref<10240x16xf32, #tpu.memory_space<hbm>>
      tpu.enqueue_indirect_dma source(%dma_start3A_342 : memref<10240x16xf32, #tpu.memory_space<hbm>>) target(%arg18 : memref<80x16xf32, #tpu.memory_space<vmem>>) offsets(%dma_start3A_339 : memref<80xi32, #tpu.memory_space<vmem>>) semaphore(%arg32 : memref<!tpu.dma_semaphore, #tpu.memory_space<semaphore_mem>>)
      %dma_wait3A_343 = arith.constant 0 : i32
      %dma_wait3A_344 = tpu.memref_slice %arg5[%dma_wait3A_343] : memref<10000xi32, #tpu.memory_space<vmem>> -> memref<80xi32, #tpu.memory_space<vmem>>
      %dma_wait3A_345 = arith.constant 0 : i32
      %dma_wait3A_346 = arith.constant 0 : i32
      %dma_wait3A_347 = tpu.memref_slice %arg3[%dma_wait3A_345, %dma_wait3A_346] : memref<10240x16xf32, #tpu.memory_space<hbm>> -> memref<10240x16xf32, #tpu.memory_space<hbm>>
      tpu.wait_indirect_dma semaphore(%arg27 : memref<!tpu.dma_semaphore, #tpu.memory_space<semaphore_mem>>) src(%dma_wait3A_347 : memref<10240x16xf32, #tpu.memory_space<hbm>>) dst(%arg13 : memref<80x16xf32, #tpu.memory_space<vmem>>)
      %mul3A_348 = arith.constant 80 : i32
      %mul3A_349 = arith.muli %add3A_329, %mul3A_348 : i32
      %dma_start3A_350 = tpu.memref_slice %arg6[%mul3A_349] : memref<10000xi32, #tpu.memory_space<vmem>> -> memref<80xi32, #tpu.memory_space<vmem>>
      %dma_start3A_351 = arith.constant 0 : i32
      %dma_start3A_352 = arith.constant 0 : i32
      %dma_start3A_353 = tpu.memref_slice %arg20[%dma_start3A_351, %dma_start3A_352] : memref<10240x16xf32, #tpu.memory_space<vmem_shared>> -> memref<10240x16xf32, #tpu.memory_space<vmem_shared>>
      tpu.enqueue_indirect_dma source(%arg13 : memref<80x16xf32, #tpu.memory_space<vmem>>) target(%dma_start3A_353 : memref<10240x16xf32, #tpu.memory_space<vmem_shared>>) offsets(%dma_start3A_350 : memref<80xi32, #tpu.memory_space<vmem>>) semaphore(%arg39 : memref<!tpu.dma_semaphore, #tpu.memory_space<semaphore_mem>>) {add = true}
      %mul3A_354 = arith.constant 12 : i32
      %mul3A_355 = arith.muli %scan3A_159, %mul3A_354 : i32
      %add3A_356 = arith.constant 7 : i32
      %add3A_357 = arith.addi %mul3A_355, %add3A_356 : i32
      %dma_wait3A_358 = arith.constant 0 : i32
      %dma_wait3A_359 = tpu.memref_slice %arg6[%dma_wait3A_358] : memref<10000xi32, #tpu.memory_space<vmem>> -> memref<80xi32, #tpu.memory_space<vmem>>
      %dma_wait3A_360 = arith.constant 0 : i32
      %dma_wait3A_361 = arith.constant 0 : i32
      %dma_wait3A_362 = tpu.memref_slice %arg20[%dma_wait3A_360, %dma_wait3A_361] : memref<10240x16xf32, #tpu.memory_space<vmem_shared>> -> memref<10240x16xf32, #tpu.memory_space<vmem_shared>>
      tpu.wait_indirect_dma semaphore(%arg33 : memref<!tpu.dma_semaphore, #tpu.memory_space<semaphore_mem>>) src(%arg7 : memref<80x16xf32, #tpu.memory_space<vmem>>) dst(%dma_wait3A_362 : memref<10240x16xf32, #tpu.memory_space<vmem_shared>>)
      %add3A_363 = arith.constant 5 : i32
      %add3A_364 = arith.addi %add3A_357, %add3A_363 : i32
      %mul3A_365 = arith.constant 80 : i32
      %mul3A_366 = arith.muli %add3A_364, %mul3A_365 : i32
      %dma_start3A_367 = tpu.memref_slice %arg5[%mul3A_366] : memref<10000xi32, #tpu.memory_space<vmem>> -> memref<80xi32, #tpu.memory_space<vmem>>
      %dma_start3A_368 = arith.constant 0 : i32
      %dma_start3A_369 = arith.constant 0 : i32
      %dma_start3A_370 = tpu.memref_slice %arg3[%dma_start3A_368, %dma_start3A_369] : memref<10240x16xf32, #tpu.memory_space<hbm>> -> memref<10240x16xf32, #tpu.memory_space<hbm>>
      tpu.enqueue_indirect_dma source(%dma_start3A_370 : memref<10240x16xf32, #tpu.memory_space<hbm>>) target(%arg7 : memref<80x16xf32, #tpu.memory_space<vmem>>) offsets(%dma_start3A_367 : memref<80xi32, #tpu.memory_space<vmem>>) semaphore(%arg21 : memref<!tpu.dma_semaphore, #tpu.memory_space<semaphore_mem>>)
      %dma_wait3A_371 = arith.constant 0 : i32
      %dma_wait3A_372 = tpu.memref_slice %arg5[%dma_wait3A_371] : memref<10000xi32, #tpu.memory_space<vmem>> -> memref<80xi32, #tpu.memory_space<vmem>>
      %dma_wait3A_373 = arith.constant 0 : i32
      %dma_wait3A_374 = arith.constant 0 : i32
      %dma_wait3A_375 = tpu.memref_slice %arg3[%dma_wait3A_373, %dma_wait3A_374] : memref<10240x16xf32, #tpu.memory_space<hbm>> -> memref<10240x16xf32, #tpu.memory_space<hbm>>
      tpu.wait_indirect_dma semaphore(%arg28 : memref<!tpu.dma_semaphore, #tpu.memory_space<semaphore_mem>>) src(%dma_wait3A_375 : memref<10240x16xf32, #tpu.memory_space<hbm>>) dst(%arg14 : memref<80x16xf32, #tpu.memory_space<vmem>>)
      %mul3A_376 = arith.constant 80 : i32
      %mul3A_377 = arith.muli %add3A_357, %mul3A_376 : i32
      %dma_start3A_378 = tpu.memref_slice %arg6[%mul3A_377] : memref<10000xi32, #tpu.memory_space<vmem>> -> memref<80xi32, #tpu.memory_space<vmem>>
      %dma_start3A_379 = arith.constant 0 : i32
      %dma_start3A_380 = arith.constant 0 : i32
      %dma_start3A_381 = tpu.memref_slice %arg20[%dma_start3A_379, %dma_start3A_380] : memref<10240x16xf32, #tpu.memory_space<vmem_shared>> -> memref<10240x16xf32, #tpu.memory_space<vmem_shared>>
      tpu.enqueue_indirect_dma source(%arg14 : memref<80x16xf32, #tpu.memory_space<vmem>>) target(%dma_start3A_381 : memref<10240x16xf32, #tpu.memory_space<vmem_shared>>) offsets(%dma_start3A_378 : memref<80xi32, #tpu.memory_space<vmem>>) semaphore(%arg40 : memref<!tpu.dma_semaphore, #tpu.memory_space<semaphore_mem>>) {add = true}
      %mul3A_382 = arith.constant 12 : i32
      %mul3A_383 = arith.muli %scan3A_159, %mul3A_382 : i32
      %add3A_384 = arith.constant 8 : i32
      %add3A_385 = arith.addi %mul3A_383, %add3A_384 : i32
      %dma_wait3A_386 = arith.constant 0 : i32
      %dma_wait3A_387 = tpu.memref_slice %arg6[%dma_wait3A_386] : memref<10000xi32, #tpu.memory_space<vmem>> -> memref<80xi32, #tpu.memory_space<vmem>>
      %dma_wait3A_388 = arith.constant 0 : i32
      %dma_wait3A_389 = arith.constant 0 : i32
      %dma_wait3A_390 = tpu.memref_slice %arg20[%dma_wait3A_388, %dma_wait3A_389] : memref<10240x16xf32, #tpu.memory_space<vmem_shared>> -> memref<10240x16xf32, #tpu.memory_space<vmem_shared>>
      tpu.wait_indirect_dma semaphore(%arg34 : memref<!tpu.dma_semaphore, #tpu.memory_space<semaphore_mem>>) src(%arg8 : memref<80x16xf32, #tpu.memory_space<vmem>>) dst(%dma_wait3A_390 : memref<10240x16xf32, #tpu.memory_space<vmem_shared>>)
      %add3A_391 = arith.constant 5 : i32
      %add3A_392 = arith.addi %add3A_385, %add3A_391 : i32
      %mul3A_393 = arith.constant 80 : i32
      %mul3A_394 = arith.muli %add3A_392, %mul3A_393 : i32
      %dma_start3A_395 = tpu.memref_slice %arg5[%mul3A_394] : memref<10000xi32, #tpu.memory_space<vmem>> -> memref<80xi32, #tpu.memory_space<vmem>>
      %dma_start3A_396 = arith.constant 0 : i32
      %dma_start3A_397 = arith.constant 0 : i32
      %dma_start3A_398 = tpu.memref_slice %arg3[%dma_start3A_396, %dma_start3A_397] : memref<10240x16xf32, #tpu.memory_space<hbm>> -> memref<10240x16xf32, #tpu.memory_space<hbm>>
      tpu.enqueue_indirect_dma source(%dma_start3A_398 : memref<10240x16xf32, #tpu.memory_space<hbm>>) target(%arg8 : memref<80x16xf32, #tpu.memory_space<vmem>>) offsets(%dma_start3A_395 : memref<80xi32, #tpu.memory_space<vmem>>) semaphore(%arg22 : memref<!tpu.dma_semaphore, #tpu.memory_space<semaphore_mem>>)
      %dma_wait3A_399 = arith.constant 0 : i32
      %dma_wait3A_400 = tpu.memref_slice %arg5[%dma_wait3A_399] : memref<10000xi32, #tpu.memory_space<vmem>> -> memref<80xi32, #tpu.memory_space<vmem>>
      %dma_wait3A_401 = arith.constant 0 : i32
      %dma_wait3A_402 = arith.constant 0 : i32
      %dma_wait3A_403 = tpu.memref_slice %arg3[%dma_wait3A_401, %dma_wait3A_402] : memref<10240x16xf32, #tpu.memory_space<hbm>> -> memref<10240x16xf32, #tpu.memory_space<hbm>>
      tpu.wait_indirect_dma semaphore(%arg29 : memref<!tpu.dma_semaphore, #tpu.memory_space<semaphore_mem>>) src(%dma_wait3A_403 : memref<10240x16xf32, #tpu.memory_space<hbm>>) dst(%arg15 : memref<80x16xf32, #tpu.memory_space<vmem>>)
      %mul3A_404 = arith.constant 80 : i32
      %mul3A_405 = arith.muli %add3A_385, %mul3A_404 : i32
      %dma_start3A_406 = tpu.memref_slice %arg6[%mul3A_405] : memref<10000xi32, #tpu.memory_space<vmem>> -> memref<80xi32, #tpu.memory_space<vmem>>
      %dma_start3A_407 = arith.constant 0 : i32
      %dma_start3A_408 = arith.constant 0 : i32
      %dma_start3A_409 = tpu.memref_slice %arg20[%dma_start3A_407, %dma_start3A_408] : memref<10240x16xf32, #tpu.memory_space<vmem_shared>> -> memref<10240x16xf32, #tpu.memory_space<vmem_shared>>
      tpu.enqueue_indirect_dma source(%arg15 : memref<80x16xf32, #tpu.memory_space<vmem>>) target(%dma_start3A_409 : memref<10240x16xf32, #tpu.memory_space<vmem_shared>>) offsets(%dma_start3A_406 : memref<80xi32, #tpu.memory_space<vmem>>) semaphore(%arg41 : memref<!tpu.dma_semaphore, #tpu.memory_space<semaphore_mem>>) {add = true}
      %mul3A_410 = arith.constant 12 : i32
      %mul3A_411 = arith.muli %scan3A_159, %mul3A_410 : i32
      %add3A_412 = arith.constant 9 : i32
      %add3A_413 = arith.addi %mul3A_411, %add3A_412 : i32
      %dma_wait3A_414 = arith.constant 0 : i32
      %dma_wait3A_415 = tpu.memref_slice %arg6[%dma_wait3A_414] : memref<10000xi32, #tpu.memory_space<vmem>> -> memref<80xi32, #tpu.memory_space<vmem>>
      %dma_wait3A_416 = arith.constant 0 : i32
      %dma_wait3A_417 = arith.constant 0 : i32
      %dma_wait3A_418 = tpu.memref_slice %arg20[%dma_wait3A_416, %dma_wait3A_417] : memref<10240x16xf32, #tpu.memory_space<vmem_shared>> -> memref<10240x16xf32, #tpu.memory_space<vmem_shared>>
      tpu.wait_indirect_dma semaphore(%arg35 : memref<!tpu.dma_semaphore, #tpu.memory_space<semaphore_mem>>) src(%arg9 : memref<80x16xf32, #tpu.memory_space<vmem>>) dst(%dma_wait3A_418 : memref<10240x16xf32, #tpu.memory_space<vmem_shared>>)
      %add3A_419 = arith.constant 5 : i32
      %add3A_420 = arith.addi %add3A_413, %add3A_419 : i32
      %mul3A_421 = arith.constant 80 : i32
      %mul3A_422 = arith.muli %add3A_420, %mul3A_421 : i32
      %dma_start3A_423 = tpu.memref_slice %arg5[%mul3A_422] : memref<10000xi32, #tpu.memory_space<vmem>> -> memref<80xi32, #tpu.memory_space<vmem>>
      %dma_start3A_424 = arith.constant 0 : i32
      %dma_start3A_425 = arith.constant 0 : i32
      %dma_start3A_426 = tpu.memref_slice %arg3[%dma_start3A_424, %dma_start3A_425] : memref<10240x16xf32, #tpu.memory_space<hbm>> -> memref<10240x16xf32, #tpu.memory_space<hbm>>
      tpu.enqueue_indirect_dma source(%dma_start3A_426 : memref<10240x16xf32, #tpu.memory_space<hbm>>) target(%arg9 : memref<80x16xf32, #tpu.memory_space<vmem>>) offsets(%dma_start3A_423 : memref<80xi32, #tpu.memory_space<vmem>>) semaphore(%arg23 : memref<!tpu.dma_semaphore, #tpu.memory_space<semaphore_mem>>)
      %dma_wait3A_427 = arith.constant 0 : i32
      %dma_wait3A_428 = tpu.memref_slice %arg5[%dma_wait3A_427] : memref<10000xi32, #tpu.memory_space<vmem>> -> memref<80xi32, #tpu.memory_space<vmem>>
      %dma_wait3A_429 = arith.constant 0 : i32
      %dma_wait3A_430 = arith.constant 0 : i32
      %dma_wait3A_431 = tpu.memref_slice %arg3[%dma_wait3A_429, %dma_wait3A_430] : memref<10240x16xf32, #tpu.memory_space<hbm>> -> memref<10240x16xf32, #tpu.memory_space<hbm>>
      tpu.wait_indirect_dma semaphore(%arg30 : memref<!tpu.dma_semaphore, #tpu.memory_space<semaphore_mem>>) src(%dma_wait3A_431 : memref<10240x16xf32, #tpu.memory_space<hbm>>) dst(%arg16 : memref<80x16xf32, #tpu.memory_space<vmem>>)
      %mul3A_432 = arith.constant 80 : i32
      %mul3A_433 = arith.muli %add3A_413, %mul3A_432 : i32
      %dma_start3A_434 = tpu.memref_slice %arg6[%mul3A_433] : memref<10000xi32, #tpu.memory_space<vmem>> -> memref<80xi32, #tpu.memory_space<vmem>>
      %dma_start3A_435 = arith.constant 0 : i32
      %dma_start3A_436 = arith.constant 0 : i32
      %dma_start3A_437 = tpu.memref_slice %arg20[%dma_start3A_435, %dma_start3A_436] : memref<10240x16xf32, #tpu.memory_space<vmem_shared>> -> memref<10240x16xf32, #tpu.memory_space<vmem_shared>>
      tpu.enqueue_indirect_dma source(%arg16 : memref<80x16xf32, #tpu.memory_space<vmem>>) target(%dma_start3A_437 : memref<10240x16xf32, #tpu.memory_space<vmem_shared>>) offsets(%dma_start3A_434 : memref<80xi32, #tpu.memory_space<vmem>>) semaphore(%arg42 : memref<!tpu.dma_semaphore, #tpu.memory_space<semaphore_mem>>) {add = true}
      %mul3A_438 = arith.constant 12 : i32
      %mul3A_439 = arith.muli %scan3A_159, %mul3A_438 : i32
      %add3A_440 = arith.constant 10 : i32
      %add3A_441 = arith.addi %mul3A_439, %add3A_440 : i32
      %dma_wait3A_442 = arith.constant 0 : i32
      %dma_wait3A_443 = tpu.memref_slice %arg6[%dma_wait3A_442] : memref<10000xi32, #tpu.memory_space<vmem>> -> memref<80xi32, #tpu.memory_space<vmem>>
      %dma_wait3A_444 = arith.constant 0 : i32
      %dma_wait3A_445 = arith.constant 0 : i32
      %dma_wait3A_446 = tpu.memref_slice %arg20[%dma_wait3A_444, %dma_wait3A_445] : memref<10240x16xf32, #tpu.memory_space<vmem_shared>> -> memref<10240x16xf32, #tpu.memory_space<vmem_shared>>
      tpu.wait_indirect_dma semaphore(%arg36 : memref<!tpu.dma_semaphore, #tpu.memory_space<semaphore_mem>>) src(%arg10 : memref<80x16xf32, #tpu.memory_space<vmem>>) dst(%dma_wait3A_446 : memref<10240x16xf32, #tpu.memory_space<vmem_shared>>)
      %add3A_447 = arith.constant 5 : i32
      %add3A_448 = arith.addi %add3A_441, %add3A_447 : i32
      %mul3A_449 = arith.constant 80 : i32
      %mul3A_450 = arith.muli %add3A_448, %mul3A_449 : i32
      %dma_start3A_451 = tpu.memref_slice %arg5[%mul3A_450] : memref<10000xi32, #tpu.memory_space<vmem>> -> memref<80xi32, #tpu.memory_space<vmem>>
      %dma_start3A_452 = arith.constant 0 : i32
      %dma_start3A_453 = arith.constant 0 : i32
      %dma_start3A_454 = tpu.memref_slice %arg3[%dma_start3A_452, %dma_start3A_453] : memref<10240x16xf32, #tpu.memory_space<hbm>> -> memref<10240x16xf32, #tpu.memory_space<hbm>>
      tpu.enqueue_indirect_dma source(%dma_start3A_454 : memref<10240x16xf32, #tpu.memory_space<hbm>>) target(%arg10 : memref<80x16xf32, #tpu.memory_space<vmem>>) offsets(%dma_start3A_451 : memref<80xi32, #tpu.memory_space<vmem>>) semaphore(%arg24 : memref<!tpu.dma_semaphore, #tpu.memory_space<semaphore_mem>>)
      %dma_wait3A_455 = arith.constant 0 : i32
      %dma_wait3A_456 = tpu.memref_slice %arg5[%dma_wait3A_455] : memref<10000xi32, #tpu.memory_space<vmem>> -> memref<80xi32, #tpu.memory_space<vmem>>
      %dma_wait3A_457 = arith.constant 0 : i32
      %dma_wait3A_458 = arith.constant 0 : i32
      %dma_wait3A_459 = tpu.memref_slice %arg3[%dma_wait3A_457, %dma_wait3A_458] : memref<10240x16xf32, #tpu.memory_space<hbm>> -> memref<10240x16xf32, #tpu.memory_space<hbm>>
      tpu.wait_indirect_dma semaphore(%arg31 : memref<!tpu.dma_semaphore, #tpu.memory_space<semaphore_mem>>) src(%dma_wait3A_459 : memref<10240x16xf32, #tpu.memory_space<hbm>>) dst(%arg17 : memref<80x16xf32, #tpu.memory_space<vmem>>)
      %mul3A_460 = arith.constant 80 : i32
      %mul3A_461 = arith.muli %add3A_441, %mul3A_460 : i32
      %dma_start3A_462 = tpu.memref_slice %arg6[%mul3A_461] : memref<10000xi32, #tpu.memory_space<vmem>> -> memref<80xi32, #tpu.memory_space<vmem>>
      %dma_start3A_463 = arith.constant 0 : i32
      %dma_start3A_464 = arith.constant 0 : i32
      %dma_start3A_465 = tpu.memref_slice %arg20[%dma_start3A_463, %dma_start3A_464] : memref<10240x16xf32, #tpu.memory_space<vmem_shared>> -> memref<10240x16xf32, #tpu.memory_space<vmem_shared>>
      tpu.enqueue_indirect_dma source(%arg17 : memref<80x16xf32, #tpu.memory_space<vmem>>) target(%dma_start3A_465 : memref<10240x16xf32, #tpu.memory_space<vmem_shared>>) offsets(%dma_start3A_462 : memref<80xi32, #tpu.memory_space<vmem>>) semaphore(%arg43 : memref<!tpu.dma_semaphore, #tpu.memory_space<semaphore_mem>>) {add = true}
      %mul3A_466 = arith.constant 12 : i32
      %mul3A_467 = arith.muli %scan3A_159, %mul3A_466 : i32
      %add3A_468 = arith.constant 11 : i32
      %add3A_469 = arith.addi %mul3A_467, %add3A_468 : i32
      %dma_wait3A_470 = arith.constant 0 : i32
      %dma_wait3A_471 = tpu.memref_slice %arg6[%dma_wait3A_470] : memref<10000xi32, #tpu.memory_space<vmem>> -> memref<80xi32, #tpu.memory_space<vmem>>
      %dma_wait3A_472 = arith.constant 0 : i32
      %dma_wait3A_473 = arith.constant 0 : i32
      %dma_wait3A_474 = tpu.memref_slice %arg20[%dma_wait3A_472, %dma_wait3A_473] : memref<10240x16xf32, #tpu.memory_space<vmem_shared>> -> memref<10240x16xf32, #tpu.memory_space<vmem_shared>>
      tpu.wait_indirect_dma semaphore(%arg37 : memref<!tpu.dma_semaphore, #tpu.memory_space<semaphore_mem>>) src(%arg11 : memref<80x16xf32, #tpu.memory_space<vmem>>) dst(%dma_wait3A_474 : memref<10240x16xf32, #tpu.memory_space<vmem_shared>>)
      %add3A_475 = arith.constant 5 : i32
      %add3A_476 = arith.addi %add3A_469, %add3A_475 : i32
      %mul3A_477 = arith.constant 80 : i32
      %mul3A_478 = arith.muli %add3A_476, %mul3A_477 : i32
      %dma_start3A_479 = tpu.memref_slice %arg5[%mul3A_478] : memref<10000xi32, #tpu.memory_space<vmem>> -> memref<80xi32, #tpu.memory_space<vmem>>
      %dma_start3A_480 = arith.constant 0 : i32
      %dma_start3A_481 = arith.constant 0 : i32
      %dma_start3A_482 = tpu.memref_slice %arg3[%dma_start3A_480, %dma_start3A_481] : memref<10240x16xf32, #tpu.memory_space<hbm>> -> memref<10240x16xf32, #tpu.memory_space<hbm>>
      tpu.enqueue_indirect_dma source(%dma_start3A_482 : memref<10240x16xf32, #tpu.memory_space<hbm>>) target(%arg11 : memref<80x16xf32, #tpu.memory_space<vmem>>) offsets(%dma_start3A_479 : memref<80xi32, #tpu.memory_space<vmem>>) semaphore(%arg25 : memref<!tpu.dma_semaphore, #tpu.memory_space<semaphore_mem>>)
      %dma_wait3A_483 = arith.constant 0 : i32
      %dma_wait3A_484 = tpu.memref_slice %arg5[%dma_wait3A_483] : memref<10000xi32, #tpu.memory_space<vmem>> -> memref<80xi32, #tpu.memory_space<vmem>>
      %dma_wait3A_485 = arith.constant 0 : i32
      %dma_wait3A_486 = arith.constant 0 : i32
      %dma_wait3A_487 = tpu.memref_slice %arg3[%dma_wait3A_485, %dma_wait3A_486] : memref<10240x16xf32, #tpu.memory_space<hbm>> -> memref<10240x16xf32, #tpu.memory_space<hbm>>
      tpu.wait_indirect_dma semaphore(%arg32 : memref<!tpu.dma_semaphore, #tpu.memory_space<semaphore_mem>>) src(%dma_wait3A_487 : memref<10240x16xf32, #tpu.memory_space<hbm>>) dst(%arg18 : memref<80x16xf32, #tpu.memory_space<vmem>>)
      %mul3A_488 = arith.constant 80 : i32
      %mul3A_489 = arith.muli %add3A_469, %mul3A_488 : i32
      %dma_start3A_490 = tpu.memref_slice %arg6[%mul3A_489] : memref<10000xi32, #tpu.memory_space<vmem>> -> memref<80xi32, #tpu.memory_space<vmem>>
      %dma_start3A_491 = arith.constant 0 : i32
      %dma_start3A_492 = arith.constant 0 : i32
      %dma_start3A_493 = tpu.memref_slice %arg20[%dma_start3A_491, %dma_start3A_492] : memref<10240x16xf32, #tpu.memory_space<vmem_shared>> -> memref<10240x16xf32, #tpu.memory_space<vmem_shared>>
      tpu.enqueue_indirect_dma source(%arg18 : memref<80x16xf32, #tpu.memory_space<vmem>>) target(%dma_start3A_493 : memref<10240x16xf32, #tpu.memory_space<vmem_shared>>) offsets(%dma_start3A_490 : memref<80xi32, #tpu.memory_space<vmem>>) semaphore(%arg44 : memref<!tpu.dma_semaphore, #tpu.memory_space<semaphore_mem>>) {add = true}
      %scan3A_494 = arith.constant 0 : i32
      scf.yield %scan3A_494 : i32
    }
    %scan3A_44 = arith.constant 10 : i32
    %dma_wait3A = arith.constant 0 : i32
    %dma_wait3A_45 = tpu.memref_slice %arg5[%dma_wait3A] : memref<10000xi32, #tpu.memory_space<vmem>> -> memref<80xi32, #tpu.memory_space<vmem>>
    %dma_wait3A_46 = arith.constant 0 : i32
    %dma_wait3A_47 = arith.constant 0 : i32
    %dma_wait3A_48 = tpu.memref_slice %arg3[%dma_wait3A_46, %dma_wait3A_47] : memref<10240x16xf32, #tpu.memory_space<hbm>> -> memref<10240x16xf32, #tpu.memory_space<hbm>>
    tpu.wait_indirect_dma semaphore(%arg21 : memref<!tpu.dma_semaphore, #tpu.memory_space<semaphore_mem>>) src(%dma_wait3A_48 : memref<10240x16xf32, #tpu.memory_space<hbm>>) dst(%arg7 : memref<80x16xf32, #tpu.memory_space<vmem>>)
    %dma_start3A_49 = arith.constant 9600 : i32
    %dma_start3A_50 = tpu.memref_slice %arg6[%dma_start3A_49] : memref<10000xi32, #tpu.memory_space<vmem>> -> memref<80xi32, #tpu.memory_space<vmem>>
    %dma_start3A_51 = arith.constant 0 : i32
    %dma_start3A_52 = arith.constant 0 : i32
    %dma_start3A_53 = tpu.memref_slice %arg20[%dma_start3A_51, %dma_start3A_52] : memref<10240x16xf32, #tpu.memory_space<vmem_shared>> -> memref<10240x16xf32, #tpu.memory_space<vmem_shared>>
    tpu.enqueue_indirect_dma source(%arg7 : memref<80x16xf32, #tpu.memory_space<vmem>>) target(%dma_start3A_53 : memref<10240x16xf32, #tpu.memory_space<vmem_shared>>) offsets(%dma_start3A_50 : memref<80xi32, #tpu.memory_space<vmem>>) semaphore(%arg33 : memref<!tpu.dma_semaphore, #tpu.memory_space<semaphore_mem>>) {add = true}
    %dma_wait3A_54 = arith.constant 0 : i32
    %dma_wait3A_55 = tpu.memref_slice %arg5[%dma_wait3A_54] : memref<10000xi32, #tpu.memory_space<vmem>> -> memref<80xi32, #tpu.memory_space<vmem>>
    %dma_wait3A_56 = arith.constant 0 : i32
    %dma_wait3A_57 = arith.constant 0 : i32
    %dma_wait3A_58 = tpu.memref_slice %arg3[%dma_wait3A_56, %dma_wait3A_57] : memref<10240x16xf32, #tpu.memory_space<hbm>> -> memref<10240x16xf32, #tpu.memory_space<hbm>>
    tpu.wait_indirect_dma semaphore(%arg22 : memref<!tpu.dma_semaphore, #tpu.memory_space<semaphore_mem>>) src(%dma_wait3A_58 : memref<10240x16xf32, #tpu.memory_space<hbm>>) dst(%arg8 : memref<80x16xf32, #tpu.memory_space<vmem>>)
    %dma_start3A_59 = arith.constant 9680 : i32
    %dma_start3A_60 = tpu.memref_slice %arg6[%dma_start3A_59] : memref<10000xi32, #tpu.memory_space<vmem>> -> memref<80xi32, #tpu.memory_space<vmem>>
    %dma_start3A_61 = arith.constant 0 : i32
    %dma_start3A_62 = arith.constant 0 : i32
    %dma_start3A_63 = tpu.memref_slice %arg20[%dma_start3A_61, %dma_start3A_62] : memref<10240x16xf32, #tpu.memory_space<vmem_shared>> -> memref<10240x16xf32, #tpu.memory_space<vmem_shared>>
    tpu.enqueue_indirect_dma source(%arg8 : memref<80x16xf32, #tpu.memory_space<vmem>>) target(%dma_start3A_63 : memref<10240x16xf32, #tpu.memory_space<vmem_shared>>) offsets(%dma_start3A_60 : memref<80xi32, #tpu.memory_space<vmem>>) semaphore(%arg34 : memref<!tpu.dma_semaphore, #tpu.memory_space<semaphore_mem>>) {add = true}
    %dma_wait3A_64 = arith.constant 0 : i32
    %dma_wait3A_65 = tpu.memref_slice %arg5[%dma_wait3A_64] : memref<10000xi32, #tpu.memory_space<vmem>> -> memref<80xi32, #tpu.memory_space<vmem>>
    %dma_wait3A_66 = arith.constant 0 : i32
    %dma_wait3A_67 = arith.constant 0 : i32
    %dma_wait3A_68 = tpu.memref_slice %arg3[%dma_wait3A_66, %dma_wait3A_67] : memref<10240x16xf32, #tpu.memory_space<hbm>> -> memref<10240x16xf32, #tpu.memory_space<hbm>>
    tpu.wait_indirect_dma semaphore(%arg23 : memref<!tpu.dma_semaphore, #tpu.memory_space<semaphore_mem>>) src(%dma_wait3A_68 : memref<10240x16xf32, #tpu.memory_space<hbm>>) dst(%arg9 : memref<80x16xf32, #tpu.memory_space<vmem>>)
    %dma_start3A_69 = arith.constant 9760 : i32
    %dma_start3A_70 = tpu.memref_slice %arg6[%dma_start3A_69] : memref<10000xi32, #tpu.memory_space<vmem>> -> memref<80xi32, #tpu.memory_space<vmem>>
    %dma_start3A_71 = arith.constant 0 : i32
    %dma_start3A_72 = arith.constant 0 : i32
    %dma_start3A_73 = tpu.memref_slice %arg20[%dma_start3A_71, %dma_start3A_72] : memref<10240x16xf32, #tpu.memory_space<vmem_shared>> -> memref<10240x16xf32, #tpu.memory_space<vmem_shared>>
    tpu.enqueue_indirect_dma source(%arg9 : memref<80x16xf32, #tpu.memory_space<vmem>>) target(%dma_start3A_73 : memref<10240x16xf32, #tpu.memory_space<vmem_shared>>) offsets(%dma_start3A_70 : memref<80xi32, #tpu.memory_space<vmem>>) semaphore(%arg35 : memref<!tpu.dma_semaphore, #tpu.memory_space<semaphore_mem>>) {add = true}
    %dma_wait3A_74 = arith.constant 0 : i32
    %dma_wait3A_75 = tpu.memref_slice %arg5[%dma_wait3A_74] : memref<10000xi32, #tpu.memory_space<vmem>> -> memref<80xi32, #tpu.memory_space<vmem>>
    %dma_wait3A_76 = arith.constant 0 : i32
    %dma_wait3A_77 = arith.constant 0 : i32
    %dma_wait3A_78 = tpu.memref_slice %arg3[%dma_wait3A_76, %dma_wait3A_77] : memref<10240x16xf32, #tpu.memory_space<hbm>> -> memref<10240x16xf32, #tpu.memory_space<hbm>>
    tpu.wait_indirect_dma semaphore(%arg24 : memref<!tpu.dma_semaphore, #tpu.memory_space<semaphore_mem>>) src(%dma_wait3A_78 : memref<10240x16xf32, #tpu.memory_space<hbm>>) dst(%arg10 : memref<80x16xf32, #tpu.memory_space<vmem>>)
    %dma_start3A_79 = arith.constant 9840 : i32
    %dma_start3A_80 = tpu.memref_slice %arg6[%dma_start3A_79] : memref<10000xi32, #tpu.memory_space<vmem>> -> memref<80xi32, #tpu.memory_space<vmem>>
    %dma_start3A_81 = arith.constant 0 : i32
    %dma_start3A_82 = arith.constant 0 : i32
    %dma_start3A_83 = tpu.memref_slice %arg20[%dma_start3A_81, %dma_start3A_82] : memref<10240x16xf32, #tpu.memory_space<vmem_shared>> -> memref<10240x16xf32, #tpu.memory_space<vmem_shared>>
    tpu.enqueue_indirect_dma source(%arg10 : memref<80x16xf32, #tpu.memory_space<vmem>>) target(%dma_start3A_83 : memref<10240x16xf32, #tpu.memory_space<vmem_shared>>) offsets(%dma_start3A_80 : memref<80xi32, #tpu.memory_space<vmem>>) semaphore(%arg36 : memref<!tpu.dma_semaphore, #tpu.memory_space<semaphore_mem>>) {add = true}
    %dma_wait3A_84 = arith.constant 0 : i32
    %dma_wait3A_85 = tpu.memref_slice %arg5[%dma_wait3A_84] : memref<10000xi32, #tpu.memory_space<vmem>> -> memref<80xi32, #tpu.memory_space<vmem>>
    %dma_wait3A_86 = arith.constant 0 : i32
    %dma_wait3A_87 = arith.constant 0 : i32
    %dma_wait3A_88 = tpu.memref_slice %arg3[%dma_wait3A_86, %dma_wait3A_87] : memref<10240x16xf32, #tpu.memory_space<hbm>> -> memref<10240x16xf32, #tpu.memory_space<hbm>>
    tpu.wait_indirect_dma semaphore(%arg25 : memref<!tpu.dma_semaphore, #tpu.memory_space<semaphore_mem>>) src(%dma_wait3A_88 : memref<10240x16xf32, #tpu.memory_space<hbm>>) dst(%arg11 : memref<80x16xf32, #tpu.memory_space<vmem>>)
    %dma_start3A_89 = arith.constant 9920 : i32
    %dma_start3A_90 = tpu.memref_slice %arg6[%dma_start3A_89] : memref<10000xi32, #tpu.memory_space<vmem>> -> memref<80xi32, #tpu.memory_space<vmem>>
    %dma_start3A_91 = arith.constant 0 : i32
    %dma_start3A_92 = arith.constant 0 : i32
    %dma_start3A_93 = tpu.memref_slice %arg20[%dma_start3A_91, %dma_start3A_92] : memref<10240x16xf32, #tpu.memory_space<vmem_shared>> -> memref<10240x16xf32, #tpu.memory_space<vmem_shared>>
    tpu.enqueue_indirect_dma source(%arg11 : memref<80x16xf32, #tpu.memory_space<vmem>>) target(%dma_start3A_93 : memref<10240x16xf32, #tpu.memory_space<vmem_shared>>) offsets(%dma_start3A_90 : memref<80xi32, #tpu.memory_space<vmem>>) semaphore(%arg37 : memref<!tpu.dma_semaphore, #tpu.memory_space<semaphore_mem>>) {add = true}
    %dma_wait3A_94 = arith.constant 0 : i32
    %dma_wait3A_95 = tpu.memref_slice %arg6[%dma_wait3A_94] : memref<10000xi32, #tpu.memory_space<vmem>> -> memref<80xi32, #tpu.memory_space<vmem>>
    %dma_wait3A_96 = arith.constant 0 : i32
    %dma_wait3A_97 = arith.constant 0 : i32
    %dma_wait3A_98 = tpu.memref_slice %arg20[%dma_wait3A_96, %dma_wait3A_97] : memref<10240x16xf32, #tpu.memory_space<vmem_shared>> -> memref<10240x16xf32, #tpu.memory_space<vmem_shared>>
    tpu.wait_indirect_dma semaphore(%arg38 : memref<!tpu.dma_semaphore, #tpu.memory_space<semaphore_mem>>) src(%arg12 : memref<80x16xf32, #tpu.memory_space<vmem>>) dst(%dma_wait3A_98 : memref<10240x16xf32, #tpu.memory_space<vmem_shared>>)
    %dma_wait3A_99 = arith.constant 0 : i32
    %dma_wait3A_100 = tpu.memref_slice %arg6[%dma_wait3A_99] : memref<10000xi32, #tpu.memory_space<vmem>> -> memref<80xi32, #tpu.memory_space<vmem>>
    %dma_wait3A_101 = arith.constant 0 : i32
    %dma_wait3A_102 = arith.constant 0 : i32
    %dma_wait3A_103 = tpu.memref_slice %arg20[%dma_wait3A_101, %dma_wait3A_102] : memref<10240x16xf32, #tpu.memory_space<vmem_shared>> -> memref<10240x16xf32, #tpu.memory_space<vmem_shared>>
    tpu.wait_indirect_dma semaphore(%arg39 : memref<!tpu.dma_semaphore, #tpu.memory_space<semaphore_mem>>) src(%arg13 : memref<80x16xf32, #tpu.memory_space<vmem>>) dst(%dma_wait3A_103 : memref<10240x16xf32, #tpu.memory_space<vmem_shared>>)
    %dma_wait3A_104 = arith.constant 0 : i32
    %dma_wait3A_105 = tpu.memref_slice %arg6[%dma_wait3A_104] : memref<10000xi32, #tpu.memory_space<vmem>> -> memref<80xi32, #tpu.memory_space<vmem>>
    %dma_wait3A_106 = arith.constant 0 : i32
    %dma_wait3A_107 = arith.constant 0 : i32
    %dma_wait3A_108 = tpu.memref_slice %arg20[%dma_wait3A_106, %dma_wait3A_107] : memref<10240x16xf32, #tpu.memory_space<vmem_shared>> -> memref<10240x16xf32, #tpu.memory_space<vmem_shared>>
    tpu.wait_indirect_dma semaphore(%arg40 : memref<!tpu.dma_semaphore, #tpu.memory_space<semaphore_mem>>) src(%arg14 : memref<80x16xf32, #tpu.memory_space<vmem>>) dst(%dma_wait3A_108 : memref<10240x16xf32, #tpu.memory_space<vmem_shared>>)
    %dma_wait3A_109 = arith.constant 0 : i32
    %dma_wait3A_110 = tpu.memref_slice %arg6[%dma_wait3A_109] : memref<10000xi32, #tpu.memory_space<vmem>> -> memref<80xi32, #tpu.memory_space<vmem>>
    %dma_wait3A_111 = arith.constant 0 : i32
    %dma_wait3A_112 = arith.constant 0 : i32
    %dma_wait3A_113 = tpu.memref_slice %arg20[%dma_wait3A_111, %dma_wait3A_112] : memref<10240x16xf32, #tpu.memory_space<vmem_shared>> -> memref<10240x16xf32, #tpu.memory_space<vmem_shared>>
    tpu.wait_indirect_dma semaphore(%arg41 : memref<!tpu.dma_semaphore, #tpu.memory_space<semaphore_mem>>) src(%arg15 : memref<80x16xf32, #tpu.memory_space<vmem>>) dst(%dma_wait3A_113 : memref<10240x16xf32, #tpu.memory_space<vmem_shared>>)
    %dma_wait3A_114 = arith.constant 0 : i32
    %dma_wait3A_115 = tpu.memref_slice %arg6[%dma_wait3A_114] : memref<10000xi32, #tpu.memory_space<vmem>> -> memref<80xi32, #tpu.memory_space<vmem>>
    %dma_wait3A_116 = arith.constant 0 : i32
    %dma_wait3A_117 = arith.constant 0 : i32
    %dma_wait3A_118 = tpu.memref_slice %arg20[%dma_wait3A_116, %dma_wait3A_117] : memref<10240x16xf32, #tpu.memory_space<vmem_shared>> -> memref<10240x16xf32, #tpu.memory_space<vmem_shared>>
    tpu.wait_indirect_dma semaphore(%arg42 : memref<!tpu.dma_semaphore, #tpu.memory_space<semaphore_mem>>) src(%arg16 : memref<80x16xf32, #tpu.memory_space<vmem>>) dst(%dma_wait3A_118 : memref<10240x16xf32, #tpu.memory_space<vmem_shared>>)
    %dma_wait3A_119 = arith.constant 0 : i32
    %dma_wait3A_120 = tpu.memref_slice %arg6[%dma_wait3A_119] : memref<10000xi32, #tpu.memory_space<vmem>> -> memref<80xi32, #tpu.memory_space<vmem>>
    %dma_wait3A_121 = arith.constant 0 : i32
    %dma_wait3A_122 = arith.constant 0 : i32
    %dma_wait3A_123 = tpu.memref_slice %arg20[%dma_wait3A_121, %dma_wait3A_122] : memref<10240x16xf32, #tpu.memory_space<vmem_shared>> -> memref<10240x16xf32, #tpu.memory_space<vmem_shared>>
    tpu.wait_indirect_dma semaphore(%arg43 : memref<!tpu.dma_semaphore, #tpu.memory_space<semaphore_mem>>) src(%arg17 : memref<80x16xf32, #tpu.memory_space<vmem>>) dst(%dma_wait3A_123 : memref<10240x16xf32, #tpu.memory_space<vmem_shared>>)
    %dma_wait3A_124 = arith.constant 0 : i32
    %dma_wait3A_125 = tpu.memref_slice %arg6[%dma_wait3A_124] : memref<10000xi32, #tpu.memory_space<vmem>> -> memref<80xi32, #tpu.memory_space<vmem>>
    %dma_wait3A_126 = arith.constant 0 : i32
    %dma_wait3A_127 = arith.constant 0 : i32
    %dma_wait3A_128 = tpu.memref_slice %arg20[%dma_wait3A_126, %dma_wait3A_127] : memref<10240x16xf32, #tpu.memory_space<vmem_shared>> -> memref<10240x16xf32, #tpu.memory_space<vmem_shared>>
    tpu.wait_indirect_dma semaphore(%arg44 : memref<!tpu.dma_semaphore, #tpu.memory_space<semaphore_mem>>) src(%arg18 : memref<80x16xf32, #tpu.memory_space<vmem>>) dst(%dma_wait3A_128 : memref<10240x16xf32, #tpu.memory_space<vmem_shared>>)
    %dma_wait3A_129 = arith.constant 0 : i32
    %dma_wait3A_130 = tpu.memref_slice %arg6[%dma_wait3A_129] : memref<10000xi32, #tpu.memory_space<vmem>> -> memref<80xi32, #tpu.memory_space<vmem>>
    %dma_wait3A_131 = arith.constant 0 : i32
    %dma_wait3A_132 = arith.constant 0 : i32
    %dma_wait3A_133 = tpu.memref_slice %arg20[%dma_wait3A_131, %dma_wait3A_132] : memref<10240x16xf32, #tpu.memory_space<vmem_shared>> -> memref<10240x16xf32, #tpu.memory_space<vmem_shared>>
    tpu.wait_indirect_dma semaphore(%arg33 : memref<!tpu.dma_semaphore, #tpu.memory_space<semaphore_mem>>) src(%arg7 : memref<80x16xf32, #tpu.memory_space<vmem>>) dst(%dma_wait3A_133 : memref<10240x16xf32, #tpu.memory_space<vmem_shared>>)
    %dma_wait3A_134 = arith.constant 0 : i32
    %dma_wait3A_135 = tpu.memref_slice %arg6[%dma_wait3A_134] : memref<10000xi32, #tpu.memory_space<vmem>> -> memref<80xi32, #tpu.memory_space<vmem>>
    %dma_wait3A_136 = arith.constant 0 : i32
    %dma_wait3A_137 = arith.constant 0 : i32
    %dma_wait3A_138 = tpu.memref_slice %arg20[%dma_wait3A_136, %dma_wait3A_137] : memref<10240x16xf32, #tpu.memory_space<vmem_shared>> -> memref<10240x16xf32, #tpu.memory_space<vmem_shared>>
    tpu.wait_indirect_dma semaphore(%arg34 : memref<!tpu.dma_semaphore, #tpu.memory_space<semaphore_mem>>) src(%arg8 : memref<80x16xf32, #tpu.memory_space<vmem>>) dst(%dma_wait3A_138 : memref<10240x16xf32, #tpu.memory_space<vmem_shared>>)
    %dma_wait3A_139 = arith.constant 0 : i32
    %dma_wait3A_140 = tpu.memref_slice %arg6[%dma_wait3A_139] : memref<10000xi32, #tpu.memory_space<vmem>> -> memref<80xi32, #tpu.memory_space<vmem>>
    %dma_wait3A_141 = arith.constant 0 : i32
    %dma_wait3A_142 = arith.constant 0 : i32
    %dma_wait3A_143 = tpu.memref_slice %arg20[%dma_wait3A_141, %dma_wait3A_142] : memref<10240x16xf32, #tpu.memory_space<vmem_shared>> -> memref<10240x16xf32, #tpu.memory_space<vmem_shared>>
    tpu.wait_indirect_dma semaphore(%arg35 : memref<!tpu.dma_semaphore, #tpu.memory_space<semaphore_mem>>) src(%arg9 : memref<80x16xf32, #tpu.memory_space<vmem>>) dst(%dma_wait3A_143 : memref<10240x16xf32, #tpu.memory_space<vmem_shared>>)
    %dma_wait3A_144 = arith.constant 0 : i32
    %dma_wait3A_145 = tpu.memref_slice %arg6[%dma_wait3A_144] : memref<10000xi32, #tpu.memory_space<vmem>> -> memref<80xi32, #tpu.memory_space<vmem>>
    %dma_wait3A_146 = arith.constant 0 : i32
    %dma_wait3A_147 = arith.constant 0 : i32
    %dma_wait3A_148 = tpu.memref_slice %arg20[%dma_wait3A_146, %dma_wait3A_147] : memref<10240x16xf32, #tpu.memory_space<vmem_shared>> -> memref<10240x16xf32, #tpu.memory_space<vmem_shared>>
    tpu.wait_indirect_dma semaphore(%arg36 : memref<!tpu.dma_semaphore, #tpu.memory_space<semaphore_mem>>) src(%arg10 : memref<80x16xf32, #tpu.memory_space<vmem>>) dst(%dma_wait3A_148 : memref<10240x16xf32, #tpu.memory_space<vmem_shared>>)
    %dma_wait3A_149 = arith.constant 0 : i32
    %dma_wait3A_150 = tpu.memref_slice %arg6[%dma_wait3A_149] : memref<10000xi32, #tpu.memory_space<vmem>> -> memref<80xi32, #tpu.memory_space<vmem>>
    %dma_wait3A_151 = arith.constant 0 : i32
    %dma_wait3A_152 = arith.constant 0 : i32
    %dma_wait3A_153 = tpu.memref_slice %arg20[%dma_wait3A_151, %dma_wait3A_152] : memref<10240x16xf32, #tpu.memory_space<vmem_shared>> -> memref<10240x16xf32, #tpu.memory_space<vmem_shared>>
    tpu.wait_indirect_dma semaphore(%arg37 : memref<!tpu.dma_semaphore, #tpu.memory_space<semaphore_mem>>) src(%arg11 : memref<80x16xf32, #tpu.memory_space<vmem>>) dst(%dma_wait3A_153 : memref<10240x16xf32, #tpu.memory_space<vmem_shared>>)
    %barrier3A_154 = arith.constant 0 : index
    tpu.barrier barrier_id(%barrier3A_154)
    %mul3A_155 = arith.constant 640 : i32
    %mul3A_156 = arith.muli %arg1, %mul3A_155 : i32
    %mul3A_157 = arith.constant 640 : i32
    %mul3A_158 = arith.muli %arg1, %mul3A_157 : i32
    "tpu.region"() ({
      %run_scoped3A_159 = tpu.sem_alloc : memref<!tpu.dma_semaphore, #tpu.memory_space<semaphore_mem>>
      %dma_start3A_160 = arith.constant 0 : i32
      %dma_start3A_161 = tpu.memref_slice %arg4[%arg0, %mul3A_158, %dma_start3A_160] : memref<2x10240x16xf32, #tpu.memory_space<hbm>> -> memref<1x640x16xf32, #tpu.memory_space<hbm>>
      %dma_start3A_162 = tpu.memref_squeeze %dma_start3A_161 : memref<1x640x16xf32, #tpu.memory_space<hbm>> -> memref<640x16xf32, #tpu.memory_space<hbm>>
      %dma_start3A_163 = arith.constant 0 : i32
      %dma_start3A_164 = tpu.memref_slice %arg20[%mul3A_156, %dma_start3A_163] : memref<10240x16xf32, #tpu.memory_space<vmem_shared>> -> memref<640x16xf32, #tpu.memory_space<vmem_shared>>
      tpu.enqueue_dma source(%dma_start3A_164 : memref<640x16xf32, #tpu.memory_space<vmem_shared>>) target(%dma_start3A_162 : memref<640x16xf32, #tpu.memory_space<hbm>>) target_semaphore(%run_scoped3A_159 : memref<!tpu.dma_semaphore, #tpu.memory_space<semaphore_mem>>)
      %dma_wait3A_165 = arith.constant 0 : i32
      %dma_wait3A_166 = tpu.memref_slice %arg4[%arg0, %mul3A_158, %dma_wait3A_165] : memref<2x10240x16xf32, #tpu.memory_space<hbm>> -> memref<1x640x16xf32, #tpu.memory_space<hbm>>
      %dma_wait3A_167 = tpu.memref_squeeze %dma_wait3A_166 : memref<1x640x16xf32, #tpu.memory_space<hbm>> -> memref<640x16xf32, #tpu.memory_space<hbm>>
      %dma_wait3A_168 = arith.constant 0 : i32
      %dma_wait3A_169 = tpu.memref_slice %arg20[%mul3A_156, %dma_wait3A_168] : memref<10240x16xf32, #tpu.memory_space<vmem_shared>> -> memref<640x16xf32, #tpu.memory_space<vmem_shared>>
      tpu.wait_dma2 semaphore(%run_scoped3A_159 : memref<!tpu.dma_semaphore, #tpu.memory_space<semaphore_mem>>) src(%dma_wait3A_169 : memref<640x16xf32, #tpu.memory_space<vmem_shared>>) dst(%dma_wait3A_167 : memref<640x16xf32, #tpu.memory_space<hbm>>)
      tpu.yield
    }) : () -> ()
    return
  }
}

module attributes {stable_mosaic.version = 14 : i64} {
  func.func @body(%arg0: memref<1280x1024xf32, #tpu.memory_space<vmem>>, %arg1: memref<1024x128xf32, #tpu.memory_space<vmem>>, %arg2: memref<1280x128xf32, #tpu.memory_space<vmem>>) attributes {dimension_semantics = [], scalar_prefetch = 0 : i64, scratch_operands = 0 : i64, tpu.core_type = #tpu.core_type<tc>} {
    %get3A = arith.constant 0 : index
    %get3A_0 = arith.constant 0 : index
    %get3A_1 = vector.load %arg0[%get3A, %get3A_0] : memref<1280x1024xf32, #tpu.memory_space<vmem>>, vector<1280x1024xf32>
    %get3A_2 = arith.constant 0 : index
    %get3A_3 = arith.constant 0 : index
    %get3A_4 = vector.load %arg1[%get3A_2, %get3A_3] : memref<1024x128xf32, #tpu.memory_space<vmem>>, vector<1024x128xf32>
    %dot_general3A = arith.constant dense<0.000000e+00> : vector<1280x128xf32>
    %dot_general3A_5 = tpu.matmul %get3A_1, %get3A_4, %dot_general3A {dimension_numbers = #tpu.dot_dimension_numbers<[1], [0], [0], [1], [0, 0, 1, 1], [], []>, precision = #tpu.contract_precision<fp32>, transpose_lhs_hint = false} : vector<1280x1024xf32>, vector<1024x128xf32>, vector<1280x128xf32> -> vector<1280x128xf32>
    %swap3A = arith.constant 0 : index
    %swap3A_6 = arith.constant 0 : index
    %swap3A_7 = vector.load %arg2[%swap3A, %swap3A_6] : memref<1280x128xf32, #tpu.memory_space<vmem>>, vector<1280x128xf32>
    tpu.vector_store %arg2[%swap3A, %swap3A_6], %dot_general3A_5 {strides = array<i32>} : memref<1280x128xf32, #tpu.memory_space<vmem>>, vector<1280x128xf32>,
    return
  }
}

module attributes {stable_mosaic.version = 14 : i64} {
  func.func @body(%arg0: memref<2x80x128xf32, #tpu.memory_space<vmem>>, %arg1: memref<80x128xf32, #tpu.memory_space<vmem>>) attributes {dimension_semantics = [], scalar_prefetch = 0 : i64, scratch_operands = 0 : i64, tpu.core_type = #tpu.core_type<tc>} {
    %get3A = arith.constant 0 : index
    %get3A_0 = arith.constant 0 : index
    %get3A_1 = arith.constant 0 : index
    %get3A_2 = vector.load %arg0[%get3A, %get3A_0, %get3A_1] : memref<2x80x128xf32, #tpu.memory_space<vmem>>, vector<1x80x128xf32>
    %get3A_3 = vector.shape_cast %get3A_2 : vector<1x80x128xf32> to vector<80x128xf32>
    %add3A = arith.constant 1.000000e+00 : f32
    %add3A_4 = vector.broadcast %add3A : f32 to vector<80x128xf32>
    %add3A_5 = arith.addf %add3A_4, %get3A_3 : vector<80x128xf32>
    %get3A_6 = arith.constant 1 : index
    %get3A_7 = arith.constant 0 : index
    %get3A_8 = arith.constant 0 : index
    %get3A_9 = vector.load %arg0[%get3A_6, %get3A_7, %get3A_8] : memref<2x80x128xf32, #tpu.memory_space<vmem>>, vector<1x80x128xf32>
    %get3A_10 = vector.shape_cast %get3A_9 : vector<1x80x128xf32> to vector<80x128xf32>
    %add3A_11 = arith.addf %add3A_5, %get3A_10 : vector<80x128xf32>
    %rsqrt3A = math.rsqrt %add3A_11 : vector<80x128xf32>
    %swap3A = arith.constant 0 : index
    %swap3A_12 = arith.constant 0 : index
    %swap3A_13 = vector.load %arg1[%swap3A, %swap3A_12] : memref<80x128xf32, #tpu.memory_space<vmem>>, vector<80x128xf32>
    tpu.vector_store %arg1[%swap3A, %swap3A_12], %rsqrt3A {strides = array<i32>} : memref<80x128xf32, #tpu.memory_space<vmem>>, vector<80x128xf32>,
    return
  }
}

module attributes {stable_mosaic.version = 14 : i64} {
  func.func @body(%arg0: memref<1280x128xf32, #tpu.memory_space<vmem>>, %arg1: memref<1280x128xf32, #tpu.memory_space<vmem>>, %arg2: memref<1280x128xf32, #tpu.memory_space<vmem>>, %arg3: memref<1280x128xf32, #tpu.memory_space<vmem>>) attributes {dimension_semantics = [], scalar_prefetch = 0 : i64, scratch_operands = 0 : i64, tpu.core_type = #tpu.core_type<tc>} {
    %get3A = arith.constant 0 : index
    %get3A_0 = arith.constant 0 : index
    %get3A_1 = vector.load %arg0[%get3A, %get3A_0] : memref<1280x128xf32, #tpu.memory_space<vmem>>, vector<1280x128xf32>
    %get3A_2 = arith.constant 0 : index
    %get3A_3 = arith.constant 0 : index
    %get3A_4 = vector.load %arg1[%get3A_2, %get3A_3] : memref<1280x128xf32, #tpu.memory_space<vmem>>, vector<1280x128xf32>
    %mul3A = arith.mulf %get3A_1, %get3A_4 : vector<1280x128xf32>
    %swap3A = arith.constant 0 : index
    %swap3A_5 = arith.constant 0 : index
    %swap3A_6 = vector.load %arg2[%swap3A, %swap3A_5] : memref<1280x128xf32, #tpu.memory_space<vmem>>, vector<1280x128xf32>
    tpu.vector_store %arg2[%swap3A, %swap3A_5], %mul3A {strides = array<i32>} : memref<1280x128xf32, #tpu.memory_space<vmem>>, vector<1280x128xf32>,
    %get3A_7 = arith.constant 0 : index
    %get3A_8 = arith.constant 0 : index
    %get3A_9 = vector.load %arg1[%get3A_7, %get3A_8] : memref<1280x128xf32, #tpu.memory_space<vmem>>, vector<1280x128xf32>
    %mul3A_10 = arith.mulf %mul3A, %get3A_9 : vector<1280x128xf32>
    %swap3A_11 = arith.constant 0 : index
    %swap3A_12 = arith.constant 0 : index
    %swap3A_13 = vector.load %arg3[%swap3A_11, %swap3A_12] : memref<1280x128xf32, #tpu.memory_space<vmem>>, vector<1280x128xf32>
    tpu.vector_store %arg3[%swap3A_11, %swap3A_12], %mul3A_10 {strides = array<i32>} : memref<1280x128xf32, #tpu.memory_space<vmem>>, vector<1280x128xf32>,
    return
  }
}

module attributes {stable_mosaic.version = 14 : i64} {
  func.func @body(%arg0: memref<2x1280x128xf32, #tpu.memory_space<vmem>>, %arg1: memref<1280x128xf32, #tpu.memory_space<vmem>>, %arg2: memref<1280x128xf32, #tpu.memory_space<vmem>>, %arg3: memref<1x128xf32, #tpu.memory_space<vmem>>, %arg4: memref<1280x128xf32, #tpu.memory_space<vmem>>, %arg5: memref<1280x128xf32, #tpu.memory_space<vmem>>) attributes {dimension_semantics = [], scalar_prefetch = 0 : i64, scratch_operands = 0 : i64, tpu.core_type = #tpu.core_type<tc>} {
    %get3A = arith.constant 0 : index
    %get3A_0 = arith.constant 0 : index
    %get3A_1 = vector.load %arg1[%get3A, %get3A_0] : memref<1280x128xf32, #tpu.memory_space<vmem>>, vector<1280x128xf32>
    %get3A_2 = arith.constant 0 : index
    %get3A_3 = arith.constant 0 : index
    %get3A_4 = arith.constant 0 : index
    %get3A_5 = vector.load %arg0[%get3A_2, %get3A_3, %get3A_4] : memref<2x1280x128xf32, #tpu.memory_space<vmem>>, vector<1x1280x128xf32>
    %get3A_6 = vector.shape_cast %get3A_5 : vector<1x1280x128xf32> to vector<1280x128xf32>
    %get3A_7 = arith.constant 1 : index
    %get3A_8 = arith.constant 0 : index
    %get3A_9 = arith.constant 0 : index
    %get3A_10 = vector.load %arg0[%get3A_7, %get3A_8, %get3A_9] : memref<2x1280x128xf32, #tpu.memory_space<vmem>>, vector<1x1280x128xf32>
    %get3A_11 = vector.shape_cast %get3A_10 : vector<1x1280x128xf32> to vector<1280x128xf32>
    %add3A = arith.addf %get3A_6, %get3A_11 : vector<1280x128xf32>
    %mul3A = arith.mulf %get3A_1, %add3A : vector<1280x128xf32>
    %get3A_12 = arith.constant 0 : index
    %get3A_13 = arith.constant 0 : index
    %get3A_14 = vector.load %arg2[%get3A_12, %get3A_13] : memref<1280x128xf32, #tpu.memory_space<vmem>>, vector<1280x128xf32>
    %add3A_15 = arith.addf %mul3A, %get3A_14 : vector<1280x128xf32>
    %get3A_16 = arith.constant 0 : index
    %get3A_17 = arith.constant 0 : index
    %get3A_18 = vector.load %arg3[%get3A_16, %get3A_17] : memref<1x128xf32, #tpu.memory_space<vmem>>, vector<1x128xf32>
    %add3A_19 = vector.broadcast %get3A_18 : vector<1x128xf32> to vector<1280x128xf32>
    %add3A_20 = arith.addf %add3A_15, %add3A_19 : vector<1280x128xf32>
    %max3A = arith.constant 0.000000e+00 : f32
    %max3A_21 = vector.broadcast %max3A : f32 to vector<1280x128xf32>
    %max3A_22 = arith.maximumf %add3A_20, %max3A_21 : vector<1280x128xf32>
    %mul3A_23 = arith.mulf %max3A_22, %get3A_1 : vector<1280x128xf32>
    %swap3A = arith.constant 0 : index
    %swap3A_24 = arith.constant 0 : index
    %swap3A_25 = vector.load %arg4[%swap3A, %swap3A_24] : memref<1280x128xf32, #tpu.memory_space<vmem>>, vector<1280x128xf32>
    tpu.vector_store %arg4[%swap3A, %swap3A_24], %mul3A_23 {strides = array<i32>} : memref<1280x128xf32, #tpu.memory_space<vmem>>, vector<1280x128xf32>,
    %mul3A_26 = arith.mulf %mul3A_23, %get3A_1 : vector<1280x128xf32>
    %swap3A_27 = arith.constant 0 : index
    %swap3A_28 = arith.constant 0 : index
    %swap3A_29 = vector.load %arg5[%swap3A_27, %swap3A_28] : memref<1280x128xf32, #tpu.memory_space<vmem>>, vector<1280x128xf32>
    tpu.vector_store %arg5[%swap3A_27, %swap3A_28], %mul3A_26 {strides = array<i32>} : memref<1280x128xf32, #tpu.memory_space<vmem>>, vector<1280x128xf32>,
    return
  }
}

module attributes {stable_mosaic.version = 14 : i64} {
  func.func @body(%arg0: memref<2x1280x128xf32, #tpu.memory_space<vmem>>, %arg1: memref<1280x128xf32, #tpu.memory_space<vmem>>, %arg2: memref<1280x128xf32, #tpu.memory_space<vmem>>, %arg3: memref<128x64xf32, #tpu.memory_space<vmem>>, %arg4: memref<1x64xf32, #tpu.memory_space<vmem>>, %arg5: memref<1280x64xf32, #tpu.memory_space<vmem>>) attributes {dimension_semantics = [], scalar_prefetch = 0 : i64, scratch_operands = 0 : i64, tpu.core_type = #tpu.core_type<tc>} {
    %get3A = arith.constant 0 : index
    %get3A_0 = arith.constant 0 : index
    %get3A_1 = vector.load %arg1[%get3A, %get3A_0] : memref<1280x128xf32, #tpu.memory_space<vmem>>, vector<1280x128xf32>
    %get3A_2 = arith.constant 0 : index
    %get3A_3 = arith.constant 0 : index
    %get3A_4 = arith.constant 0 : index
    %get3A_5 = vector.load %arg0[%get3A_2, %get3A_3, %get3A_4] : memref<2x1280x128xf32, #tpu.memory_space<vmem>>, vector<1x1280x128xf32>
    %get3A_6 = vector.shape_cast %get3A_5 : vector<1x1280x128xf32> to vector<1280x128xf32>
    %get3A_7 = arith.constant 1 : index
    %get3A_8 = arith.constant 0 : index
    %get3A_9 = arith.constant 0 : index
    %get3A_10 = vector.load %arg0[%get3A_7, %get3A_8, %get3A_9] : memref<2x1280x128xf32, #tpu.memory_space<vmem>>, vector<1x1280x128xf32>
    %get3A_11 = vector.shape_cast %get3A_10 : vector<1x1280x128xf32> to vector<1280x128xf32>
    %add3A = arith.addf %get3A_6, %get3A_11 : vector<1280x128xf32>
    %mul3A = arith.mulf %get3A_1, %add3A : vector<1280x128xf32>
    %get3A_12 = arith.constant 0 : index
    %get3A_13 = arith.constant 0 : index
    %get3A_14 = vector.load %arg2[%get3A_12, %get3A_13] : memref<1280x128xf32, #tpu.memory_space<vmem>>, vector<1280x128xf32>
    %add3A_15 = arith.addf %mul3A, %get3A_14 : vector<1280x128xf32>
    %get3A_16 = arith.constant 0 : index
    %get3A_17 = arith.constant 0 : index
    %get3A_18 = vector.load %arg3[%get3A_16, %get3A_17] : memref<128x64xf32, #tpu.memory_space<vmem>>, vector<128x64xf32>
    %dot_general3A = arith.constant dense<0.000000e+00> : vector<1280x64xf32>
    %dot_general3A_19 = tpu.matmul %add3A_15, %get3A_18, %dot_general3A {dimension_numbers = #tpu.dot_dimension_numbers<[1], [0], [0], [1], [0, 0, 1, 1], [], []>, precision = #tpu.contract_precision<fp32>, transpose_lhs_hint = false} : vector<1280x128xf32>, vector<128x64xf32>, vector<1280x64xf32> -> vector<1280x64xf32>
    %get3A_20 = arith.constant 0 : index
    %get3A_21 = arith.constant 0 : index
    %get3A_22 = vector.load %arg4[%get3A_20, %get3A_21] : memref<1x64xf32, #tpu.memory_space<vmem>>, vector<1x64xf32>
    %add3A_23 = vector.broadcast %get3A_22 : vector<1x64xf32> to vector<1280x64xf32>
    %add3A_24 = arith.addf %dot_general3A_19, %add3A_23 : vector<1280x64xf32>
    %reduce_max3A = arith.constant dense<0xFF800000> : vector<1280xf32>
    %reduce_max3A_25 = vector.multi_reduction <maximumf>, %add3A_24, %reduce_max3A [1] : vector<1280x64xf32> to vector<1280xf32>
    %broadcast_in_dim3A = vector.shape_cast %reduce_max3A_25 : vector<1280xf32> to vector<1280x1xf32>
    %sub3A = vector.broadcast %broadcast_in_dim3A : vector<1280x1xf32> to vector<1280x64xf32>
    %sub3A_26 = arith.subf %add3A_24, %sub3A : vector<1280x64xf32>
    %exp3A = math.exp %sub3A_26 : vector<1280x64xf32>
    %iota3A = tpu.iota {dimensions = array<i32: 0>} : vector<8x8xi32>
    %iota3A_27 = tpu.iota {dimensions = array<i32: 1>} : vector<8x8xi32>
    %add3A_28 = arith.constant 0 : i32
    %add3A_29 = vector.broadcast %add3A_28 : i32 to vector<8x8xi32>
    %add3A_30 = arith.addi %iota3A, %add3A_29 : vector<8x8xi32>
    %eq3A = arith.cmpi eq, %add3A_30, %iota3A_27 : vector<8x8xi32>
    %convert_element_type3A = arith.extui %eq3A : vector<8x8xi1> to vector<8x8xi32>
    %convert_element_type3A_31 = arith.sitofp %convert_element_type3A : vector<8x8xi32> to vector<8x8xf32>
    %broadcast_in_dim3A_32 = arith.constant 1.000000e+00 : f32
    %broadcast_in_dim3A_33 = vector.broadcast %broadcast_in_dim3A_32 : f32 to vector<8x1xf32>
    %broadcast_in_dim3A_34 = vector.shape_cast %convert_element_type3A_31 : vector<8x8xf32> to vector<8x1x8x1xf32>
    %broadcast_in_dim3A_35 = vector.shape_cast %broadcast_in_dim3A_33 : vector<8x1xf32> to vector<1x8x1x1xf32>
    %mul3A_36 = vector.broadcast %broadcast_in_dim3A_34 : vector<8x1x8x1xf32> to vector<8x8x8x1xf32>
    %mul3A_37 = vector.broadcast %broadcast_in_dim3A_35 : vector<1x8x1x1xf32> to vector<8x8x8x1xf32>
    %mul3A_38 = arith.mulf %mul3A_36, %mul3A_37 : vector<8x8x8x1xf32>
    %reshape3A = vector.shape_cast %mul3A_38 : vector<8x8x8x1xf32> to vector<64x8xf32>
    %iota3A_39 = tpu.iota {dimensions = array<i32: 0>} : vector<8x8xi32>
    %iota3A_40 = tpu.iota {dimensions = array<i32: 1>} : vector<8x8xi32>
    %add3A_41 = arith.constant 0 : i32
    %add3A_42 = vector.broadcast %add3A_41 : i32 to vector<8x8xi32>
    %add3A_43 = arith.addi %iota3A_39, %add3A_42 : vector<8x8xi32>
    %eq3A_44 = arith.cmpi eq, %add3A_43, %iota3A_40 : vector<8x8xi32>
    %convert_element_type3A_45 = arith.extui %eq3A_44 : vector<8x8xi1> to vector<8x8xi32>
    %convert_element_type3A_46 = arith.sitofp %convert_element_type3A_45 : vector<8x8xi32> to vector<8x8xf32>
    %broadcast_in_dim3A_47 = arith.constant 1.000000e+00 : f32
    %broadcast_in_dim3A_48 = vector.broadcast %broadcast_in_dim3A_47 : f32 to vector<1x8xf32>
    %broadcast_in_dim3A_49 = vector.shape_cast %convert_element_type3A_46 : vector<8x8xf32> to vector<8x1x8x1xf32>
    %broadcast_in_dim3A_50 = vector.shape_cast %broadcast_in_dim3A_48 : vector<1x8xf32> to vector<1x1x1x8xf32>
    %mul3A_51 = vector.broadcast %broadcast_in_dim3A_49 : vector<8x1x8x1xf32> to vector<8x1x8x8xf32>
    %mul3A_52 = vector.broadcast %broadcast_in_dim3A_50 : vector<1x1x1x8xf32> to vector<8x1x8x8xf32>
    %mul3A_53 = arith.mulf %mul3A_51, %mul3A_52 : vector<8x1x8x8xf32>
    %reshape3A_54 = vector.shape_cast %mul3A_53 : vector<8x1x8x8xf32> to vector<8x64xf32>
    %dot_general3A_55 = arith.constant dense<0.000000e+00> : vector<1280x8xf32>
    %dot_general3A_56 = tpu.matmul %exp3A, %reshape3A, %dot_general3A_55 {dimension_numbers = #tpu.dot_dimension_numbers<[1], [0], [0], [1], [0, 0, 1, 1], [], []>, precision = #tpu.contract_precision<fp32>, transpose_lhs_hint = false} : vector<1280x64xf32>, vector<64x8xf32>, vector<1280x8xf32> -> vector<1280x8xf32>
    %log3A = math.log %dot_general3A_56 : vector<1280x8xf32>
    %sub3A_57 = vector.broadcast %broadcast_in_dim3A : vector<1280x1xf32> to vector<1280x64xf32>
    %sub3A_58 = arith.subf %add3A_24, %sub3A_57 : vector<1280x64xf32>
    %dot_general3A_59 = arith.constant dense<0.000000e+00> : vector<1280x64xf32>
    %dot_general3A_60 = tpu.matmul %log3A, %reshape3A_54, %dot_general3A_59 {dimension_numbers = #tpu.dot_dimension_numbers<[1], [0], [0], [1], [0, 0, 1, 1], [], []>, precision = #tpu.contract_precision<fp32>, transpose_lhs_hint = false} : vector<1280x8xf32>, vector<8x64xf32>, vector<1280x64xf32> -> vector<1280x64xf32>
    %sub3A_61 = arith.subf %sub3A_58, %dot_general3A_60 : vector<1280x64xf32>
    %swap3A = arith.constant 0 : index
    %swap3A_62 = arith.constant 0 : index
    %swap3A_63 = vector.load %arg5[%swap3A, %swap3A_62] : memref<1280x64xf32, #tpu.memory_space<vmem>>, vector<1280x64xf32>
    tpu.vector_store %arg5[%swap3A, %swap3A_62], %sub3A_61 {strides = array<i32>} : memref<1280x64xf32, #tpu.memory_space<vmem>>, vector<1280x64xf32>,
    return
  }
}

</mosaic_0001>

<sc_bundles>
// kernel: kernel.10.cloned.1.call-start
scs
__scs_entry_jumppad:
0x0: {  	(pc) =	sbr.rel $0x88, $3  }
0x1: {  	(tag) =	ssettag $0x0;
	lr =	simm.s32 $0x1  }
0x2: {  	[smem:$0x3F9B] =	sst lr;
	_ =	strace $0xD0000000  }
0x3: {  	_ = 	snop  }
0x4: {  	_ = 	snop  }
0x5: {  	_ = 	snop  }
0x6: {  	_ = 	snop  }
0x7: {  	_ = 	snop  }
__scs_overlays_trampoline_lowered:
0x8: {  	[smem:$0x3FAA] =	sst s0  }
0x9: {  	[smem:$0x3FAB] =	sst s1  }
0xa: {  	[smem:$0x3FAC] =	sst s2  }
0xb: {  	[smem:$0x3FAD] =	sst s3  }
0xc: {  	[smem:$0x3FAE] =	sst s4  }
0xd: {  	[smem:$0x3FAF] =	sst s5  }
0xe: {  	[smem:$0x3FB0] =	sst s6  }
0xf: {  	[smem:$0x3FB1] =	sst s7  }
0x10: {  	[smem:$0x3FB2] =	sst s8  }
0x11: {  	[smem:$0x3FB3] =	sst s9;
	s0 =	simm.s32 @!p0 $0x0  }
0x12: {  	s1 =	sld [smem:$0x3F99];
	s0 =	simm.s32 @p0 $0x1  }
0x13: {  	[smem:$0x3FB4] =	sst s0;
	s0 =	simm.s32 @!p1 $0x0  }
0x14: {  	s2 =	sld [smem:$0x3F98];
	s0 =	simm.s32 @p1 $0x1  }
0x15: {  	[smem:$0x3FB5] =	sst s0;
	s0 =	simm.s32 @!p2 $0x0  }
0x16: {  	s3 =	sld [smem:$0x3FDB];
	s0 =	simm.s32 @p2 $0x1  }
0x17: {  	s4 =	simm.s32 $0x1BF5;
	[smem:$0x3FB7] =	sst s0  }
0x18: {  	s0 =	sld [smem:$0x3F9A];
	_ =	swait.ge [sflag:s4], $0x0  }
0x19: {  	s7 =	sld [smem:$0x3F9B]  }
0x1a: {  	s8 =	sadd.s32 $0xFFFFE003, lr  }
0x1b: {  	s9 =	sadd.s32 $0xFFFFFEF7, lr;
	s5 =	simm.s32 $0xFFFFFFFF;
	p2 =	slt.u32 s8, $0xFFFFF086  }
0x1c: {  	p1 =	slt.u32 s9, $0xF7A;
	s5 =	simm.s32 @!p2 $0x0  }
0x1d: {  	s5 =	simm.s32 @p1 $0x1;
	p0 =	seq.s32 s7, s2  }
0x1e: {  	s7 =	smul.u32 @!p0 $0xF7A, s2;
	p2 =	seq.s32 @!p0 s5, $0x0  }
0x1f: {  	s9 =	smul.u32 $0xF7A, s1;
	s8 =	simm.s32 @!p0 $0x1BF5;
	p2 =	por !p2, p0  }
0x20: {  	[sflag:s8] =	ssyncset.s32 @!p0 $0xFFFFF086;
	s6 =	sadd.s32 @!p0 s3, s7;
	s7 =	simm.s32 @!p0 $0x108  }
0x21: {  	s3 =	sadd.s32 s3, s9;
	s6 =	sadd.s32 @!p0 $0x88, s6;
	s7 =	simm.s32 @p2 $0x1082  }
0x22: {  	[simem:s7], [sflag:s8] =	dma.local @!p0 [hbm:s6], $0xF7A  }
0x23: {  	s9 =	sor.u32 $0xD0000000, s2;
	s6 =	simm.s32 $0x108;
	_ =	swait.ge @!p0 [sflag:s8], $0x0  }
0x24: {  	s3 =	sadd.s32 $0x88, s3;
	s6 =	simm.s32 @!p1 $0x1082;
	[sflag:s4] =	ssyncset.s32 $0xFFFFF086  }
0x25: {  	[simem:s6], [sflag:s4] =	dma.local [hbm:s3], $0xF7A  }
0x26: {  	[smem:$0x3F9B] =	sst s1;
	(tag) =	ssettag s2;
	_ =	strace s9  }
0x27: {  	s1 =	sld [smem:$0x3FAB]  }
0x28: {  	s2 =	sld [smem:$0x3FAC]  }
0x29: {  	s4 =	sld [smem:$0x3FAE]  }
0x2a: {  	p0 =	seq.s32 s5, $0x0;
	s5 =	sld [smem:$0x3FAF]  }
0x2b: {  	s6 =	sld [smem:$0x3FB0]  }
0x2c: {  	s7 =	sld [smem:$0x3FB1]  }
0x2d: {  	s3 =	simm.s32 $0x108;
	s8 =	sld [smem:$0x3FB2]  }
0x2e: {  	s3 =	simm.s32 @!p0 $0x1082;
	s9 =	sld [smem:$0x3FB3]  }
0x2f: {  	lr =	sadd.s32 s0, s3;
	s0 =	sld [smem:$0x3FAA]  }
0x30: {  	s3 =	sld [smem:$0x3FAD]  }
0x31: {  	[smem:$0x3FB6] =	sst s10  }
0x32: {  	s10 =	sld [smem:$0x3FB4];
	_ =	sdelay $0x3  }
0x33: {  	p0 =	seq.s32 s10, $0x1;
	s10 =	sld [smem:$0x3FB6];
	_ =	sdelay $0x3  }
0x34: {  	[smem:$0x3FB6] =	sst s10  }
0x35: {  	s10 =	sld [smem:$0x3FB5];
	_ =	sdelay $0x3  }
0x36: {  	p1 =	seq.s32 s10, $0x1;
	s10 =	sld [smem:$0x3FB6];
	_ =	sdelay $0x3  }
0x37: {  	[smem:$0x3FB6] =	sst s10  }
0x38: {  	s10 =	sld [smem:$0x3FB7]  }
0x39: {  	_ = 	snop;
	(pc) =	sbr.ind lr, $3  }
0x3a: {  	_ = 	snop  }
0x3b: {  	_ = 	snop  }
0x3c: {  	p2 =	seq.s32 s10, $0x1;
	s10 =	sld [smem:$0x3FB6]  }
0x3d: {  	_ =	shalt  }
0x3e: {  	_ =	shalt  }
0x3f: {  	_ =	shalt  }
0x40: {  	_ =	shalt  }
0x41: {  	_ =	shalt  }
0x42: {  	_ =	shalt  }
0x43: {  	_ =	shalt  }
0x44: {  	_ =	shalt  }
0x45: {  	_ =	shalt  }
0x46: {  	_ =	shalt  }
0x47: {  	_ =	shalt  }
0x48: {  	_ =	shalt  }
0x49: {  	_ =	shalt  }
0x4a: {  	_ =	shalt  }
0x4b: {  	_ =	shalt  }
0x4c: {  	_ =	shalt  }
0x4d: {  	_ =	shalt  }
0x4e: {  	_ =	shalt  }
0x4f: {  	_ =	shalt  }
0x50: {  	_ =	shalt  }
0x51: {  	_ =	shalt  }
0x52: {  	_ =	shalt  }
0x53: {  	_ =	shalt  }
0x54: {  	_ =	shalt  }
0x55: {  	_ =	shalt  }
0x56: {  	_ =	shalt  }
0x57: {  	_ =	shalt  }
0x58: {  	_ =	shalt  }
0x59: {  	_ =	shalt  }
0x5a: {  	_ =	shalt  }
0x5b: {  	_ =	shalt  }
0x5c: {  	_ =	shalt  }
0x5d: {  	_ =	shalt  }
0x5e: {  	_ =	shalt  }
0x5f: {  	_ =	shalt  }
0x60: {  	_ =	shalt  }
0x61: {  	_ =	shalt  }
0x62: {  	_ =	shalt  }
0x63: {  	_ =	shalt  }
0x64: {  	_ =	shalt  }
0x65: {  	_ =	shalt  }
0x66: {  	_ =	shalt  }
0x67: {  	_ =	shalt  }
0x68: {  	_ =	shalt  }
0x69: {  	_ =	shalt  }
0x6a: {  	_ =	shalt  }
0x6b: {  	_ =	shalt  }
0x6c: {  	_ =	shalt  }
0x6d: {  	_ =	shalt  }
0x6e: {  	_ =	shalt  }
0x6f: {  	_ =	shalt  }
0x70: {  	_ =	shalt  }
0x71: {  	_ =	shalt  }
0x72: {  	_ =	shalt  }
0x73: {  	_ =	shalt  }
0x74: {  	_ =	shalt  }
0x75: {  	_ =	shalt  }
0x76: {  	_ =	shalt  }
0x77: {  	_ =	shalt  }
0x78: {  	_ =	shalt  }
0x79: {  	_ =	shalt  }
0x7a: {  	_ =	shalt  }
0x7b: {  	_ =	shalt  }
0x7c: {  	_ =	shalt  }
0x7d: {  	_ =	shalt  }
0x7e: {  	_ =	shalt  }
0x7f: {  	_ =	shalt  }
0x80: {  	_ =	shalt  }
0x81: {  	_ =	shalt  }
0x82: {  	_ =	shalt  }
0x83: {  	_ =	shalt  }
0x84: {  	_ =	shalt  }
0x85: {  	_ =	shalt  }
0x86: {  	_ =	shalt  }
0x87: {  	_ =	shalt  }
.Lfunc_end0:
.L_simem_size_0:
called_computation_lowered:
.L_overlay_start_0:
0x88: {  	s2 =	sld [smem:$0x3FD9]  }
0x89: {  	s3 =	sld [smem:$0x3FFE];
	_ =	sdelay $0x1  }
0x8a: {  	s1 =	srdreg.scid  }
0x8b: {  	s0 =	sand.u32 $0x1, s1  }
0x8c: {  	s17 =	sshll.u32 s0, $0xA;
	s2 =	sadd.s32 s3, s2  }
0x8d: {  	s2 =	sadd.s32 s2, s17  }
0x8e: {  	[smem:$0x3FC2] =	sst s2  }
0x8f: {  	_ = 	snop  }
0x90: {  	s2 =	sld [smem:$0x3FD0];
	(tm) =	ssettm $0x1  }
0x91: {  	s18 =	sld [smem:$0x3FFB];
	_ =	sdelay $0x3  }
0x92: {  	_ =	strace s18  }
0x93: {  	s3 =	sld [smem:$0x3FFC];
	_ =	sdelay $0x3  }
0x94: {  	_ =	strace s3  }
0x95: {  	s3 =	sld [smem:$0x3FFD];
	_ =	sdelay $0x3  }
0x96: {  	_ =	strace s3  }
0x97: {  	_ =	strace $0x8FFFFFFF  }
0x98: {  	s19 =	sld [smem:$0x3FDB];
	_ =	sdelay $0x1  }
0x99: {  	s4 =	simm.s32 $_scs_section_size  }
0x9a: {  	s5 =	simm.s32 $_size__tile_overlayer_lowered;
	s6 =	simm.s32 $_tile_overlayer_lowered  }
0x9b: {  	s22 =	simm.s32 $0x1BFF;
	s21 =	sshll.u32 s6, $0x1;
	s3 =	sadd.s32 s4, s19  }
0x9c: {  	s7 =	simm.s32 $0x0;
	s20 =	sshll.u32 s5, $0x1;
	s5 =	sadd.s32 s21, s3  }
0x9d: {  	[timem:s7], [sflag:s22] =	dma.local [hbm:s5], s20  }
0x9e: {  	_ =	swait.ge [sflag:s22], s20  }
0x9f: {  	s4 =	ssub.s32 $0x0, s20;
	[sflag:s22] =	ssyncset.done $0x0  }
0xa0: {  	[sflag:s22] =	ssyncadd.s32 s4;
	_ =	sdelay $0x1  }
0xa1: {  	s23 =	simm.s32 $0x1B8B  }
0xa2: {  	_ =	swait.ge [sflag:s23], $0x1  }
0xa3: {  	[sflag:s23] =	ssyncset.done $0x0  }
0xa4: {  	s25 =	simm.s32 $0x1B8E;
	s24 =	sld [smem:$0x3FFE];
	[sflag:s23] =	ssyncadd.s32 $0xFFFFFFFF  }
0xa5: {  	s26 =	simm.s32 $execute0_lowered;
	[smem:$0x3FD2] =	sst s25  }
0xa6: {  	s5 =	sshll.u32 s26, $0x1;
	_ =	strace $0x80000046;
	[dreg:$0x1] =	wrdreg $0xFFFFFFFF  }
0xa7: {  	s28 =	simm.s32 $_size_execute0_lowered;
	s3 =	sadd.s32 s3, s5;
	[dreg:$0x0] =	wrdreg $0x0  }
0xa8: {  	s5 =	sshll.u32 s28, $0x1;
	[dreg:$0x2] =	wrdreg s3  }
0xa9: {  	[dreg:$0x3] =	wrdreg s5  }
0xaa: {  	[dreg:$0x4] =	wrdreg $0xC0  }
0xab: {  	_ =	task [dreg:s7], $0x5FFFF  }
0xac: {  	[dreg:$0x1] =	wrdreg $0xFFFFFFFF  }
0xad: {  	[dreg:$0x0] =	wrdreg $0x60  }
0xae: {  	[dreg:$0x2] =	wrdreg s24  }
0xaf: {  	[dreg:$0x3] =	wrdreg s2  }
0xb0: {  	[dreg:$0x4] =	wrdreg $0x29E00  }
0xb1: {  	[dreg:$0x5] =	wrdreg $0x9  }
0xb2: {  	_ =	task.clear_ibuf [dreg:s7], $0x6FFFF;
	_ =	strace $0x90000046  }
0xb3: {  	s29 =	simm.s32 $0x9;
	_ =	strace $0x80000048  }
0xb4: {  	_ =	swait.ge [sflag:s29], $0x1  }
0xb5: {  	[sflag:s29] =	ssyncadd.s32 $0xFFFFFFFF  }
0xb6: {  	_ =	strace $0x90000048  }
0xb7: {  	_ =	sfence  }
0xb8: {  	s30 =	sld [smem:$0x0];
	_ =	sdelay $0x2  }
0xb9: {  	s31 =	sshll.u32 s1, $0xD;
	s1 =	sshrl.u32 s1, $0x2  }
0xba: {  	s3 =	sand.u32 $0x4000, s31;
	s1 =	sadd.s32 s1, s30  }
0xbb: {  	s0 =	sor.u32 s3, s0;
	s1 =	sshll.u32 s1, $0x11  }
0xbc: {  	s0 =	sor.u32 s1, s0  }
0xbd: {  	s0 =	sadd.s32 $0x8F2B, s0  }
0xbe: {  	[sflag:s0] =	ssyncadd.remote.s32 $0x1  }
0xbf: {  	_ =	sfence.sel $0xFFFF  }
0xc0: {  	[dreg:$0x0] =	wrdreg $0xFFFFFFFF;
	(pc) =	sbr.abs _section_cstart, $3  }
0xc1: {  	[dreg:$0x1] =	wrdreg $0xFFFFFFFF  }
0xc2: {  	_ =	task.clear_ibuf [dreg:s7], $0x2FFFF;
	_ =	strace $0x9FFFFFFF  }
0xc3: {  	(tm) =	ssettm $0x7FFFFFFF  }
tec
execute0_lowered:
.L_overlay_start_1:
0x0: {  	(tag) =	ssettag $0x1  }
0x1: {  	s1 =	rddreg [dreg:$0x0]  }
0x2: {  	s0 =	srdreg.scid;
	s3 =	rddreg [dreg:$0x1]  }
0x3: {  	s5 =	stileid.u32;
	s2 =	rddreg [dreg:$0x2];
	s6 =	simm.s32 $0x0  }
0x4: {  	s8 =	simm.s32 $0x2760;
	s9 =	simm.s32 $0xD;
	s10 =	simm.s32 $0x50  }
0x5: {  	s11 =	simm.s32 $0x2710;
	s22 =	simm.s32 $0x1;
	s23 =	simm.s32 $0x2  }
0x6: {  	s24 =	simm.s32 $0x3;
	s25 =	simm.s32 $0x4;
	s28 =	simm.s32 $0x6  }
0x7: {  	s29 =	simm.s32 $0x7;
	s30 =	simm.s32 $0x8;
	s31 =	simm.s32 $0x9  }
0x8: {  	s12 =	simm.s32 $0xC;
	s15 =	simm.s32 $0x2620;
	s16 =	simm.s32 $0x26C0  }
0x9: {  	s17 =	simm.s32 $0x0;
	s0 =	sand.u32 $0x1, s0;
	[smem:$0x7FF] =	sst s6  }
0xa: {  	s4 =	sshll.u32 s0, $0x4;
	s26 =	smul.u32 $0x2800, s0;
	s0 =	ssub.s32 $0x2, s0  }
0xb: {  	s4 =	sor.u32 s5, s4;
	s5 =	smul.u32 $0x280, s5;
	s7 =	sshrl.u32 s0, $0x1  }
0xc: {  	_ =	strace $0x80000047;
	s4 =	smul.u32 $0x2710, s4;
	s0 =	ssub.s32 s0, s7  }
0xd: {  	s6 =	sadd.s32 s5, s26;
	s7 =	smax.u32 s0, $0x1;
	s26 =	simm.s32 $0x5  }
0xe: {  	s0 =	simm.s32 $0x2670;
	s4 =	sshrl.u32 s4, $0x3;
	s6 =	sshrl.u32 s6, $0x3  }
0xf: {  	s1 =	sadd.s32 s1, s4;
	s4 =	sadd.s32 s5, s2;
	s6 =	sadd.s32 s3, s6  }
0x10: {  	v0 =	vimm.f32 $0.0e+00;
	v1 =	vimm.f32 $1.000000000e+00;
	s3 =	simm.s32 $0xB;
	s5 =	sadd.s32 $0xC640, s1;
	s1 =	simm.s32 $0xA  }
.LBB2_1:
0x11: {  	s13 =	simm.s32 $0x0  }
0x12: {  	s18 =	smul.u32 $0xCD, s13;
	_ =	sdelay $0x1  }
0x13: {  	s18 =	sshrl.u32 s18, $0xA  }
0x14: {  	s19 =	sand.u32 $0x3F, s18  }
0x15: {  	s18 =	simm.s32 $0x1;
	s19 =	smul.u32 $0x5, s19  }
0x16: {  	s20 =	smul.u32 $0xCD, s18  }
0x17: {  	s19 =	ssub.s32 $0x0, s19  }
0x18: {  	s20 =	sshrl.u32 s20, $0xA;
	s19 =	sand.u32 $0xFF, s19  }
0x19: {  	[tilespmem:s8+$0x0] =	vst v0;
	s21 =	sand.u32 $0x3F, s20;
	s19 =	sshll.u32 s19, $0x4  }
0x1a: {  	s20 =	simm.s32 $0x2;
	s21 =	smul.u32 $0x5, s21;
	[tilespmem:s19+$0x2710] =	vst v1;
	s19 =	simm.s32 $0x2760  }
.LBB2_2:
0x1b: {  	s13 =	smul.u32 $0xCD, s20;
	s14 =	smov.u32 s20;
	p0 =	sne.s32 s20, $0x27  }
.Ltmp0:
0x1c: {  	s20 =	sadd.s32 $0x1, s20;
	s18 =	ssub.s32 s18, s21;
	(pc) =	sbr.rel @p0 .LBB2_2-.Ltmp0, $4  }
0x1d: {  	s19 =	sadd.s32 $0x10, s19;
	s21 =	sand.u32 $0xFF, s18;
	s18 =	smov.u32 s14  }
0x1e: {  	s13 =	sshrl.u32 s13, $0xA;
	[tilespmem:s19+$0x0] =	vst v0;
	s14 =	sshll.u32 s21, $0x4  }
0x1f: {  	s13 =	sand.u32 $0x3F, s13;
	[tilespmem:s14+$0x2710] =	vst v1  }
0x20: {  	s21 =	smul.u32 $0x5, s13  }
0x21: {  	_ = 	snop  }
0x22: {  	s13 =	ssub.s32 s18, s21  }
0x23: {  	s14 =	sadd.s32 $0x10, s19;
	s13 =	sand.u32 $0xFF, s13  }
0x24: {  	[tilespmem:s14+$0x0] =	vst v0;
	s13 =	sshll.u32 s13, $0x4  }
0x25: {  	[tilespmem:s13+$0x2710] =	vst v1  }
0x26: {  	[spmem:s4] =	stream.linear.scatter [tilespmem:s8], [sflag:$0xD], $0x280, $0x38;
	[tilespmem:$0x2C60] =	vst v63  }
0x27: {  	_ =	swait.ge [sflag:s9], $0x280  }
0x28: {  	[sflag:s9] =	ssyncset.done $0x0  }
0x29: {  	s20 =	simm.s32 $0x0;
	[sflag:s9] =	ssyncadd.s32 $0xFFFFFD80  }
0x2a: {  	[tilespmem:s20], [sflag:$0xD] =	stream.linear.gather [hbm4b:s5+s20], $0x2710, $0x38;
	[tilespmem:$0x2C60] =	vst v63  }
0x2b: {  	_ =	swait.ge [sflag:s9], $0x2710  }
0x2c: {  	[sflag:s9] =	ssyncset.done $0x0  }
0x2d: {  	[sflag:s9] =	ssyncadd.s32 $0xFFFFD8F0  }
0x2e: {  	[bflag:$0x0] =	sbarrier.arrive $0xFFFF  }
0x2f: {  	[spmem:s2] =	stream.indirect.scatter.add.f32 [tilespmem:s11], [sflag:$0x1], $0x1, s20, s10, $0xb8;
	[tilespmem:$0x2C60] =	vst v63  }
0x30: {  	_ = 	snop  }
0x31: {  	[spmem:s2] =	stream.indirect.scatter.add.f32 [tilespmem:s11], [sflag:$0x2], $0x1, s10, s10, $0xb8;
	[tilespmem:$0x2C60] =	vst v63  }
0x32: {  	s21 =	simm.s32 $0xA0  }
0x33: {  	[spmem:s2] =	stream.indirect.scatter.add.f32 [tilespmem:s11], [sflag:$0x3], $0x1, s21, s10, $0xb8;
	[tilespmem:$0x2C60] =	vst v63  }
0x34: {  	s14 =	simm.s32 $0xF0  }
0x35: {  	[spmem:s2] =	stream.indirect.scatter.add.f32 [tilespmem:s11], [sflag:$0x4], $0x1, s14, s10, $0xb8;
	[tilespmem:$0x2C60] =	vst v63  }
0x36: {  	s18 =	simm.s32 $0x140  }
0x37: {  	[spmem:s2] =	stream.indirect.scatter.add.f32 [tilespmem:s11], [sflag:$0x5], $0x1, s18, s10, $0xb8;
	[tilespmem:$0x2C60] =	vst v63  }
0x38: {  	s19 =	simm.s32 $0x190  }
0x39: {  	[spmem:s2] =	stream.indirect.scatter.add.f32 [tilespmem:s11], [sflag:$0x6], $0x1, s19, s10, $0xb8;
	[tilespmem:$0x2C60] =	vst v63  }
0x3a: {  	s20 =	simm.s32 $0x1E0  }
0x3b: {  	[spmem:s2] =	stream.indirect.scatter.add.f32 [tilespmem:s11], [sflag:$0x7], $0x1, s20, s10, $0xb8;
	[tilespmem:$0x2C60] =	vst v63  }
0x3c: {  	s21 =	simm.s32 $0x230  }
0x3d: {  	[spmem:s2] =	stream.indirect.scatter.add.f32 [tilespmem:s11], [sflag:$0x8], $0x1, s21, s10, $0xb8;
	[tilespmem:$0x2C60] =	vst v63  }
0x3e: {  	s14 =	simm.s32 $0x280  }
0x3f: {  	[spmem:s2] =	stream.indirect.scatter.add.f32 [tilespmem:s11], [sflag:$0x9], $0x1, s14, s10, $0xb8;
	[tilespmem:$0x2C60] =	vst v63  }
0x40: {  	s18 =	simm.s32 $0x2D0  }
0x41: {  	[spmem:s2] =	stream.indirect.scatter.add.f32 [tilespmem:s11], [sflag:$0xA], $0x1, s18, s10, $0xb8;
	[tilespmem:$0x2C60] =	vst v63  }
0x42: {  	s19 =	simm.s32 $0x320  }
0x43: {  	[spmem:s2] =	stream.indirect.scatter.add.f32 [tilespmem:s11], [sflag:$0xB], $0x1, s19, s10, $0xb8;
	[tilespmem:$0x2C60] =	vst v63  }
0x44: {  	s20 =	simm.s32 $0x370  }
0x45: {  	[spmem:s2] =	stream.indirect.scatter.add.f32 [tilespmem:s11], [sflag:$0xC], $0x1, s20, s10, $0xb8;
	[tilespmem:$0x2C60] =	vst v63  }
0x46: {  	_ =	swait.ge [sflag:s22], $0x50  }
0x47: {  	[sflag:s22] =	ssyncset.done $0x0  }
0x48: {  	s21 =	simm.s32 $0x3C0;
	[sflag:s22] =	ssyncadd.s32 $0xFFFFFFB0  }
0x49: {  	[spmem:s2] =	stream.indirect.scatter.add.f32 [tilespmem:s11], [sflag:$0x1], $0x1, s21, s10, $0xb8;
	[tilespmem:$0x2C60] =	vst v63  }
0x4a: {  	_ =	swait.ge [sflag:s23], $0x50  }
0x4b: {  	[sflag:s23] =	ssyncset.done $0x0  }
0x4c: {  	s14 =	simm.s32 $0x410;
	[sflag:s23] =	ssyncadd.s32 $0xFFFFFFB0  }
0x4d: {  	[spmem:s2] =	stream.indirect.scatter.add.f32 [tilespmem:s11], [sflag:$0x2], $0x1, s14, s10, $0xb8;
	[tilespmem:$0x2C60] =	vst v63  }
0x4e: {  	_ =	swait.ge [sflag:s24], $0x50  }
0x4f: {  	[sflag:s24] =	ssyncset.done $0x0  }
0x50: {  	s18 =	simm.s32 $0x460;
	[sflag:s24] =	ssyncadd.s32 $0xFFFFFFB0  }
0x51: {  	[spmem:s2] =	stream.indirect.scatter.add.f32 [tilespmem:s11], [sflag:$0x3], $0x1, s18, s10, $0xb8;
	[tilespmem:$0x2C60] =	vst v63  }
0x52: {  	_ =	swait.ge [sflag:s25], $0x50  }
0x53: {  	[sflag:s25] =	ssyncset.done $0x0  }
0x54: {  	s19 =	simm.s32 $0x4B0;
	[sflag:s25] =	ssyncadd.s32 $0xFFFFFFB0  }
0x55: {  	[spmem:s2] =	stream.indirect.scatter.add.f32 [tilespmem:s11], [sflag:$0x4], $0x1, s19, s10, $0xb8;
	[tilespmem:$0x2C60] =	vst v63  }
0x56: {  	_ =	swait.ge [sflag:s26], $0x50  }
0x57: {  	[sflag:s26] =	ssyncset.done $0x0  }
0x58: {  	s20 =	simm.s32 $0x500;
	[sflag:s26] =	ssyncadd.s32 $0xFFFFFFB0  }
0x59: {  	[spmem:s2] =	stream.indirect.scatter.add.f32 [tilespmem:s11], [sflag:$0x5], $0x1, s20, s10, $0xb8;
	[tilespmem:$0x2C60] =	vst v63  }
0x5a: {  	_ =	swait.ge [sflag:s28], $0x50  }
0x5b: {  	[sflag:s28] =	ssyncset.done $0x0  }
0x5c: {  	s21 =	simm.s32 $0x550;
	[sflag:s28] =	ssyncadd.s32 $0xFFFFFFB0  }
0x5d: {  	[spmem:s2] =	stream.indirect.scatter.add.f32 [tilespmem:s11], [sflag:$0x6], $0x1, s21, s10, $0xb8;
	[tilespmem:$0x2C60] =	vst v63  }
0x5e: {  	_ =	swait.ge [sflag:s29], $0x50  }
0x5f: {  	[sflag:s29] =	ssyncset.done $0x0  }
0x60: {  	s14 =	simm.s32 $0x5A0;
	[sflag:s29] =	ssyncadd.s32 $0xFFFFFFB0  }
0x61: {  	[spmem:s2] =	stream.indirect.scatter.add.f32 [tilespmem:s11], [sflag:$0x7], $0x1, s14, s10, $0xb8;
	[tilespmem:$0x2C60] =	vst v63  }
0x62: {  	_ =	swait.ge [sflag:s30], $0x50  }
0x63: {  	[sflag:s30] =	ssyncset.done $0x0  }
0x64: {  	s18 =	simm.s32 $0x5F0;
	[sflag:s30] =	ssyncadd.s32 $0xFFFFFFB0  }
0x65: {  	[spmem:s2] =	stream.indirect.scatter.add.f32 [tilespmem:s11], [sflag:$0x8], $0x1, s18, s10, $0xb8;
	[tilespmem:$0x2C60] =	vst v63  }
0x66: {  	_ =	swait.ge [sflag:s31], $0x50  }
0x67: {  	[sflag:s31] =	ssyncset.done $0x0  }
0x68: {  	s19 =	simm.s32 $0x640;
	[sflag:s31] =	ssyncadd.s32 $0xFFFFFFB0  }
0x69: {  	[spmem:s2] =	stream.indirect.scatter.add.f32 [tilespmem:s11], [sflag:$0x9], $0x1, s19, s10, $0xb8;
	[tilespmem:$0x2C60] =	vst v63  }
0x6a: {  	_ =	swait.ge [sflag:s1], $0x50  }
0x6b: {  	[sflag:s1] =	ssyncset.done $0x0  }
0x6c: {  	s20 =	simm.s32 $0x690;
	[sflag:s1] =	ssyncadd.s32 $0xFFFFFFB0  }
0x6d: {  	[spmem:s2] =	stream.indirect.scatter.add.f32 [tilespmem:s11], [sflag:$0xA], $0x1, s20, s10, $0xb8;
	[tilespmem:$0x2C60] =	vst v63  }
0x6e: {  	_ =	swait.ge [sflag:s3], $0x50  }
0x6f: {  	[sflag:s3] =	ssyncset.done $0x0  }
0x70: {  	s21 =	simm.s32 $0x6E0;
	[sflag:s3] =	ssyncadd.s32 $0xFFFFFFB0  }
0x71: {  	[spmem:s2] =	stream.indirect.scatter.add.f32 [tilespmem:s11], [sflag:$0xB], $0x1, s21, s10, $0xb8;
	[tilespmem:$0x2C60] =	vst v63  }
0x72: {  	_ =	swait.ge [sflag:s12], $0x50  }
0x73: {  	[sflag:s12] =	ssyncset.done $0x0  }
0x74: {  	s18 =	simm.s32 $0xF00;
	s19 =	simm.s32 $0x730;
	[sflag:s12] =	ssyncadd.s32 $0xFFFFFFB0  }
.LBB2_4:
0x75: {  	[spmem:s2] =	stream.indirect.scatter.add.f32 [tilespmem:s11], [sflag:$0xC], $0x1, s19, s10, $0xb8;
	[tilespmem:$0x2C60] =	vst v63  }
0x76: {  	s13 =	smov.u32 s18  }
0x77: {  	p0 =	sne.s32 s18, $0x7800;
	s18 =	sadd.s32 $0xF00, s18;
	_ =	swait.ge [sflag:s22], $0x50  }
0x78: {  	s19 =	sshra.s32 s13, $0x2;
	[sflag:s22] =	ssyncset.done $0x0  }
0x79: {  	s13 =	sadd.s32 $0x3C0, s19;
	[sflag:s22] =	ssyncadd.s32 $0xFFFFFFB0  }
0x7a: {  	[spmem:s2] =	stream.indirect.scatter.add.f32 [tilespmem:s11], [sflag:$0x1], $0x1, s13, s10, $0xb8;
	[tilespmem:$0x2C60] =	vst v63  }
0x7b: {  	_ =	swait.ge [sflag:s23], $0x50  }
0x7c: {  	[sflag:s23] =	ssyncset.done $0x0  }
0x7d: {  	s13 =	sadd.s32 $0x410, s19;
	[sflag:s23] =	ssyncadd.s32 $0xFFFFFFB0  }
0x7e: {  	[spmem:s2] =	stream.indirect.scatter.add.f32 [tilespmem:s11], [sflag:$0x2], $0x1, s13, s10, $0xb8;
	[tilespmem:$0x2C60] =	vst v63  }
0x7f: {  	_ =	swait.ge [sflag:s24], $0x50  }
0x80: {  	[sflag:s24] =	ssyncset.done $0x0  }
0x81: {  	s13 =	sadd.s32 $0x460, s19;
	[sflag:s24] =	ssyncadd.s32 $0xFFFFFFB0  }
0x82: {  	[spmem:s2] =	stream.indirect.scatter.add.f32 [tilespmem:s11], [sflag:$0x3], $0x1, s13, s10, $0xb8;
	[tilespmem:$0x2C60] =	vst v63  }
0x83: {  	_ =	swait.ge [sflag:s25], $0x50  }
0x84: {  	[sflag:s25] =	ssyncset.done $0x0  }
0x85: {  	s13 =	sadd.s32 $0x4B0, s19;
	[sflag:s25] =	ssyncadd.s32 $0xFFFFFFB0  }
0x86: {  	[spmem:s2] =	stream.indirect.scatter.add.f32 [tilespmem:s11], [sflag:$0x4], $0x1, s13, s10, $0xb8;
	[tilespmem:$0x2C60] =	vst v63  }
0x87: {  	_ =	swait.ge [sflag:s26], $0x50  }
0x88: {  	[sflag:s26] =	ssyncset.done $0x0  }
0x89: {  	s13 =	sadd.s32 $0x500, s19;
	[sflag:s26] =	ssyncadd.s32 $0xFFFFFFB0  }
0x8a: {  	[spmem:s2] =	stream.indirect.scatter.add.f32 [tilespmem:s11], [sflag:$0x5], $0x1, s13, s10, $0xb8;
	[tilespmem:$0x2C60] =	vst v63  }
0x8b: {  	_ =	swait.ge [sflag:s28], $0x50  }
0x8c: {  	[sflag:s28] =	ssyncset.done $0x0  }
0x8d: {  	s13 =	sadd.s32 $0x550, s19;
	[sflag:s28] =	ssyncadd.s32 $0xFFFFFFB0  }
0x8e: {  	[spmem:s2] =	stream.indirect.scatter.add.f32 [tilespmem:s11], [sflag:$0x6], $0x1, s13, s10, $0xb8;
	[tilespmem:$0x2C60] =	vst v63  }
0x8f: {  	_ =	swait.ge [sflag:s29], $0x50  }
0x90: {  	[sflag:s29] =	ssyncset.done $0x0  }
0x91: {  	s13 =	sadd.s32 $0x5A0, s19;
	[sflag:s29] =	ssyncadd.s32 $0xFFFFFFB0  }
0x92: {  	[spmem:s2] =	stream.indirect.scatter.add.f32 [tilespmem:s11], [sflag:$0x7], $0x1, s13, s10, $0xb8;
	[tilespmem:$0x2C60] =	vst v63  }
0x93: {  	_ =	swait.ge [sflag:s30], $0x50  }
0x94: {  	[sflag:s30] =	ssyncset.done $0x0  }
0x95: {  	s13 =	sadd.s32 $0x5F0, s19;
	[sflag:s30] =	ssyncadd.s32 $0xFFFFFFB0  }
0x96: {  	[spmem:s2] =	stream.indirect.scatter.add.f32 [tilespmem:s11], [sflag:$0x8], $0x1, s13, s10, $0xb8;
	[tilespmem:$0x2C60] =	vst v63  }
0x97: {  	_ =	swait.ge [sflag:s31], $0x50  }
0x98: {  	[sflag:s31] =	ssyncset.done $0x0  }
0x99: {  	s13 =	sadd.s32 $0x640, s19;
	[sflag:s31] =	ssyncadd.s32 $0xFFFFFFB0  }
0x9a: {  	[spmem:s2] =	stream.indirect.scatter.add.f32 [tilespmem:s11], [sflag:$0x9], $0x1, s13, s10, $0xb8;
	[tilespmem:$0x2C60] =	vst v63  }
0x9b: {  	_ =	swait.ge [sflag:s1], $0x50  }
0x9c: {  	[sflag:s1] =	ssyncset.done $0x0  }
0x9d: {  	s13 =	sadd.s32 $0x690, s19;
	[sflag:s1] =	ssyncadd.s32 $0xFFFFFFB0  }
0x9e: {  	[spmem:s2] =	stream.indirect.scatter.add.f32 [tilespmem:s11], [sflag:$0xA], $0x1, s13, s10, $0xb8;
	[tilespmem:$0x2C60] =	vst v63  }
0x9f: {  	_ =	swait.ge [sflag:s3], $0x50  }
0xa0: {  	[sflag:s3] =	ssyncset.done $0x0  }
.Ltmp1:
0xa1: {  	s13 =	sadd.s32 $0x6E0, s19;
	[sflag:s3] =	ssyncadd.s32 $0xFFFFFFB0;
	(pc) =	sbr.rel @p0 .LBB2_4-.Ltmp1, $4  }
0xa2: {  	[spmem:s2] =	stream.indirect.scatter.add.f32 [tilespmem:s11], [sflag:$0xB], $0x1, s13, s10, $0xb8;
	[tilespmem:$0x2C60] =	vst v63  }
0xa3: {  	_ =	swait.ge [sflag:s12], $0x50  }
0xa4: {  	[sflag:s12] =	ssyncset.done $0x0  }
0xa5: {  	s19 =	sadd.s32 $0x730, s19;
	[sflag:s12] =	ssyncadd.s32 $0xFFFFFFB0  }
0xa6: {  	[spmem:s2] =	stream.indirect.scatter.add.f32 [tilespmem:s11], [sflag:$0xC], $0x1, s19, s10, $0xb8;
	[tilespmem:$0x2C60] =	vst v63  }
0xa7: {  	_ =	swait.ge [sflag:s22], $0x50  }
0xa8: {  	[sflag:s22] =	ssyncset.done $0x0  }
0xa9: {  	s13 =	simm.s32 $0x2580;
	[sflag:s22] =	ssyncadd.s32 $0xFFFFFFB0  }
0xaa: {  	[spmem:s2] =	stream.indirect.scatter.add.f32 [tilespmem:s11], [sflag:$0x1], $0x1, s13, s10, $0xb8;
	[tilespmem:$0x2C60] =	vst v63  }
0xab: {  	_ =	swait.ge [sflag:s23], $0x50  }
0xac: {  	[sflag:s23] =	ssyncset.done $0x0  }
0xad: {  	s20 =	simm.s32 $0x25D0;
	[sflag:s23] =	ssyncadd.s32 $0xFFFFFFB0  }
0xae: {  	[spmem:s2] =	stream.indirect.scatter.add.f32 [tilespmem:s11], [sflag:$0x2], $0x1, s20, s10, $0xb8;
	[tilespmem:$0x2C60] =	vst v63  }
0xaf: {  	_ =	swait.ge [sflag:s24], $0x50  }
0xb0: {  	[sflag:s24] =	ssyncset.done $0x0  }
0xb1: {  	[sflag:s24] =	ssyncadd.s32 $0xFFFFFFB0  }
0xb2: {  	[spmem:s2] =	stream.indirect.scatter.add.f32 [tilespmem:s11], [sflag:$0x3], $0x1, s15, s10, $0xb8;
	[tilespmem:$0x2C60] =	vst v63  }
0xb3: {  	_ =	swait.ge [sflag:s25], $0x50  }
0xb4: {  	[sflag:s25] =	ssyncset.done $0x0  }
0xb5: {  	[sflag:s25] =	ssyncadd.s32 $0xFFFFFFB0  }
0xb6: {  	[spmem:s2] =	stream.indirect.scatter.add.f32 [tilespmem:s11], [sflag:$0x4], $0x1, s0, s10, $0xb8;
	[tilespmem:$0x2C60] =	vst v63  }
0xb7: {  	_ =	swait.ge [sflag:s26], $0x50  }
0xb8: {  	[sflag:s26] =	ssyncset.done $0x0  }
0xb9: {  	[sflag:s26] =	ssyncadd.s32 $0xFFFFFFB0  }
0xba: {  	[spmem:s2] =	stream.indirect.scatter.add.f32 [tilespmem:s11], [sflag:$0x5], $0x1, s16, s10, $0xb8;
	[tilespmem:$0x2C60] =	vst v63  }
0xbb: {  	_ =	swait.ge [sflag:s28], $0x50  }
0xbc: {  	[sflag:s28] =	ssyncset.done $0x0  }
0xbd: {  	[sflag:s28] =	ssyncadd.s32 $0xFFFFFFB0  }
0xbe: {  	_ =	swait.ge [sflag:s29], $0x50  }
0xbf: {  	[sflag:s29] =	ssyncset.done $0x0  }
0xc0: {  	[sflag:s29] =	ssyncadd.s32 $0xFFFFFFB0  }
0xc1: {  	_ =	swait.ge [sflag:s30], $0x50  }
0xc2: {  	[sflag:s30] =	ssyncset.done $0x0  }
0xc3: {  	[sflag:s30] =	ssyncadd.s32 $0xFFFFFFB0  }
0xc4: {  	_ =	swait.ge [sflag:s31], $0x50  }
0xc5: {  	[sflag:s31] =	ssyncset.done $0x0  }
0xc6: {  	[sflag:s31] =	ssyncadd.s32 $0xFFFFFFB0  }
0xc7: {  	_ =	swait.ge [sflag:s1], $0x50  }
0xc8: {  	[sflag:s1] =	ssyncset.done $0x0  }
0xc9: {  	[sflag:s1] =	ssyncadd.s32 $0xFFFFFFB0  }
0xca: {  	_ =	swait.ge [sflag:s3], $0x50  }
0xcb: {  	[sflag:s3] =	ssyncset.done $0x0  }
0xcc: {  	[sflag:s3] =	ssyncadd.s32 $0xFFFFFFB0  }
0xcd: {  	_ =	swait.ge [sflag:s12], $0x50  }
0xce: {  	[sflag:s12] =	ssyncset.done $0x0  }
0xcf: {  	[sflag:s12] =	ssyncadd.s32 $0xFFFFFFB0  }
0xd0: {  	_ =	swait.ge [sflag:s22], $0x50  }
0xd1: {  	[sflag:s22] =	ssyncset.done $0x0  }
0xd2: {  	[sflag:s22] =	ssyncadd.s32 $0xFFFFFFB0  }
0xd3: {  	_ =	swait.ge [sflag:s23], $0x50  }
0xd4: {  	[sflag:s23] =	ssyncset.done $0x0  }
0xd5: {  	[sflag:s23] =	ssyncadd.s32 $0xFFFFFFB0  }
0xd6: {  	_ =	swait.ge [sflag:s24], $0x50  }
0xd7: {  	[sflag:s24] =	ssyncset.done $0x0  }
0xd8: {  	[sflag:s24] =	ssyncadd.s32 $0xFFFFFFB0  }
0xd9: {  	_ =	swait.ge [sflag:s25], $0x50  }
0xda: {  	[sflag:s25] =	ssyncset.done $0x0  }
0xdb: {  	[sflag:s25] =	ssyncadd.s32 $0xFFFFFFB0  }
0xdc: {  	s21 =	stileid.u32;
	_ =	swait.ge [sflag:s26], $0x50  }
0xdd: {  	s14 =	sshrl.u32 s4, $0x3;
	s17 =	sadd.s32 $0x1, s17;
	[sflag:s26] =	ssyncset.done $0x0  }
0xde: {  	p0 =	sne.s32 s17, s7;
	s13 =	sshll.u32 s21, $0x6;
	[sflag:s26] =	ssyncadd.s32 $0xFFFFFFB0  }
.Ltmp2:
0xdf: {  	s13 =	sor.u32 $0x1C0D, s13;
	[bflag:$0x0] =	sbarrier.arrive $0xFFFF;
	(pc) =	sbr.rel @p0 .LBB2_1-.Ltmp2, $4  }
0xe0: {  	[hbm:s6], [sflag:s13] =	dma.local [spmem:s14], $0x50  }
0xe1: {  	_ =	swait.ge [sflag:s9], $0x50  }
0xe2: {  	[sflag:s9] =	ssyncset.done $0x0  }
0xe3: {  	[sflag:s9] =	ssyncadd.s32 $0xFFFFFFB0  }
0xe4: {  	_ =	sfence.sel $0x180000  }
0xe5: {  	[bflag:$0x0] =	sbarrier.arrive $0xFFFF  }
0xe6: {  	_ =	strace $0x90000047  }
0xe7: {  	s0 =	stileid.u32;
	[bflag:$0x2] =	sbarrier.arrive $0xFFFF  }
0xe8: {  	p0 =	sne.s32 s0, $0x0;
	s0 =	rddreg [dreg:$0x3]  }
0xe9: {  	s0 =	sadd.s32 @!p0 $0x100000, s0  }
0xea: {  	[sflag:s0] =	ssyncadd.tile.s32 @!p0 $0x1;
	_ =	shalt  }
.Lfunc_end2:
_tile_overlayer_lowered:
.L_overlay_start_2:
0xeb: {  	(tag) =	ssettag $0x2  }
0xec: {  	s0 =	rddreg [dreg:$0x0];
	s2 =	stileid.u32  }
0xed: {  	s1 =	rddreg [dreg:$0x1];
	p0 =	sne.s32 s2, $0x0  }
0xee: {  	s3 =	rddreg [dreg:$0x2];
	[bflag:$0x3] =	sbarrier.arrive $0xFFFF;
	s2 =	simm.s32 @!p0 $0x1C0D  }
0xef: {  	[timem:s3], [sflag:s2] =	dma.local @!p0 [hbm:s0], s1  }
0xf0: {  	s0 =	simm.s32 @!p0 $0xD  }
0xf1: {  	_ =	swait.ge @!p0 [sflag:s0], s1  }
0xf2: {  	s1 =	ssub.s32 @!p0 $0x0, s1;
	[sflag:s0] =	ssyncset.done @!p0 $0x0  }
0xf3: {  	[sflag:s0] =	ssyncadd.s32 @!p0 s1  }
0xf4: {  	[bflag:$0x3] =	sbarrier.arrive $0xFFFF  }
0xf5: {  	_ =	shalt  }

// kernel: kernel.13.cloned.1.call-start
scs
__scs_entry_jumppad:
0x0: {  	(pc) =	sbr.rel $0x88, $3  }
0x1: {  	(tag) =	ssettag $0x0;
	lr =	simm.s32 $0x1  }
0x2: {  	[smem:$0x3F9B] =	sst lr;
	_ =	strace $0xD0000000  }
0x3: {  	_ = 	snop  }
0x4: {  	_ = 	snop  }
0x5: {  	_ = 	snop  }
0x6: {  	_ = 	snop  }
0x7: {  	_ = 	snop  }
__scs_overlays_trampoline_lowered:
0x8: {  	[smem:$0x3FAA] =	sst s0  }
0x9: {  	[smem:$0x3FAB] =	sst s1  }
0xa: {  	[smem:$0x3FAC] =	sst s2  }
0xb: {  	[smem:$0x3FAD] =	sst s3  }
0xc: {  	[smem:$0x3FAE] =	sst s4  }
0xd: {  	[smem:$0x3FAF] =	sst s5  }
0xe: {  	[smem:$0x3FB0] =	sst s6  }
0xf: {  	[smem:$0x3FB1] =	sst s7  }
0x10: {  	[smem:$0x3FB2] =	sst s8  }
0x11: {  	[smem:$0x3FB3] =	sst s9;
	s0 =	simm.s32 @!p0 $0x0  }
0x12: {  	s1 =	sld [smem:$0x3F99];
	s0 =	simm.s32 @p0 $0x1  }
0x13: {  	[smem:$0x3FB4] =	sst s0;
	s0 =	simm.s32 @!p1 $0x0  }
0x14: {  	s2 =	sld [smem:$0x3F98];
	s0 =	simm.s32 @p1 $0x1  }
0x15: {  	[smem:$0x3FB5] =	sst s0;
	s0 =	simm.s32 @!p2 $0x0  }
0x16: {  	s3 =	sld [smem:$0x3FDB];
	s0 =	simm.s32 @p2 $0x1  }
0x17: {  	s4 =	simm.s32 $0x1BF5;
	[smem:$0x3FB7] =	sst s0  }
0x18: {  	s0 =	sld [smem:$0x3F9A];
	_ =	swait.ge [sflag:s4], $0x0  }
0x19: {  	s7 =	sld [smem:$0x3F9B]  }
0x1a: {  	s8 =	sadd.s32 $0xFFFFE003, lr  }
0x1b: {  	s9 =	sadd.s32 $0xFFFFFEF7, lr;
	s5 =	simm.s32 $0xFFFFFFFF;
	p2 =	slt.u32 s8, $0xFFFFF086  }
0x1c: {  	p1 =	slt.u32 s9, $0xF7A;
	s5 =	simm.s32 @!p2 $0x0  }
0x1d: {  	s5 =	simm.s32 @p1 $0x1;
	p0 =	seq.s32 s7, s2  }
0x1e: {  	s7 =	smul.u32 @!p0 $0xF7A, s2;
	p2 =	seq.s32 @!p0 s5, $0x0  }
0x1f: {  	s9 =	smul.u32 $0xF7A, s1;
	s8 =	simm.s32 @!p0 $0x1BF5;
	p2 =	por !p2, p0  }
0x20: {  	[sflag:s8] =	ssyncset.s32 @!p0 $0xFFFFF086;
	s6 =	sadd.s32 @!p0 s3, s7;
	s7 =	simm.s32 @!p0 $0x108  }
0x21: {  	s3 =	sadd.s32 s3, s9;
	s6 =	sadd.s32 @!p0 $0x88, s6;
	s7 =	simm.s32 @p2 $0x1082  }
0x22: {  	[simem:s7], [sflag:s8] =	dma.local @!p0 [hbm:s6], $0xF7A  }
0x23: {  	s9 =	sor.u32 $0xD0000000, s2;
	s6 =	simm.s32 $0x108;
	_ =	swait.ge @!p0 [sflag:s8], $0x0  }
0x24: {  	s3 =	sadd.s32 $0x88, s3;
	s6 =	simm.s32 @!p1 $0x1082;
	[sflag:s4] =	ssyncset.s32 $0xFFFFF086  }
0x25: {  	[simem:s6], [sflag:s4] =	dma.local [hbm:s3], $0xF7A  }
0x26: {  	[smem:$0x3F9B] =	sst s1;
	(tag) =	ssettag s2;
	_ =	strace s9  }
0x27: {  	s1 =	sld [smem:$0x3FAB]  }
0x28: {  	s2 =	sld [smem:$0x3FAC]  }
0x29: {  	s4 =	sld [smem:$0x3FAE]  }
0x2a: {  	p0 =	seq.s32 s5, $0x0;
	s5 =	sld [smem:$0x3FAF]  }
0x2b: {  	s6 =	sld [smem:$0x3FB0]  }
0x2c: {  	s7 =	sld [smem:$0x3FB1]  }
0x2d: {  	s3 =	simm.s32 $0x108;
	s8 =	sld [smem:$0x3FB2]  }
0x2e: {  	s3 =	simm.s32 @!p0 $0x1082;
	s9 =	sld [smem:$0x3FB3]  }
0x2f: {  	lr =	sadd.s32 s0, s3;
	s0 =	sld [smem:$0x3FAA]  }
0x30: {  	s3 =	sld [smem:$0x3FAD]  }
0x31: {  	[smem:$0x3FB6] =	sst s10  }
0x32: {  	s10 =	sld [smem:$0x3FB4];
	_ =	sdelay $0x3  }
0x33: {  	p0 =	seq.s32 s10, $0x1;
	s10 =	sld [smem:$0x3FB6];
	_ =	sdelay $0x3  }
0x34: {  	[smem:$0x3FB6] =	sst s10  }
0x35: {  	s10 =	sld [smem:$0x3FB5];
	_ =	sdelay $0x3  }
0x36: {  	p1 =	seq.s32 s10, $0x1;
	s10 =	sld [smem:$0x3FB6];
	_ =	sdelay $0x3  }
0x37: {  	[smem:$0x3FB6] =	sst s10  }
0x38: {  	s10 =	sld [smem:$0x3FB7]  }
0x39: {  	_ = 	snop;
	(pc) =	sbr.ind lr, $3  }
0x3a: {  	_ = 	snop  }
0x3b: {  	_ = 	snop  }
0x3c: {  	p2 =	seq.s32 s10, $0x1;
	s10 =	sld [smem:$0x3FB6]  }
0x3d: {  	_ =	shalt  }
0x3e: {  	_ =	shalt  }
0x3f: {  	_ =	shalt  }
0x40: {  	_ =	shalt  }
0x41: {  	_ =	shalt  }
0x42: {  	_ =	shalt  }
0x43: {  	_ =	shalt  }
0x44: {  	_ =	shalt  }
0x45: {  	_ =	shalt  }
0x46: {  	_ =	shalt  }
0x47: {  	_ =	shalt  }
0x48: {  	_ =	shalt  }
0x49: {  	_ =	shalt  }
0x4a: {  	_ =	shalt  }
0x4b: {  	_ =	shalt  }
0x4c: {  	_ =	shalt  }
0x4d: {  	_ =	shalt  }
0x4e: {  	_ =	shalt  }
0x4f: {  	_ =	shalt  }
0x50: {  	_ =	shalt  }
0x51: {  	_ =	shalt  }
0x52: {  	_ =	shalt  }
0x53: {  	_ =	shalt  }
0x54: {  	_ =	shalt  }
0x55: {  	_ =	shalt  }
0x56: {  	_ =	shalt  }
0x57: {  	_ =	shalt  }
0x58: {  	_ =	shalt  }
0x59: {  	_ =	shalt  }
0x5a: {  	_ =	shalt  }
0x5b: {  	_ =	shalt  }
0x5c: {  	_ =	shalt  }
0x5d: {  	_ =	shalt  }
0x5e: {  	_ =	shalt  }
0x5f: {  	_ =	shalt  }
0x60: {  	_ =	shalt  }
0x61: {  	_ =	shalt  }
0x62: {  	_ =	shalt  }
0x63: {  	_ =	shalt  }
0x64: {  	_ =	shalt  }
0x65: {  	_ =	shalt  }
0x66: {  	_ =	shalt  }
0x67: {  	_ =	shalt  }
0x68: {  	_ =	shalt  }
0x69: {  	_ =	shalt  }
0x6a: {  	_ =	shalt  }
0x6b: {  	_ =	shalt  }
0x6c: {  	_ =	shalt  }
0x6d: {  	_ =	shalt  }
0x6e: {  	_ =	shalt  }
0x6f: {  	_ =	shalt  }
0x70: {  	_ =	shalt  }
0x71: {  	_ =	shalt  }
0x72: {  	_ =	shalt  }
0x73: {  	_ =	shalt  }
0x74: {  	_ =	shalt  }
0x75: {  	_ =	shalt  }
0x76: {  	_ =	shalt  }
0x77: {  	_ =	shalt  }
0x78: {  	_ =	shalt  }
0x79: {  	_ =	shalt  }
0x7a: {  	_ =	shalt  }
0x7b: {  	_ =	shalt  }
0x7c: {  	_ =	shalt  }
0x7d: {  	_ =	shalt  }
0x7e: {  	_ =	shalt  }
0x7f: {  	_ =	shalt  }
0x80: {  	_ =	shalt  }
0x81: {  	_ =	shalt  }
0x82: {  	_ =	shalt  }
0x83: {  	_ =	shalt  }
0x84: {  	_ =	shalt  }
0x85: {  	_ =	shalt  }
0x86: {  	_ =	shalt  }
0x87: {  	_ =	shalt  }
.Lfunc_end0:
.L_simem_size_0:
called_computation.1_lowered:
.L_overlay_start_0:
0x88: {  	s2 =	sld [smem:$0x3FD9]  }
0x89: {  	s3 =	sld [smem:$0x3FFE];
	_ =	sdelay $0x1  }
0x8a: {  	s1 =	srdreg.scid  }
0x8b: {  	s0 =	sand.u32 $0x1, s1  }
0x8c: {  	s16 =	sshll.u32 s0, $0xA;
	s2 =	sadd.s32 s3, s2  }
0x8d: {  	s2 =	sadd.s32 s2, s16  }
0x8e: {  	[smem:$0x3FC2] =	sst s2  }
0x8f: {  	_ = 	snop  }
0x90: {  	(tm) =	ssettm $0x1  }
0x91: {  	s17 =	sld [smem:$0x3FFB];
	_ =	sdelay $0x3  }
0x92: {  	_ =	strace s17  }
0x93: {  	s2 =	sld [smem:$0x3FFC];
	_ =	sdelay $0x3  }
0x94: {  	_ =	strace s2  }
0x95: {  	s2 =	sld [smem:$0x3FFD];
	_ =	sdelay $0x3  }
0x96: {  	_ =	strace s2  }
0x97: {  	_ =	strace $0x8FFFFFFF  }
0x98: {  	s18 =	sld [smem:$0x3FDB];
	_ =	sdelay $0x1  }
0x99: {  	s19 =	simm.s32 $_scs_section_size  }
0x9a: {  	s4 =	simm.s32 $_size__tile_overlayer_lowered;
	s5 =	simm.s32 $_tile_overlayer_lowered  }
0x9b: {  	s22 =	simm.s32 $0x1BFF;
	s21 =	sshll.u32 s5, $0x1;
	s2 =	sadd.s32 s19, s18  }
0x9c: {  	s6 =	simm.s32 $0x0;
	s20 =	sshll.u32 s4, $0x1;
	s4 =	sadd.s32 s21, s2  }
0x9d: {  	[timem:s6], [sflag:s22] =	dma.local [hbm:s4], s20  }
0x9e: {  	_ =	swait.ge [sflag:s22], s20  }
0x9f: {  	s3 =	ssub.s32 $0x0, s20;
	[sflag:s22] =	ssyncset.done $0x0  }
0xa0: {  	[sflag:s22] =	ssyncadd.s32 s3;
	_ =	sdelay $0x1  }
0xa1: {  	s23 =	simm.s32 $0x1B8B  }
0xa2: {  	_ =	swait.ge [sflag:s23], $0x1  }
0xa3: {  	[sflag:s23] =	ssyncset.done $0x0  }
0xa4: {  	s25 =	simm.s32 $0x1B8E;
	s24 =	sld [smem:$0x3FFE];
	[sflag:s23] =	ssyncadd.s32 $0xFFFFFFFF  }
0xa5: {  	s26 =	simm.s32 $execute0_lowered;
	[smem:$0x3FD2] =	sst s25  }
0xa6: {  	s4 =	sshll.u32 s26, $0x1;
	_ =	strace $0x80000049;
	[dreg:$0x1] =	wrdreg $0xFFFFFFFF  }
0xa7: {  	s28 =	simm.s32 $_size_execute0_lowered;
	s2 =	sadd.s32 s2, s4;
	[dreg:$0x0] =	wrdreg $0x0  }
0xa8: {  	s4 =	sshll.u32 s28, $0x1;
	[dreg:$0x2] =	wrdreg s2  }
0xa9: {  	[dreg:$0x3] =	wrdreg s4  }
0xaa: {  	[dreg:$0x4] =	wrdreg $0xC0  }
0xab: {  	_ =	task [dreg:s6], $0x5FFFF  }
0xac: {  	[dreg:$0x1] =	wrdreg $0xFFFFFFFF  }
0xad: {  	[dreg:$0x0] =	wrdreg $0x60  }
0xae: {  	[dreg:$0x2] =	wrdreg s24  }
0xaf: {  	[dreg:$0x3] =	wrdreg $0xB2200  }
0xb0: {  	[dreg:$0x4] =	wrdreg $0x9  }
0xb1: {  	_ =	task.clear_ibuf [dreg:s6], $0x5FFFF;
	_ =	strace $0x90000049  }
0xb2: {  	s29 =	simm.s32 $0x9;
	_ =	strace $0x8000004B  }
0xb3: {  	_ =	swait.ge [sflag:s29], $0x1  }
0xb4: {  	[sflag:s29] =	ssyncadd.s32 $0xFFFFFFFF  }
0xb5: {  	_ =	strace $0x9000004B  }
0xb6: {  	_ =	sfence  }
0xb7: {  	s30 =	sld [smem:$0x0];
	_ =	sdelay $0x2  }
0xb8: {  	s31 =	sshll.u32 s1, $0xD;
	s1 =	sshrl.u32 s1, $0x2  }
0xb9: {  	s3 =	sand.u32 $0x4000, s31;
	s1 =	sadd.s32 s1, s30  }
0xba: {  	s0 =	sor.u32 s3, s0;
	s1 =	sshll.u32 s1, $0x11  }
0xbb: {  	s0 =	sor.u32 s1, s0  }
0xbc: {  	s0 =	sadd.s32 $0x8F2B, s0  }
0xbd: {  	[sflag:s0] =	ssyncadd.remote.s32 $0x1  }
0xbe: {  	_ =	sfence.sel $0xFFFF  }
0xbf: {  	[dreg:$0x0] =	wrdreg $0xFFFFFFFF;
	(pc) =	sbr.abs _section_cstart, $3  }
0xc0: {  	[dreg:$0x1] =	wrdreg $0xFFFFFFFF  }
0xc1: {  	_ =	task.clear_ibuf [dreg:s6], $0x2FFFF;
	_ =	strace $0x9FFFFFFF  }
0xc2: {  	(tm) =	ssettm $0x7FFFFFFF  }
0xc3: {  	_ =	shalt  }
tec
execute0_lowered:
.L_overlay_start_1:
0x0: {  	(tag) =	ssettag $0x1  }
0x1: {  	s0 =	srdreg.scid;
	s3 =	rddreg [dreg:$0x0]  }
0x2: {  	s4 =	stileid.u32;
	s2 =	rddreg [dreg:$0x1];
	s15 =	simm.s32 $0x0  }
0x3: {  	s21 =	simm.s32 $0x19;
	s13 =	simm.s32 $0x50;
	s22 =	simm.s32 $0x4E20  }
0x4: {  	s24 =	simm.s32 $0x5320;
	s29 =	simm.s32 $0x1;
	s31 =	simm.s32 $0x2  }
0x5: {  	s18 =	simm.s32 $0x6;
	s20 =	simm.s32 $0x7;
	s7 =	simm.s32 $0xE  }
0x6: {  	s8 =	simm.s32 $0x9;
	s9 =	simm.s32 $0xF;
	s0 =	sand.u32 $0x1, s0  }
0x7: {  	s11 =	simm.s32 $0x10;
	s5 =	smul.u32 $0x2800, s4;
	s1 =	sshll.u32 s0, $0x4  }
0x8: {  	[smem:$0x7FF] =	sst s15;
	s25 =	smul.u32 $0x28000, s0;
	s1 =	sor.u32 s4, s1  }
0x9: {  	_ =	strace $0x8000004A;
	s0 =	ssub.s32 $0x2, s0;
	s1 =	smul.u32 $0x2710, s1  }
0xa: {  	s26 =	sshrl.u32 s0, $0x1;
	s19 =	sadd.s32 s5, s2;
	s4 =	sadd.s32 s5, s25  }
0xb: {  	s0 =	ssub.s32 s0, s26;
	[dreg:$0x4] =	wrdreg s19;
	s1 =	sshrl.u32 s1, $0x3  }
0xc: {  	s6 =	sshrl.u32 s4, $0x3;
	s0 =	smax.u32 s0, $0x1;
	s1 =	sadd.s32 s1, s3  }
0xd: {  	s4 =	sadd.s32 $0x16400, s3;
	[dreg:$0x8] =	wrdreg s0;
	s28 =	sadd.s32 $0x2A00, s1  }
0xe: {  	s3 =	sadd.s32 s6, s3;
	s1 =	sadd.s32 $0xC640, s1;
	[dreg:$0x5] =	wrdreg s28  }
0xf: {  	s25 =	simm.s32 $0x3;
	s30 =	sadd.s32 $0x1B400, s3;
	[dreg:$0x6] =	wrdreg s1  }
0x10: {  	v0 =	vimm.f32 $0.0e+00;
	s5 =	simm.s32 $0xA;
	[dreg:$0x7] =	wrdreg s30;
	s1 =	simm.s32 $0x4  }
.LBB2_1:
0x11: {  	[dreg:$0x3] =	wrdreg s15;
	s15 =	simm.s32 $0x40;
	s17 =	simm.s32 $0x0  }
.LBB2_2:
0x12: {  	p0 =	sne.s32 s15, $0x9FC0;
	[tilespmem:s17+$0x8A20] =	vst v0;
	s17 =	smov.u32 s15;
	s15 =	sadd.s32 $0x40, s15  }
.Ltmp0:
0x13: {  	(pc) =	sbr.rel @p0 .LBB2_2-.Ltmp0, $2  }
0x14: {  	_ =	sdelay $0x2  }
0x15: {  	s17 =	sshra.s32 s17, $0x2  }
0x16: {  	[tilespmem:s17+$0x8A20] =	vst v0;
	s15 =	simm.s32 $0x8A20  }
0x17: {  	[spmem:s19] =	stream.linear.scatter [tilespmem:s15], [sflag:$0x19], $0x2800, $0x38;
	[tilespmem:$0xDA20] =	vst v63  }
0x18: {  	_ =	swait.ge [sflag:s21], $0x2800  }
0x19: {  	[sflag:s21] =	ssyncset.done $0x0  }
0x1a: {  	s3 =	simm.s32 $0x0;
	s6 =	rddreg [dreg:$0x5];
	[sflag:s21] =	ssyncadd.s32 $0xFFFFD800  }
0x1b: {  	[tilespmem:s3], [sflag:$0x19] =	stream.linear.gather [hbm4b:s6+s3], $0x2710, $0x38;
	[tilespmem:$0xDA20] =	vst v63  }
0x1c: {  	_ =	swait.ge [sflag:s21], $0x2710  }
0x1d: {  	[sflag:s21] =	ssyncset.done $0x0  }
0x1e: {  	s12 =	simm.s32 $0x2710;
	s10 =	rddreg [dreg:$0x6];
	[sflag:s21] =	ssyncadd.s32 $0xFFFFD8F0  }
0x1f: {  	[tilespmem:s12], [sflag:$0x19] =	stream.linear.gather [hbm4b:s10+s3], $0x2710, $0x38;
	[tilespmem:$0xDA20] =	vst v63  }
0x20: {  	_ =	swait.ge [sflag:s21], $0x2710  }
0x21: {  	[sflag:s21] =	ssyncset.done $0x0  }
0x22: {  	[sflag:s21] =	ssyncadd.s32 $0xFFFFD8F0  }
0x23: {  	[bflag:$0x0] =	sbarrier.arrive $0xFFFF  }
0x24: {  	[tilespmem:s22], [sflag:$0x1] =	stream.indirect.gather [hbm4b:s4+s13], $0x10, s3, s13, $0xb8;
	[tilespmem:$0xDA20] =	vst v63  }
0x25: {  	_ = 	snop  }
0x26: {  	[tilespmem:s24], [sflag:$0x2] =	stream.indirect.gather [hbm4b:s4+s13], $0x10, s13, s13, $0xb8;
	[tilespmem:$0xDA20] =	vst v63  }
0x27: {  	s14 =	simm.s32 $0xA0;
	s26 =	simm.s32 $0x5820  }
0x28: {  	[tilespmem:s26], [sflag:$0x3] =	stream.indirect.gather [hbm4b:s4+s13], $0x10, s14, s13, $0xb8;
	[tilespmem:$0xDA20] =	vst v63  }
0x29: {  	s16 =	simm.s32 $0xF0;
	p0 =	por $0x1, $0x1;
	s21 =	simm.s32 $0x5D20  }
0x2a: {  	[tilespmem:s21], [sflag:$0x4] =	stream.indirect.gather [hbm4b:s4+s13], $0x10, s16, s13, $0xb8;
	[tilespmem:$0xDA20] =	vst v63  }
0x2b: {  	s17 =	simm.s32 $0x140;
	s19 =	simm.s32 $0x6220;
	s15 =	simm.s32 @!p0 $0x12  }
0x2c: {  	[tilespmem:s19], [sflag:$0x5] =	stream.indirect.gather [hbm4b:s4+s13], $0x10, s17, s13, $0xb8;
	[tilespmem:$0xDA20] =	vst v63  }
0x2d: {  	_ =	swait.ge @!p0 [sflag:s15], $0x500  }
0x2e: {  	[sflag:s15] =	ssyncset.done @!p0 $0x0  }
0x2f: {  	s23 =	simm.s32 $0x190;
	s10 =	simm.s32 $0x6720;
	[sflag:s15] =	ssyncadd.s32 @!p0 $0xFFFFFB00  }
0x30: {  	[tilespmem:s10], [sflag:$0x6] =	stream.indirect.gather [hbm4b:s4+s13], $0x10, s23, s13, $0xb8;
	[tilespmem:$0xDA20] =	vst v63  }
0x31: {  	_ =	swait.ge [sflag:s29], $0x500  }
0x32: {  	[sflag:s29] =	ssyncset.done $0x0  }
0x33: {  	s28 =	simm.s32 $0x2710;
	s17 =	simm.s32 @!p0 $0x13;
	[sflag:s29] =	ssyncadd.s32 $0xFFFFFB00  }
0x34: {  	[spmem:s2] =	stream.indirect.scatter.add.f32 [tilespmem:s22], [sflag:$0xD], $0x10, s28, s13, $0xb8;
	[tilespmem:$0xDA20] =	vst v63  }
0x35: {  	_ =	swait.ge @!p0 [sflag:s17], $0x500  }
0x36: {  	[sflag:s17] =	ssyncset.done @!p0 $0x0  }
0x37: {  	s30 =	simm.s32 $0x1E0;
	s16 =	simm.s32 $0x6C20;
	[sflag:s17] =	ssyncadd.s32 @!p0 $0xFFFFFB00  }
0x38: {  	[tilespmem:s16], [sflag:$0x7] =	stream.indirect.gather [hbm4b:s4+s13], $0x10, s30, s13, $0xb8;
	[tilespmem:$0xDA20] =	vst v63  }
0x39: {  	_ =	swait.ge [sflag:s31], $0x500  }
0x3a: {  	[sflag:s31] =	ssyncset.done $0x0  }
0x3b: {  	s0 =	simm.s32 $0x2760;
	s17 =	simm.s32 @!p0 $0x14;
	[sflag:s31] =	ssyncadd.s32 $0xFFFFFB00  }
0x3c: {  	[spmem:s2] =	stream.indirect.scatter.add.f32 [tilespmem:s24], [sflag:$0xE], $0x10, s0, s13, $0xb8;
	[tilespmem:$0xDA20] =	vst v63  }
0x3d: {  	_ =	swait.ge @!p0 [sflag:s17], $0x500  }
0x3e: {  	[sflag:s17] =	ssyncset.done @!p0 $0x0  }
0x3f: {  	s3 =	simm.s32 $0x230;
	s23 =	simm.s32 $0x7120;
	[sflag:s17] =	ssyncadd.s32 @!p0 $0xFFFFFB00  }
0x40: {  	[tilespmem:s23], [sflag:$0x8] =	stream.indirect.gather [hbm4b:s4+s13], $0x10, s3, s13, $0xb8;
	[tilespmem:$0xDA20] =	vst v63  }
0x41: {  	_ =	swait.ge [sflag:s25], $0x500  }
0x42: {  	[sflag:s25] =	ssyncset.done $0x0  }
0x43: {  	s6 =	simm.s32 $0x27B0;
	s17 =	simm.s32 @!p0 $0x15;
	[sflag:s25] =	ssyncadd.s32 $0xFFFFFB00  }
0x44: {  	[spmem:s2] =	stream.indirect.scatter.add.f32 [tilespmem:s26], [sflag:$0xF], $0x10, s6, s13, $0xb8;
	[tilespmem:$0xDA20] =	vst v63  }
0x45: {  	_ =	swait.ge @!p0 [sflag:s17], $0x500  }
0x46: {  	[sflag:s17] =	ssyncset.done @!p0 $0x0  }
0x47: {  	s12 =	simm.s32 $0x280;
	s25 =	simm.s32 $0x7620;
	[sflag:s17] =	ssyncadd.s32 @!p0 $0xFFFFFB00  }
0x48: {  	[tilespmem:s25], [sflag:$0x9] =	stream.indirect.gather [hbm4b:s4+s13], $0x10, s12, s13, $0xb8;
	[tilespmem:$0xDA20] =	vst v63  }
0x49: {  	_ =	swait.ge [sflag:s1], $0x500  }
0x4a: {  	[sflag:s1] =	ssyncset.done $0x0  }
0x4b: {  	s14 =	simm.s32 $0x2800;
	s17 =	simm.s32 @!p0 $0x16;
	[sflag:s1] =	ssyncadd.s32 $0xFFFFFB00  }
0x4c: {  	[spmem:s2] =	stream.indirect.scatter.add.f32 [tilespmem:s21], [sflag:$0x10], $0x10, s14, s13, $0xb8;
	[tilespmem:$0xDA20] =	vst v63  }
0x4d: {  	_ =	swait.ge @!p0 [sflag:s17], $0x500  }
0x4e: {  	s28 =	simm.s32 $0x7B20;
	[sflag:s17] =	ssyncset.done @!p0 $0x0  }
0x4f: {  	s0 =	simm.s32 $0x5;
	[sflag:s17] =	ssyncadd.s32 @!p0 $0xFFFFFB00;
	s17 =	simm.s32 $0x2D0  }
0x50: {  	[tilespmem:s28], [sflag:$0xA] =	stream.indirect.gather [hbm4b:s4+s13], $0x10, s17, s13, $0xb8;
	[tilespmem:$0xDA20] =	vst v63  }
0x51: {  	_ =	swait.ge [sflag:s0], $0x500  }
0x52: {  	[sflag:s0] =	ssyncset.done $0x0  }
0x53: {  	s30 =	simm.s32 $0x2850;
	s17 =	simm.s32 @!p0 $0x17;
	[sflag:s0] =	ssyncadd.s32 $0xFFFFFB00  }
0x54: {  	[spmem:s2] =	stream.indirect.scatter.add.f32 [tilespmem:s19], [sflag:$0x11], $0x10, s30, s13, $0xb8;
	[tilespmem:$0xDA20] =	vst v63  }
0x55: {  	_ =	swait.ge @!p0 [sflag:s17], $0x500  }
0x56: {  	[sflag:s17] =	ssyncset.done @!p0 $0x0  }
0x57: {  	s14 =	simm.s32 $0x8020;
	s0 =	simm.s32 $0x320;
	[sflag:s17] =	ssyncadd.s32 @!p0 $0xFFFFFB00  }
0x58: {  	[tilespmem:s14], [sflag:$0xB] =	stream.indirect.gather [hbm4b:s4+s13], $0x10, s0, s13, $0xb8;
	[tilespmem:$0xDA20] =	vst v63  }
0x59: {  	_ =	swait.ge [sflag:s18], $0x500  }
0x5a: {  	[sflag:s18] =	ssyncset.done $0x0  }
0x5b: {  	s3 =	simm.s32 $0x28A0;
	s17 =	simm.s32 @!p0 $0x18;
	[sflag:s18] =	ssyncadd.s32 $0xFFFFFB00  }
0x5c: {  	[spmem:s2] =	stream.indirect.scatter.add.f32 [tilespmem:s10], [sflag:$0x12], $0x10, s3, s13, $0xb8;
	[tilespmem:$0xDA20] =	vst v63  }
0x5d: {  	_ =	swait.ge @!p0 [sflag:s17], $0x500  }
0x5e: {  	[sflag:s17] =	ssyncset.done @!p0 $0x0  }
0x5f: {  	s6 =	simm.s32 $0x370;
	s10 =	simm.s32 $0x8520;
	[sflag:s17] =	ssyncadd.s32 @!p0 $0xFFFFFB00  }
0x60: {  	[tilespmem:s10], [sflag:$0xC] =	stream.indirect.gather [hbm4b:s4+s13], $0x10, s6, s13, $0xb8;
	[tilespmem:$0xDA20] =	vst v63  }
0x61: {  	_ =	swait.ge [sflag:s20], $0x500  }
0x62: {  	[sflag:s20] =	ssyncset.done $0x0  }
0x63: {  	s12 =	simm.s32 $0x28F0;
	s0 =	simm.s32 $0xD;
	[sflag:s20] =	ssyncadd.s32 $0xFFFFFB00  }
0x64: {  	[spmem:s2] =	stream.indirect.scatter.add.f32 [tilespmem:s16], [sflag:$0x13], $0x10, s12, s13, $0xb8;
	[tilespmem:$0xDA20] =	vst v63  }
0x65: {  	_ =	swait.ge [sflag:s0], $0x500  }
0x66: {  	[sflag:s0] =	ssyncset.done $0x0  }
0x67: {  	s6 =	simm.s32 $0x8;
	s16 =	simm.s32 $0x3C0;
	[sflag:s0] =	ssyncadd.s32 $0xFFFFFB00  }
0x68: {  	[tilespmem:s22], [sflag:$0x1] =	stream.indirect.gather [hbm4b:s4+s13], $0x10, s16, s13, $0xb8;
	[tilespmem:$0xDA20] =	vst v63  }
0x69: {  	_ =	swait.ge [sflag:s6], $0x500  }
0x6a: {  	[sflag:s6] =	ssyncset.done $0x0  }
0x6b: {  	s17 =	simm.s32 $0x2940;
	[sflag:s6] =	ssyncadd.s32 $0xFFFFFB00  }
0x6c: {  	[spmem:s2] =	stream.indirect.scatter.add.f32 [tilespmem:s23], [sflag:$0x14], $0x10, s17, s13, $0xb8;
	[tilespmem:$0xDA20] =	vst v63  }
0x6d: {  	_ =	swait.ge [sflag:s7], $0x500  }
0x6e: {  	[sflag:s7] =	ssyncset.done $0x0  }
0x6f: {  	s22 =	simm.s32 $0x410;
	[sflag:s7] =	ssyncadd.s32 $0xFFFFFB00  }
0x70: {  	[tilespmem:s24], [sflag:$0x2] =	stream.indirect.gather [hbm4b:s4+s13], $0x10, s22, s13, $0xb8;
	[tilespmem:$0xDA20] =	vst v63  }
0x71: {  	_ =	swait.ge [sflag:s8], $0x500  }
0x72: {  	[sflag:s8] =	ssyncset.done $0x0  }
0x73: {  	s23 =	simm.s32 $0x2990;
	[sflag:s8] =	ssyncadd.s32 $0xFFFFFB00  }
0x74: {  	[spmem:s2] =	stream.indirect.scatter.add.f32 [tilespmem:s25], [sflag:$0x15], $0x10, s23, s13, $0xb8;
	[tilespmem:$0xDA20] =	vst v63  }
0x75: {  	_ =	swait.ge [sflag:s9], $0x500  }
0x76: {  	[sflag:s9] =	ssyncset.done $0x0  }
0x77: {  	s24 =	simm.s32 $0x460;
	[sflag:s9] =	ssyncadd.s32 $0xFFFFFB00  }
0x78: {  	[tilespmem:s26], [sflag:$0x3] =	stream.indirect.gather [hbm4b:s4+s13], $0x10, s24, s13, $0xb8;
	[tilespmem:$0xDA20] =	vst v63  }
0x79: {  	_ =	swait.ge [sflag:s5], $0x500  }
0x7a: {  	[sflag:s5] =	ssyncset.done $0x0  }
0x7b: {  	s25 =	simm.s32 $0x29E0;
	[sflag:s5] =	ssyncadd.s32 $0xFFFFFB00  }
0x7c: {  	[spmem:s2] =	stream.indirect.scatter.add.f32 [tilespmem:s28], [sflag:$0x16], $0x10, s25, s13, $0xb8;
	[tilespmem:$0xDA20] =	vst v63  }
0x7d: {  	_ =	swait.ge [sflag:s11], $0x500  }
0x7e: {  	[sflag:s11] =	ssyncset.done $0x0  }
0x7f: {  	s3 =	simm.s32 $0xB;
	s26 =	simm.s32 $0x4B0;
	[sflag:s11] =	ssyncadd.s32 $0xFFFFFB00  }
0x80: {  	[tilespmem:s21], [sflag:$0x4] =	stream.indirect.gather [hbm4b:s4+s13], $0x10, s26, s13, $0xb8;
	[tilespmem:$0xDA20] =	vst v63  }
0x81: {  	_ =	swait.ge [sflag:s3], $0x500  }
0x82: {  	[sflag:s3] =	ssyncset.done $0x0  }
0x83: {  	s28 =	simm.s32 $0x2A30;
	[sflag:s3] =	ssyncadd.s32 $0xFFFFFB00  }
0x84: {  	[spmem:s2] =	stream.indirect.scatter.add.f32 [tilespmem:s14], [sflag:$0x17], $0x10, s28, s13, $0xb8;
	[tilespmem:$0xDA20] =	vst v63  }
0x85: {  	s14 =	simm.s32 $0x11  }
0x86: {  	_ =	swait.ge [sflag:s14], $0x500  }
0x87: {  	p1 =	por $0x0, $0x0;
	[sflag:s14] =	ssyncset.done $0x0  }
0x88: {  	s30 =	simm.s32 $0x500;
	s10 =	simm.s32 $0xC;
	[sflag:s14] =	ssyncadd.s32 $0xFFFFFB00  }
0x89: {  	[tilespmem:s19], [sflag:$0x5] =	stream.indirect.gather [hbm4b:s4+s13], $0x10, s30, s13, $0xb8;
	[tilespmem:$0xDA20] =	vst v63  }
0x8a: {  	s15 =	simm.s32 $0xF00;
	s1 =	simm.s32 $0x4;
	_ =	swait.ge [sflag:s10], $0x500  }
0x8b: {  	s17 =	simm.s32 $0x1E00;
	s19 =	simm.s32 $0x2A80;
	[sflag:s10] =	ssyncset.done $0x0  }
.LBB2_4:
0x8c: {  	s21 =	simm.s32 @!p1 $0x12;
	[sflag:s10] =	ssyncadd.s32 $0xFFFFFB00;
	s24 =	simm.s32 $0x4E20  }
0x8d: {  	s22 =	smov.u32 s17;
	s17 =	sadd.s32 $0xF00, s17;
	s12 =	simm.s32 $0x8520  }
0x8e: {  	[spmem:s2] =	stream.indirect.scatter.add.f32 [tilespmem:s12], [sflag:$0x18], $0x10, s19, s13, $0xb8;
	[tilespmem:$0xDA20] =	vst v63  }
0x8f: {  	p0 =	sne.s32 s17, $0x9600;
	_ =	swait.ge @!p1 [sflag:s21], $0x500  }
0x90: {  	s19 =	sshra.s32 s15, $0x2;
	s15 =	smov.u32 s22;
	[sflag:s21] =	ssyncset.done @!p1 $0x0  }
0x91: {  	s10 =	simm.s32 $0x6720;
	[sflag:s21] =	ssyncadd.s32 @!p1 $0xFFFFFB00;
	s21 =	sadd.s32 $0x190, s19  }
0x92: {  	[tilespmem:s10], [sflag:$0x6] =	stream.indirect.gather [hbm4b:s4+s13], $0x10, s21, s13, $0xb8;
	[tilespmem:$0xDA20] =	vst v63  }
0x93: {  	_ =	swait.ge [sflag:s29], $0x500  }
0x94: {  	[sflag:s29] =	ssyncset.done $0x0  }
0x95: {  	s22 =	simm.s32 @!p1 $0x13;
	s21 =	sadd.s32 $0x2710, s19;
	[sflag:s29] =	ssyncadd.s32 $0xFFFFFB00  }
0x96: {  	[spmem:s2] =	stream.indirect.scatter.add.f32 [tilespmem:s24], [sflag:$0xD], $0x10, s21, s13, $0xb8;
	[tilespmem:$0xDA20] =	vst v63  }
0x97: {  	s24 =	simm.s32 $0x5320  }
0x98: {  	_ =	swait.ge @!p1 [sflag:s22], $0x500  }
0x99: {  	[sflag:s22] =	ssyncset.done @!p1 $0x0  }
0x9a: {  	s16 =	simm.s32 $0x6C20;
	s21 =	sadd.s32 $0x1E0, s19;
	[sflag:s22] =	ssyncadd.s32 @!p1 $0xFFFFFB00  }
0x9b: {  	[tilespmem:s16], [sflag:$0x7] =	stream.indirect.gather [hbm4b:s4+s13], $0x10, s21, s13, $0xb8;
	[tilespmem:$0xDA20] =	vst v63  }
0x9c: {  	_ =	swait.ge [sflag:s31], $0x500  }
0x9d: {  	[sflag:s31] =	ssyncset.done $0x0  }
0x9e: {  	s22 =	simm.s32 @!p1 $0x14;
	s21 =	sadd.s32 $0x2760, s19;
	[sflag:s31] =	ssyncadd.s32 $0xFFFFFB00  }
0x9f: {  	[spmem:s2] =	stream.indirect.scatter.add.f32 [tilespmem:s24], [sflag:$0xE], $0x10, s21, s13, $0xb8;
	[tilespmem:$0xDA20] =	vst v63  }
0xa0: {  	_ =	swait.ge @!p1 [sflag:s22], $0x500  }
0xa1: {  	[sflag:s22] =	ssyncset.done @!p1 $0x0  }
0xa2: {  	s23 =	simm.s32 $0x7120;
	s21 =	sadd.s32 $0x230, s19;
	[sflag:s22] =	ssyncadd.s32 @!p1 $0xFFFFFB00  }
0xa3: {  	[tilespmem:s23], [sflag:$0x8] =	stream.indirect.gather [hbm4b:s4+s13], $0x10, s21, s13, $0xb8;
	[tilespmem:$0xDA20] =	vst v63  }
0xa4: {  	s21 =	simm.s32 $0x3  }
0xa5: {  	_ =	swait.ge [sflag:s21], $0x500  }
0xa6: {  	s26 =	simm.s32 $0x5820;
	[sflag:s21] =	ssyncset.done $0x0  }
0xa7: {  	s22 =	simm.s32 @!p1 $0x15;
	[sflag:s21] =	ssyncadd.s32 $0xFFFFFB00;
	s21 =	sadd.s32 $0x27B0, s19  }
0xa8: {  	[spmem:s2] =	stream.indirect.scatter.add.f32 [tilespmem:s26], [sflag:$0xF], $0x10, s21, s13, $0xb8;
	[tilespmem:$0xDA20] =	vst v63  }
0xa9: {  	_ =	swait.ge @!p1 [sflag:s22], $0x500  }
0xaa: {  	[sflag:s22] =	ssyncset.done @!p1 $0x0  }
0xab: {  	s25 =	simm.s32 $0x7620;
	s21 =	sadd.s32 $0x280, s19;
	[sflag:s22] =	ssyncadd.s32 @!p1 $0xFFFFFB00  }
0xac: {  	[tilespmem:s25], [sflag:$0x9] =	stream.indirect.gather [hbm4b:s4+s13], $0x10, s21, s13, $0xb8;
	[tilespmem:$0xDA20] =	vst v63  }
0xad: {  	_ =	swait.ge [sflag:s1], $0x500  }
0xae: {  	s29 =	simm.s32 $0x5D20;
	[sflag:s1] =	ssyncset.done $0x0  }
0xaf: {  	s22 =	simm.s32 @!p1 $0x16;
	s21 =	sadd.s32 $0x2800, s19;
	[sflag:s1] =	ssyncadd.s32 $0xFFFFFB00  }
0xb0: {  	[spmem:s2] =	stream.indirect.scatter.add.f32 [tilespmem:s29], [sflag:$0x10], $0x10, s21, s13, $0xb8;
	[tilespmem:$0xDA20] =	vst v63  }
0xb1: {  	_ =	swait.ge @!p1 [sflag:s22], $0x500  }
0xb2: {  	[sflag:s22] =	ssyncset.done @!p1 $0x0  }
0xb3: {  	s28 =	simm.s32 $0x7B20;
	s21 =	sadd.s32 $0x2D0, s19;
	[sflag:s22] =	ssyncadd.s32 @!p1 $0xFFFFFB00  }
0xb4: {  	[tilespmem:s28], [sflag:$0xA] =	stream.indirect.gather [hbm4b:s4+s13], $0x10, s21, s13, $0xb8;
	[tilespmem:$0xDA20] =	vst v63  }
0xb5: {  	s21 =	simm.s32 $0x5  }
0xb6: {  	_ =	swait.ge [sflag:s21], $0x500  }
0xb7: {  	s31 =	simm.s32 $0x6220;
	[sflag:s21] =	ssyncset.done $0x0  }
0xb8: {  	s22 =	simm.s32 @!p1 $0x17;
	[sflag:s21] =	ssyncadd.s32 $0xFFFFFB00;
	s21 =	sadd.s32 $0x2850, s19  }
0xb9: {  	[spmem:s2] =	stream.indirect.scatter.add.f32 [tilespmem:s31], [sflag:$0x11], $0x10, s21, s13, $0xb8;
	[tilespmem:$0xDA20] =	vst v63  }
0xba: {  	_ =	swait.ge @!p1 [sflag:s22], $0x500  }
0xbb: {  	[sflag:s22] =	ssyncset.done @!p1 $0x0  }
0xbc: {  	s30 =	simm.s32 $0x8020;
	s21 =	sadd.s32 $0x320, s19;
	[sflag:s22] =	ssyncadd.s32 @!p1 $0xFFFFFB00  }
0xbd: {  	[tilespmem:s30], [sflag:$0xB] =	stream.indirect.gather [hbm4b:s4+s13], $0x10, s21, s13, $0xb8;
	[tilespmem:$0xDA20] =	vst v63  }
0xbe: {  	_ =	swait.ge [sflag:s18], $0x500  }
0xbf: {  	[sflag:s18] =	ssyncset.done $0x0  }
0xc0: {  	s22 =	simm.s32 @!p1 $0x18;
	s21 =	sadd.s32 $0x28A0, s19;
	[sflag:s18] =	ssyncadd.s32 $0xFFFFFB00  }
0xc1: {  	[spmem:s2] =	stream.indirect.scatter.add.f32 [tilespmem:s10], [sflag:$0x12], $0x10, s21, s13, $0xb8;
	[tilespmem:$0xDA20] =	vst v63  }
0xc2: {  	s10 =	simm.s32 $0xC  }
0xc3: {  	_ =	swait.ge @!p1 [sflag:s22], $0x500  }
0xc4: {  	[sflag:s22] =	ssyncset.done @!p1 $0x0  }
0xc5: {  	s21 =	sadd.s32 $0x370, s19;
	[sflag:s22] =	ssyncadd.s32 @!p1 $0xFFFFFB00;
	s22 =	simm.s32 $0x4E20  }
0xc6: {  	[tilespmem:s12], [sflag:$0xC] =	stream.indirect.gather [hbm4b:s4+s13], $0x10, s21, s13, $0xb8;
	[tilespmem:$0xDA20] =	vst v63  }
0xc7: {  	_ =	swait.ge [sflag:s20], $0x500  }
0xc8: {  	[sflag:s20] =	ssyncset.done $0x0  }
0xc9: {  	s21 =	sadd.s32 $0x28F0, s19;
	[sflag:s20] =	ssyncadd.s32 $0xFFFFFB00  }
0xca: {  	[spmem:s2] =	stream.indirect.scatter.add.f32 [tilespmem:s16], [sflag:$0x13], $0x10, s21, s13, $0xb8;
	[tilespmem:$0xDA20] =	vst v63  }
0xcb: {  	_ =	swait.ge [sflag:s0], $0x500  }
0xcc: {  	[sflag:s0] =	ssyncset.done $0x0  }
0xcd: {  	s21 =	sadd.s32 $0x3C0, s19;
	[sflag:s0] =	ssyncadd.s32 $0xFFFFFB00  }
0xce: {  	[tilespmem:s22], [sflag:$0x1] =	stream.indirect.gather [hbm4b:s4+s13], $0x10, s21, s13, $0xb8;
	[tilespmem:$0xDA20] =	vst v63  }
0xcf: {  	_ =	swait.ge [sflag:s6], $0x500  }
0xd0: {  	[sflag:s6] =	ssyncset.done $0x0  }
0xd1: {  	s21 =	sadd.s32 $0x2940, s19;
	[sflag:s6] =	ssyncadd.s32 $0xFFFFFB00  }
0xd2: {  	[spmem:s2] =	stream.indirect.scatter.add.f32 [tilespmem:s23], [sflag:$0x14], $0x10, s21, s13, $0xb8;
	[tilespmem:$0xDA20] =	vst v63  }
0xd3: {  	_ =	swait.ge [sflag:s7], $0x500  }
0xd4: {  	[sflag:s7] =	ssyncset.done $0x0  }
0xd5: {  	s21 =	sadd.s32 $0x410, s19;
	[sflag:s7] =	ssyncadd.s32 $0xFFFFFB00  }
0xd6: {  	[tilespmem:s24], [sflag:$0x2] =	stream.indirect.gather [hbm4b:s4+s13], $0x10, s21, s13, $0xb8;
	[tilespmem:$0xDA20] =	vst v63  }
0xd7: {  	_ =	swait.ge [sflag:s8], $0x500  }
0xd8: {  	[sflag:s8] =	ssyncset.done $0x0  }
0xd9: {  	s21 =	sadd.s32 $0x2990, s19;
	[sflag:s8] =	ssyncadd.s32 $0xFFFFFB00  }
0xda: {  	[spmem:s2] =	stream.indirect.scatter.add.f32 [tilespmem:s25], [sflag:$0x15], $0x10, s21, s13, $0xb8;
	[tilespmem:$0xDA20] =	vst v63  }
0xdb: {  	_ =	swait.ge [sflag:s9], $0x500  }
0xdc: {  	[sflag:s9] =	ssyncset.done $0x0  }
0xdd: {  	s21 =	sadd.s32 $0x460, s19;
	[sflag:s9] =	ssyncadd.s32 $0xFFFFFB00  }
0xde: {  	[tilespmem:s26], [sflag:$0x3] =	stream.indirect.gather [hbm4b:s4+s13], $0x10, s21, s13, $0xb8;
	[tilespmem:$0xDA20] =	vst v63  }
0xdf: {  	_ =	swait.ge [sflag:s5], $0x500  }
0xe0: {  	[sflag:s5] =	ssyncset.done $0x0  }
0xe1: {  	s21 =	sadd.s32 $0x29E0, s19;
	[sflag:s5] =	ssyncadd.s32 $0xFFFFFB00  }
0xe2: {  	[spmem:s2] =	stream.indirect.scatter.add.f32 [tilespmem:s28], [sflag:$0x16], $0x10, s21, s13, $0xb8;
	[tilespmem:$0xDA20] =	vst v63  }
0xe3: {  	_ =	swait.ge [sflag:s11], $0x500  }
0xe4: {  	[sflag:s11] =	ssyncset.done $0x0  }
0xe5: {  	s21 =	sadd.s32 $0x4B0, s19;
	[sflag:s11] =	ssyncadd.s32 $0xFFFFFB00  }
0xe6: {  	[tilespmem:s29], [sflag:$0x4] =	stream.indirect.gather [hbm4b:s4+s13], $0x10, s21, s13, $0xb8;
	[tilespmem:$0xDA20] =	vst v63  }
0xe7: {  	s29 =	simm.s32 $0x1  }
0xe8: {  	_ =	swait.ge [sflag:s3], $0x500  }
0xe9: {  	[sflag:s3] =	ssyncset.done $0x0  }
0xea: {  	s21 =	sadd.s32 $0x2A30, s19;
	[sflag:s3] =	ssyncadd.s32 $0xFFFFFB00  }
0xeb: {  	[spmem:s2] =	stream.indirect.scatter.add.f32 [tilespmem:s30], [sflag:$0x17], $0x10, s21, s13, $0xb8;
	[tilespmem:$0xDA20] =	vst v63  }
0xec: {  	_ =	swait.ge [sflag:s14], $0x500  }
0xed: {  	[sflag:s14] =	ssyncset.done $0x0  }
.Ltmp1:
0xee: {  	s21 =	sadd.s32 $0x500, s19;
	[sflag:s14] =	ssyncadd.s32 $0xFFFFFB00;
	(pc) =	sbr.rel @p0 .LBB2_4-.Ltmp1, $4  }
0xef: {  	[tilespmem:s31], [sflag:$0x5] =	stream.indirect.gather [hbm4b:s4+s13], $0x10, s21, s13, $0xb8;
	[tilespmem:$0xDA20] =	vst v63  }
0xf0: {  	s31 =	simm.s32 $0x2  }
0xf1: {  	_ =	swait.ge [sflag:s10], $0x500  }
0xf2: {  	p1 =	seq.s32 s15, $0x0;
	s19 =	sadd.s32 $0x2A80, s19;
	[sflag:s10] =	ssyncset.done $0x0  }
0xf3: {  	[sflag:s10] =	ssyncadd.s32 $0xFFFFFB00;
	s17 =	simm.s32 $0x8520  }
0xf4: {  	[spmem:s2] =	stream.indirect.scatter.add.f32 [tilespmem:s17], [sflag:$0x18], $0x10, s19, s13, $0xb8;
	[tilespmem:$0xDA20] =	vst v63  }
0xf5: {  	s17 =	simm.s32 @!p1 $0x12  }
0xf6: {  	_ =	swait.ge @!p1 [sflag:s17], $0x500  }
0xf7: {  	s15 =	sshra.s32 s15, $0x2;
	[sflag:s17] =	ssyncset.done @!p1 $0x0  }
0xf8: {  	s10 =	simm.s32 $0x6720;
	s19 =	sadd.s32 $0x190, s15;
	[sflag:s17] =	ssyncadd.s32 @!p1 $0xFFFFFB00  }
0xf9: {  	[tilespmem:s10], [sflag:$0x6] =	stream.indirect.gather [hbm4b:s4+s13], $0x10, s19, s13, $0xb8;
	[tilespmem:$0xDA20] =	vst v63  }
0xfa: {  	_ =	swait.ge [sflag:s29], $0x500  }
0xfb: {  	[sflag:s29] =	ssyncset.done $0x0  }
0xfc: {  	s21 =	sadd.s32 $0x2710, s15;
	s17 =	simm.s32 @!p1 $0x13;
	[sflag:s29] =	ssyncadd.s32 $0xFFFFFB00  }
0xfd: {  	[spmem:s2] =	stream.indirect.scatter.add.f32 [tilespmem:s22], [sflag:$0xD], $0x10, s21, s13, $0xb8;
	[tilespmem:$0xDA20] =	vst v63  }
0xfe: {  	_ =	swait.ge @!p1 [sflag:s17], $0x500  }
0xff: {  	[sflag:s17] =	ssyncset.done @!p1 $0x0  }
0x100: {  	s23 =	sadd.s32 $0x1E0, s15;
	s19 =	simm.s32 $0x6C20;
	[sflag:s17] =	ssyncadd.s32 @!p1 $0xFFFFFB00  }
0x101: {  	[tilespmem:s19], [sflag:$0x7] =	stream.indirect.gather [hbm4b:s4+s13], $0x10, s23, s13, $0xb8;
	[tilespmem:$0xDA20] =	vst v63  }
0x102: {  	_ =	swait.ge [sflag:s31], $0x500  }
0x103: {  	[sflag:s31] =	ssyncset.done $0x0  }
0x104: {  	s25 =	sadd.s32 $0x2760, s15;
	s17 =	simm.s32 @!p1 $0x14;
	[sflag:s31] =	ssyncadd.s32 $0xFFFFFB00  }
0x105: {  	[spmem:s2] =	stream.indirect.scatter.add.f32 [tilespmem:s24], [sflag:$0xE], $0x10, s25, s13, $0xb8;
	[tilespmem:$0xDA20] =	vst v63  }
0x106: {  	_ =	swait.ge @!p1 [sflag:s17], $0x500  }
0x107: {  	s16 =	simm.s32 $0x3;
	[sflag:s17] =	ssyncset.done @!p1 $0x0  }
0x108: {  	s26 =	sadd.s32 $0x230, s15;
	s23 =	simm.s32 $0x7120;
	[sflag:s17] =	ssyncadd.s32 @!p1 $0xFFFFFB00  }
0x109: {  	[tilespmem:s23], [sflag:$0x8] =	stream.indirect.gather [hbm4b:s4+s13], $0x10, s26, s13, $0xb8;
	[tilespmem:$0xDA20] =	vst v63  }
0x10a: {  	_ =	swait.ge [sflag:s16], $0x500  }
0x10b: {  	s12 =	simm.s32 $0x5820;
	[sflag:s16] =	ssyncset.done $0x0  }
0x10c: {  	s28 =	sadd.s32 $0x27B0, s15;
	s17 =	simm.s32 @!p1 $0x15;
	[sflag:s16] =	ssyncadd.s32 $0xFFFFFB00  }
0x10d: {  	[spmem:s2] =	stream.indirect.scatter.add.f32 [tilespmem:s12], [sflag:$0xF], $0x10, s28, s13, $0xb8;
	[tilespmem:$0xDA20] =	vst v63  }
0x10e: {  	_ =	swait.ge @!p1 [sflag:s17], $0x500  }
0x10f: {  	[sflag:s17] =	ssyncset.done @!p1 $0x0  }
0x110: {  	s30 =	sadd.s32 $0x280, s15;
	s25 =	simm.s32 $0x7620;
	[sflag:s17] =	ssyncadd.s32 @!p1 $0xFFFFFB00  }
0x111: {  	[tilespmem:s25], [sflag:$0x9] =	stream.indirect.gather [hbm4b:s4+s13], $0x10, s30, s13, $0xb8;
	[tilespmem:$0xDA20] =	vst v63  }
0x112: {  	_ =	swait.ge [sflag:s1], $0x500  }
0x113: {  	s26 =	simm.s32 $0x5D20;
	[sflag:s1] =	ssyncset.done $0x0  }
0x114: {  	s12 =	sadd.s32 $0x2800, s15;
	s17 =	simm.s32 @!p1 $0x16;
	[sflag:s1] =	ssyncadd.s32 $0xFFFFFB00  }
0x115: {  	[spmem:s2] =	stream.indirect.scatter.add.f32 [tilespmem:s26], [sflag:$0x10], $0x10, s12, s13, $0xb8;
	[tilespmem:$0xDA20] =	vst v63  }
0x116: {  	_ =	swait.ge @!p1 [sflag:s17], $0x500  }
0x117: {  	s21 =	sadd.s32 $0x2D0, s15;
	[sflag:s17] =	ssyncset.done @!p1 $0x0  }
0x118: {  	s28 =	simm.s32 $0x7B20;
	s12 =	simm.s32 $0x5;
	[sflag:s17] =	ssyncadd.s32 @!p1 $0xFFFFFB00  }
0x119: {  	[tilespmem:s28], [sflag:$0xA] =	stream.indirect.gather [hbm4b:s4+s13], $0x10, s21, s13, $0xb8;
	[tilespmem:$0xDA20] =	vst v63  }
0x11a: {  	_ =	swait.ge [sflag:s12], $0x500  }
0x11b: {  	s30 =	sadd.s32 $0x2850, s15;
	[sflag:s12] =	ssyncset.done $0x0  }
0x11c: {  	s17 =	simm.s32 @!p1 $0x17;
	s21 =	simm.s32 $0x6220;
	[sflag:s12] =	ssyncadd.s32 $0xFFFFFB00  }
0x11d: {  	[spmem:s2] =	stream.indirect.scatter.add.f32 [tilespmem:s21], [sflag:$0x11], $0x10, s30, s13, $0xb8;
	[tilespmem:$0xDA20] =	vst v63  }
0x11e: {  	_ =	swait.ge @!p1 [sflag:s17], $0x500  }
0x11f: {  	[sflag:s17] =	ssyncset.done @!p1 $0x0  }
0x120: {  	s30 =	simm.s32 $0x8020;
	[sflag:s17] =	ssyncadd.s32 @!p1 $0xFFFFFB00;
	s17 =	sadd.s32 $0x320, s15  }
0x121: {  	[tilespmem:s30], [sflag:$0xB] =	stream.indirect.gather [hbm4b:s4+s13], $0x10, s17, s13, $0xb8;
	[tilespmem:$0xDA20] =	vst v63  }
0x122: {  	_ =	swait.ge [sflag:s18], $0x500  }
0x123: {  	[sflag:s18] =	ssyncset.done $0x0  }
0x124: {  	s17 =	sadd.s32 $0x28A0, s15;
	[sflag:s18] =	ssyncadd.s32 $0xFFFFFB00  }
0x125: {  	[spmem:s2] =	stream.indirect.scatter.add.f32 [tilespmem:s10], [sflag:$0x12], $0x10, s17, s13, $0xb8;
	[tilespmem:$0xDA20] =	vst v63  }
0x126: {  	s17 =	simm.s32 @!p1 $0x18  }
0x127: {  	_ =	swait.ge @!p1 [sflag:s17], $0x500  }
0x128: {  	[sflag:s17] =	ssyncset.done @!p1 $0x0  }
0x129: {  	s10 =	simm.s32 $0x8520;
	[sflag:s17] =	ssyncadd.s32 @!p1 $0xFFFFFB00;
	s17 =	sadd.s32 $0x370, s15  }
0x12a: {  	[tilespmem:s10], [sflag:$0xC] =	stream.indirect.gather [hbm4b:s4+s13], $0x10, s17, s13, $0xb8;
	[tilespmem:$0xDA20] =	vst v63  }
0x12b: {  	_ =	swait.ge [sflag:s20], $0x500  }
0x12c: {  	[sflag:s20] =	ssyncset.done $0x0  }
0x12d: {  	s17 =	sadd.s32 $0x28F0, s15;
	[sflag:s20] =	ssyncadd.s32 $0xFFFFFB00  }
0x12e: {  	[spmem:s2] =	stream.indirect.scatter.add.f32 [tilespmem:s19], [sflag:$0x13], $0x10, s17, s13, $0xb8;
	[tilespmem:$0xDA20] =	vst v63  }
0x12f: {  	_ =	swait.ge [sflag:s0], $0x500  }
0x130: {  	[sflag:s0] =	ssyncset.done $0x0  }
0x131: {  	s19 =	sadd.s32 $0x3C0, s15;
	[sflag:s0] =	ssyncadd.s32 $0xFFFFFB00  }
0x132: {  	[tilespmem:s22], [sflag:$0x1] =	stream.indirect.gather [hbm4b:s4+s13], $0x10, s19, s13, $0xb8;
	[tilespmem:$0xDA20] =	vst v63  }
0x133: {  	_ =	swait.ge [sflag:s6], $0x500  }
0x134: {  	[sflag:s6] =	ssyncset.done $0x0  }
0x135: {  	s19 =	sadd.s32 $0x2940, s15;
	[sflag:s6] =	ssyncadd.s32 $0xFFFFFB00  }
0x136: {  	[spmem:s2] =	stream.indirect.scatter.add.f32 [tilespmem:s23], [sflag:$0x14], $0x10, s19, s13, $0xb8;
	[tilespmem:$0xDA20] =	vst v63  }
0x137: {  	_ =	swait.ge [sflag:s7], $0x500  }
0x138: {  	[sflag:s7] =	ssyncset.done $0x0  }
0x139: {  	s23 =	sadd.s32 $0x410, s15;
	[sflag:s7] =	ssyncadd.s32 $0xFFFFFB00  }
0x13a: {  	[tilespmem:s24], [sflag:$0x2] =	stream.indirect.gather [hbm4b:s4+s13], $0x10, s23, s13, $0xb8;
	[tilespmem:$0xDA20] =	vst v63  }
0x13b: {  	_ =	swait.ge [sflag:s8], $0x500  }
0x13c: {  	[sflag:s8] =	ssyncset.done $0x0  }
0x13d: {  	s6 =	sadd.s32 $0x2990, s15;
	[sflag:s8] =	ssyncadd.s32 $0xFFFFFB00  }
0x13e: {  	[spmem:s2] =	stream.indirect.scatter.add.f32 [tilespmem:s25], [sflag:$0x15], $0x10, s6, s13, $0xb8;
	[tilespmem:$0xDA20] =	vst v63  }
0x13f: {  	_ =	swait.ge [sflag:s9], $0x500  }
0x140: {  	[sflag:s9] =	ssyncset.done $0x0  }
0x141: {  	s19 =	sadd.s32 $0x460, s15;
	s6 =	simm.s32 $0x5820;
	[sflag:s9] =	ssyncadd.s32 $0xFFFFFB00  }
0x142: {  	[tilespmem:s6], [sflag:$0x3] =	stream.indirect.gather [hbm4b:s4+s13], $0x10, s19, s13, $0xb8;
	[tilespmem:$0xDA20] =	vst v63  }
0x143: {  	_ =	swait.ge [sflag:s5], $0x500  }
0x144: {  	[sflag:s5] =	ssyncset.done $0x0  }
0x145: {  	s23 =	sadd.s32 $0x29E0, s15;
	[sflag:s5] =	ssyncadd.s32 $0xFFFFFB00  }
0x146: {  	[spmem:s2] =	stream.indirect.scatter.add.f32 [tilespmem:s28], [sflag:$0x16], $0x10, s23, s13, $0xb8;
	[tilespmem:$0xDA20] =	vst v63  }
0x147: {  	_ =	swait.ge [sflag:s11], $0x500  }
0x148: {  	[sflag:s11] =	ssyncset.done $0x0  }
0x149: {  	s25 =	sadd.s32 $0x4B0, s15;
	[sflag:s11] =	ssyncadd.s32 $0xFFFFFB00  }
0x14a: {  	[tilespmem:s26], [sflag:$0x4] =	stream.indirect.gather [hbm4b:s4+s13], $0x10, s25, s13, $0xb8;
	[tilespmem:$0xDA20] =	vst v63  }
0x14b: {  	_ =	swait.ge [sflag:s3], $0x500  }
0x14c: {  	[sflag:s3] =	ssyncset.done $0x0  }
0x14d: {  	s28 =	sadd.s32 $0x2A30, s15;
	[sflag:s3] =	ssyncadd.s32 $0xFFFFFB00  }
0x14e: {  	[spmem:s2] =	stream.indirect.scatter.add.f32 [tilespmem:s30], [sflag:$0x17], $0x10, s28, s13, $0xb8;
	[tilespmem:$0xDA20] =	vst v63  }
0x14f: {  	_ =	swait.ge [sflag:s14], $0x500  }
0x150: {  	[sflag:s14] =	ssyncset.done $0x0  }
0x151: {  	s19 =	simm.s32 $0xC;
	s3 =	sadd.s32 $0x500, s15;
	[sflag:s14] =	ssyncadd.s32 $0xFFFFFB00  }
0x152: {  	[tilespmem:s21], [sflag:$0x5] =	stream.indirect.gather [hbm4b:s4+s13], $0x10, s3, s13, $0xb8;
	[tilespmem:$0xDA20] =	vst v63  }
0x153: {  	_ =	swait.ge [sflag:s19], $0x500  }
0x154: {  	s23 =	simm.s32 $0xC;
	[sflag:s19] =	ssyncset.done $0x0  }
0x155: {  	s15 =	sadd.s32 $0x2A80, s15;
	[sflag:s23] =	ssyncadd.s32 $0xFFFFFB00  }
0x156: {  	[spmem:s2] =	stream.indirect.scatter.add.f32 [tilespmem:s10], [sflag:$0x18], $0x10, s15, s13, $0xb8;
	[tilespmem:$0xDA20] =	vst v63  }
0x157: {  	_ =	swait.ge [sflag:s29], $0x500  }
0x158: {  	[sflag:s29] =	ssyncset.done $0x0  }
0x159: {  	s25 =	simm.s32 $0x4C90;
	[sflag:s29] =	ssyncadd.s32 $0xFFFFFB00  }
0x15a: {  	[spmem:s2] =	stream.indirect.scatter.add.f32 [tilespmem:s22], [sflag:$0xD], $0x10, s25, s13, $0xb8;
	[tilespmem:$0xDA20] =	vst v63  }
0x15b: {  	_ =	swait.ge [sflag:s31], $0x500  }
0x15c: {  	[sflag:s31] =	ssyncset.done $0x0  }
0x15d: {  	s28 =	simm.s32 $0x4CE0;
	[sflag:s31] =	ssyncadd.s32 $0xFFFFFB00  }
0x15e: {  	[spmem:s2] =	stream.indirect.scatter.add.f32 [tilespmem:s24], [sflag:$0xE], $0x10, s28, s13, $0xb8;
	[tilespmem:$0xDA20] =	vst v63  }
0x15f: {  	_ =	swait.ge [sflag:s16], $0x500  }
0x160: {  	[sflag:s16] =	ssyncset.done $0x0  }
0x161: {  	s30 =	simm.s32 $0x4D30;
	[sflag:s16] =	ssyncadd.s32 $0xFFFFFB00  }
0x162: {  	[spmem:s2] =	stream.indirect.scatter.add.f32 [tilespmem:s6], [sflag:$0xF], $0x10, s30, s13, $0xb8;
	[tilespmem:$0xDA20] =	vst v63  }
0x163: {  	_ =	swait.ge [sflag:s1], $0x500  }
0x164: {  	[sflag:s1] =	ssyncset.done $0x0  }
0x165: {  	[sflag:s1] =	ssyncadd.s32 $0xFFFFFB00;
	s1 =	simm.s32 $0x4D80  }
0x166: {  	[spmem:s2] =	stream.indirect.scatter.add.f32 [tilespmem:s26], [sflag:$0x10], $0x10, s1, s13, $0xb8;
	[tilespmem:$0xDA20] =	vst v63  }
0x167: {  	_ =	swait.ge [sflag:s12], $0x500  }
0x168: {  	[sflag:s12] =	ssyncset.done $0x0  }
0x169: {  	s3 =	simm.s32 $0x4DD0;
	s6 =	simm.s32 $0x12;
	[sflag:s12] =	ssyncadd.s32 $0xFFFFFB00  }
0x16a: {  	[spmem:s2] =	stream.indirect.scatter.add.f32 [tilespmem:s21], [sflag:$0x11], $0x10, s3, s13, $0xb8;
	[tilespmem:$0xDA20] =	vst v63  }
0x16b: {  	_ =	swait.ge [sflag:s6], $0x500  }
0x16c: {  	[sflag:s6] =	ssyncset.done $0x0  }
0x16d: {  	s12 =	simm.s32 $0x13;
	[sflag:s6] =	ssyncadd.s32 $0xFFFFFB00  }
0x16e: {  	_ =	swait.ge [sflag:s12], $0x500  }
0x16f: {  	[sflag:s12] =	ssyncset.done $0x0  }
0x170: {  	s15 =	simm.s32 $0x14;
	[sflag:s12] =	ssyncadd.s32 $0xFFFFFB00  }
0x171: {  	_ =	swait.ge [sflag:s15], $0x500  }
0x172: {  	[sflag:s15] =	ssyncset.done $0x0  }
0x173: {  	s16 =	simm.s32 $0x15;
	[sflag:s15] =	ssyncadd.s32 $0xFFFFFB00  }
0x174: {  	_ =	swait.ge [sflag:s16], $0x500  }
0x175: {  	[sflag:s16] =	ssyncset.done $0x0  }
0x176: {  	s17 =	simm.s32 $0x16;
	[sflag:s16] =	ssyncadd.s32 $0xFFFFFB00  }
0x177: {  	_ =	swait.ge [sflag:s17], $0x500  }
0x178: {  	[sflag:s17] =	ssyncset.done $0x0  }
0x179: {  	s19 =	simm.s32 $0x17;
	[sflag:s17] =	ssyncadd.s32 $0xFFFFFB00  }
0x17a: {  	_ =	swait.ge [sflag:s19], $0x500  }
0x17b: {  	[sflag:s19] =	ssyncset.done $0x0  }
0x17c: {  	s21 =	simm.s32 $0x18;
	[sflag:s19] =	ssyncadd.s32 $0xFFFFFB00  }
0x17d: {  	_ =	swait.ge [sflag:s21], $0x500  }
0x17e: {  	[sflag:s21] =	ssyncset.done $0x0  }
0x17f: {  	[sflag:s21] =	ssyncadd.s32 $0xFFFFFB00  }
0x180: {  	_ =	swait.ge [sflag:s0], $0x500  }
0x181: {  	[sflag:s0] =	ssyncset.done $0x0  }
0x182: {  	[sflag:s0] =	ssyncadd.s32 $0xFFFFFB00  }
0x183: {  	_ =	swait.ge [sflag:s7], $0x500  }
0x184: {  	[sflag:s7] =	ssyncset.done $0x0  }
0x185: {  	[sflag:s7] =	ssyncadd.s32 $0xFFFFFB00  }
0x186: {  	_ =	swait.ge [sflag:s9], $0x500  }
0x187: {  	[sflag:s9] =	ssyncset.done $0x0  }
0x188: {  	[sflag:s9] =	ssyncadd.s32 $0xFFFFFB00  }
0x189: {  	_ =	swait.ge [sflag:s11], $0x500  }
0x18a: {  	[sflag:s11] =	ssyncset.done $0x0  }
0x18b: {  	[sflag:s11] =	ssyncadd.s32 $0xFFFFFB00  }
0x18c: {  	_ =	swait.ge [sflag:s14], $0x500  }
0x18d: {  	[sflag:s14] =	ssyncset.done $0x0  }
0x18e: {  	s23 =	stileid.u32;
	[sflag:s14] =	ssyncadd.s32 $0xFFFFFB00  }
0x18f: {  	s15 =	sshll.u32 s23, $0x6;
	[bflag:$0x0] =	sbarrier.arrive $0xFFFF  }
0x190: {  	s15 =	sor.u32 $0x1C19, s15;
	s19 =	rddreg [dreg:$0x4]  }
0x191: {  	s21 =	simm.s32 $0x19;
	s26 =	rddreg [dreg:$0x7];
	s25 =	sshrl.u32 s19, $0x3  }
0x192: {  	[hbm:s26], [sflag:s15] =	dma.local [spmem:s25], $0x500  }
0x193: {  	_ =	swait.ge [sflag:s21], $0x500  }
0x194: {  	s28 =	rddreg [dreg:$0x3]  }
0x195: {  	s30 =	rddreg [dreg:$0x8];
	s15 =	sadd.s32 $0x1, s28  }
0x196: {  	p0 =	sne.s32 s15, s30  }
.Ltmp2:
0x197: {  	_ = 	snop;
	(pc) =	sbr.rel @p0 .LBB2_1-.Ltmp2, $3  }
0x198: {  	_ =	sdelay $0x1  }
0x199: {  	[sflag:s21] =	ssyncset.done $0x0  }
0x19a: {  	s1 =	simm.s32 $0x4;
	s25 =	simm.s32 $0x3;
	[sflag:s21] =	ssyncadd.s32 $0xFFFFFB00  }
0x19b: {  	_ =	sfence.sel $0x180000  }
0x19c: {  	[bflag:$0x0] =	sbarrier.arrive $0xFFFF  }
0x19d: {  	_ =	strace $0x9000004A  }
0x19e: {  	s0 =	stileid.u32;
	[bflag:$0x2] =	sbarrier.arrive $0xFFFF  }
0x19f: {  	p0 =	sne.s32 s0, $0x0;
	s0 =	rddreg [dreg:$0x2]  }
0x1a0: {  	s0 =	sadd.s32 @!p0 $0x100000, s0  }
0x1a1: {  	[sflag:s0] =	ssyncadd.tile.s32 @!p0 $0x1;
	_ =	shalt  }
.Lfunc_end2:
_tile_overlayer_lowered:
.L_overlay_start_2:
0x1a2: {  	(tag) =	ssettag $0x2  }
0x1a3: {  	s0 =	rddreg [dreg:$0x0];
	s2 =	stileid.u32  }
0x1a4: {  	s1 =	rddreg [dreg:$0x1];
	p0 =	sne.s32 s2, $0x0  }
0x1a5: {  	s3 =	rddreg [dreg:$0x2];
	[bflag:$0x3] =	sbarrier.arrive $0xFFFF;
	s2 =	simm.s32 @!p0 $0x1C19  }
0x1a6: {  	[timem:s3], [sflag:s2] =	dma.local @!p0 [hbm:s0], s1  }
0x1a7: {  	s0 =	simm.s32 @!p0 $0x19  }
0x1a8: {  	_ =	swait.ge @!p0 [sflag:s0], s1  }
0x1a9: {  	s1 =	ssub.s32 @!p0 $0x0, s1;
	[sflag:s0] =	ssyncset.done @!p0 $0x0  }
0x1aa: {  	[sflag:s0] =	ssyncadd.s32 @!p0 s1  }
0x1ab: {  	[bflag:$0x3] =	sbarrier.arrive $0xFFFF  }
0x1ac: {  	_ =	shalt  }

// kernel: kernel.16.cloned.1.call-start
scs
__scs_entry_jumppad:
0x0: {  	(pc) =	sbr.rel $0x88, $3  }
0x1: {  	(tag) =	ssettag $0x0;
	lr =	simm.s32 $0x1  }
0x2: {  	[smem:$0x3F9B] =	sst lr;
	_ =	strace $0xD0000000  }
0x3: {  	_ = 	snop  }
0x4: {  	_ = 	snop  }
0x5: {  	_ = 	snop  }
0x6: {  	_ = 	snop  }
0x7: {  	_ = 	snop  }
__scs_overlays_trampoline_lowered:
0x8: {  	[smem:$0x3FAA] =	sst s0  }
0x9: {  	[smem:$0x3FAB] =	sst s1  }
0xa: {  	[smem:$0x3FAC] =	sst s2  }
0xb: {  	[smem:$0x3FAD] =	sst s3  }
0xc: {  	[smem:$0x3FAE] =	sst s4  }
0xd: {  	[smem:$0x3FAF] =	sst s5  }
0xe: {  	[smem:$0x3FB0] =	sst s6  }
0xf: {  	[smem:$0x3FB1] =	sst s7  }
0x10: {  	[smem:$0x3FB2] =	sst s8  }
0x11: {  	[smem:$0x3FB3] =	sst s9;
	s0 =	simm.s32 @!p0 $0x0  }
0x12: {  	s1 =	sld [smem:$0x3F99];
	s0 =	simm.s32 @p0 $0x1  }
0x13: {  	[smem:$0x3FB4] =	sst s0;
	s0 =	simm.s32 @!p1 $0x0  }
0x14: {  	s2 =	sld [smem:$0x3F98];
	s0 =	simm.s32 @p1 $0x1  }
0x15: {  	[smem:$0x3FB5] =	sst s0;
	s0 =	simm.s32 @!p2 $0x0  }
0x16: {  	s3 =	sld [smem:$0x3FDB];
	s0 =	simm.s32 @p2 $0x1  }
0x17: {  	s4 =	simm.s32 $0x1BF5;
	[smem:$0x3FB7] =	sst s0  }
0x18: {  	s0 =	sld [smem:$0x3F9A];
	_ =	swait.ge [sflag:s4], $0x0  }
0x19: {  	s7 =	sld [smem:$0x3F9B]  }
0x1a: {  	s8 =	sadd.s32 $0xFFFFE003, lr  }
0x1b: {  	s9 =	sadd.s32 $0xFFFFFEF7, lr;
	s5 =	simm.s32 $0xFFFFFFFF;
	p2 =	slt.u32 s8, $0xFFFFF086  }
0x1c: {  	p1 =	slt.u32 s9, $0xF7A;
	s5 =	simm.s32 @!p2 $0x0  }
0x1d: {  	s5 =	simm.s32 @p1 $0x1;
	p0 =	seq.s32 s7, s2  }
0x1e: {  	s7 =	smul.u32 @!p0 $0xF7A, s2;
	p2 =	seq.s32 @!p0 s5, $0x0  }
0x1f: {  	s9 =	smul.u32 $0xF7A, s1;
	s8 =	simm.s32 @!p0 $0x1BF5;
	p2 =	por !p2, p0  }
0x20: {  	[sflag:s8] =	ssyncset.s32 @!p0 $0xFFFFF086;
	s6 =	sadd.s32 @!p0 s3, s7;
	s7 =	simm.s32 @!p0 $0x108  }
0x21: {  	s3 =	sadd.s32 s3, s9;
	s6 =	sadd.s32 @!p0 $0x88, s6;
	s7 =	simm.s32 @p2 $0x1082  }
0x22: {  	[simem:s7], [sflag:s8] =	dma.local @!p0 [hbm:s6], $0xF7A  }
0x23: {  	s9 =	sor.u32 $0xD0000000, s2;
	s6 =	simm.s32 $0x108;
	_ =	swait.ge @!p0 [sflag:s8], $0x0  }
0x24: {  	s3 =	sadd.s32 $0x88, s3;
	s6 =	simm.s32 @!p1 $0x1082;
	[sflag:s4] =	ssyncset.s32 $0xFFFFF086  }
0x25: {  	[simem:s6], [sflag:s4] =	dma.local [hbm:s3], $0xF7A  }
0x26: {  	[smem:$0x3F9B] =	sst s1;
	(tag) =	ssettag s2;
	_ =	strace s9  }
0x27: {  	s1 =	sld [smem:$0x3FAB]  }
0x28: {  	s2 =	sld [smem:$0x3FAC]  }
0x29: {  	s4 =	sld [smem:$0x3FAE]  }
0x2a: {  	p0 =	seq.s32 s5, $0x0;
	s5 =	sld [smem:$0x3FAF]  }
0x2b: {  	s6 =	sld [smem:$0x3FB0]  }
0x2c: {  	s7 =	sld [smem:$0x3FB1]  }
0x2d: {  	s3 =	simm.s32 $0x108;
	s8 =	sld [smem:$0x3FB2]  }
0x2e: {  	s3 =	simm.s32 @!p0 $0x1082;
	s9 =	sld [smem:$0x3FB3]  }
0x2f: {  	lr =	sadd.s32 s0, s3;
	s0 =	sld [smem:$0x3FAA]  }
0x30: {  	s3 =	sld [smem:$0x3FAD]  }
0x31: {  	[smem:$0x3FB6] =	sst s10  }
0x32: {  	s10 =	sld [smem:$0x3FB4];
	_ =	sdelay $0x3  }
0x33: {  	p0 =	seq.s32 s10, $0x1;
	s10 =	sld [smem:$0x3FB6];
	_ =	sdelay $0x3  }
0x34: {  	[smem:$0x3FB6] =	sst s10  }
0x35: {  	s10 =	sld [smem:$0x3FB5];
	_ =	sdelay $0x3  }
0x36: {  	p1 =	seq.s32 s10, $0x1;
	s10 =	sld [smem:$0x3FB6];
	_ =	sdelay $0x3  }
0x37: {  	[smem:$0x3FB6] =	sst s10  }
0x38: {  	s10 =	sld [smem:$0x3FB7]  }
0x39: {  	_ = 	snop;
	(pc) =	sbr.ind lr, $3  }
0x3a: {  	_ = 	snop  }
0x3b: {  	_ = 	snop  }
0x3c: {  	p2 =	seq.s32 s10, $0x1;
	s10 =	sld [smem:$0x3FB6]  }
0x3d: {  	_ =	shalt  }
0x3e: {  	_ =	shalt  }
0x3f: {  	_ =	shalt  }
0x40: {  	_ =	shalt  }
0x41: {  	_ =	shalt  }
0x42: {  	_ =	shalt  }
0x43: {  	_ =	shalt  }
0x44: {  	_ =	shalt  }
0x45: {  	_ =	shalt  }
0x46: {  	_ =	shalt  }
0x47: {  	_ =	shalt  }
0x48: {  	_ =	shalt  }
0x49: {  	_ =	shalt  }
0x4a: {  	_ =	shalt  }
0x4b: {  	_ =	shalt  }
0x4c: {  	_ =	shalt  }
0x4d: {  	_ =	shalt  }
0x4e: {  	_ =	shalt  }
0x4f: {  	_ =	shalt  }
0x50: {  	_ =	shalt  }
0x51: {  	_ =	shalt  }
0x52: {  	_ =	shalt  }
0x53: {  	_ =	shalt  }
0x54: {  	_ =	shalt  }
0x55: {  	_ =	shalt  }
0x56: {  	_ =	shalt  }
0x57: {  	_ =	shalt  }
0x58: {  	_ =	shalt  }
0x59: {  	_ =	shalt  }
0x5a: {  	_ =	shalt  }
0x5b: {  	_ =	shalt  }
0x5c: {  	_ =	shalt  }
0x5d: {  	_ =	shalt  }
0x5e: {  	_ =	shalt  }
0x5f: {  	_ =	shalt  }
0x60: {  	_ =	shalt  }
0x61: {  	_ =	shalt  }
0x62: {  	_ =	shalt  }
0x63: {  	_ =	shalt  }
0x64: {  	_ =	shalt  }
0x65: {  	_ =	shalt  }
0x66: {  	_ =	shalt  }
0x67: {  	_ =	shalt  }
0x68: {  	_ =	shalt  }
0x69: {  	_ =	shalt  }
0x6a: {  	_ =	shalt  }
0x6b: {  	_ =	shalt  }
0x6c: {  	_ =	shalt  }
0x6d: {  	_ =	shalt  }
0x6e: {  	_ =	shalt  }
0x6f: {  	_ =	shalt  }
0x70: {  	_ =	shalt  }
0x71: {  	_ =	shalt  }
0x72: {  	_ =	shalt  }
0x73: {  	_ =	shalt  }
0x74: {  	_ =	shalt  }
0x75: {  	_ =	shalt  }
0x76: {  	_ =	shalt  }
0x77: {  	_ =	shalt  }
0x78: {  	_ =	shalt  }
0x79: {  	_ =	shalt  }
0x7a: {  	_ =	shalt  }
0x7b: {  	_ =	shalt  }
0x7c: {  	_ =	shalt  }
0x7d: {  	_ =	shalt  }
0x7e: {  	_ =	shalt  }
0x7f: {  	_ =	shalt  }
0x80: {  	_ =	shalt  }
0x81: {  	_ =	shalt  }
0x82: {  	_ =	shalt  }
0x83: {  	_ =	shalt  }
0x84: {  	_ =	shalt  }
0x85: {  	_ =	shalt  }
0x86: {  	_ =	shalt  }
0x87: {  	_ =	shalt  }
.Lfunc_end0:
.L_simem_size_0:
called_computation.2_lowered:
.L_overlay_start_0:
0x88: {  	s2 =	sld [smem:$0x3FD9]  }
0x89: {  	s3 =	sld [smem:$0x3FFE];
	_ =	sdelay $0x1  }
0x8a: {  	s1 =	srdreg.scid  }
0x8b: {  	s0 =	sand.u32 $0x1, s1  }
0x8c: {  	s16 =	sshll.u32 s0, $0xA;
	s2 =	sadd.s32 s3, s2  }
0x8d: {  	s2 =	sadd.s32 s2, s16  }
0x8e: {  	[smem:$0x3FC2] =	sst s2  }
0x8f: {  	_ = 	snop  }
0x90: {  	(tm) =	ssettm $0x1  }
0x91: {  	s17 =	sld [smem:$0x3FFB];
	_ =	sdelay $0x3  }
0x92: {  	_ =	strace s17  }
0x93: {  	s2 =	sld [smem:$0x3FFC];
	_ =	sdelay $0x3  }
0x94: {  	_ =	strace s2  }
0x95: {  	s2 =	sld [smem:$0x3FFD];
	_ =	sdelay $0x3  }
0x96: {  	_ =	strace s2  }
0x97: {  	_ =	strace $0x8FFFFFFF  }
0x98: {  	s18 =	sld [smem:$0x3FDB];
	_ =	sdelay $0x1  }
0x99: {  	s19 =	simm.s32 $_scs_section_size  }
0x9a: {  	s4 =	simm.s32 $_size__tile_overlayer_lowered;
	s5 =	simm.s32 $_tile_overlayer_lowered  }
0x9b: {  	s22 =	simm.s32 $0x1BFF;
	s21 =	sshll.u32 s5, $0x1;
	s2 =	sadd.s32 s19, s18  }
0x9c: {  	s6 =	simm.s32 $0x0;
	s20 =	sshll.u32 s4, $0x1;
	s4 =	sadd.s32 s21, s2  }
0x9d: {  	[timem:s6], [sflag:s22] =	dma.local [hbm:s4], s20  }
0x9e: {  	_ =	swait.ge [sflag:s22], s20  }
0x9f: {  	s3 =	ssub.s32 $0x0, s20;
	[sflag:s22] =	ssyncset.done $0x0  }
0xa0: {  	[sflag:s22] =	ssyncadd.s32 s3;
	_ =	sdelay $0x1  }
0xa1: {  	s23 =	simm.s32 $0x1B8B  }
0xa2: {  	_ =	swait.ge [sflag:s23], $0x1  }
0xa3: {  	[sflag:s23] =	ssyncset.done $0x0  }
0xa4: {  	s25 =	simm.s32 $0x1B8E;
	s24 =	sld [smem:$0x3FFE];
	[sflag:s23] =	ssyncadd.s32 $0xFFFFFFFF  }
0xa5: {  	s26 =	simm.s32 $execute0_lowered;
	[smem:$0x3FD2] =	sst s25  }
0xa6: {  	s4 =	sshll.u32 s26, $0x1;
	_ =	strace $0x8000004C;
	[dreg:$0x1] =	wrdreg $0xFFFFFFFF  }
0xa7: {  	s28 =	simm.s32 $_size_execute0_lowered;
	s2 =	sadd.s32 s2, s4;
	[dreg:$0x0] =	wrdreg $0x0  }
0xa8: {  	s4 =	sshll.u32 s28, $0x1;
	[dreg:$0x2] =	wrdreg s2  }
0xa9: {  	[dreg:$0x3] =	wrdreg s4  }
0xaa: {  	[dreg:$0x4] =	wrdreg $0xC0  }
0xab: {  	_ =	task [dreg:s6], $0x5FFFF  }
0xac: {  	[dreg:$0x1] =	wrdreg $0xFFFFFFFF  }
0xad: {  	[dreg:$0x0] =	wrdreg $0x60  }
0xae: {  	[dreg:$0x2] =	wrdreg s24  }
0xaf: {  	[dreg:$0x3] =	wrdreg $0xB2200  }
0xb0: {  	[dreg:$0x4] =	wrdreg $0x9  }
0xb1: {  	_ =	task.clear_ibuf [dreg:s6], $0x5FFFF;
	_ =	strace $0x9000004C  }
0xb2: {  	s29 =	simm.s32 $0x9;
	_ =	strace $0x8000004E  }
0xb3: {  	_ =	swait.ge [sflag:s29], $0x1  }
0xb4: {  	[sflag:s29] =	ssyncadd.s32 $0xFFFFFFFF  }
0xb5: {  	_ =	strace $0x9000004E  }
0xb6: {  	_ =	sfence  }
0xb7: {  	s30 =	sld [smem:$0x0];
	_ =	sdelay $0x2  }
0xb8: {  	s31 =	sshll.u32 s1, $0xD;
	s1 =	sshrl.u32 s1, $0x2  }
0xb9: {  	s3 =	sand.u32 $0x4000, s31;
	s1 =	sadd.s32 s1, s30  }
0xba: {  	s0 =	sor.u32 s3, s0;
	s1 =	sshll.u32 s1, $0x11  }
0xbb: {  	s0 =	sor.u32 s1, s0  }
0xbc: {  	s0 =	sadd.s32 $0x8F2B, s0  }
0xbd: {  	[sflag:s0] =	ssyncadd.remote.s32 $0x1  }
0xbe: {  	_ =	sfence.sel $0xFFFF  }
0xbf: {  	[dreg:$0x0] =	wrdreg $0xFFFFFFFF;
	(pc) =	sbr.abs _section_cstart, $3  }
0xc0: {  	[dreg:$0x1] =	wrdreg $0xFFFFFFFF  }
0xc1: {  	_ =	task.clear_ibuf [dreg:s6], $0x2FFFF;
	_ =	strace $0x9FFFFFFF  }
0xc2: {  	(tm) =	ssettm $0x7FFFFFFF  }
0xc3: {  	_ =	shalt  }
tec
execute0_lowered:
.L_overlay_start_1:
0x0: {  	(tag) =	ssettag $0x1  }
0x1: {  	s0 =	srdreg.scid;
	s3 =	rddreg [dreg:$0x0]  }
0x2: {  	s4 =	stileid.u32;
	s2 =	rddreg [dreg:$0x1];
	s15 =	simm.s32 $0x0  }
0x3: {  	s21 =	simm.s32 $0x19;
	s13 =	simm.s32 $0x50;
	s22 =	simm.s32 $0x4E20  }
0x4: {  	s24 =	simm.s32 $0x5320;
	s29 =	simm.s32 $0x1;
	s31 =	simm.s32 $0x2  }
0x5: {  	s18 =	simm.s32 $0x6;
	s20 =	simm.s32 $0x7;
	s7 =	simm.s32 $0xE  }
0x6: {  	s8 =	simm.s32 $0x9;
	s9 =	simm.s32 $0xF;
	s0 =	sand.u32 $0x1, s0  }
0x7: {  	s11 =	simm.s32 $0x10;
	s5 =	smul.u32 $0x2800, s4;
	s1 =	sshll.u32 s0, $0x4  }
0x8: {  	[smem:$0x7FF] =	sst s15;
	s25 =	smul.u32 $0x28000, s0;
	s1 =	sor.u32 s4, s1  }
0x9: {  	_ =	strace $0x8000004D;
	s0 =	ssub.s32 $0x2, s0;
	s1 =	smul.u32 $0x2710, s1  }
0xa: {  	s26 =	sshrl.u32 s0, $0x1;
	s19 =	sadd.s32 s5, s2;
	s4 =	sadd.s32 s5, s25  }
0xb: {  	s0 =	ssub.s32 s0, s26;
	[dreg:$0x4] =	wrdreg s19;
	s1 =	sshrl.u32 s1, $0x3  }
0xc: {  	s6 =	sshrl.u32 s4, $0x3;
	s0 =	smax.u32 s0, $0x1;
	s1 =	sadd.s32 s1, s3  }
0xd: {  	s4 =	sadd.s32 $0x16400, s3;
	[dreg:$0x8] =	wrdreg s0;
	s28 =	sadd.s32 $0x2A00, s1  }
0xe: {  	s3 =	sadd.s32 s6, s3;
	s1 =	sadd.s32 $0xC640, s1;
	[dreg:$0x5] =	wrdreg s28  }
0xf: {  	s25 =	simm.s32 $0x3;
	s30 =	sadd.s32 $0x1B400, s3;
	[dreg:$0x6] =	wrdreg s1  }
0x10: {  	v0 =	vimm.f32 $0.0e+00;
	s5 =	simm.s32 $0xA;
	[dreg:$0x7] =	wrdreg s30;
	s1 =	simm.s32 $0x4  }
.LBB2_1:
0x11: {  	[dreg:$0x3] =	wrdreg s15;
	s15 =	simm.s32 $0x40;
	s17 =	simm.s32 $0x0  }
.LBB2_2:
0x12: {  	p0 =	sne.s32 s15, $0x9FC0;
	[tilespmem:s17+$0x8A20] =	vst v0;
	s17 =	smov.u32 s15;
	s15 =	sadd.s32 $0x40, s15  }
.Ltmp0:
0x13: {  	(pc) =	sbr.rel @p0 .LBB2_2-.Ltmp0, $2  }
0x14: {  	_ =	sdelay $0x2  }
0x15: {  	s17 =	sshra.s32 s17, $0x2  }
0x16: {  	[tilespmem:s17+$0x8A20] =	vst v0;
	s15 =	simm.s32 $0x8A20  }
0x17: {  	[spmem:s19] =	stream.linear.scatter [tilespmem:s15], [sflag:$0x19], $0x2800, $0x38;
	[tilespmem:$0xDA20] =	vst v63  }
0x18: {  	_ =	swait.ge [sflag:s21], $0x2800  }
0x19: {  	[sflag:s21] =	ssyncset.done $0x0  }
0x1a: {  	s3 =	simm.s32 $0x0;
	s6 =	rddreg [dreg:$0x5];
	[sflag:s21] =	ssyncadd.s32 $0xFFFFD800  }
0x1b: {  	[tilespmem:s3], [sflag:$0x19] =	stream.linear.gather [hbm4b:s6+s3], $0x2710, $0x38;
	[tilespmem:$0xDA20] =	vst v63  }
0x1c: {  	_ =	swait.ge [sflag:s21], $0x2710  }
0x1d: {  	[sflag:s21] =	ssyncset.done $0x0  }
0x1e: {  	s12 =	simm.s32 $0x2710;
	s10 =	rddreg [dreg:$0x6];
	[sflag:s21] =	ssyncadd.s32 $0xFFFFD8F0  }
0x1f: {  	[tilespmem:s12], [sflag:$0x19] =	stream.linear.gather [hbm4b:s10+s3], $0x2710, $0x38;
	[tilespmem:$0xDA20] =	vst v63  }
0x20: {  	_ =	swait.ge [sflag:s21], $0x2710  }
0x21: {  	[sflag:s21] =	ssyncset.done $0x0  }
0x22: {  	[sflag:s21] =	ssyncadd.s32 $0xFFFFD8F0  }
0x23: {  	[bflag:$0x0] =	sbarrier.arrive $0xFFFF  }
0x24: {  	[tilespmem:s22], [sflag:$0x1] =	stream.indirect.gather [hbm4b:s4+s13], $0x10, s3, s13, $0xb8;
	[tilespmem:$0xDA20] =	vst v63  }
0x25: {  	_ = 	snop  }
0x26: {  	[tilespmem:s24], [sflag:$0x2] =	stream.indirect.gather [hbm4b:s4+s13], $0x10, s13, s13, $0xb8;
	[tilespmem:$0xDA20] =	vst v63  }
0x27: {  	s14 =	simm.s32 $0xA0;
	s26 =	simm.s32 $0x5820  }
0x28: {  	[tilespmem:s26], [sflag:$0x3] =	stream.indirect.gather [hbm4b:s4+s13], $0x10, s14, s13, $0xb8;
	[tilespmem:$0xDA20] =	vst v63  }
0x29: {  	s16 =	simm.s32 $0xF0;
	p0 =	por $0x1, $0x1;
	s21 =	simm.s32 $0x5D20  }
0x2a: {  	[tilespmem:s21], [sflag:$0x4] =	stream.indirect.gather [hbm4b:s4+s13], $0x10, s16, s13, $0xb8;
	[tilespmem:$0xDA20] =	vst v63  }
0x2b: {  	s17 =	simm.s32 $0x140;
	s19 =	simm.s32 $0x6220;
	s15 =	simm.s32 @!p0 $0x12  }
0x2c: {  	[tilespmem:s19], [sflag:$0x5] =	stream.indirect.gather [hbm4b:s4+s13], $0x10, s17, s13, $0xb8;
	[tilespmem:$0xDA20] =	vst v63  }
0x2d: {  	_ =	swait.ge @!p0 [sflag:s15], $0x500  }
0x2e: {  	[sflag:s15] =	ssyncset.done @!p0 $0x0  }
0x2f: {  	s23 =	simm.s32 $0x190;
	s10 =	simm.s32 $0x6720;
	[sflag:s15] =	ssyncadd.s32 @!p0 $0xFFFFFB00  }
0x30: {  	[tilespmem:s10], [sflag:$0x6] =	stream.indirect.gather [hbm4b:s4+s13], $0x10, s23, s13, $0xb8;
	[tilespmem:$0xDA20] =	vst v63  }
0x31: {  	_ =	swait.ge [sflag:s29], $0x500  }
0x32: {  	[sflag:s29] =	ssyncset.done $0x0  }
0x33: {  	s28 =	simm.s32 $0x2710;
	s17 =	simm.s32 @!p0 $0x13;
	[sflag:s29] =	ssyncadd.s32 $0xFFFFFB00  }
0x34: {  	[spmem:s2] =	stream.indirect.scatter.add.f32 [tilespmem:s22], [sflag:$0xD], $0x10, s28, s13, $0xb8;
	[tilespmem:$0xDA20] =	vst v63  }
0x35: {  	_ =	swait.ge @!p0 [sflag:s17], $0x500  }
0x36: {  	[sflag:s17] =	ssyncset.done @!p0 $0x0  }
0x37: {  	s30 =	simm.s32 $0x1E0;
	s16 =	simm.s32 $0x6C20;
	[sflag:s17] =	ssyncadd.s32 @!p0 $0xFFFFFB00  }
0x38: {  	[tilespmem:s16], [sflag:$0x7] =	stream.indirect.gather [hbm4b:s4+s13], $0x10, s30, s13, $0xb8;
	[tilespmem:$0xDA20] =	vst v63  }
0x39: {  	_ =	swait.ge [sflag:s31], $0x500  }
0x3a: {  	[sflag:s31] =	ssyncset.done $0x0  }
0x3b: {  	s0 =	simm.s32 $0x2760;
	s17 =	simm.s32 @!p0 $0x14;
	[sflag:s31] =	ssyncadd.s32 $0xFFFFFB00  }
0x3c: {  	[spmem:s2] =	stream.indirect.scatter.add.f32 [tilespmem:s24], [sflag:$0xE], $0x10, s0, s13, $0xb8;
	[tilespmem:$0xDA20] =	vst v63  }
0x3d: {  	_ =	swait.ge @!p0 [sflag:s17], $0x500  }
0x3e: {  	[sflag:s17] =	ssyncset.done @!p0 $0x0  }
0x3f: {  	s3 =	simm.s32 $0x230;
	s23 =	simm.s32 $0x7120;
	[sflag:s17] =	ssyncadd.s32 @!p0 $0xFFFFFB00  }
0x40: {  	[tilespmem:s23], [sflag:$0x8] =	stream.indirect.gather [hbm4b:s4+s13], $0x10, s3, s13, $0xb8;
	[tilespmem:$0xDA20] =	vst v63  }
0x41: {  	_ =	swait.ge [sflag:s25], $0x500  }
0x42: {  	[sflag:s25] =	ssyncset.done $0x0  }
0x43: {  	s6 =	simm.s32 $0x27B0;
	s17 =	simm.s32 @!p0 $0x15;
	[sflag:s25] =	ssyncadd.s32 $0xFFFFFB00  }
0x44: {  	[spmem:s2] =	stream.indirect.scatter.add.f32 [tilespmem:s26], [sflag:$0xF], $0x10, s6, s13, $0xb8;
	[tilespmem:$0xDA20] =	vst v63  }
0x45: {  	_ =	swait.ge @!p0 [sflag:s17], $0x500  }
0x46: {  	[sflag:s17] =	ssyncset.done @!p0 $0x0  }
0x47: {  	s12 =	simm.s32 $0x280;
	s25 =	simm.s32 $0x7620;
	[sflag:s17] =	ssyncadd.s32 @!p0 $0xFFFFFB00  }
0x48: {  	[tilespmem:s25], [sflag:$0x9] =	stream.indirect.gather [hbm4b:s4+s13], $0x10, s12, s13, $0xb8;
	[tilespmem:$0xDA20] =	vst v63  }
0x49: {  	_ =	swait.ge [sflag:s1], $0x500  }
0x4a: {  	[sflag:s1] =	ssyncset.done $0x0  }
0x4b: {  	s14 =	simm.s32 $0x2800;
	s17 =	simm.s32 @!p0 $0x16;
	[sflag:s1] =	ssyncadd.s32 $0xFFFFFB00  }
0x4c: {  	[spmem:s2] =	stream.indirect.scatter.add.f32 [tilespmem:s21], [sflag:$0x10], $0x10, s14, s13, $0xb8;
	[tilespmem:$0xDA20] =	vst v63  }
0x4d: {  	_ =	swait.ge @!p0 [sflag:s17], $0x500  }
0x4e: {  	s28 =	simm.s32 $0x7B20;
	[sflag:s17] =	ssyncset.done @!p0 $0x0  }
0x4f: {  	s0 =	simm.s32 $0x5;
	[sflag:s17] =	ssyncadd.s32 @!p0 $0xFFFFFB00;
	s17 =	simm.s32 $0x2D0  }
0x50: {  	[tilespmem:s28], [sflag:$0xA] =	stream.indirect.gather [hbm4b:s4+s13], $0x10, s17, s13, $0xb8;
	[tilespmem:$0xDA20] =	vst v63  }
0x51: {  	_ =	swait.ge [sflag:s0], $0x500  }
0x52: {  	[sflag:s0] =	ssyncset.done $0x0  }
0x53: {  	s30 =	simm.s32 $0x2850;
	s17 =	simm.s32 @!p0 $0x17;
	[sflag:s0] =	ssyncadd.s32 $0xFFFFFB00  }
0x54: {  	[spmem:s2] =	stream.indirect.scatter.add.f32 [tilespmem:s19], [sflag:$0x11], $0x10, s30, s13, $0xb8;
	[tilespmem:$0xDA20] =	vst v63  }
0x55: {  	_ =	swait.ge @!p0 [sflag:s17], $0x500  }
0x56: {  	[sflag:s17] =	ssyncset.done @!p0 $0x0  }
0x57: {  	s14 =	simm.s32 $0x8020;
	s0 =	simm.s32 $0x320;
	[sflag:s17] =	ssyncadd.s32 @!p0 $0xFFFFFB00  }
0x58: {  	[tilespmem:s14], [sflag:$0xB] =	stream.indirect.gather [hbm4b:s4+s13], $0x10, s0, s13, $0xb8;
	[tilespmem:$0xDA20] =	vst v63  }
0x59: {  	_ =	swait.ge [sflag:s18], $0x500  }
0x5a: {  	[sflag:s18] =	ssyncset.done $0x0  }
0x5b: {  	s3 =	simm.s32 $0x28A0;
	s17 =	simm.s32 @!p0 $0x18;
	[sflag:s18] =	ssyncadd.s32 $0xFFFFFB00  }
0x5c: {  	[spmem:s2] =	stream.indirect.scatter.add.f32 [tilespmem:s10], [sflag:$0x12], $0x10, s3, s13, $0xb8;
	[tilespmem:$0xDA20] =	vst v63  }
0x5d: {  	_ =	swait.ge @!p0 [sflag:s17], $0x500  }
0x5e: {  	[sflag:s17] =	ssyncset.done @!p0 $0x0  }
0x5f: {  	s6 =	simm.s32 $0x370;
	s10 =	simm.s32 $0x8520;
	[sflag:s17] =	ssyncadd.s32 @!p0 $0xFFFFFB00  }
0x60: {  	[tilespmem:s10], [sflag:$0xC] =	stream.indirect.gather [hbm4b:s4+s13], $0x10, s6, s13, $0xb8;
	[tilespmem:$0xDA20] =	vst v63  }
0x61: {  	_ =	swait.ge [sflag:s20], $0x500  }
0x62: {  	[sflag:s20] =	ssyncset.done $0x0  }
0x63: {  	s12 =	simm.s32 $0x28F0;
	s0 =	simm.s32 $0xD;
	[sflag:s20] =	ssyncadd.s32 $0xFFFFFB00  }
0x64: {  	[spmem:s2] =	stream.indirect.scatter.add.f32 [tilespmem:s16], [sflag:$0x13], $0x10, s12, s13, $0xb8;
	[tilespmem:$0xDA20] =	vst v63  }
0x65: {  	_ =	swait.ge [sflag:s0], $0x500  }
0x66: {  	[sflag:s0] =	ssyncset.done $0x0  }
0x67: {  	s6 =	simm.s32 $0x8;
	s16 =	simm.s32 $0x3C0;
	[sflag:s0] =	ssyncadd.s32 $0xFFFFFB00  }
0x68: {  	[tilespmem:s22], [sflag:$0x1] =	stream.indirect.gather [hbm4b:s4+s13], $0x10, s16, s13, $0xb8;
	[tilespmem:$0xDA20] =	vst v63  }
0x69: {  	_ =	swait.ge [sflag:s6], $0x500  }
0x6a: {  	[sflag:s6] =	ssyncset.done $0x0  }
0x6b: {  	s17 =	simm.s32 $0x2940;
	[sflag:s6] =	ssyncadd.s32 $0xFFFFFB00  }
0x6c: {  	[spmem:s2] =	stream.indirect.scatter.add.f32 [tilespmem:s23], [sflag:$0x14], $0x10, s17, s13, $0xb8;
	[tilespmem:$0xDA20] =	vst v63  }
0x6d: {  	_ =	swait.ge [sflag:s7], $0x500  }
0x6e: {  	[sflag:s7] =	ssyncset.done $0x0  }
0x6f: {  	s22 =	simm.s32 $0x410;
	[sflag:s7] =	ssyncadd.s32 $0xFFFFFB00  }
0x70: {  	[tilespmem:s24], [sflag:$0x2] =	stream.indirect.gather [hbm4b:s4+s13], $0x10, s22, s13, $0xb8;
	[tilespmem:$0xDA20] =	vst v63  }
0x71: {  	_ =	swait.ge [sflag:s8], $0x500  }
0x72: {  	[sflag:s8] =	ssyncset.done $0x0  }
0x73: {  	s23 =	simm.s32 $0x2990;
	[sflag:s8] =	ssyncadd.s32 $0xFFFFFB00  }
0x74: {  	[spmem:s2] =	stream.indirect.scatter.add.f32 [tilespmem:s25], [sflag:$0x15], $0x10, s23, s13, $0xb8;
	[tilespmem:$0xDA20] =	vst v63  }
0x75: {  	_ =	swait.ge [sflag:s9], $0x500  }
0x76: {  	[sflag:s9] =	ssyncset.done $0x0  }
0x77: {  	s24 =	simm.s32 $0x460;
	[sflag:s9] =	ssyncadd.s32 $0xFFFFFB00  }
0x78: {  	[tilespmem:s26], [sflag:$0x3] =	stream.indirect.gather [hbm4b:s4+s13], $0x10, s24, s13, $0xb8;
	[tilespmem:$0xDA20] =	vst v63  }
0x79: {  	_ =	swait.ge [sflag:s5], $0x500  }
0x7a: {  	[sflag:s5] =	ssyncset.done $0x0  }
0x7b: {  	s25 =	simm.s32 $0x29E0;
	[sflag:s5] =	ssyncadd.s32 $0xFFFFFB00  }
0x7c: {  	[spmem:s2] =	stream.indirect.scatter.add.f32 [tilespmem:s28], [sflag:$0x16], $0x10, s25, s13, $0xb8;
	[tilespmem:$0xDA20] =	vst v63  }
0x7d: {  	_ =	swait.ge [sflag:s11], $0x500  }
0x7e: {  	[sflag:s11] =	ssyncset.done $0x0  }
0x7f: {  	s3 =	simm.s32 $0xB;
	s26 =	simm.s32 $0x4B0;
	[sflag:s11] =	ssyncadd.s32 $0xFFFFFB00  }
0x80: {  	[tilespmem:s21], [sflag:$0x4] =	stream.indirect.gather [hbm4b:s4+s13], $0x10, s26, s13, $0xb8;
	[tilespmem:$0xDA20] =	vst v63  }
0x81: {  	_ =	swait.ge [sflag:s3], $0x500  }
0x82: {  	[sflag:s3] =	ssyncset.done $0x0  }
0x83: {  	s28 =	simm.s32 $0x2A30;
	[sflag:s3] =	ssyncadd.s32 $0xFFFFFB00  }
0x84: {  	[spmem:s2] =	stream.indirect.scatter.add.f32 [tilespmem:s14], [sflag:$0x17], $0x10, s28, s13, $0xb8;
	[tilespmem:$0xDA20] =	vst v63  }
0x85: {  	s14 =	simm.s32 $0x11  }
0x86: {  	_ =	swait.ge [sflag:s14], $0x500  }
0x87: {  	p1 =	por $0x0, $0x0;
	[sflag:s14] =	ssyncset.done $0x0  }
0x88: {  	s30 =	simm.s32 $0x500;
	s10 =	simm.s32 $0xC;
	[sflag:s14] =	ssyncadd.s32 $0xFFFFFB00  }
0x89: {  	[tilespmem:s19], [sflag:$0x5] =	stream.indirect.gather [hbm4b:s4+s13], $0x10, s30, s13, $0xb8;
	[tilespmem:$0xDA20] =	vst v63  }
0x8a: {  	s15 =	simm.s32 $0xF00;
	s1 =	simm.s32 $0x4;
	_ =	swait.ge [sflag:s10], $0x500  }
0x8b: {  	s17 =	simm.s32 $0x1E00;
	s19 =	simm.s32 $0x2A80;
	[sflag:s10] =	ssyncset.done $0x0  }
.LBB2_4:
0x8c: {  	s21 =	simm.s32 @!p1 $0x12;
	[sflag:s10] =	ssyncadd.s32 $0xFFFFFB00;
	s24 =	simm.s32 $0x4E20  }
0x8d: {  	s22 =	smov.u32 s17;
	s17 =	sadd.s32 $0xF00, s17;
	s12 =	simm.s32 $0x8520  }
0x8e: {  	[spmem:s2] =	stream.indirect.scatter.add.f32 [tilespmem:s12], [sflag:$0x18], $0x10, s19, s13, $0xb8;
	[tilespmem:$0xDA20] =	vst v63  }
0x8f: {  	p0 =	sne.s32 s17, $0x9600;
	_ =	swait.ge @!p1 [sflag:s21], $0x500  }
0x90: {  	s19 =	sshra.s32 s15, $0x2;
	s15 =	smov.u32 s22;
	[sflag:s21] =	ssyncset.done @!p1 $0x0  }
0x91: {  	s10 =	simm.s32 $0x6720;
	[sflag:s21] =	ssyncadd.s32 @!p1 $0xFFFFFB00;
	s21 =	sadd.s32 $0x190, s19  }
0x92: {  	[tilespmem:s10], [sflag:$0x6] =	stream.indirect.gather [hbm4b:s4+s13], $0x10, s21, s13, $0xb8;
	[tilespmem:$0xDA20] =	vst v63  }
0x93: {  	_ =	swait.ge [sflag:s29], $0x500  }
0x94: {  	[sflag:s29] =	ssyncset.done $0x0  }
0x95: {  	s22 =	simm.s32 @!p1 $0x13;
	s21 =	sadd.s32 $0x2710, s19;
	[sflag:s29] =	ssyncadd.s32 $0xFFFFFB00  }
0x96: {  	[spmem:s2] =	stream.indirect.scatter.add.f32 [tilespmem:s24], [sflag:$0xD], $0x10, s21, s13, $0xb8;
	[tilespmem:$0xDA20] =	vst v63  }
0x97: {  	s24 =	simm.s32 $0x5320  }
0x98: {  	_ =	swait.ge @!p1 [sflag:s22], $0x500  }
0x99: {  	[sflag:s22] =	ssyncset.done @!p1 $0x0  }
0x9a: {  	s16 =	simm.s32 $0x6C20;
	s21 =	sadd.s32 $0x1E0, s19;
	[sflag:s22] =	ssyncadd.s32 @!p1 $0xFFFFFB00  }
0x9b: {  	[tilespmem:s16], [sflag:$0x7] =	stream.indirect.gather [hbm4b:s4+s13], $0x10, s21, s13, $0xb8;
	[tilespmem:$0xDA20] =	vst v63  }
0x9c: {  	_ =	swait.ge [sflag:s31], $0x500  }
0x9d: {  	[sflag:s31] =	ssyncset.done $0x0  }
0x9e: {  	s22 =	simm.s32 @!p1 $0x14;
	s21 =	sadd.s32 $0x2760, s19;
	[sflag:s31] =	ssyncadd.s32 $0xFFFFFB00  }
0x9f: {  	[spmem:s2] =	stream.indirect.scatter.add.f32 [tilespmem:s24], [sflag:$0xE], $0x10, s21, s13, $0xb8;
	[tilespmem:$0xDA20] =	vst v63  }
0xa0: {  	_ =	swait.ge @!p1 [sflag:s22], $0x500  }
0xa1: {  	[sflag:s22] =	ssyncset.done @!p1 $0x0  }
0xa2: {  	s23 =	simm.s32 $0x7120;
	s21 =	sadd.s32 $0x230, s19;
	[sflag:s22] =	ssyncadd.s32 @!p1 $0xFFFFFB00  }
0xa3: {  	[tilespmem:s23], [sflag:$0x8] =	stream.indirect.gather [hbm4b:s4+s13], $0x10, s21, s13, $0xb8;
	[tilespmem:$0xDA20] =	vst v63  }
0xa4: {  	s21 =	simm.s32 $0x3  }
0xa5: {  	_ =	swait.ge [sflag:s21], $0x500  }
0xa6: {  	s26 =	simm.s32 $0x5820;
	[sflag:s21] =	ssyncset.done $0x0  }
0xa7: {  	s22 =	simm.s32 @!p1 $0x15;
	[sflag:s21] =	ssyncadd.s32 $0xFFFFFB00;
	s21 =	sadd.s32 $0x27B0, s19  }
0xa8: {  	[spmem:s2] =	stream.indirect.scatter.add.f32 [tilespmem:s26], [sflag:$0xF], $0x10, s21, s13, $0xb8;
	[tilespmem:$0xDA20] =	vst v63  }
0xa9: {  	_ =	swait.ge @!p1 [sflag:s22], $0x500  }
0xaa: {  	[sflag:s22] =	ssyncset.done @!p1 $0x0  }
0xab: {  	s25 =	simm.s32 $0x7620;
	s21 =	sadd.s32 $0x280, s19;
	[sflag:s22] =	ssyncadd.s32 @!p1 $0xFFFFFB00  }
0xac: {  	[tilespmem:s25], [sflag:$0x9] =	stream.indirect.gather [hbm4b:s4+s13], $0x10, s21, s13, $0xb8;
	[tilespmem:$0xDA20] =	vst v63  }
0xad: {  	_ =	swait.ge [sflag:s1], $0x500  }
0xae: {  	s29 =	simm.s32 $0x5D20;
	[sflag:s1] =	ssyncset.done $0x0  }
0xaf: {  	s22 =	simm.s32 @!p1 $0x16;
	s21 =	sadd.s32 $0x2800, s19;
	[sflag:s1] =	ssyncadd.s32 $0xFFFFFB00  }
0xb0: {  	[spmem:s2] =	stream.indirect.scatter.add.f32 [tilespmem:s29], [sflag:$0x10], $0x10, s21, s13, $0xb8;
	[tilespmem:$0xDA20] =	vst v63  }
0xb1: {  	_ =	swait.ge @!p1 [sflag:s22], $0x500  }
0xb2: {  	[sflag:s22] =	ssyncset.done @!p1 $0x0  }
0xb3: {  	s28 =	simm.s32 $0x7B20;
	s21 =	sadd.s32 $0x2D0, s19;
	[sflag:s22] =	ssyncadd.s32 @!p1 $0xFFFFFB00  }
0xb4: {  	[tilespmem:s28], [sflag:$0xA] =	stream.indirect.gather [hbm4b:s4+s13], $0x10, s21, s13, $0xb8;
	[tilespmem:$0xDA20] =	vst v63  }
0xb5: {  	s21 =	simm.s32 $0x5  }
0xb6: {  	_ =	swait.ge [sflag:s21], $0x500  }
0xb7: {  	s31 =	simm.s32 $0x6220;
	[sflag:s21] =	ssyncset.done $0x0  }
0xb8: {  	s22 =	simm.s32 @!p1 $0x17;
	[sflag:s21] =	ssyncadd.s32 $0xFFFFFB00;
	s21 =	sadd.s32 $0x2850, s19  }
0xb9: {  	[spmem:s2] =	stream.indirect.scatter.add.f32 [tilespmem:s31], [sflag:$0x11], $0x10, s21, s13, $0xb8;
	[tilespmem:$0xDA20] =	vst v63  }
0xba: {  	_ =	swait.ge @!p1 [sflag:s22], $0x500  }
0xbb: {  	[sflag:s22] =	ssyncset.done @!p1 $0x0  }
0xbc: {  	s30 =	simm.s32 $0x8020;
	s21 =	sadd.s32 $0x320, s19;
	[sflag:s22] =	ssyncadd.s32 @!p1 $0xFFFFFB00  }
0xbd: {  	[tilespmem:s30], [sflag:$0xB] =	stream.indirect.gather [hbm4b:s4+s13], $0x10, s21, s13, $0xb8;
	[tilespmem:$0xDA20] =	vst v63  }
0xbe: {  	_ =	swait.ge [sflag:s18], $0x500  }
0xbf: {  	[sflag:s18] =	ssyncset.done $0x0  }
0xc0: {  	s22 =	simm.s32 @!p1 $0x18;
	s21 =	sadd.s32 $0x28A0, s19;
	[sflag:s18] =	ssyncadd.s32 $0xFFFFFB00  }
0xc1: {  	[spmem:s2] =	stream.indirect.scatter.add.f32 [tilespmem:s10], [sflag:$0x12], $0x10, s21, s13, $0xb8;
	[tilespmem:$0xDA20] =	vst v63  }
0xc2: {  	s10 =	simm.s32 $0xC  }
0xc3: {  	_ =	swait.ge @!p1 [sflag:s22], $0x500  }
0xc4: {  	[sflag:s22] =	ssyncset.done @!p1 $0x0  }
0xc5: {  	s21 =	sadd.s32 $0x370, s19;
	[sflag:s22] =	ssyncadd.s32 @!p1 $0xFFFFFB00;
	s22 =	simm.s32 $0x4E20  }
0xc6: {  	[tilespmem:s12], [sflag:$0xC] =	stream.indirect.gather [hbm4b:s4+s13], $0x10, s21, s13, $0xb8;
	[tilespmem:$0xDA20] =	vst v63  }
0xc7: {  	_ =	swait.ge [sflag:s20], $0x500  }
0xc8: {  	[sflag:s20] =	ssyncset.done $0x0  }
0xc9: {  	s21 =	sadd.s32 $0x28F0, s19;
	[sflag:s20] =	ssyncadd.s32 $0xFFFFFB00  }
0xca: {  	[spmem:s2] =	stream.indirect.scatter.add.f32 [tilespmem:s16], [sflag:$0x13], $0x10, s21, s13, $0xb8;
	[tilespmem:$0xDA20] =	vst v63  }
0xcb: {  	_ =	swait.ge [sflag:s0], $0x500  }
0xcc: {  	[sflag:s0] =	ssyncset.done $0x0  }
0xcd: {  	s21 =	sadd.s32 $0x3C0, s19;
	[sflag:s0] =	ssyncadd.s32 $0xFFFFFB00  }
0xce: {  	[tilespmem:s22], [sflag:$0x1] =	stream.indirect.gather [hbm4b:s4+s13], $0x10, s21, s13, $0xb8;
	[tilespmem:$0xDA20] =	vst v63  }
0xcf: {  	_ =	swait.ge [sflag:s6], $0x500  }
0xd0: {  	[sflag:s6] =	ssyncset.done $0x0  }
0xd1: {  	s21 =	sadd.s32 $0x2940, s19;
	[sflag:s6] =	ssyncadd.s32 $0xFFFFFB00  }
0xd2: {  	[spmem:s2] =	stream.indirect.scatter.add.f32 [tilespmem:s23], [sflag:$0x14], $0x10, s21, s13, $0xb8;
	[tilespmem:$0xDA20] =	vst v63  }
0xd3: {  	_ =	swait.ge [sflag:s7], $0x500  }
0xd4: {  	[sflag:s7] =	ssyncset.done $0x0  }
0xd5: {  	s21 =	sadd.s32 $0x410, s19;
	[sflag:s7] =	ssyncadd.s32 $0xFFFFFB00  }
0xd6: {  	[tilespmem:s24], [sflag:$0x2] =	stream.indirect.gather [hbm4b:s4+s13], $0x10, s21, s13, $0xb8;
	[tilespmem:$0xDA20] =	vst v63  }
0xd7: {  	_ =	swait.ge [sflag:s8], $0x500  }
0xd8: {  	[sflag:s8] =	ssyncset.done $0x0  }
0xd9: {  	s21 =	sadd.s32 $0x2990, s19;
	[sflag:s8] =	ssyncadd.s32 $0xFFFFFB00  }
0xda: {  	[spmem:s2] =	stream.indirect.scatter.add.f32 [tilespmem:s25], [sflag:$0x15], $0x10, s21, s13, $0xb8;
	[tilespmem:$0xDA20] =	vst v63  }
0xdb: {  	_ =	swait.ge [sflag:s9], $0x500  }
0xdc: {  	[sflag:s9] =	ssyncset.done $0x0  }
0xdd: {  	s21 =	sadd.s32 $0x460, s19;
	[sflag:s9] =	ssyncadd.s32 $0xFFFFFB00  }
0xde: {  	[tilespmem:s26], [sflag:$0x3] =	stream.indirect.gather [hbm4b:s4+s13], $0x10, s21, s13, $0xb8;
	[tilespmem:$0xDA20] =	vst v63  }
0xdf: {  	_ =	swait.ge [sflag:s5], $0x500  }
0xe0: {  	[sflag:s5] =	ssyncset.done $0x0  }
0xe1: {  	s21 =	sadd.s32 $0x29E0, s19;
	[sflag:s5] =	ssyncadd.s32 $0xFFFFFB00  }
0xe2: {  	[spmem:s2] =	stream.indirect.scatter.add.f32 [tilespmem:s28], [sflag:$0x16], $0x10, s21, s13, $0xb8;
	[tilespmem:$0xDA20] =	vst v63  }
0xe3: {  	_ =	swait.ge [sflag:s11], $0x500  }
0xe4: {  	[sflag:s11] =	ssyncset.done $0x0  }
0xe5: {  	s21 =	sadd.s32 $0x4B0, s19;
	[sflag:s11] =	ssyncadd.s32 $0xFFFFFB00  }
0xe6: {  	[tilespmem:s29], [sflag:$0x4] =	stream.indirect.gather [hbm4b:s4+s13], $0x10, s21, s13, $0xb8;
	[tilespmem:$0xDA20] =	vst v63  }
0xe7: {  	s29 =	simm.s32 $0x1  }
0xe8: {  	_ =	swait.ge [sflag:s3], $0x500  }
0xe9: {  	[sflag:s3] =	ssyncset.done $0x0  }
0xea: {  	s21 =	sadd.s32 $0x2A30, s19;
	[sflag:s3] =	ssyncadd.s32 $0xFFFFFB00  }
0xeb: {  	[spmem:s2] =	stream.indirect.scatter.add.f32 [tilespmem:s30], [sflag:$0x17], $0x10, s21, s13, $0xb8;
	[tilespmem:$0xDA20] =	vst v63  }
0xec: {  	_ =	swait.ge [sflag:s14], $0x500  }
0xed: {  	[sflag:s14] =	ssyncset.done $0x0  }
.Ltmp1:
0xee: {  	s21 =	sadd.s32 $0x500, s19;
	[sflag:s14] =	ssyncadd.s32 $0xFFFFFB00;
	(pc) =	sbr.rel @p0 .LBB2_4-.Ltmp1, $4  }
0xef: {  	[tilespmem:s31], [sflag:$0x5] =	stream.indirect.gather [hbm4b:s4+s13], $0x10, s21, s13, $0xb8;
	[tilespmem:$0xDA20] =	vst v63  }
0xf0: {  	s31 =	simm.s32 $0x2  }
0xf1: {  	_ =	swait.ge [sflag:s10], $0x500  }
0xf2: {  	p1 =	seq.s32 s15, $0x0;
	s19 =	sadd.s32 $0x2A80, s19;
	[sflag:s10] =	ssyncset.done $0x0  }
0xf3: {  	[sflag:s10] =	ssyncadd.s32 $0xFFFFFB00;
	s17 =	simm.s32 $0x8520  }
0xf4: {  	[spmem:s2] =	stream.indirect.scatter.add.f32 [tilespmem:s17], [sflag:$0x18], $0x10, s19, s13, $0xb8;
	[tilespmem:$0xDA20] =	vst v63  }
0xf5: {  	s17 =	simm.s32 @!p1 $0x12  }
0xf6: {  	_ =	swait.ge @!p1 [sflag:s17], $0x500  }
0xf7: {  	s15 =	sshra.s32 s15, $0x2;
	[sflag:s17] =	ssyncset.done @!p1 $0x0  }
0xf8: {  	s10 =	simm.s32 $0x6720;
	s19 =	sadd.s32 $0x190, s15;
	[sflag:s17] =	ssyncadd.s32 @!p1 $0xFFFFFB00  }
0xf9: {  	[tilespmem:s10], [sflag:$0x6] =	stream.indirect.gather [hbm4b:s4+s13], $0x10, s19, s13, $0xb8;
	[tilespmem:$0xDA20] =	vst v63  }
0xfa: {  	_ =	swait.ge [sflag:s29], $0x500  }
0xfb: {  	[sflag:s29] =	ssyncset.done $0x0  }
0xfc: {  	s21 =	sadd.s32 $0x2710, s15;
	s17 =	simm.s32 @!p1 $0x13;
	[sflag:s29] =	ssyncadd.s32 $0xFFFFFB00  }
0xfd: {  	[spmem:s2] =	stream.indirect.scatter.add.f32 [tilespmem:s22], [sflag:$0xD], $0x10, s21, s13, $0xb8;
	[tilespmem:$0xDA20] =	vst v63  }
0xfe: {  	_ =	swait.ge @!p1 [sflag:s17], $0x500  }
0xff: {  	[sflag:s17] =	ssyncset.done @!p1 $0x0  }
0x100: {  	s23 =	sadd.s32 $0x1E0, s15;
	s19 =	simm.s32 $0x6C20;
	[sflag:s17] =	ssyncadd.s32 @!p1 $0xFFFFFB00  }
0x101: {  	[tilespmem:s19], [sflag:$0x7] =	stream.indirect.gather [hbm4b:s4+s13], $0x10, s23, s13, $0xb8;
	[tilespmem:$0xDA20] =	vst v63  }
0x102: {  	_ =	swait.ge [sflag:s31], $0x500  }
0x103: {  	[sflag:s31] =	ssyncset.done $0x0  }
0x104: {  	s25 =	sadd.s32 $0x2760, s15;
	s17 =	simm.s32 @!p1 $0x14;
	[sflag:s31] =	ssyncadd.s32 $0xFFFFFB00  }
0x105: {  	[spmem:s2] =	stream.indirect.scatter.add.f32 [tilespmem:s24], [sflag:$0xE], $0x10, s25, s13, $0xb8;
	[tilespmem:$0xDA20] =	vst v63  }
0x106: {  	_ =	swait.ge @!p1 [sflag:s17], $0x500  }
0x107: {  	s16 =	simm.s32 $0x3;
	[sflag:s17] =	ssyncset.done @!p1 $0x0  }
0x108: {  	s26 =	sadd.s32 $0x230, s15;
	s23 =	simm.s32 $0x7120;
	[sflag:s17] =	ssyncadd.s32 @!p1 $0xFFFFFB00  }
0x109: {  	[tilespmem:s23], [sflag:$0x8] =	stream.indirect.gather [hbm4b:s4+s13], $0x10, s26, s13, $0xb8;
	[tilespmem:$0xDA20] =	vst v63  }
0x10a: {  	_ =	swait.ge [sflag:s16], $0x500  }
0x10b: {  	s12 =	simm.s32 $0x5820;
	[sflag:s16] =	ssyncset.done $0x0  }
0x10c: {  	s28 =	sadd.s32 $0x27B0, s15;
	s17 =	simm.s32 @!p1 $0x15;
	[sflag:s16] =	ssyncadd.s32 $0xFFFFFB00  }
0x10d: {  	[spmem:s2] =	stream.indirect.scatter.add.f32 [tilespmem:s12], [sflag:$0xF], $0x10, s28, s13, $0xb8;
	[tilespmem:$0xDA20] =	vst v63  }
0x10e: {  	_ =	swait.ge @!p1 [sflag:s17], $0x500  }
0x10f: {  	[sflag:s17] =	ssyncset.done @!p1 $0x0  }
0x110: {  	s30 =	sadd.s32 $0x280, s15;
	s25 =	simm.s32 $0x7620;
	[sflag:s17] =	ssyncadd.s32 @!p1 $0xFFFFFB00  }
0x111: {  	[tilespmem:s25], [sflag:$0x9] =	stream.indirect.gather [hbm4b:s4+s13], $0x10, s30, s13, $0xb8;
	[tilespmem:$0xDA20] =	vst v63  }
0x112: {  	_ =	swait.ge [sflag:s1], $0x500  }
0x113: {  	s26 =	simm.s32 $0x5D20;
	[sflag:s1] =	ssyncset.done $0x0  }
0x114: {  	s12 =	sadd.s32 $0x2800, s15;
	s17 =	simm.s32 @!p1 $0x16;
	[sflag:s1] =	ssyncadd.s32 $0xFFFFFB00  }
0x115: {  	[spmem:s2] =	stream.indirect.scatter.add.f32 [tilespmem:s26], [sflag:$0x10], $0x10, s12, s13, $0xb8;
	[tilespmem:$0xDA20] =	vst v63  }
0x116: {  	_ =	swait.ge @!p1 [sflag:s17], $0x500  }
0x117: {  	s21 =	sadd.s32 $0x2D0, s15;
	[sflag:s17] =	ssyncset.done @!p1 $0x0  }
0x118: {  	s28 =	simm.s32 $0x7B20;
	s12 =	simm.s32 $0x5;
	[sflag:s17] =	ssyncadd.s32 @!p1 $0xFFFFFB00  }
0x119: {  	[tilespmem:s28], [sflag:$0xA] =	stream.indirect.gather [hbm4b:s4+s13], $0x10, s21, s13, $0xb8;
	[tilespmem:$0xDA20] =	vst v63  }
0x11a: {  	_ =	swait.ge [sflag:s12], $0x500  }
0x11b: {  	s30 =	sadd.s32 $0x2850, s15;
	[sflag:s12] =	ssyncset.done $0x0  }
0x11c: {  	s17 =	simm.s32 @!p1 $0x17;
	s21 =	simm.s32 $0x6220;
	[sflag:s12] =	ssyncadd.s32 $0xFFFFFB00  }
0x11d: {  	[spmem:s2] =	stream.indirect.scatter.add.f32 [tilespmem:s21], [sflag:$0x11], $0x10, s30, s13, $0xb8;
	[tilespmem:$0xDA20] =	vst v63  }
0x11e: {  	_ =	swait.ge @!p1 [sflag:s17], $0x500  }
0x11f: {  	[sflag:s17] =	ssyncset.done @!p1 $0x0  }
0x120: {  	s30 =	simm.s32 $0x8020;
	[sflag:s17] =	ssyncadd.s32 @!p1 $0xFFFFFB00;
	s17 =	sadd.s32 $0x320, s15  }
0x121: {  	[tilespmem:s30], [sflag:$0xB] =	stream.indirect.gather [hbm4b:s4+s13], $0x10, s17, s13, $0xb8;
	[tilespmem:$0xDA20] =	vst v63  }
0x122: {  	_ =	swait.ge [sflag:s18], $0x500  }
0x123: {  	[sflag:s18] =	ssyncset.done $0x0  }
0x124: {  	s17 =	sadd.s32 $0x28A0, s15;
	[sflag:s18] =	ssyncadd.s32 $0xFFFFFB00  }
0x125: {  	[spmem:s2] =	stream.indirect.scatter.add.f32 [tilespmem:s10], [sflag:$0x12], $0x10, s17, s13, $0xb8;
	[tilespmem:$0xDA20] =	vst v63  }
0x126: {  	s17 =	simm.s32 @!p1 $0x18  }
0x127: {  	_ =	swait.ge @!p1 [sflag:s17], $0x500  }
0x128: {  	[sflag:s17] =	ssyncset.done @!p1 $0x0  }
0x129: {  	s10 =	simm.s32 $0x8520;
	[sflag:s17] =	ssyncadd.s32 @!p1 $0xFFFFFB00;
	s17 =	sadd.s32 $0x370, s15  }
0x12a: {  	[tilespmem:s10], [sflag:$0xC] =	stream.indirect.gather [hbm4b:s4+s13], $0x10, s17, s13, $0xb8;
	[tilespmem:$0xDA20] =	vst v63  }
0x12b: {  	_ =	swait.ge [sflag:s20], $0x500  }
0x12c: {  	[sflag:s20] =	ssyncset.done $0x0  }
0x12d: {  	s17 =	sadd.s32 $0x28F0, s15;
	[sflag:s20] =	ssyncadd.s32 $0xFFFFFB00  }
0x12e: {  	[spmem:s2] =	stream.indirect.scatter.add.f32 [tilespmem:s19], [sflag:$0x13], $0x10, s17, s13, $0xb8;
	[tilespmem:$0xDA20] =	vst v63  }
0x12f: {  	_ =	swait.ge [sflag:s0], $0x500  }
0x130: {  	[sflag:s0] =	ssyncset.done $0x0  }
0x131: {  	s19 =	sadd.s32 $0x3C0, s15;
	[sflag:s0] =	ssyncadd.s32 $0xFFFFFB00  }
0x132: {  	[tilespmem:s22], [sflag:$0x1] =	stream.indirect.gather [hbm4b:s4+s13], $0x10, s19, s13, $0xb8;
	[tilespmem:$0xDA20] =	vst v63  }
0x133: {  	_ =	swait.ge [sflag:s6], $0x500  }
0x134: {  	[sflag:s6] =	ssyncset.done $0x0  }
0x135: {  	s19 =	sadd.s32 $0x2940, s15;
	[sflag:s6] =	ssyncadd.s32 $0xFFFFFB00  }
0x136: {  	[spmem:s2] =	stream.indirect.scatter.add.f32 [tilespmem:s23], [sflag:$0x14], $0x10, s19, s13, $0xb8;
	[tilespmem:$0xDA20] =	vst v63  }
0x137: {  	_ =	swait.ge [sflag:s7], $0x500  }
0x138: {  	[sflag:s7] =	ssyncset.done $0x0  }
0x139: {  	s23 =	sadd.s32 $0x410, s15;
	[sflag:s7] =	ssyncadd.s32 $0xFFFFFB00  }
0x13a: {  	[tilespmem:s24], [sflag:$0x2] =	stream.indirect.gather [hbm4b:s4+s13], $0x10, s23, s13, $0xb8;
	[tilespmem:$0xDA20] =	vst v63  }
0x13b: {  	_ =	swait.ge [sflag:s8], $0x500  }
0x13c: {  	[sflag:s8] =	ssyncset.done $0x0  }
0x13d: {  	s6 =	sadd.s32 $0x2990, s15;
	[sflag:s8] =	ssyncadd.s32 $0xFFFFFB00  }
0x13e: {  	[spmem:s2] =	stream.indirect.scatter.add.f32 [tilespmem:s25], [sflag:$0x15], $0x10, s6, s13, $0xb8;
	[tilespmem:$0xDA20] =	vst v63  }
0x13f: {  	_ =	swait.ge [sflag:s9], $0x500  }
0x140: {  	[sflag:s9] =	ssyncset.done $0x0  }
0x141: {  	s19 =	sadd.s32 $0x460, s15;
	s6 =	simm.s32 $0x5820;
	[sflag:s9] =	ssyncadd.s32 $0xFFFFFB00  }
0x142: {  	[tilespmem:s6], [sflag:$0x3] =	stream.indirect.gather [hbm4b:s4+s13], $0x10, s19, s13, $0xb8;
	[tilespmem:$0xDA20] =	vst v63  }
0x143: {  	_ =	swait.ge [sflag:s5], $0x500  }
0x144: {  	[sflag:s5] =	ssyncset.done $0x0  }
0x145: {  	s23 =	sadd.s32 $0x29E0, s15;
	[sflag:s5] =	ssyncadd.s32 $0xFFFFFB00  }
0x146: {  	[spmem:s2] =	stream.indirect.scatter.add.f32 [tilespmem:s28], [sflag:$0x16], $0x10, s23, s13, $0xb8;
	[tilespmem:$0xDA20] =	vst v63  }
0x147: {  	_ =	swait.ge [sflag:s11], $0x500  }
0x148: {  	[sflag:s11] =	ssyncset.done $0x0  }
0x149: {  	s25 =	sadd.s32 $0x4B0, s15;
	[sflag:s11] =	ssyncadd.s32 $0xFFFFFB00  }
0x14a: {  	[tilespmem:s26], [sflag:$0x4] =	stream.indirect.gather [hbm4b:s4+s13], $0x10, s25, s13, $0xb8;
	[tilespmem:$0xDA20] =	vst v63  }
0x14b: {  	_ =	swait.ge [sflag:s3], $0x500  }
0x14c: {  	[sflag:s3] =	ssyncset.done $0x0  }
0x14d: {  	s28 =	sadd.s32 $0x2A30, s15;
	[sflag:s3] =	ssyncadd.s32 $0xFFFFFB00  }
0x14e: {  	[spmem:s2] =	stream.indirect.scatter.add.f32 [tilespmem:s30], [sflag:$0x17], $0x10, s28, s13, $0xb8;
	[tilespmem:$0xDA20] =	vst v63  }
0x14f: {  	_ =	swait.ge [sflag:s14], $0x500  }
0x150: {  	[sflag:s14] =	ssyncset.done $0x0  }
0x151: {  	s19 =	simm.s32 $0xC;
	s3 =	sadd.s32 $0x500, s15;
	[sflag:s14] =	ssyncadd.s32 $0xFFFFFB00  }
0x152: {  	[tilespmem:s21], [sflag:$0x5] =	stream.indirect.gather [hbm4b:s4+s13], $0x10, s3, s13, $0xb8;
	[tilespmem:$0xDA20] =	vst v63  }
0x153: {  	_ =	swait.ge [sflag:s19], $0x500  }
0x154: {  	s23 =	simm.s32 $0xC;
	[sflag:s19] =	ssyncset.done $0x0  }
0x155: {  	s15 =	sadd.s32 $0x2A80, s15;
	[sflag:s23] =	ssyncadd.s32 $0xFFFFFB00  }
0x156: {  	[spmem:s2] =	stream.indirect.scatter.add.f32 [tilespmem:s10], [sflag:$0x18], $0x10, s15, s13, $0xb8;
	[tilespmem:$0xDA20] =	vst v63  }
0x157: {  	_ =	swait.ge [sflag:s29], $0x500  }
0x158: {  	[sflag:s29] =	ssyncset.done $0x0  }
0x159: {  	s25 =	simm.s32 $0x4C90;
	[sflag:s29] =	ssyncadd.s32 $0xFFFFFB00  }
0x15a: {  	[spmem:s2] =	stream.indirect.scatter.add.f32 [tilespmem:s22], [sflag:$0xD], $0x10, s25, s13, $0xb8;
	[tilespmem:$0xDA20] =	vst v63  }
0x15b: {  	_ =	swait.ge [sflag:s31], $0x500  }
0x15c: {  	[sflag:s31] =	ssyncset.done $0x0  }
0x15d: {  	s28 =	simm.s32 $0x4CE0;
	[sflag:s31] =	ssyncadd.s32 $0xFFFFFB00  }
0x15e: {  	[spmem:s2] =	stream.indirect.scatter.add.f32 [tilespmem:s24], [sflag:$0xE], $0x10, s28, s13, $0xb8;
	[tilespmem:$0xDA20] =	vst v63  }
0x15f: {  	_ =	swait.ge [sflag:s16], $0x500  }
0x160: {  	[sflag:s16] =	ssyncset.done $0x0  }
0x161: {  	s30 =	simm.s32 $0x4D30;
	[sflag:s16] =	ssyncadd.s32 $0xFFFFFB00  }
0x162: {  	[spmem:s2] =	stream.indirect.scatter.add.f32 [tilespmem:s6], [sflag:$0xF], $0x10, s30, s13, $0xb8;
	[tilespmem:$0xDA20] =	vst v63  }
0x163: {  	_ =	swait.ge [sflag:s1], $0x500  }
0x164: {  	[sflag:s1] =	ssyncset.done $0x0  }
0x165: {  	[sflag:s1] =	ssyncadd.s32 $0xFFFFFB00;
	s1 =	simm.s32 $0x4D80  }
0x166: {  	[spmem:s2] =	stream.indirect.scatter.add.f32 [tilespmem:s26], [sflag:$0x10], $0x10, s1, s13, $0xb8;
	[tilespmem:$0xDA20] =	vst v63  }
0x167: {  	_ =	swait.ge [sflag:s12], $0x500  }
0x168: {  	[sflag:s12] =	ssyncset.done $0x0  }
0x169: {  	s3 =	simm.s32 $0x4DD0;
	s6 =	simm.s32 $0x12;
	[sflag:s12] =	ssyncadd.s32 $0xFFFFFB00  }
0x16a: {  	[spmem:s2] =	stream.indirect.scatter.add.f32 [tilespmem:s21], [sflag:$0x11], $0x10, s3, s13, $0xb8;
	[tilespmem:$0xDA20] =	vst v63  }
0x16b: {  	_ =	swait.ge [sflag:s6], $0x500  }
0x16c: {  	[sflag:s6] =	ssyncset.done $0x0  }
0x16d: {  	s12 =	simm.s32 $0x13;
	[sflag:s6] =	ssyncadd.s32 $0xFFFFFB00  }
0x16e: {  	_ =	swait.ge [sflag:s12], $0x500  }
0x16f: {  	[sflag:s12] =	ssyncset.done $0x0  }
0x170: {  	s15 =	simm.s32 $0x14;
	[sflag:s12] =	ssyncadd.s32 $0xFFFFFB00  }
0x171: {  	_ =	swait.ge [sflag:s15], $0x500  }
0x172: {  	[sflag:s15] =	ssyncset.done $0x0  }
0x173: {  	s16 =	simm.s32 $0x15;
	[sflag:s15] =	ssyncadd.s32 $0xFFFFFB00  }
0x174: {  	_ =	swait.ge [sflag:s16], $0x500  }
0x175: {  	[sflag:s16] =	ssyncset.done $0x0  }
0x176: {  	s17 =	simm.s32 $0x16;
	[sflag:s16] =	ssyncadd.s32 $0xFFFFFB00  }
0x177: {  	_ =	swait.ge [sflag:s17], $0x500  }
0x178: {  	[sflag:s17] =	ssyncset.done $0x0  }
0x179: {  	s19 =	simm.s32 $0x17;
	[sflag:s17] =	ssyncadd.s32 $0xFFFFFB00  }
0x17a: {  	_ =	swait.ge [sflag:s19], $0x500  }
0x17b: {  	[sflag:s19] =	ssyncset.done $0x0  }
0x17c: {  	s21 =	simm.s32 $0x18;
	[sflag:s19] =	ssyncadd.s32 $0xFFFFFB00  }
0x17d: {  	_ =	swait.ge [sflag:s21], $0x500  }
0x17e: {  	[sflag:s21] =	ssyncset.done $0x0  }
0x17f: {  	[sflag:s21] =	ssyncadd.s32 $0xFFFFFB00  }
0x180: {  	_ =	swait.ge [sflag:s0], $0x500  }
0x181: {  	[sflag:s0] =	ssyncset.done $0x0  }
0x182: {  	[sflag:s0] =	ssyncadd.s32 $0xFFFFFB00  }
0x183: {  	_ =	swait.ge [sflag:s7], $0x500  }
0x184: {  	[sflag:s7] =	ssyncset.done $0x0  }
0x185: {  	[sflag:s7] =	ssyncadd.s32 $0xFFFFFB00  }
0x186: {  	_ =	swait.ge [sflag:s9], $0x500  }
0x187: {  	[sflag:s9] =	ssyncset.done $0x0  }
0x188: {  	[sflag:s9] =	ssyncadd.s32 $0xFFFFFB00  }
0x189: {  	_ =	swait.ge [sflag:s11], $0x500  }
0x18a: {  	[sflag:s11] =	ssyncset.done $0x0  }
0x18b: {  	[sflag:s11] =	ssyncadd.s32 $0xFFFFFB00  }
0x18c: {  	_ =	swait.ge [sflag:s14], $0x500  }
0x18d: {  	[sflag:s14] =	ssyncset.done $0x0  }
0x18e: {  	s23 =	stileid.u32;
	[sflag:s14] =	ssyncadd.s32 $0xFFFFFB00  }
0x18f: {  	s15 =	sshll.u32 s23, $0x6;
	[bflag:$0x0] =	sbarrier.arrive $0xFFFF  }
0x190: {  	s15 =	sor.u32 $0x1C19, s15;
	s19 =	rddreg [dreg:$0x4]  }
0x191: {  	s21 =	simm.s32 $0x19;
	s26 =	rddreg [dreg:$0x7];
	s25 =	sshrl.u32 s19, $0x3  }
0x192: {  	[hbm:s26], [sflag:s15] =	dma.local [spmem:s25], $0x500  }
0x193: {  	_ =	swait.ge [sflag:s21], $0x500  }
0x194: {  	s28 =	rddreg [dreg:$0x3]  }
0x195: {  	s30 =	rddreg [dreg:$0x8];
	s15 =	sadd.s32 $0x1, s28  }
0x196: {  	p0 =	sne.s32 s15, s30  }
.Ltmp2:
0x197: {  	_ = 	snop;
	(pc) =	sbr.rel @p0 .LBB2_1-.Ltmp2, $3  }
0x198: {  	_ =	sdelay $0x1  }
0x199: {  	[sflag:s21] =	ssyncset.done $0x0  }
0x19a: {  	s1 =	simm.s32 $0x4;
	s25 =	simm.s32 $0x3;
	[sflag:s21] =	ssyncadd.s32 $0xFFFFFB00  }
0x19b: {  	_ =	sfence.sel $0x180000  }
0x19c: {  	[bflag:$0x0] =	sbarrier.arrive $0xFFFF  }
0x19d: {  	_ =	strace $0x9000004D  }
0x19e: {  	s0 =	stileid.u32;
	[bflag:$0x2] =	sbarrier.arrive $0xFFFF  }
0x19f: {  	p0 =	sne.s32 s0, $0x0;
	s0 =	rddreg [dreg:$0x2]  }
0x1a0: {  	s0 =	sadd.s32 @!p0 $0x100000, s0  }
0x1a1: {  	[sflag:s0] =	ssyncadd.tile.s32 @!p0 $0x1;
	_ =	shalt  }
.Lfunc_end2:
_tile_overlayer_lowered:
.L_overlay_start_2:
0x1a2: {  	(tag) =	ssettag $0x2  }
0x1a3: {  	s0 =	rddreg [dreg:$0x0];
	s2 =	stileid.u32  }
0x1a4: {  	s1 =	rddreg [dreg:$0x1];
	p0 =	sne.s32 s2, $0x0  }
0x1a5: {  	s3 =	rddreg [dreg:$0x2];
	[bflag:$0x3] =	sbarrier.arrive $0xFFFF;
	s2 =	simm.s32 @!p0 $0x1C19  }
0x1a6: {  	[timem:s3], [sflag:s2] =	dma.local @!p0 [hbm:s0], s1  }
0x1a7: {  	s0 =	simm.s32 @!p0 $0x19  }
0x1a8: {  	_ =	swait.ge @!p0 [sflag:s0], s1  }
0x1a9: {  	s1 =	ssub.s32 @!p0 $0x0, s1;
	[sflag:s0] =	ssyncset.done @!p0 $0x0  }
0x1aa: {  	[sflag:s0] =	ssyncadd.s32 @!p0 s1  }
0x1ab: {  	[bflag:$0x3] =	sbarrier.arrive $0xFFFF  }
0x1ac: {  	_ =	shalt  }

</sc_bundles>
